<compile_context>
chip_gen: v7x
topology: tpu7x:2x2x1
jax: 0.10.2.dev20260603
libtpu: 0.0.44.dev20260713+nightly
codegen_flags: <defaults>
</compile_context>

<pallas_src>
import functools

import jax
import jax.numpy as jnp
from jax import lax
from jax.experimental import pallas as pl
from jax.experimental.pallas import tpu as pltpu
from jax.experimental.pallas import tpu_sc as plsc

B, U, L, D, P = 1024, 20, 50, 64, 200

NCHUNK = 2
BH = B // NCHUNK

NC, NS = 2, 16
NW = NC * NS
BPW = BH // NW
SLOT = 56
PHB = 8
ROWS128 = B * P * D // 128


def _sc_gather(jidx, obs):
  mesh = plsc.VectorSubcoreMesh(core_axis_name="c", subcore_axis_name="s")

  @functools.partial(
      pl.kernel,
      out_type=jax.ShapeDtypeStruct((BH * SLOT, 128), jnp.float32),
      mesh=mesh,
      scratch_types=[
          pltpu.VMEM((BPW, L), jnp.int32),
          pltpu.VMEM((PHB * SLOT, 128), jnp.float32),
          pltpu.SemaphoreType.DMA,
      ],
      compiler_params=pltpu.CompilerParams(use_tc_tiling_on_sc=True),
  )
  def k(jidx_hbm, obs_hbm, out_hbm, idx_v, rows_v, sem):
    wid = lax.axis_index("s") * NC + lax.axis_index("c")
    pltpu.sync_copy(jidx_hbm.at[wid], idx_v)
    tbl = obs_hbm.reshape(ROWS128, 128)
    for ph in range(BPW // PHB):
      copies = [
          pltpu.async_copy(tbl.at[idx_v.at[ph * PHB + p]],
                           rows_v.at[pl.ds(p * SLOT, L)], sem)
          for p in range(PHB)
      ]
      for c in copies:
        c.wait()
      pltpu.sync_copy(
          rows_v,
          out_hbm.at[pl.ds((wid * BPW + ph * PHB) * SLOT, PHB * SLOT)])

  return k(jidx, obs)


def _tc_matmul(utterance, gp, hsel):
  BB = 64

  def body(utt_ref, gp_ref, h_ref, out_ref):
    for j in range(BB):
      rows = gp_ref[pl.ds(j * SLOT, L), :]
      a = utt_ref[j]
      oe = lax.dot_general(a, rows[:, :D], (((1,), (1,)), ((), ())),
                           preferred_element_type=jnp.float32)
      oo = lax.dot_general(a, rows[:, D:], (((1,), (1,)), ((), ())),
                           preferred_element_type=jnp.float32)
      m = h_ref[j]
      out_ref[j] = oe + m[None, :] * (oo - oe)

  return pl.pallas_call(
      body,
      grid=(BH // BB,),
      in_specs=[
          pl.BlockSpec((BB, U, D), lambda i: (i, 0, 0)),
          pl.BlockSpec((BB * SLOT, 128), lambda i: (i, 0)),
          pl.BlockSpec((BB, L), lambda i: (i, 0)),
      ],
      out_specs=pl.BlockSpec((BB, U, L), lambda i: (i, 0, 0)),
      out_shape=jax.ShapeDtypeStruct((BH, U, L), jnp.float32),
  )(utterance, gp, hsel)


def kernel(utterance, world, observation):
  world = world.astype(jnp.int32)
  b = jnp.arange(B, dtype=jnp.int32)[:, None]
  jidx = (b // 8) * 800 + (world // 2) * 8 + (b % 8)
  hsel = (world % 2).astype(jnp.float32)
  obs4 = observation.reshape(128, 8, 100, 128).swapaxes(1, 2)
  outs = []
  for c in range(NCHUNK):
    sl = slice(c * BH, (c + 1) * BH)
    gp = _sc_gather(jidx[sl].reshape(NW, BPW, L), obs4)
    outs.append(_tc_matmul(utterance[sl], gp, hsel[sl]))
  return jnp.concatenate(outs, axis=0)

# --- scband reference (transcript-rebuilt; emitter-appended) ---
"""Pipeline reference for scband-meaning-model-indexed-world-41558103556495 (READ-ONLY COPY).

The authoritative reference and input builder live on the scoring server;
editing this copy changes nothing except your own understanding.
"""

import jax, jax.numpy as jnp
import numpy as np

WORLD_INPUT_SIZE = 64

def setup_inputs(seed: int = 0) -> dict:
    key = jax.random.key(seed)
    k1, k2, k3 = jax.random.split(key, 3)
    B, U, D = 1024, 20, 64
    L = 50
    P = 200  # inputs_per_observation
    utterance = jax.random.normal(k1, (B, U, D), dtype=jnp.float32)
    world = jax.random.randint(k2, (B, L), 0, P, dtype=jnp.int64)
    observation = jax.random.normal(k3, (B, P * WORLD_INPUT_SIZE), dtype=jnp.float32)
    return {"utterance": utterance, "world": world, "observation": observation}

def _meaning(utt_batch, input_batch):
    # Concrete instantiation of the abstract _meaning: dot-product similarity
    # between utterance vectors and gathered world-input vectors.
    return jnp.sum(utt_batch * input_batch, axis=-1)

def reference(utterance, world, observation):
    B = observation.shape[0]
    wis = WORLD_INPUT_SIZE
    P = observation.shape[1] // wis
    obs = observation.reshape(B, P, wis)
    L = world.shape[1]
    # torch.gather(observation, 1, world_indices) where indices are repeated
    # along the feature dim == take_along_axis on axis 1
    idx = jnp.broadcast_to(world[:, :, None], (B, L, wis))
    inp = jnp.take_along_axis(obs, idx, axis=1)  # [B, L, wis]
    U = utterance.shape[1]
    D = utterance.shape[2]
    # utt: [B,U,D] -> unsqueeze(1).expand(B,L,U,D).transpose(1,2) -> [B,U,L,D]
    utt_batch = jnp.broadcast_to(utterance[:, :, None, :], (B, U, L, D)).reshape(-1, D)
    # input: [B,L,wis] -> unsqueeze(1).expand(B,U,L,wis) -> [B,U,L,wis]
    input_batch = jnp.broadcast_to(inp[:, None, :, :], (B, U, L, wis)).reshape(-1, wis)
    meaning = _meaning(utt_batch, input_batch)
    return meaning.reshape(B, U, L)

if __name__ == "__main__":
    import jax
    _d = setup_inputs()
    print(jax.jit(kernel)(*tuple(_d.values())))

</pallas_src>

<mosaic_0001>
#map = affine_map<(d0, d1) -> (0, 0, 0)>
#map1 = affine_map<(d0, d1) -> (0, 0, 0, 0)>
#map2 = affine_map<(d0, d1) -> (0, 0)>
module attributes {stable_mosaic.version = 14 : i64} {
  func.func @k(%arg0: i32, %arg1: i32, %arg2: memref<32x16x50xi32, #tpu.memory_space<hbm>>, %arg3: memref<128x100x8x128xf32, #tpu.memory_space<hbm>>, %arg4: memref<28672x128xf32, #tpu.memory_space<hbm>>, %arg5: memref<16x50xi32, #tpu.memory_space<vmem>>, %arg6: memref<448x128xf32, #tpu.memory_space<vmem>>, %arg7: memref<!tpu.dma_semaphore, #tpu.memory_space<semaphore_mem>>) attributes {dimension_semantics = [#tpu.dimension_semantics<core_parallel>, #tpu.dimension_semantics<subcore_parallel>], iteration_bounds = array<i64: 2, 16>, scalar_prefetch = 0 : i64, scratch_operands = 3 : i64, tpu.core_type = #tpu.core_type<sc_vector_subcore>, window_params = [{transform_indices = #map}, {transform_indices = #map1}, {transform_indices = #map2}]} {
    %mul3A = arith.constant 2 : i32
    %mul3A_0 = arith.muli %arg1, %mul3A : i32
    %add3A = arith.addi %mul3A_0, %arg0 : i32
    "tpu.region"() ({
      %run_scoped3A = tpu.sem_alloc : memref<!tpu.dma_semaphore, #tpu.memory_space<semaphore_mem>>
      %dma_start3A_363 = arith.constant 0 : i32
      %dma_start3A_364 = arith.constant 0 : i32
      %dma_start3A_365 = tpu.memref_slice %arg2[%add3A, %dma_start3A_363, %dma_start3A_364] : memref<32x16x50xi32, #tpu.memory_space<hbm>> -> memref<1x16x50xi32, #tpu.memory_space<hbm>>
      %dma_start3A_366 = tpu.memref_squeeze %dma_start3A_365 : memref<1x16x50xi32, #tpu.memory_space<hbm>> -> memref<16x50xi32, #tpu.memory_space<hbm>>
      %dma_start3A_367 = arith.constant 0 : i32
      %dma_start3A_368 = arith.constant 0 : i32
      %dma_start3A_369 = tpu.memref_slice %arg2[%add3A, %dma_start3A_367, %dma_start3A_368] : memref<32x16x50xi32, #tpu.memory_space<hbm>> -> memref<1x16x50xi32, #tpu.memory_space<hbm>>
      %dma_start3A_370 = tpu.memref_squeeze %dma_start3A_369 : memref<1x16x50xi32, #tpu.memory_space<hbm>> -> memref<16x50xi32, #tpu.memory_space<hbm>>
      tpu.enqueue_dma source(%dma_start3A_370 : memref<16x50xi32, #tpu.memory_space<hbm>>) target(%arg5 : memref<16x50xi32, #tpu.memory_space<vmem>>) target_semaphore(%run_scoped3A : memref<!tpu.dma_semaphore, #tpu.memory_space<semaphore_mem>>)
      %dma_wait3A_371 = arith.constant 0 : i32
      %dma_wait3A_372 = arith.constant 0 : i32
      %dma_wait3A_373 = tpu.memref_slice %arg2[%add3A, %dma_wait3A_371, %dma_wait3A_372] : memref<32x16x50xi32, #tpu.memory_space<hbm>> -> memref<1x16x50xi32, #tpu.memory_space<hbm>>
      %dma_wait3A_374 = tpu.memref_squeeze %dma_wait3A_373 : memref<1x16x50xi32, #tpu.memory_space<hbm>> -> memref<16x50xi32, #tpu.memory_space<hbm>>
      %dma_wait3A_375 = arith.constant 0 : i32
      %dma_wait3A_376 = arith.constant 0 : i32
      %dma_wait3A_377 = tpu.memref_slice %arg2[%add3A, %dma_wait3A_375, %dma_wait3A_376] : memref<32x16x50xi32, #tpu.memory_space<hbm>> -> memref<1x16x50xi32, #tpu.memory_space<hbm>>
      %dma_wait3A_378 = tpu.memref_squeeze %dma_wait3A_377 : memref<1x16x50xi32, #tpu.memory_space<hbm>> -> memref<16x50xi32, #tpu.memory_space<hbm>>
      tpu.wait_dma2 semaphore(%run_scoped3A : memref<!tpu.dma_semaphore, #tpu.memory_space<semaphore_mem>>) src(%dma_wait3A_378 : memref<16x50xi32, #tpu.memory_space<hbm>>) dst(%arg5 : memref<16x50xi32, #tpu.memory_space<vmem>>)
      tpu.yield
    }) : () -> ()
    %dma_start3A = arith.constant 0 : i32
    %dma_start3A_1 = arith.constant 0 : i32
    %dma_start3A_2 = arith.constant 0 : i32
    %dma_start3A_3 = tpu.memref_slice %arg6[%dma_start3A_1, %dma_start3A_2] : memref<448x128xf32, #tpu.memory_space<vmem>> -> memref<50x128xf32, #tpu.memory_space<vmem>>
    %dma_start3A_4 = arith.constant 0 : i32
    %dma_start3A_5 = tpu.memref_slice %arg5[%dma_start3A, %dma_start3A_4] : memref<16x50xi32, #tpu.memory_space<vmem>> -> memref<1x50xi32, #tpu.memory_space<vmem>>
    %dma_start3A_6 = tpu.memref_squeeze %dma_start3A_5 : memref<1x50xi32, #tpu.memory_space<vmem>> -> memref<50xi32, #tpu.memory_space<vmem>>
    %dma_start3A_7 = tpu.memref_reshape %arg3 : memref<128x100x8x128xf32, #tpu.memory_space<hbm>> -> memref<102400x128xf32, #tpu.memory_space<hbm>>
    %dma_start3A_8 = arith.constant 0 : i32
    %dma_start3A_9 = arith.constant 0 : i32
    %dma_start3A_10 = tpu.memref_slice %dma_start3A_7[%dma_start3A_8, %dma_start3A_9] : memref<102400x128xf32, #tpu.memory_space<hbm>> -> memref<102400x128xf32, #tpu.memory_space<hbm>>
    tpu.enqueue_indirect_dma source(%dma_start3A_10 : memref<102400x128xf32, #tpu.memory_space<hbm>>) target(%dma_start3A_3 : memref<50x128xf32, #tpu.memory_space<vmem>>) offsets(%dma_start3A_6 : memref<50xi32, #tpu.memory_space<vmem>>) semaphore(%arg7 : memref<!tpu.dma_semaphore, #tpu.memory_space<semaphore_mem>>)
    %dma_start3A_11 = arith.constant 1 : i32
    %dma_start3A_12 = arith.constant 56 : i32
    %dma_start3A_13 = arith.constant 0 : i32
    %dma_start3A_14 = tpu.memref_slice %arg6[%dma_start3A_12, %dma_start3A_13] : memref<448x128xf32, #tpu.memory_space<vmem>> -> memref<50x128xf32, #tpu.memory_space<vmem>>
    %dma_start3A_15 = arith.constant 0 : i32
    %dma_start3A_16 = tpu.memref_slice %arg5[%dma_start3A_11, %dma_start3A_15] : memref<16x50xi32, #tpu.memory_space<vmem>> -> memref<1x50xi32, #tpu.memory_space<vmem>>
    %dma_start3A_17 = tpu.memref_squeeze %dma_start3A_16 : memref<1x50xi32, #tpu.memory_space<vmem>> -> memref<50xi32, #tpu.memory_space<vmem>>
    %dma_start3A_18 = tpu.memref_reshape %arg3 : memref<128x100x8x128xf32, #tpu.memory_space<hbm>> -> memref<102400x128xf32, #tpu.memory_space<hbm>>
    %dma_start3A_19 = arith.constant 0 : i32
    %dma_start3A_20 = arith.constant 0 : i32
    %dma_start3A_21 = tpu.memref_slice %dma_start3A_18[%dma_start3A_19, %dma_start3A_20] : memref<102400x128xf32, #tpu.memory_space<hbm>> -> memref<102400x128xf32, #tpu.memory_space<hbm>>
    tpu.enqueue_indirect_dma source(%dma_start3A_21 : memref<102400x128xf32, #tpu.memory_space<hbm>>) target(%dma_start3A_14 : memref<50x128xf32, #tpu.memory_space<vmem>>) offsets(%dma_start3A_17 : memref<50xi32, #tpu.memory_space<vmem>>) semaphore(%arg7 : memref<!tpu.dma_semaphore, #tpu.memory_space<semaphore_mem>>)
    %dma_start3A_22 = arith.constant 2 : i32
    %dma_start3A_23 = arith.constant 112 : i32
    %dma_start3A_24 = arith.constant 0 : i32
    %dma_start3A_25 = tpu.memref_slice %arg6[%dma_start3A_23, %dma_start3A_24] : memref<448x128xf32, #tpu.memory_space<vmem>> -> memref<50x128xf32, #tpu.memory_space<vmem>>
    %dma_start3A_26 = arith.constant 0 : i32
    %dma_start3A_27 = tpu.memref_slice %arg5[%dma_start3A_22, %dma_start3A_26] : memref<16x50xi32, #tpu.memory_space<vmem>> -> memref<1x50xi32, #tpu.memory_space<vmem>>
    %dma_start3A_28 = tpu.memref_squeeze %dma_start3A_27 : memref<1x50xi32, #tpu.memory_space<vmem>> -> memref<50xi32, #tpu.memory_space<vmem>>
    %dma_start3A_29 = tpu.memref_reshape %arg3 : memref<128x100x8x128xf32, #tpu.memory_space<hbm>> -> memref<102400x128xf32, #tpu.memory_space<hbm>>
    %dma_start3A_30 = arith.constant 0 : i32
    %dma_start3A_31 = arith.constant 0 : i32
    %dma_start3A_32 = tpu.memref_slice %dma_start3A_29[%dma_start3A_30, %dma_start3A_31] : memref<102400x128xf32, #tpu.memory_space<hbm>> -> memref<102400x128xf32, #tpu.memory_space<hbm>>
    tpu.enqueue_indirect_dma source(%dma_start3A_32 : memref<102400x128xf32, #tpu.memory_space<hbm>>) target(%dma_start3A_25 : memref<50x128xf32, #tpu.memory_space<vmem>>) offsets(%dma_start3A_28 : memref<50xi32, #tpu.memory_space<vmem>>) semaphore(%arg7 : memref<!tpu.dma_semaphore, #tpu.memory_space<semaphore_mem>>)
    %dma_start3A_33 = arith.constant 3 : i32
    %dma_start3A_34 = arith.constant 168 : i32
    %dma_start3A_35 = arith.constant 0 : i32
    %dma_start3A_36 = tpu.memref_slice %arg6[%dma_start3A_34, %dma_start3A_35] : memref<448x128xf32, #tpu.memory_space<vmem>> -> memref<50x128xf32, #tpu.memory_space<vmem>>
    %dma_start3A_37 = arith.constant 0 : i32
    %dma_start3A_38 = tpu.memref_slice %arg5[%dma_start3A_33, %dma_start3A_37] : memref<16x50xi32, #tpu.memory_space<vmem>> -> memref<1x50xi32, #tpu.memory_space<vmem>>
    %dma_start3A_39 = tpu.memref_squeeze %dma_start3A_38 : memref<1x50xi32, #tpu.memory_space<vmem>> -> memref<50xi32, #tpu.memory_space<vmem>>
    %dma_start3A_40 = tpu.memref_reshape %arg3 : memref<128x100x8x128xf32, #tpu.memory_space<hbm>> -> memref<102400x128xf32, #tpu.memory_space<hbm>>
    %dma_start3A_41 = arith.constant 0 : i32
    %dma_start3A_42 = arith.constant 0 : i32
    %dma_start3A_43 = tpu.memref_slice %dma_start3A_40[%dma_start3A_41, %dma_start3A_42] : memref<102400x128xf32, #tpu.memory_space<hbm>> -> memref<102400x128xf32, #tpu.memory_space<hbm>>
    tpu.enqueue_indirect_dma source(%dma_start3A_43 : memref<102400x128xf32, #tpu.memory_space<hbm>>) target(%dma_start3A_36 : memref<50x128xf32, #tpu.memory_space<vmem>>) offsets(%dma_start3A_39 : memref<50xi32, #tpu.memory_space<vmem>>) semaphore(%arg7 : memref<!tpu.dma_semaphore, #tpu.memory_space<semaphore_mem>>)
    %dma_start3A_44 = arith.constant 4 : i32
    %dma_start3A_45 = arith.constant 224 : i32
    %dma_start3A_46 = arith.constant 0 : i32
    %dma_start3A_47 = tpu.memref_slice %arg6[%dma_start3A_45, %dma_start3A_46] : memref<448x128xf32, #tpu.memory_space<vmem>> -> memref<50x128xf32, #tpu.memory_space<vmem>>
    %dma_start3A_48 = arith.constant 0 : i32
    %dma_start3A_49 = tpu.memref_slice %arg5[%dma_start3A_44, %dma_start3A_48] : memref<16x50xi32, #tpu.memory_space<vmem>> -> memref<1x50xi32, #tpu.memory_space<vmem>>
    %dma_start3A_50 = tpu.memref_squeeze %dma_start3A_49 : memref<1x50xi32, #tpu.memory_space<vmem>> -> memref<50xi32, #tpu.memory_space<vmem>>
    %dma_start3A_51 = tpu.memref_reshape %arg3 : memref<128x100x8x128xf32, #tpu.memory_space<hbm>> -> memref<102400x128xf32, #tpu.memory_space<hbm>>
    %dma_start3A_52 = arith.constant 0 : i32
    %dma_start3A_53 = arith.constant 0 : i32
    %dma_start3A_54 = tpu.memref_slice %dma_start3A_51[%dma_start3A_52, %dma_start3A_53] : memref<102400x128xf32, #tpu.memory_space<hbm>> -> memref<102400x128xf32, #tpu.memory_space<hbm>>
    tpu.enqueue_indirect_dma source(%dma_start3A_54 : memref<102400x128xf32, #tpu.memory_space<hbm>>) target(%dma_start3A_47 : memref<50x128xf32, #tpu.memory_space<vmem>>) offsets(%dma_start3A_50 : memref<50xi32, #tpu.memory_space<vmem>>) semaphore(%arg7 : memref<!tpu.dma_semaphore, #tpu.memory_space<semaphore_mem>>)
    %dma_start3A_55 = arith.constant 5 : i32
    %dma_start3A_56 = arith.constant 280 : i32
    %dma_start3A_57 = arith.constant 0 : i32
    %dma_start3A_58 = tpu.memref_slice %arg6[%dma_start3A_56, %dma_start3A_57] : memref<448x128xf32, #tpu.memory_space<vmem>> -> memref<50x128xf32, #tpu.memory_space<vmem>>
    %dma_start3A_59 = arith.constant 0 : i32
    %dma_start3A_60 = tpu.memref_slice %arg5[%dma_start3A_55, %dma_start3A_59] : memref<16x50xi32, #tpu.memory_space<vmem>> -> memref<1x50xi32, #tpu.memory_space<vmem>>
    %dma_start3A_61 = tpu.memref_squeeze %dma_start3A_60 : memref<1x50xi32, #tpu.memory_space<vmem>> -> memref<50xi32, #tpu.memory_space<vmem>>
    %dma_start3A_62 = tpu.memref_reshape %arg3 : memref<128x100x8x128xf32, #tpu.memory_space<hbm>> -> memref<102400x128xf32, #tpu.memory_space<hbm>>
    %dma_start3A_63 = arith.constant 0 : i32
    %dma_start3A_64 = arith.constant 0 : i32
    %dma_start3A_65 = tpu.memref_slice %dma_start3A_62[%dma_start3A_63, %dma_start3A_64] : memref<102400x128xf32, #tpu.memory_space<hbm>> -> memref<102400x128xf32, #tpu.memory_space<hbm>>
    tpu.enqueue_indirect_dma source(%dma_start3A_65 : memref<102400x128xf32, #tpu.memory_space<hbm>>) target(%dma_start3A_58 : memref<50x128xf32, #tpu.memory_space<vmem>>) offsets(%dma_start3A_61 : memref<50xi32, #tpu.memory_space<vmem>>) semaphore(%arg7 : memref<!tpu.dma_semaphore, #tpu.memory_space<semaphore_mem>>)
    %dma_start3A_66 = arith.constant 6 : i32
    %dma_start3A_67 = arith.constant 336 : i32
    %dma_start3A_68 = arith.constant 0 : i32
    %dma_start3A_69 = tpu.memref_slice %arg6[%dma_start3A_67, %dma_start3A_68] : memref<448x128xf32, #tpu.memory_space<vmem>> -> memref<50x128xf32, #tpu.memory_space<vmem>>
    %dma_start3A_70 = arith.constant 0 : i32
    %dma_start3A_71 = tpu.memref_slice %arg5[%dma_start3A_66, %dma_start3A_70] : memref<16x50xi32, #tpu.memory_space<vmem>> -> memref<1x50xi32, #tpu.memory_space<vmem>>
    %dma_start3A_72 = tpu.memref_squeeze %dma_start3A_71 : memref<1x50xi32, #tpu.memory_space<vmem>> -> memref<50xi32, #tpu.memory_space<vmem>>
    %dma_start3A_73 = tpu.memref_reshape %arg3 : memref<128x100x8x128xf32, #tpu.memory_space<hbm>> -> memref<102400x128xf32, #tpu.memory_space<hbm>>
    %dma_start3A_74 = arith.constant 0 : i32
    %dma_start3A_75 = arith.constant 0 : i32
    %dma_start3A_76 = tpu.memref_slice %dma_start3A_73[%dma_start3A_74, %dma_start3A_75] : memref<102400x128xf32, #tpu.memory_space<hbm>> -> memref<102400x128xf32, #tpu.memory_space<hbm>>
    tpu.enqueue_indirect_dma source(%dma_start3A_76 : memref<102400x128xf32, #tpu.memory_space<hbm>>) target(%dma_start3A_69 : memref<50x128xf32, #tpu.memory_space<vmem>>) offsets(%dma_start3A_72 : memref<50xi32, #tpu.memory_space<vmem>>) semaphore(%arg7 : memref<!tpu.dma_semaphore, #tpu.memory_space<semaphore_mem>>)
    %dma_start3A_77 = arith.constant 7 : i32
    %dma_start3A_78 = arith.constant 392 : i32
    %dma_start3A_79 = arith.constant 0 : i32
    %dma_start3A_80 = tpu.memref_slice %arg6[%dma_start3A_78, %dma_start3A_79] : memref<448x128xf32, #tpu.memory_space<vmem>> -> memref<50x128xf32, #tpu.memory_space<vmem>>
    %dma_start3A_81 = arith.constant 0 : i32
    %dma_start3A_82 = tpu.memref_slice %arg5[%dma_start3A_77, %dma_start3A_81] : memref<16x50xi32, #tpu.memory_space<vmem>> -> memref<1x50xi32, #tpu.memory_space<vmem>>
    %dma_start3A_83 = tpu.memref_squeeze %dma_start3A_82 : memref<1x50xi32, #tpu.memory_space<vmem>> -> memref<50xi32, #tpu.memory_space<vmem>>
    %dma_start3A_84 = tpu.memref_reshape %arg3 : memref<128x100x8x128xf32, #tpu.memory_space<hbm>> -> memref<102400x128xf32, #tpu.memory_space<hbm>>
    %dma_start3A_85 = arith.constant 0 : i32
    %dma_start3A_86 = arith.constant 0 : i32
    %dma_start3A_87 = tpu.memref_slice %dma_start3A_84[%dma_start3A_85, %dma_start3A_86] : memref<102400x128xf32, #tpu.memory_space<hbm>> -> memref<102400x128xf32, #tpu.memory_space<hbm>>
    tpu.enqueue_indirect_dma source(%dma_start3A_87 : memref<102400x128xf32, #tpu.memory_space<hbm>>) target(%dma_start3A_80 : memref<50x128xf32, #tpu.memory_space<vmem>>) offsets(%dma_start3A_83 : memref<50xi32, #tpu.memory_space<vmem>>) semaphore(%arg7 : memref<!tpu.dma_semaphore, #tpu.memory_space<semaphore_mem>>)
    %dma_wait3A = arith.constant 0 : i32
    %dma_wait3A_88 = arith.constant 0 : i32
    %dma_wait3A_89 = arith.constant 0 : i32
    %dma_wait3A_90 = tpu.memref_slice %arg6[%dma_wait3A_88, %dma_wait3A_89] : memref<448x128xf32, #tpu.memory_space<vmem>> -> memref<50x128xf32, #tpu.memory_space<vmem>>
    %dma_wait3A_91 = arith.constant 0 : i32
    %dma_wait3A_92 = tpu.memref_slice %arg5[%dma_wait3A, %dma_wait3A_91] : memref<16x50xi32, #tpu.memory_space<vmem>> -> memref<1x50xi32, #tpu.memory_space<vmem>>
    %dma_wait3A_93 = tpu.memref_squeeze %dma_wait3A_92 : memref<1x50xi32, #tpu.memory_space<vmem>> -> memref<50xi32, #tpu.memory_space<vmem>>
    %dma_wait3A_94 = tpu.memref_reshape %arg3 : memref<128x100x8x128xf32, #tpu.memory_space<hbm>> -> memref<102400x128xf32, #tpu.memory_space<hbm>>
    %dma_wait3A_95 = arith.constant 0 : i32
    %dma_wait3A_96 = arith.constant 0 : i32
    %dma_wait3A_97 = tpu.memref_slice %dma_wait3A_94[%dma_wait3A_95, %dma_wait3A_96] : memref<102400x128xf32, #tpu.memory_space<hbm>> -> memref<102400x128xf32, #tpu.memory_space<hbm>>
    tpu.wait_indirect_dma semaphore(%arg7 : memref<!tpu.dma_semaphore, #tpu.memory_space<semaphore_mem>>) src(%dma_wait3A_97 : memref<102400x128xf32, #tpu.memory_space<hbm>>) dst(%dma_wait3A_90 : memref<50x128xf32, #tpu.memory_space<vmem>>)
    %dma_wait3A_98 = arith.constant 1 : i32
    %dma_wait3A_99 = arith.constant 56 : i32
    %dma_wait3A_100 = arith.constant 0 : i32
    %dma_wait3A_101 = tpu.memref_slice %arg6[%dma_wait3A_99, %dma_wait3A_100] : memref<448x128xf32, #tpu.memory_space<vmem>> -> memref<50x128xf32, #tpu.memory_space<vmem>>
    %dma_wait3A_102 = arith.constant 0 : i32
    %dma_wait3A_103 = tpu.memref_slice %arg5[%dma_wait3A_98, %dma_wait3A_102] : memref<16x50xi32, #tpu.memory_space<vmem>> -> memref<1x50xi32, #tpu.memory_space<vmem>>
    %dma_wait3A_104 = tpu.memref_squeeze %dma_wait3A_103 : memref<1x50xi32, #tpu.memory_space<vmem>> -> memref<50xi32, #tpu.memory_space<vmem>>
    %dma_wait3A_105 = tpu.memref_reshape %arg3 : memref<128x100x8x128xf32, #tpu.memory_space<hbm>> -> memref<102400x128xf32, #tpu.memory_space<hbm>>
    %dma_wait3A_106 = arith.constant 0 : i32
    %dma_wait3A_107 = arith.constant 0 : i32
    %dma_wait3A_108 = tpu.memref_slice %dma_wait3A_105[%dma_wait3A_106, %dma_wait3A_107] : memref<102400x128xf32, #tpu.memory_space<hbm>> -> memref<102400x128xf32, #tpu.memory_space<hbm>>
    tpu.wait_indirect_dma semaphore(%arg7 : memref<!tpu.dma_semaphore, #tpu.memory_space<semaphore_mem>>) src(%dma_wait3A_108 : memref<102400x128xf32, #tpu.memory_space<hbm>>) dst(%dma_wait3A_101 : memref<50x128xf32, #tpu.memory_space<vmem>>)
    %dma_wait3A_109 = arith.constant 2 : i32
    %dma_wait3A_110 = arith.constant 112 : i32
    %dma_wait3A_111 = arith.constant 0 : i32
    %dma_wait3A_112 = tpu.memref_slice %arg6[%dma_wait3A_110, %dma_wait3A_111] : memref<448x128xf32, #tpu.memory_space<vmem>> -> memref<50x128xf32, #tpu.memory_space<vmem>>
    %dma_wait3A_113 = arith.constant 0 : i32
    %dma_wait3A_114 = tpu.memref_slice %arg5[%dma_wait3A_109, %dma_wait3A_113] : memref<16x50xi32, #tpu.memory_space<vmem>> -> memref<1x50xi32, #tpu.memory_space<vmem>>
    %dma_wait3A_115 = tpu.memref_squeeze %dma_wait3A_114 : memref<1x50xi32, #tpu.memory_space<vmem>> -> memref<50xi32, #tpu.memory_space<vmem>>
    %dma_wait3A_116 = tpu.memref_reshape %arg3 : memref<128x100x8x128xf32, #tpu.memory_space<hbm>> -> memref<102400x128xf32, #tpu.memory_space<hbm>>
    %dma_wait3A_117 = arith.constant 0 : i32
    %dma_wait3A_118 = arith.constant 0 : i32
    %dma_wait3A_119 = tpu.memref_slice %dma_wait3A_116[%dma_wait3A_117, %dma_wait3A_118] : memref<102400x128xf32, #tpu.memory_space<hbm>> -> memref<102400x128xf32, #tpu.memory_space<hbm>>
    tpu.wait_indirect_dma semaphore(%arg7 : memref<!tpu.dma_semaphore, #tpu.memory_space<semaphore_mem>>) src(%dma_wait3A_119 : memref<102400x128xf32, #tpu.memory_space<hbm>>) dst(%dma_wait3A_112 : memref<50x128xf32, #tpu.memory_space<vmem>>)
    %dma_wait3A_120 = arith.constant 3 : i32
    %dma_wait3A_121 = arith.constant 168 : i32
    %dma_wait3A_122 = arith.constant 0 : i32
    %dma_wait3A_123 = tpu.memref_slice %arg6[%dma_wait3A_121, %dma_wait3A_122] : memref<448x128xf32, #tpu.memory_space<vmem>> -> memref<50x128xf32, #tpu.memory_space<vmem>>
    %dma_wait3A_124 = arith.constant 0 : i32
    %dma_wait3A_125 = tpu.memref_slice %arg5[%dma_wait3A_120, %dma_wait3A_124] : memref<16x50xi32, #tpu.memory_space<vmem>> -> memref<1x50xi32, #tpu.memory_space<vmem>>
    %dma_wait3A_126 = tpu.memref_squeeze %dma_wait3A_125 : memref<1x50xi32, #tpu.memory_space<vmem>> -> memref<50xi32, #tpu.memory_space<vmem>>
    %dma_wait3A_127 = tpu.memref_reshape %arg3 : memref<128x100x8x128xf32, #tpu.memory_space<hbm>> -> memref<102400x128xf32, #tpu.memory_space<hbm>>
    %dma_wait3A_128 = arith.constant 0 : i32
    %dma_wait3A_129 = arith.constant 0 : i32
    %dma_wait3A_130 = tpu.memref_slice %dma_wait3A_127[%dma_wait3A_128, %dma_wait3A_129] : memref<102400x128xf32, #tpu.memory_space<hbm>> -> memref<102400x128xf32, #tpu.memory_space<hbm>>
    tpu.wait_indirect_dma semaphore(%arg7 : memref<!tpu.dma_semaphore, #tpu.memory_space<semaphore_mem>>) src(%dma_wait3A_130 : memref<102400x128xf32, #tpu.memory_space<hbm>>) dst(%dma_wait3A_123 : memref<50x128xf32, #tpu.memory_space<vmem>>)
    %dma_wait3A_131 = arith.constant 4 : i32
    %dma_wait3A_132 = arith.constant 224 : i32
    %dma_wait3A_133 = arith.constant 0 : i32
    %dma_wait3A_134 = tpu.memref_slice %arg6[%dma_wait3A_132, %dma_wait3A_133] : memref<448x128xf32, #tpu.memory_space<vmem>> -> memref<50x128xf32, #tpu.memory_space<vmem>>
    %dma_wait3A_135 = arith.constant 0 : i32
    %dma_wait3A_136 = tpu.memref_slice %arg5[%dma_wait3A_131, %dma_wait3A_135] : memref<16x50xi32, #tpu.memory_space<vmem>> -> memref<1x50xi32, #tpu.memory_space<vmem>>
    %dma_wait3A_137 = tpu.memref_squeeze %dma_wait3A_136 : memref<1x50xi32, #tpu.memory_space<vmem>> -> memref<50xi32, #tpu.memory_space<vmem>>
    %dma_wait3A_138 = tpu.memref_reshape %arg3 : memref<128x100x8x128xf32, #tpu.memory_space<hbm>> -> memref<102400x128xf32, #tpu.memory_space<hbm>>
    %dma_wait3A_139 = arith.constant 0 : i32
    %dma_wait3A_140 = arith.constant 0 : i32
    %dma_wait3A_141 = tpu.memref_slice %dma_wait3A_138[%dma_wait3A_139, %dma_wait3A_140] : memref<102400x128xf32, #tpu.memory_space<hbm>> -> memref<102400x128xf32, #tpu.memory_space<hbm>>
    tpu.wait_indirect_dma semaphore(%arg7 : memref<!tpu.dma_semaphore, #tpu.memory_space<semaphore_mem>>) src(%dma_wait3A_141 : memref<102400x128xf32, #tpu.memory_space<hbm>>) dst(%dma_wait3A_134 : memref<50x128xf32, #tpu.memory_space<vmem>>)
    %dma_wait3A_142 = arith.constant 5 : i32
    %dma_wait3A_143 = arith.constant 280 : i32
    %dma_wait3A_144 = arith.constant 0 : i32
    %dma_wait3A_145 = tpu.memref_slice %arg6[%dma_wait3A_143, %dma_wait3A_144] : memref<448x128xf32, #tpu.memory_space<vmem>> -> memref<50x128xf32, #tpu.memory_space<vmem>>
    %dma_wait3A_146 = arith.constant 0 : i32
    %dma_wait3A_147 = tpu.memref_slice %arg5[%dma_wait3A_142, %dma_wait3A_146] : memref<16x50xi32, #tpu.memory_space<vmem>> -> memref<1x50xi32, #tpu.memory_space<vmem>>
    %dma_wait3A_148 = tpu.memref_squeeze %dma_wait3A_147 : memref<1x50xi32, #tpu.memory_space<vmem>> -> memref<50xi32, #tpu.memory_space<vmem>>
    %dma_wait3A_149 = tpu.memref_reshape %arg3 : memref<128x100x8x128xf32, #tpu.memory_space<hbm>> -> memref<102400x128xf32, #tpu.memory_space<hbm>>
    %dma_wait3A_150 = arith.constant 0 : i32
    %dma_wait3A_151 = arith.constant 0 : i32
    %dma_wait3A_152 = tpu.memref_slice %dma_wait3A_149[%dma_wait3A_150, %dma_wait3A_151] : memref<102400x128xf32, #tpu.memory_space<hbm>> -> memref<102400x128xf32, #tpu.memory_space<hbm>>
    tpu.wait_indirect_dma semaphore(%arg7 : memref<!tpu.dma_semaphore, #tpu.memory_space<semaphore_mem>>) src(%dma_wait3A_152 : memref<102400x128xf32, #tpu.memory_space<hbm>>) dst(%dma_wait3A_145 : memref<50x128xf32, #tpu.memory_space<vmem>>)
    %dma_wait3A_153 = arith.constant 6 : i32
    %dma_wait3A_154 = arith.constant 336 : i32
    %dma_wait3A_155 = arith.constant 0 : i32
    %dma_wait3A_156 = tpu.memref_slice %arg6[%dma_wait3A_154, %dma_wait3A_155] : memref<448x128xf32, #tpu.memory_space<vmem>> -> memref<50x128xf32, #tpu.memory_space<vmem>>
    %dma_wait3A_157 = arith.constant 0 : i32
    %dma_wait3A_158 = tpu.memref_slice %arg5[%dma_wait3A_153, %dma_wait3A_157] : memref<16x50xi32, #tpu.memory_space<vmem>> -> memref<1x50xi32, #tpu.memory_space<vmem>>
    %dma_wait3A_159 = tpu.memref_squeeze %dma_wait3A_158 : memref<1x50xi32, #tpu.memory_space<vmem>> -> memref<50xi32, #tpu.memory_space<vmem>>
    %dma_wait3A_160 = tpu.memref_reshape %arg3 : memref<128x100x8x128xf32, #tpu.memory_space<hbm>> -> memref<102400x128xf32, #tpu.memory_space<hbm>>
    %dma_wait3A_161 = arith.constant 0 : i32
    %dma_wait3A_162 = arith.constant 0 : i32
    %dma_wait3A_163 = tpu.memref_slice %dma_wait3A_160[%dma_wait3A_161, %dma_wait3A_162] : memref<102400x128xf32, #tpu.memory_space<hbm>> -> memref<102400x128xf32, #tpu.memory_space<hbm>>
    tpu.wait_indirect_dma semaphore(%arg7 : memref<!tpu.dma_semaphore, #tpu.memory_space<semaphore_mem>>) src(%dma_wait3A_163 : memref<102400x128xf32, #tpu.memory_space<hbm>>) dst(%dma_wait3A_156 : memref<50x128xf32, #tpu.memory_space<vmem>>)
    %dma_wait3A_164 = arith.constant 7 : i32
    %dma_wait3A_165 = arith.constant 392 : i32
    %dma_wait3A_166 = arith.constant 0 : i32
    %dma_wait3A_167 = tpu.memref_slice %arg6[%dma_wait3A_165, %dma_wait3A_166] : memref<448x128xf32, #tpu.memory_space<vmem>> -> memref<50x128xf32, #tpu.memory_space<vmem>>
    %dma_wait3A_168 = arith.constant 0 : i32
    %dma_wait3A_169 = tpu.memref_slice %arg5[%dma_wait3A_164, %dma_wait3A_168] : memref<16x50xi32, #tpu.memory_space<vmem>> -> memref<1x50xi32, #tpu.memory_space<vmem>>
    %dma_wait3A_170 = tpu.memref_squeeze %dma_wait3A_169 : memref<1x50xi32, #tpu.memory_space<vmem>> -> memref<50xi32, #tpu.memory_space<vmem>>
    %dma_wait3A_171 = tpu.memref_reshape %arg3 : memref<128x100x8x128xf32, #tpu.memory_space<hbm>> -> memref<102400x128xf32, #tpu.memory_space<hbm>>
    %dma_wait3A_172 = arith.constant 0 : i32
    %dma_wait3A_173 = arith.constant 0 : i32
    %dma_wait3A_174 = tpu.memref_slice %dma_wait3A_171[%dma_wait3A_172, %dma_wait3A_173] : memref<102400x128xf32, #tpu.memory_space<hbm>> -> memref<102400x128xf32, #tpu.memory_space<hbm>>
    tpu.wait_indirect_dma semaphore(%arg7 : memref<!tpu.dma_semaphore, #tpu.memory_space<semaphore_mem>>) src(%dma_wait3A_174 : memref<102400x128xf32, #tpu.memory_space<hbm>>) dst(%dma_wait3A_167 : memref<50x128xf32, #tpu.memory_space<vmem>>)
    %mul3A_175 = arith.constant 16 : i32
    %mul3A_176 = arith.muli %add3A, %mul3A_175 : i32
    %add3A_177 = arith.constant 0 : i32
    %add3A_178 = arith.addi %mul3A_176, %add3A_177 : i32
    %mul3A_179 = arith.constant 56 : i32
    %mul3A_180 = arith.muli %add3A_178, %mul3A_179 : i32
    "tpu.region"() ({
      %run_scoped3A = tpu.sem_alloc : memref<!tpu.dma_semaphore, #tpu.memory_space<semaphore_mem>>
      %dma_start3A_363 = arith.constant 0 : i32
      %dma_start3A_364 = tpu.memref_slice %arg4[%mul3A_180, %dma_start3A_363] : memref<28672x128xf32, #tpu.memory_space<hbm>> -> memref<448x128xf32, #tpu.memory_space<hbm>>
      %dma_start3A_365 = arith.constant 0 : i32
      %dma_start3A_366 = tpu.memref_slice %arg4[%mul3A_180, %dma_start3A_365] : memref<28672x128xf32, #tpu.memory_space<hbm>> -> memref<448x128xf32, #tpu.memory_space<hbm>>
      tpu.enqueue_dma source(%arg6 : memref<448x128xf32, #tpu.memory_space<vmem>>) target(%dma_start3A_366 : memref<448x128xf32, #tpu.memory_space<hbm>>) target_semaphore(%run_scoped3A : memref<!tpu.dma_semaphore, #tpu.memory_space<semaphore_mem>>)
      %dma_wait3A_367 = arith.constant 0 : i32
      %dma_wait3A_368 = tpu.memref_slice %arg4[%mul3A_180, %dma_wait3A_367] : memref<28672x128xf32, #tpu.memory_space<hbm>> -> memref<448x128xf32, #tpu.memory_space<hbm>>
      %dma_wait3A_369 = arith.constant 0 : i32
      %dma_wait3A_370 = tpu.memref_slice %arg4[%mul3A_180, %dma_wait3A_369] : memref<28672x128xf32, #tpu.memory_space<hbm>> -> memref<448x128xf32, #tpu.memory_space<hbm>>
      tpu.wait_dma2 semaphore(%run_scoped3A : memref<!tpu.dma_semaphore, #tpu.memory_space<semaphore_mem>>) src(%arg6 : memref<448x128xf32, #tpu.memory_space<vmem>>) dst(%dma_wait3A_370 : memref<448x128xf32, #tpu.memory_space<hbm>>)
      tpu.yield
    }) : () -> ()
    %dma_start3A_181 = arith.constant 8 : i32
    %dma_start3A_182 = arith.constant 0 : i32
    %dma_start3A_183 = arith.constant 0 : i32
    %dma_start3A_184 = tpu.memref_slice %arg6[%dma_start3A_182, %dma_start3A_183] : memref<448x128xf32, #tpu.memory_space<vmem>> -> memref<50x128xf32, #tpu.memory_space<vmem>>
    %dma_start3A_185 = arith.constant 0 : i32
    %dma_start3A_186 = tpu.memref_slice %arg5[%dma_start3A_181, %dma_start3A_185] : memref<16x50xi32, #tpu.memory_space<vmem>> -> memref<1x50xi32, #tpu.memory_space<vmem>>
    %dma_start3A_187 = tpu.memref_squeeze %dma_start3A_186 : memref<1x50xi32, #tpu.memory_space<vmem>> -> memref<50xi32, #tpu.memory_space<vmem>>
    %dma_start3A_188 = tpu.memref_reshape %arg3 : memref<128x100x8x128xf32, #tpu.memory_space<hbm>> -> memref<102400x128xf32, #tpu.memory_space<hbm>>
    %dma_start3A_189 = arith.constant 0 : i32
    %dma_start3A_190 = arith.constant 0 : i32
    %dma_start3A_191 = tpu.memref_slice %dma_start3A_188[%dma_start3A_189, %dma_start3A_190] : memref<102400x128xf32, #tpu.memory_space<hbm>> -> memref<102400x128xf32, #tpu.memory_space<hbm>>
    tpu.enqueue_indirect_dma source(%dma_start3A_191 : memref<102400x128xf32, #tpu.memory_space<hbm>>) target(%dma_start3A_184 : memref<50x128xf32, #tpu.memory_space<vmem>>) offsets(%dma_start3A_187 : memref<50xi32, #tpu.memory_space<vmem>>) semaphore(%arg7 : memref<!tpu.dma_semaphore, #tpu.memory_space<semaphore_mem>>)
    %dma_start3A_192 = arith.constant 9 : i32
    %dma_start3A_193 = arith.constant 56 : i32
    %dma_start3A_194 = arith.constant 0 : i32
    %dma_start3A_195 = tpu.memref_slice %arg6[%dma_start3A_193, %dma_start3A_194] : memref<448x128xf32, #tpu.memory_space<vmem>> -> memref<50x128xf32, #tpu.memory_space<vmem>>
    %dma_start3A_196 = arith.constant 0 : i32
    %dma_start3A_197 = tpu.memref_slice %arg5[%dma_start3A_192, %dma_start3A_196] : memref<16x50xi32, #tpu.memory_space<vmem>> -> memref<1x50xi32, #tpu.memory_space<vmem>>
    %dma_start3A_198 = tpu.memref_squeeze %dma_start3A_197 : memref<1x50xi32, #tpu.memory_space<vmem>> -> memref<50xi32, #tpu.memory_space<vmem>>
    %dma_start3A_199 = tpu.memref_reshape %arg3 : memref<128x100x8x128xf32, #tpu.memory_space<hbm>> -> memref<102400x128xf32, #tpu.memory_space<hbm>>
    %dma_start3A_200 = arith.constant 0 : i32
    %dma_start3A_201 = arith.constant 0 : i32
    %dma_start3A_202 = tpu.memref_slice %dma_start3A_199[%dma_start3A_200, %dma_start3A_201] : memref<102400x128xf32, #tpu.memory_space<hbm>> -> memref<102400x128xf32, #tpu.memory_space<hbm>>
    tpu.enqueue_indirect_dma source(%dma_start3A_202 : memref<102400x128xf32, #tpu.memory_space<hbm>>) target(%dma_start3A_195 : memref<50x128xf32, #tpu.memory_space<vmem>>) offsets(%dma_start3A_198 : memref<50xi32, #tpu.memory_space<vmem>>) semaphore(%arg7 : memref<!tpu.dma_semaphore, #tpu.memory_space<semaphore_mem>>)
    %dma_start3A_203 = arith.constant 10 : i32
    %dma_start3A_204 = arith.constant 112 : i32
    %dma_start3A_205 = arith.constant 0 : i32
    %dma_start3A_206 = tpu.memref_slice %arg6[%dma_start3A_204, %dma_start3A_205] : memref<448x128xf32, #tpu.memory_space<vmem>> -> memref<50x128xf32, #tpu.memory_space<vmem>>
    %dma_start3A_207 = arith.constant 0 : i32
    %dma_start3A_208 = tpu.memref_slice %arg5[%dma_start3A_203, %dma_start3A_207] : memref<16x50xi32, #tpu.memory_space<vmem>> -> memref<1x50xi32, #tpu.memory_space<vmem>>
    %dma_start3A_209 = tpu.memref_squeeze %dma_start3A_208 : memref<1x50xi32, #tpu.memory_space<vmem>> -> memref<50xi32, #tpu.memory_space<vmem>>
    %dma_start3A_210 = tpu.memref_reshape %arg3 : memref<128x100x8x128xf32, #tpu.memory_space<hbm>> -> memref<102400x128xf32, #tpu.memory_space<hbm>>
    %dma_start3A_211 = arith.constant 0 : i32
    %dma_start3A_212 = arith.constant 0 : i32
    %dma_start3A_213 = tpu.memref_slice %dma_start3A_210[%dma_start3A_211, %dma_start3A_212] : memref<102400x128xf32, #tpu.memory_space<hbm>> -> memref<102400x128xf32, #tpu.memory_space<hbm>>
    tpu.enqueue_indirect_dma source(%dma_start3A_213 : memref<102400x128xf32, #tpu.memory_space<hbm>>) target(%dma_start3A_206 : memref<50x128xf32, #tpu.memory_space<vmem>>) offsets(%dma_start3A_209 : memref<50xi32, #tpu.memory_space<vmem>>) semaphore(%arg7 : memref<!tpu.dma_semaphore, #tpu.memory_space<semaphore_mem>>)
    %dma_start3A_214 = arith.constant 11 : i32
    %dma_start3A_215 = arith.constant 168 : i32
    %dma_start3A_216 = arith.constant 0 : i32
    %dma_start3A_217 = tpu.memref_slice %arg6[%dma_start3A_215, %dma_start3A_216] : memref<448x128xf32, #tpu.memory_space<vmem>> -> memref<50x128xf32, #tpu.memory_space<vmem>>
    %dma_start3A_218 = arith.constant 0 : i32
    %dma_start3A_219 = tpu.memref_slice %arg5[%dma_start3A_214, %dma_start3A_218] : memref<16x50xi32, #tpu.memory_space<vmem>> -> memref<1x50xi32, #tpu.memory_space<vmem>>
    %dma_start3A_220 = tpu.memref_squeeze %dma_start3A_219 : memref<1x50xi32, #tpu.memory_space<vmem>> -> memref<50xi32, #tpu.memory_space<vmem>>
    %dma_start3A_221 = tpu.memref_reshape %arg3 : memref<128x100x8x128xf32, #tpu.memory_space<hbm>> -> memref<102400x128xf32, #tpu.memory_space<hbm>>
    %dma_start3A_222 = arith.constant 0 : i32
    %dma_start3A_223 = arith.constant 0 : i32
    %dma_start3A_224 = tpu.memref_slice %dma_start3A_221[%dma_start3A_222, %dma_start3A_223] : memref<102400x128xf32, #tpu.memory_space<hbm>> -> memref<102400x128xf32, #tpu.memory_space<hbm>>
    tpu.enqueue_indirect_dma source(%dma_start3A_224 : memref<102400x128xf32, #tpu.memory_space<hbm>>) target(%dma_start3A_217 : memref<50x128xf32, #tpu.memory_space<vmem>>) offsets(%dma_start3A_220 : memref<50xi32, #tpu.memory_space<vmem>>) semaphore(%arg7 : memref<!tpu.dma_semaphore, #tpu.memory_space<semaphore_mem>>)
    %dma_start3A_225 = arith.constant 12 : i32
    %dma_start3A_226 = arith.constant 224 : i32
    %dma_start3A_227 = arith.constant 0 : i32
    %dma_start3A_228 = tpu.memref_slice %arg6[%dma_start3A_226, %dma_start3A_227] : memref<448x128xf32, #tpu.memory_space<vmem>> -> memref<50x128xf32, #tpu.memory_space<vmem>>
    %dma_start3A_229 = arith.constant 0 : i32
    %dma_start3A_230 = tpu.memref_slice %arg5[%dma_start3A_225, %dma_start3A_229] : memref<16x50xi32, #tpu.memory_space<vmem>> -> memref<1x50xi32, #tpu.memory_space<vmem>>
    %dma_start3A_231 = tpu.memref_squeeze %dma_start3A_230 : memref<1x50xi32, #tpu.memory_space<vmem>> -> memref<50xi32, #tpu.memory_space<vmem>>
    %dma_start3A_232 = tpu.memref_reshape %arg3 : memref<128x100x8x128xf32, #tpu.memory_space<hbm>> -> memref<102400x128xf32, #tpu.memory_space<hbm>>
    %dma_start3A_233 = arith.constant 0 : i32
    %dma_start3A_234 = arith.constant 0 : i32
    %dma_start3A_235 = tpu.memref_slice %dma_start3A_232[%dma_start3A_233, %dma_start3A_234] : memref<102400x128xf32, #tpu.memory_space<hbm>> -> memref<102400x128xf32, #tpu.memory_space<hbm>>
    tpu.enqueue_indirect_dma source(%dma_start3A_235 : memref<102400x128xf32, #tpu.memory_space<hbm>>) target(%dma_start3A_228 : memref<50x128xf32, #tpu.memory_space<vmem>>) offsets(%dma_start3A_231 : memref<50xi32, #tpu.memory_space<vmem>>) semaphore(%arg7 : memref<!tpu.dma_semaphore, #tpu.memory_space<semaphore_mem>>)
    %dma_start3A_236 = arith.constant 13 : i32
    %dma_start3A_237 = arith.constant 280 : i32
    %dma_start3A_238 = arith.constant 0 : i32
    %dma_start3A_239 = tpu.memref_slice %arg6[%dma_start3A_237, %dma_start3A_238] : memref<448x128xf32, #tpu.memory_space<vmem>> -> memref<50x128xf32, #tpu.memory_space<vmem>>
    %dma_start3A_240 = arith.constant 0 : i32
    %dma_start3A_241 = tpu.memref_slice %arg5[%dma_start3A_236, %dma_start3A_240] : memref<16x50xi32, #tpu.memory_space<vmem>> -> memref<1x50xi32, #tpu.memory_space<vmem>>
    %dma_start3A_242 = tpu.memref_squeeze %dma_start3A_241 : memref<1x50xi32, #tpu.memory_space<vmem>> -> memref<50xi32, #tpu.memory_space<vmem>>
    %dma_start3A_243 = tpu.memref_reshape %arg3 : memref<128x100x8x128xf32, #tpu.memory_space<hbm>> -> memref<102400x128xf32, #tpu.memory_space<hbm>>
    %dma_start3A_244 = arith.constant 0 : i32
    %dma_start3A_245 = arith.constant 0 : i32
    %dma_start3A_246 = tpu.memref_slice %dma_start3A_243[%dma_start3A_244, %dma_start3A_245] : memref<102400x128xf32, #tpu.memory_space<hbm>> -> memref<102400x128xf32, #tpu.memory_space<hbm>>
    tpu.enqueue_indirect_dma source(%dma_start3A_246 : memref<102400x128xf32, #tpu.memory_space<hbm>>) target(%dma_start3A_239 : memref<50x128xf32, #tpu.memory_space<vmem>>) offsets(%dma_start3A_242 : memref<50xi32, #tpu.memory_space<vmem>>) semaphore(%arg7 : memref<!tpu.dma_semaphore, #tpu.memory_space<semaphore_mem>>)
    %dma_start3A_247 = arith.constant 14 : i32
    %dma_start3A_248 = arith.constant 336 : i32
    %dma_start3A_249 = arith.constant 0 : i32
    %dma_start3A_250 = tpu.memref_slice %arg6[%dma_start3A_248, %dma_start3A_249] : memref<448x128xf32, #tpu.memory_space<vmem>> -> memref<50x128xf32, #tpu.memory_space<vmem>>
    %dma_start3A_251 = arith.constant 0 : i32
    %dma_start3A_252 = tpu.memref_slice %arg5[%dma_start3A_247, %dma_start3A_251] : memref<16x50xi32, #tpu.memory_space<vmem>> -> memref<1x50xi32, #tpu.memory_space<vmem>>
    %dma_start3A_253 = tpu.memref_squeeze %dma_start3A_252 : memref<1x50xi32, #tpu.memory_space<vmem>> -> memref<50xi32, #tpu.memory_space<vmem>>
    %dma_start3A_254 = tpu.memref_reshape %arg3 : memref<128x100x8x128xf32, #tpu.memory_space<hbm>> -> memref<102400x128xf32, #tpu.memory_space<hbm>>
    %dma_start3A_255 = arith.constant 0 : i32
    %dma_start3A_256 = arith.constant 0 : i32
    %dma_start3A_257 = tpu.memref_slice %dma_start3A_254[%dma_start3A_255, %dma_start3A_256] : memref<102400x128xf32, #tpu.memory_space<hbm>> -> memref<102400x128xf32, #tpu.memory_space<hbm>>
    tpu.enqueue_indirect_dma source(%dma_start3A_257 : memref<102400x128xf32, #tpu.memory_space<hbm>>) target(%dma_start3A_250 : memref<50x128xf32, #tpu.memory_space<vmem>>) offsets(%dma_start3A_253 : memref<50xi32, #tpu.memory_space<vmem>>) semaphore(%arg7 : memref<!tpu.dma_semaphore, #tpu.memory_space<semaphore_mem>>)
    %dma_start3A_258 = arith.constant 15 : i32
    %dma_start3A_259 = arith.constant 392 : i32
    %dma_start3A_260 = arith.constant 0 : i32
    %dma_start3A_261 = tpu.memref_slice %arg6[%dma_start3A_259, %dma_start3A_260] : memref<448x128xf32, #tpu.memory_space<vmem>> -> memref<50x128xf32, #tpu.memory_space<vmem>>
    %dma_start3A_262 = arith.constant 0 : i32
    %dma_start3A_263 = tpu.memref_slice %arg5[%dma_start3A_258, %dma_start3A_262] : memref<16x50xi32, #tpu.memory_space<vmem>> -> memref<1x50xi32, #tpu.memory_space<vmem>>
    %dma_start3A_264 = tpu.memref_squeeze %dma_start3A_263 : memref<1x50xi32, #tpu.memory_space<vmem>> -> memref<50xi32, #tpu.memory_space<vmem>>
    %dma_start3A_265 = tpu.memref_reshape %arg3 : memref<128x100x8x128xf32, #tpu.memory_space<hbm>> -> memref<102400x128xf32, #tpu.memory_space<hbm>>
    %dma_start3A_266 = arith.constant 0 : i32
    %dma_start3A_267 = arith.constant 0 : i32
    %dma_start3A_268 = tpu.memref_slice %dma_start3A_265[%dma_start3A_266, %dma_start3A_267] : memref<102400x128xf32, #tpu.memory_space<hbm>> -> memref<102400x128xf32, #tpu.memory_space<hbm>>
    tpu.enqueue_indirect_dma source(%dma_start3A_268 : memref<102400x128xf32, #tpu.memory_space<hbm>>) target(%dma_start3A_261 : memref<50x128xf32, #tpu.memory_space<vmem>>) offsets(%dma_start3A_264 : memref<50xi32, #tpu.memory_space<vmem>>) semaphore(%arg7 : memref<!tpu.dma_semaphore, #tpu.memory_space<semaphore_mem>>)
    %dma_wait3A_269 = arith.constant 8 : i32
    %dma_wait3A_270 = arith.constant 0 : i32
    %dma_wait3A_271 = arith.constant 0 : i32
    %dma_wait3A_272 = tpu.memref_slice %arg6[%dma_wait3A_270, %dma_wait3A_271] : memref<448x128xf32, #tpu.memory_space<vmem>> -> memref<50x128xf32, #tpu.memory_space<vmem>>
    %dma_wait3A_273 = arith.constant 0 : i32
    %dma_wait3A_274 = tpu.memref_slice %arg5[%dma_wait3A_269, %dma_wait3A_273] : memref<16x50xi32, #tpu.memory_space<vmem>> -> memref<1x50xi32, #tpu.memory_space<vmem>>
    %dma_wait3A_275 = tpu.memref_squeeze %dma_wait3A_274 : memref<1x50xi32, #tpu.memory_space<vmem>> -> memref<50xi32, #tpu.memory_space<vmem>>
    %dma_wait3A_276 = tpu.memref_reshape %arg3 : memref<128x100x8x128xf32, #tpu.memory_space<hbm>> -> memref<102400x128xf32, #tpu.memory_space<hbm>>
    %dma_wait3A_277 = arith.constant 0 : i32
    %dma_wait3A_278 = arith.constant 0 : i32
    %dma_wait3A_279 = tpu.memref_slice %dma_wait3A_276[%dma_wait3A_277, %dma_wait3A_278] : memref<102400x128xf32, #tpu.memory_space<hbm>> -> memref<102400x128xf32, #tpu.memory_space<hbm>>
    tpu.wait_indirect_dma semaphore(%arg7 : memref<!tpu.dma_semaphore, #tpu.memory_space<semaphore_mem>>) src(%dma_wait3A_279 : memref<102400x128xf32, #tpu.memory_space<hbm>>) dst(%dma_wait3A_272 : memref<50x128xf32, #tpu.memory_space<vmem>>)
    %dma_wait3A_280 = arith.constant 9 : i32
    %dma_wait3A_281 = arith.constant 56 : i32
    %dma_wait3A_282 = arith.constant 0 : i32
    %dma_wait3A_283 = tpu.memref_slice %arg6[%dma_wait3A_281, %dma_wait3A_282] : memref<448x128xf32, #tpu.memory_space<vmem>> -> memref<50x128xf32, #tpu.memory_space<vmem>>
    %dma_wait3A_284 = arith.constant 0 : i32
    %dma_wait3A_285 = tpu.memref_slice %arg5[%dma_wait3A_280, %dma_wait3A_284] : memref<16x50xi32, #tpu.memory_space<vmem>> -> memref<1x50xi32, #tpu.memory_space<vmem>>
    %dma_wait3A_286 = tpu.memref_squeeze %dma_wait3A_285 : memref<1x50xi32, #tpu.memory_space<vmem>> -> memref<50xi32, #tpu.memory_space<vmem>>
    %dma_wait3A_287 = tpu.memref_reshape %arg3 : memref<128x100x8x128xf32, #tpu.memory_space<hbm>> -> memref<102400x128xf32, #tpu.memory_space<hbm>>
    %dma_wait3A_288 = arith.constant 0 : i32
    %dma_wait3A_289 = arith.constant 0 : i32
    %dma_wait3A_290 = tpu.memref_slice %dma_wait3A_287[%dma_wait3A_288, %dma_wait3A_289] : memref<102400x128xf32, #tpu.memory_space<hbm>> -> memref<102400x128xf32, #tpu.memory_space<hbm>>
    tpu.wait_indirect_dma semaphore(%arg7 : memref<!tpu.dma_semaphore, #tpu.memory_space<semaphore_mem>>) src(%dma_wait3A_290 : memref<102400x128xf32, #tpu.memory_space<hbm>>) dst(%dma_wait3A_283 : memref<50x128xf32, #tpu.memory_space<vmem>>)
    %dma_wait3A_291 = arith.constant 10 : i32
    %dma_wait3A_292 = arith.constant 112 : i32
    %dma_wait3A_293 = arith.constant 0 : i32
    %dma_wait3A_294 = tpu.memref_slice %arg6[%dma_wait3A_292, %dma_wait3A_293] : memref<448x128xf32, #tpu.memory_space<vmem>> -> memref<50x128xf32, #tpu.memory_space<vmem>>
    %dma_wait3A_295 = arith.constant 0 : i32
    %dma_wait3A_296 = tpu.memref_slice %arg5[%dma_wait3A_291, %dma_wait3A_295] : memref<16x50xi32, #tpu.memory_space<vmem>> -> memref<1x50xi32, #tpu.memory_space<vmem>>
    %dma_wait3A_297 = tpu.memref_squeeze %dma_wait3A_296 : memref<1x50xi32, #tpu.memory_space<vmem>> -> memref<50xi32, #tpu.memory_space<vmem>>
    %dma_wait3A_298 = tpu.memref_reshape %arg3 : memref<128x100x8x128xf32, #tpu.memory_space<hbm>> -> memref<102400x128xf32, #tpu.memory_space<hbm>>
    %dma_wait3A_299 = arith.constant 0 : i32
    %dma_wait3A_300 = arith.constant 0 : i32
    %dma_wait3A_301 = tpu.memref_slice %dma_wait3A_298[%dma_wait3A_299, %dma_wait3A_300] : memref<102400x128xf32, #tpu.memory_space<hbm>> -> memref<102400x128xf32, #tpu.memory_space<hbm>>
    tpu.wait_indirect_dma semaphore(%arg7 : memref<!tpu.dma_semaphore, #tpu.memory_space<semaphore_mem>>) src(%dma_wait3A_301 : memref<102400x128xf32, #tpu.memory_space<hbm>>) dst(%dma_wait3A_294 : memref<50x128xf32, #tpu.memory_space<vmem>>)
    %dma_wait3A_302 = arith.constant 11 : i32
    %dma_wait3A_303 = arith.constant 168 : i32
    %dma_wait3A_304 = arith.constant 0 : i32
    %dma_wait3A_305 = tpu.memref_slice %arg6[%dma_wait3A_303, %dma_wait3A_304] : memref<448x128xf32, #tpu.memory_space<vmem>> -> memref<50x128xf32, #tpu.memory_space<vmem>>
    %dma_wait3A_306 = arith.constant 0 : i32
    %dma_wait3A_307 = tpu.memref_slice %arg5[%dma_wait3A_302, %dma_wait3A_306] : memref<16x50xi32, #tpu.memory_space<vmem>> -> memref<1x50xi32, #tpu.memory_space<vmem>>
    %dma_wait3A_308 = tpu.memref_squeeze %dma_wait3A_307 : memref<1x50xi32, #tpu.memory_space<vmem>> -> memref<50xi32, #tpu.memory_space<vmem>>
    %dma_wait3A_309 = tpu.memref_reshape %arg3 : memref<128x100x8x128xf32, #tpu.memory_space<hbm>> -> memref<102400x128xf32, #tpu.memory_space<hbm>>
    %dma_wait3A_310 = arith.constant 0 : i32
    %dma_wait3A_311 = arith.constant 0 : i32
    %dma_wait3A_312 = tpu.memref_slice %dma_wait3A_309[%dma_wait3A_310, %dma_wait3A_311] : memref<102400x128xf32, #tpu.memory_space<hbm>> -> memref<102400x128xf32, #tpu.memory_space<hbm>>
    tpu.wait_indirect_dma semaphore(%arg7 : memref<!tpu.dma_semaphore, #tpu.memory_space<semaphore_mem>>) src(%dma_wait3A_312 : memref<102400x128xf32, #tpu.memory_space<hbm>>) dst(%dma_wait3A_305 : memref<50x128xf32, #tpu.memory_space<vmem>>)
    %dma_wait3A_313 = arith.constant 12 : i32
    %dma_wait3A_314 = arith.constant 224 : i32
    %dma_wait3A_315 = arith.constant 0 : i32
    %dma_wait3A_316 = tpu.memref_slice %arg6[%dma_wait3A_314, %dma_wait3A_315] : memref<448x128xf32, #tpu.memory_space<vmem>> -> memref<50x128xf32, #tpu.memory_space<vmem>>
    %dma_wait3A_317 = arith.constant 0 : i32
    %dma_wait3A_318 = tpu.memref_slice %arg5[%dma_wait3A_313, %dma_wait3A_317] : memref<16x50xi32, #tpu.memory_space<vmem>> -> memref<1x50xi32, #tpu.memory_space<vmem>>
    %dma_wait3A_319 = tpu.memref_squeeze %dma_wait3A_318 : memref<1x50xi32, #tpu.memory_space<vmem>> -> memref<50xi32, #tpu.memory_space<vmem>>
    %dma_wait3A_320 = tpu.memref_reshape %arg3 : memref<128x100x8x128xf32, #tpu.memory_space<hbm>> -> memref<102400x128xf32, #tpu.memory_space<hbm>>
    %dma_wait3A_321 = arith.constant 0 : i32
    %dma_wait3A_322 = arith.constant 0 : i32
    %dma_wait3A_323 = tpu.memref_slice %dma_wait3A_320[%dma_wait3A_321, %dma_wait3A_322] : memref<102400x128xf32, #tpu.memory_space<hbm>> -> memref<102400x128xf32, #tpu.memory_space<hbm>>
    tpu.wait_indirect_dma semaphore(%arg7 : memref<!tpu.dma_semaphore, #tpu.memory_space<semaphore_mem>>) src(%dma_wait3A_323 : memref<102400x128xf32, #tpu.memory_space<hbm>>) dst(%dma_wait3A_316 : memref<50x128xf32, #tpu.memory_space<vmem>>)
    %dma_wait3A_324 = arith.constant 13 : i32
    %dma_wait3A_325 = arith.constant 280 : i32
    %dma_wait3A_326 = arith.constant 0 : i32
    %dma_wait3A_327 = tpu.memref_slice %arg6[%dma_wait3A_325, %dma_wait3A_326] : memref<448x128xf32, #tpu.memory_space<vmem>> -> memref<50x128xf32, #tpu.memory_space<vmem>>
    %dma_wait3A_328 = arith.constant 0 : i32
    %dma_wait3A_329 = tpu.memref_slice %arg5[%dma_wait3A_324, %dma_wait3A_328] : memref<16x50xi32, #tpu.memory_space<vmem>> -> memref<1x50xi32, #tpu.memory_space<vmem>>
    %dma_wait3A_330 = tpu.memref_squeeze %dma_wait3A_329 : memref<1x50xi32, #tpu.memory_space<vmem>> -> memref<50xi32, #tpu.memory_space<vmem>>
    %dma_wait3A_331 = tpu.memref_reshape %arg3 : memref<128x100x8x128xf32, #tpu.memory_space<hbm>> -> memref<102400x128xf32, #tpu.memory_space<hbm>>
    %dma_wait3A_332 = arith.constant 0 : i32
    %dma_wait3A_333 = arith.constant 0 : i32
    %dma_wait3A_334 = tpu.memref_slice %dma_wait3A_331[%dma_wait3A_332, %dma_wait3A_333] : memref<102400x128xf32, #tpu.memory_space<hbm>> -> memref<102400x128xf32, #tpu.memory_space<hbm>>
    tpu.wait_indirect_dma semaphore(%arg7 : memref<!tpu.dma_semaphore, #tpu.memory_space<semaphore_mem>>) src(%dma_wait3A_334 : memref<102400x128xf32, #tpu.memory_space<hbm>>) dst(%dma_wait3A_327 : memref<50x128xf32, #tpu.memory_space<vmem>>)
    %dma_wait3A_335 = arith.constant 14 : i32
    %dma_wait3A_336 = arith.constant 336 : i32
    %dma_wait3A_337 = arith.constant 0 : i32
    %dma_wait3A_338 = tpu.memref_slice %arg6[%dma_wait3A_336, %dma_wait3A_337] : memref<448x128xf32, #tpu.memory_space<vmem>> -> memref<50x128xf32, #tpu.memory_space<vmem>>
    %dma_wait3A_339 = arith.constant 0 : i32
    %dma_wait3A_340 = tpu.memref_slice %arg5[%dma_wait3A_335, %dma_wait3A_339] : memref<16x50xi32, #tpu.memory_space<vmem>> -> memref<1x50xi32, #tpu.memory_space<vmem>>
    %dma_wait3A_341 = tpu.memref_squeeze %dma_wait3A_340 : memref<1x50xi32, #tpu.memory_space<vmem>> -> memref<50xi32, #tpu.memory_space<vmem>>
    %dma_wait3A_342 = tpu.memref_reshape %arg3 : memref<128x100x8x128xf32, #tpu.memory_space<hbm>> -> memref<102400x128xf32, #tpu.memory_space<hbm>>
    %dma_wait3A_343 = arith.constant 0 : i32
    %dma_wait3A_344 = arith.constant 0 : i32
    %dma_wait3A_345 = tpu.memref_slice %dma_wait3A_342[%dma_wait3A_343, %dma_wait3A_344] : memref<102400x128xf32, #tpu.memory_space<hbm>> -> memref<102400x128xf32, #tpu.memory_space<hbm>>
    tpu.wait_indirect_dma semaphore(%arg7 : memref<!tpu.dma_semaphore, #tpu.memory_space<semaphore_mem>>) src(%dma_wait3A_345 : memref<102400x128xf32, #tpu.memory_space<hbm>>) dst(%dma_wait3A_338 : memref<50x128xf32, #tpu.memory_space<vmem>>)
    %dma_wait3A_346 = arith.constant 15 : i32
    %dma_wait3A_347 = arith.constant 392 : i32
    %dma_wait3A_348 = arith.constant 0 : i32
    %dma_wait3A_349 = tpu.memref_slice %arg6[%dma_wait3A_347, %dma_wait3A_348] : memref<448x128xf32, #tpu.memory_space<vmem>> -> memref<50x128xf32, #tpu.memory_space<vmem>>
    %dma_wait3A_350 = arith.constant 0 : i32
    %dma_wait3A_351 = tpu.memref_slice %arg5[%dma_wait3A_346, %dma_wait3A_350] : memref<16x50xi32, #tpu.memory_space<vmem>> -> memref<1x50xi32, #tpu.memory_space<vmem>>
    %dma_wait3A_352 = tpu.memref_squeeze %dma_wait3A_351 : memref<1x50xi32, #tpu.memory_space<vmem>> -> memref<50xi32, #tpu.memory_space<vmem>>
    %dma_wait3A_353 = tpu.memref_reshape %arg3 : memref<128x100x8x128xf32, #tpu.memory_space<hbm>> -> memref<102400x128xf32, #tpu.memory_space<hbm>>
    %dma_wait3A_354 = arith.constant 0 : i32
    %dma_wait3A_355 = arith.constant 0 : i32
    %dma_wait3A_356 = tpu.memref_slice %dma_wait3A_353[%dma_wait3A_354, %dma_wait3A_355] : memref<102400x128xf32, #tpu.memory_space<hbm>> -> memref<102400x128xf32, #tpu.memory_space<hbm>>
    tpu.wait_indirect_dma semaphore(%arg7 : memref<!tpu.dma_semaphore, #tpu.memory_space<semaphore_mem>>) src(%dma_wait3A_356 : memref<102400x128xf32, #tpu.memory_space<hbm>>) dst(%dma_wait3A_349 : memref<50x128xf32, #tpu.memory_space<vmem>>)
    %mul3A_357 = arith.constant 16 : i32
    %mul3A_358 = arith.muli %add3A, %mul3A_357 : i32
    %add3A_359 = arith.constant 8 : i32
    %add3A_360 = arith.addi %mul3A_358, %add3A_359 : i32
    %mul3A_361 = arith.constant 56 : i32
    %mul3A_362 = arith.muli %add3A_360, %mul3A_361 : i32
    "tpu.region"() ({
      %run_scoped3A = tpu.sem_alloc : memref<!tpu.dma_semaphore, #tpu.memory_space<semaphore_mem>>
      %dma_start3A_363 = arith.constant 0 : i32
      %dma_start3A_364 = tpu.memref_slice %arg4[%mul3A_362, %dma_start3A_363] : memref<28672x128xf32, #tpu.memory_space<hbm>> -> memref<448x128xf32, #tpu.memory_space<hbm>>
      %dma_start3A_365 = arith.constant 0 : i32
      %dma_start3A_366 = tpu.memref_slice %arg4[%mul3A_362, %dma_start3A_365] : memref<28672x128xf32, #tpu.memory_space<hbm>> -> memref<448x128xf32, #tpu.memory_space<hbm>>
      tpu.enqueue_dma source(%arg6 : memref<448x128xf32, #tpu.memory_space<vmem>>) target(%dma_start3A_366 : memref<448x128xf32, #tpu.memory_space<hbm>>) target_semaphore(%run_scoped3A : memref<!tpu.dma_semaphore, #tpu.memory_space<semaphore_mem>>)
      %dma_wait3A_367 = arith.constant 0 : i32
      %dma_wait3A_368 = tpu.memref_slice %arg4[%mul3A_362, %dma_wait3A_367] : memref<28672x128xf32, #tpu.memory_space<hbm>> -> memref<448x128xf32, #tpu.memory_space<hbm>>
      %dma_wait3A_369 = arith.constant 0 : i32
      %dma_wait3A_370 = tpu.memref_slice %arg4[%mul3A_362, %dma_wait3A_369] : memref<28672x128xf32, #tpu.memory_space<hbm>> -> memref<448x128xf32, #tpu.memory_space<hbm>>
      tpu.wait_dma2 semaphore(%run_scoped3A : memref<!tpu.dma_semaphore, #tpu.memory_space<semaphore_mem>>) src(%arg6 : memref<448x128xf32, #tpu.memory_space<vmem>>) dst(%dma_wait3A_370 : memref<448x128xf32, #tpu.memory_space<hbm>>)
      tpu.yield
    }) : () -> ()
    return
  }
}

#map = affine_map<(d0, d1) -> (0, 0, 0)>
#map1 = affine_map<(d0, d1) -> (0, 0, 0, 0)>
#map2 = affine_map<(d0, d1) -> (0, 0)>
module attributes {stable_mosaic.version = 14 : i64} {
  func.func @k(%arg0: i32, %arg1: i32, %arg2: memref<32x16x50xi32, #tpu.memory_space<hbm>>, %arg3: memref<128x100x8x128xf32, #tpu.memory_space<hbm>>, %arg4: memref<28672x128xf32, #tpu.memory_space<hbm>>, %arg5: memref<16x50xi32, #tpu.memory_space<vmem>>, %arg6: memref<448x128xf32, #tpu.memory_space<vmem>>, %arg7: memref<!tpu.dma_semaphore, #tpu.memory_space<semaphore_mem>>) attributes {dimension_semantics = [#tpu.dimension_semantics<core_parallel>, #tpu.dimension_semantics<subcore_parallel>], iteration_bounds = array<i64: 2, 16>, scalar_prefetch = 0 : i64, scratch_operands = 3 : i64, tpu.core_type = #tpu.core_type<sc_vector_subcore>, window_params = [{transform_indices = #map}, {transform_indices = #map1}, {transform_indices = #map2}]} {
    %mul3A = arith.constant 2 : i32
    %mul3A_0 = arith.muli %arg1, %mul3A : i32
    %add3A = arith.addi %mul3A_0, %arg0 : i32
    "tpu.region"() ({
      %run_scoped3A = tpu.sem_alloc : memref<!tpu.dma_semaphore, #tpu.memory_space<semaphore_mem>>
      %dma_start3A_363 = arith.constant 0 : i32
      %dma_start3A_364 = arith.constant 0 : i32
      %dma_start3A_365 = tpu.memref_slice %arg2[%add3A, %dma_start3A_363, %dma_start3A_364] : memref<32x16x50xi32, #tpu.memory_space<hbm>> -> memref<1x16x50xi32, #tpu.memory_space<hbm>>
      %dma_start3A_366 = tpu.memref_squeeze %dma_start3A_365 : memref<1x16x50xi32, #tpu.memory_space<hbm>> -> memref<16x50xi32, #tpu.memory_space<hbm>>
      %dma_start3A_367 = arith.constant 0 : i32
      %dma_start3A_368 = arith.constant 0 : i32
      %dma_start3A_369 = tpu.memref_slice %arg2[%add3A, %dma_start3A_367, %dma_start3A_368] : memref<32x16x50xi32, #tpu.memory_space<hbm>> -> memref<1x16x50xi32, #tpu.memory_space<hbm>>
      %dma_start3A_370 = tpu.memref_squeeze %dma_start3A_369 : memref<1x16x50xi32, #tpu.memory_space<hbm>> -> memref<16x50xi32, #tpu.memory_space<hbm>>
      tpu.enqueue_dma source(%dma_start3A_370 : memref<16x50xi32, #tpu.memory_space<hbm>>) target(%arg5 : memref<16x50xi32, #tpu.memory_space<vmem>>) target_semaphore(%run_scoped3A : memref<!tpu.dma_semaphore, #tpu.memory_space<semaphore_mem>>)
      %dma_wait3A_371 = arith.constant 0 : i32
      %dma_wait3A_372 = arith.constant 0 : i32
      %dma_wait3A_373 = tpu.memref_slice %arg2[%add3A, %dma_wait3A_371, %dma_wait3A_372] : memref<32x16x50xi32, #tpu.memory_space<hbm>> -> memref<1x16x50xi32, #tpu.memory_space<hbm>>
      %dma_wait3A_374 = tpu.memref_squeeze %dma_wait3A_373 : memref<1x16x50xi32, #tpu.memory_space<hbm>> -> memref<16x50xi32, #tpu.memory_space<hbm>>
      %dma_wait3A_375 = arith.constant 0 : i32
      %dma_wait3A_376 = arith.constant 0 : i32
      %dma_wait3A_377 = tpu.memref_slice %arg2[%add3A, %dma_wait3A_375, %dma_wait3A_376] : memref<32x16x50xi32, #tpu.memory_space<hbm>> -> memref<1x16x50xi32, #tpu.memory_space<hbm>>
      %dma_wait3A_378 = tpu.memref_squeeze %dma_wait3A_377 : memref<1x16x50xi32, #tpu.memory_space<hbm>> -> memref<16x50xi32, #tpu.memory_space<hbm>>
      tpu.wait_dma2 semaphore(%run_scoped3A : memref<!tpu.dma_semaphore, #tpu.memory_space<semaphore_mem>>) src(%dma_wait3A_378 : memref<16x50xi32, #tpu.memory_space<hbm>>) dst(%arg5 : memref<16x50xi32, #tpu.memory_space<vmem>>)
      tpu.yield
    }) : () -> ()
    %dma_start3A = arith.constant 0 : i32
    %dma_start3A_1 = arith.constant 0 : i32
    %dma_start3A_2 = arith.constant 0 : i32
    %dma_start3A_3 = tpu.memref_slice %arg6[%dma_start3A_1, %dma_start3A_2] : memref<448x128xf32, #tpu.memory_space<vmem>> -> memref<50x128xf32, #tpu.memory_space<vmem>>
    %dma_start3A_4 = arith.constant 0 : i32
    %dma_start3A_5 = tpu.memref_slice %arg5[%dma_start3A, %dma_start3A_4] : memref<16x50xi32, #tpu.memory_space<vmem>> -> memref<1x50xi32, #tpu.memory_space<vmem>>
    %dma_start3A_6 = tpu.memref_squeeze %dma_start3A_5 : memref<1x50xi32, #tpu.memory_space<vmem>> -> memref<50xi32, #tpu.memory_space<vmem>>
    %dma_start3A_7 = tpu.memref_reshape %arg3 : memref<128x100x8x128xf32, #tpu.memory_space<hbm>> -> memref<102400x128xf32, #tpu.memory_space<hbm>>
    %dma_start3A_8 = arith.constant 0 : i32
    %dma_start3A_9 = arith.constant 0 : i32
    %dma_start3A_10 = tpu.memref_slice %dma_start3A_7[%dma_start3A_8, %dma_start3A_9] : memref<102400x128xf32, #tpu.memory_space<hbm>> -> memref<102400x128xf32, #tpu.memory_space<hbm>>
    tpu.enqueue_indirect_dma source(%dma_start3A_10 : memref<102400x128xf32, #tpu.memory_space<hbm>>) target(%dma_start3A_3 : memref<50x128xf32, #tpu.memory_space<vmem>>) offsets(%dma_start3A_6 : memref<50xi32, #tpu.memory_space<vmem>>) semaphore(%arg7 : memref<!tpu.dma_semaphore, #tpu.memory_space<semaphore_mem>>)
    %dma_start3A_11 = arith.constant 1 : i32
    %dma_start3A_12 = arith.constant 56 : i32
    %dma_start3A_13 = arith.constant 0 : i32
    %dma_start3A_14 = tpu.memref_slice %arg6[%dma_start3A_12, %dma_start3A_13] : memref<448x128xf32, #tpu.memory_space<vmem>> -> memref<50x128xf32, #tpu.memory_space<vmem>>
    %dma_start3A_15 = arith.constant 0 : i32
    %dma_start3A_16 = tpu.memref_slice %arg5[%dma_start3A_11, %dma_start3A_15] : memref<16x50xi32, #tpu.memory_space<vmem>> -> memref<1x50xi32, #tpu.memory_space<vmem>>
    %dma_start3A_17 = tpu.memref_squeeze %dma_start3A_16 : memref<1x50xi32, #tpu.memory_space<vmem>> -> memref<50xi32, #tpu.memory_space<vmem>>
    %dma_start3A_18 = tpu.memref_reshape %arg3 : memref<128x100x8x128xf32, #tpu.memory_space<hbm>> -> memref<102400x128xf32, #tpu.memory_space<hbm>>
    %dma_start3A_19 = arith.constant 0 : i32
    %dma_start3A_20 = arith.constant 0 : i32
    %dma_start3A_21 = tpu.memref_slice %dma_start3A_18[%dma_start3A_19, %dma_start3A_20] : memref<102400x128xf32, #tpu.memory_space<hbm>> -> memref<102400x128xf32, #tpu.memory_space<hbm>>
    tpu.enqueue_indirect_dma source(%dma_start3A_21 : memref<102400x128xf32, #tpu.memory_space<hbm>>) target(%dma_start3A_14 : memref<50x128xf32, #tpu.memory_space<vmem>>) offsets(%dma_start3A_17 : memref<50xi32, #tpu.memory_space<vmem>>) semaphore(%arg7 : memref<!tpu.dma_semaphore, #tpu.memory_space<semaphore_mem>>)
    %dma_start3A_22 = arith.constant 2 : i32
    %dma_start3A_23 = arith.constant 112 : i32
    %dma_start3A_24 = arith.constant 0 : i32
    %dma_start3A_25 = tpu.memref_slice %arg6[%dma_start3A_23, %dma_start3A_24] : memref<448x128xf32, #tpu.memory_space<vmem>> -> memref<50x128xf32, #tpu.memory_space<vmem>>
    %dma_start3A_26 = arith.constant 0 : i32
    %dma_start3A_27 = tpu.memref_slice %arg5[%dma_start3A_22, %dma_start3A_26] : memref<16x50xi32, #tpu.memory_space<vmem>> -> memref<1x50xi32, #tpu.memory_space<vmem>>
    %dma_start3A_28 = tpu.memref_squeeze %dma_start3A_27 : memref<1x50xi32, #tpu.memory_space<vmem>> -> memref<50xi32, #tpu.memory_space<vmem>>
    %dma_start3A_29 = tpu.memref_reshape %arg3 : memref<128x100x8x128xf32, #tpu.memory_space<hbm>> -> memref<102400x128xf32, #tpu.memory_space<hbm>>
    %dma_start3A_30 = arith.constant 0 : i32
    %dma_start3A_31 = arith.constant 0 : i32
    %dma_start3A_32 = tpu.memref_slice %dma_start3A_29[%dma_start3A_30, %dma_start3A_31] : memref<102400x128xf32, #tpu.memory_space<hbm>> -> memref<102400x128xf32, #tpu.memory_space<hbm>>
    tpu.enqueue_indirect_dma source(%dma_start3A_32 : memref<102400x128xf32, #tpu.memory_space<hbm>>) target(%dma_start3A_25 : memref<50x128xf32, #tpu.memory_space<vmem>>) offsets(%dma_start3A_28 : memref<50xi32, #tpu.memory_space<vmem>>) semaphore(%arg7 : memref<!tpu.dma_semaphore, #tpu.memory_space<semaphore_mem>>)
    %dma_start3A_33 = arith.constant 3 : i32
    %dma_start3A_34 = arith.constant 168 : i32
    %dma_start3A_35 = arith.constant 0 : i32
    %dma_start3A_36 = tpu.memref_slice %arg6[%dma_start3A_34, %dma_start3A_35] : memref<448x128xf32, #tpu.memory_space<vmem>> -> memref<50x128xf32, #tpu.memory_space<vmem>>
    %dma_start3A_37 = arith.constant 0 : i32
    %dma_start3A_38 = tpu.memref_slice %arg5[%dma_start3A_33, %dma_start3A_37] : memref<16x50xi32, #tpu.memory_space<vmem>> -> memref<1x50xi32, #tpu.memory_space<vmem>>
    %dma_start3A_39 = tpu.memref_squeeze %dma_start3A_38 : memref<1x50xi32, #tpu.memory_space<vmem>> -> memref<50xi32, #tpu.memory_space<vmem>>
    %dma_start3A_40 = tpu.memref_reshape %arg3 : memref<128x100x8x128xf32, #tpu.memory_space<hbm>> -> memref<102400x128xf32, #tpu.memory_space<hbm>>
    %dma_start3A_41 = arith.constant 0 : i32
    %dma_start3A_42 = arith.constant 0 : i32
    %dma_start3A_43 = tpu.memref_slice %dma_start3A_40[%dma_start3A_41, %dma_start3A_42] : memref<102400x128xf32, #tpu.memory_space<hbm>> -> memref<102400x128xf32, #tpu.memory_space<hbm>>
    tpu.enqueue_indirect_dma source(%dma_start3A_43 : memref<102400x128xf32, #tpu.memory_space<hbm>>) target(%dma_start3A_36 : memref<50x128xf32, #tpu.memory_space<vmem>>) offsets(%dma_start3A_39 : memref<50xi32, #tpu.memory_space<vmem>>) semaphore(%arg7 : memref<!tpu.dma_semaphore, #tpu.memory_space<semaphore_mem>>)
    %dma_start3A_44 = arith.constant 4 : i32
    %dma_start3A_45 = arith.constant 224 : i32
    %dma_start3A_46 = arith.constant 0 : i32
    %dma_start3A_47 = tpu.memref_slice %arg6[%dma_start3A_45, %dma_start3A_46] : memref<448x128xf32, #tpu.memory_space<vmem>> -> memref<50x128xf32, #tpu.memory_space<vmem>>
    %dma_start3A_48 = arith.constant 0 : i32
    %dma_start3A_49 = tpu.memref_slice %arg5[%dma_start3A_44, %dma_start3A_48] : memref<16x50xi32, #tpu.memory_space<vmem>> -> memref<1x50xi32, #tpu.memory_space<vmem>>
    %dma_start3A_50 = tpu.memref_squeeze %dma_start3A_49 : memref<1x50xi32, #tpu.memory_space<vmem>> -> memref<50xi32, #tpu.memory_space<vmem>>
    %dma_start3A_51 = tpu.memref_reshape %arg3 : memref<128x100x8x128xf32, #tpu.memory_space<hbm>> -> memref<102400x128xf32, #tpu.memory_space<hbm>>
    %dma_start3A_52 = arith.constant 0 : i32
    %dma_start3A_53 = arith.constant 0 : i32
    %dma_start3A_54 = tpu.memref_slice %dma_start3A_51[%dma_start3A_52, %dma_start3A_53] : memref<102400x128xf32, #tpu.memory_space<hbm>> -> memref<102400x128xf32, #tpu.memory_space<hbm>>
    tpu.enqueue_indirect_dma source(%dma_start3A_54 : memref<102400x128xf32, #tpu.memory_space<hbm>>) target(%dma_start3A_47 : memref<50x128xf32, #tpu.memory_space<vmem>>) offsets(%dma_start3A_50 : memref<50xi32, #tpu.memory_space<vmem>>) semaphore(%arg7 : memref<!tpu.dma_semaphore, #tpu.memory_space<semaphore_mem>>)
    %dma_start3A_55 = arith.constant 5 : i32
    %dma_start3A_56 = arith.constant 280 : i32
    %dma_start3A_57 = arith.constant 0 : i32
    %dma_start3A_58 = tpu.memref_slice %arg6[%dma_start3A_56, %dma_start3A_57] : memref<448x128xf32, #tpu.memory_space<vmem>> -> memref<50x128xf32, #tpu.memory_space<vmem>>
    %dma_start3A_59 = arith.constant 0 : i32
    %dma_start3A_60 = tpu.memref_slice %arg5[%dma_start3A_55, %dma_start3A_59] : memref<16x50xi32, #tpu.memory_space<vmem>> -> memref<1x50xi32, #tpu.memory_space<vmem>>
    %dma_start3A_61 = tpu.memref_squeeze %dma_start3A_60 : memref<1x50xi32, #tpu.memory_space<vmem>> -> memref<50xi32, #tpu.memory_space<vmem>>
    %dma_start3A_62 = tpu.memref_reshape %arg3 : memref<128x100x8x128xf32, #tpu.memory_space<hbm>> -> memref<102400x128xf32, #tpu.memory_space<hbm>>
    %dma_start3A_63 = arith.constant 0 : i32
    %dma_start3A_64 = arith.constant 0 : i32
    %dma_start3A_65 = tpu.memref_slice %dma_start3A_62[%dma_start3A_63, %dma_start3A_64] : memref<102400x128xf32, #tpu.memory_space<hbm>> -> memref<102400x128xf32, #tpu.memory_space<hbm>>
    tpu.enqueue_indirect_dma source(%dma_start3A_65 : memref<102400x128xf32, #tpu.memory_space<hbm>>) target(%dma_start3A_58 : memref<50x128xf32, #tpu.memory_space<vmem>>) offsets(%dma_start3A_61 : memref<50xi32, #tpu.memory_space<vmem>>) semaphore(%arg7 : memref<!tpu.dma_semaphore, #tpu.memory_space<semaphore_mem>>)
    %dma_start3A_66 = arith.constant 6 : i32
    %dma_start3A_67 = arith.constant 336 : i32
    %dma_start3A_68 = arith.constant 0 : i32
    %dma_start3A_69 = tpu.memref_slice %arg6[%dma_start3A_67, %dma_start3A_68] : memref<448x128xf32, #tpu.memory_space<vmem>> -> memref<50x128xf32, #tpu.memory_space<vmem>>
    %dma_start3A_70 = arith.constant 0 : i32
    %dma_start3A_71 = tpu.memref_slice %arg5[%dma_start3A_66, %dma_start3A_70] : memref<16x50xi32, #tpu.memory_space<vmem>> -> memref<1x50xi32, #tpu.memory_space<vmem>>
    %dma_start3A_72 = tpu.memref_squeeze %dma_start3A_71 : memref<1x50xi32, #tpu.memory_space<vmem>> -> memref<50xi32, #tpu.memory_space<vmem>>
    %dma_start3A_73 = tpu.memref_reshape %arg3 : memref<128x100x8x128xf32, #tpu.memory_space<hbm>> -> memref<102400x128xf32, #tpu.memory_space<hbm>>
    %dma_start3A_74 = arith.constant 0 : i32
    %dma_start3A_75 = arith.constant 0 : i32
    %dma_start3A_76 = tpu.memref_slice %dma_start3A_73[%dma_start3A_74, %dma_start3A_75] : memref<102400x128xf32, #tpu.memory_space<hbm>> -> memref<102400x128xf32, #tpu.memory_space<hbm>>
    tpu.enqueue_indirect_dma source(%dma_start3A_76 : memref<102400x128xf32, #tpu.memory_space<hbm>>) target(%dma_start3A_69 : memref<50x128xf32, #tpu.memory_space<vmem>>) offsets(%dma_start3A_72 : memref<50xi32, #tpu.memory_space<vmem>>) semaphore(%arg7 : memref<!tpu.dma_semaphore, #tpu.memory_space<semaphore_mem>>)
    %dma_start3A_77 = arith.constant 7 : i32
    %dma_start3A_78 = arith.constant 392 : i32
    %dma_start3A_79 = arith.constant 0 : i32
    %dma_start3A_80 = tpu.memref_slice %arg6[%dma_start3A_78, %dma_start3A_79] : memref<448x128xf32, #tpu.memory_space<vmem>> -> memref<50x128xf32, #tpu.memory_space<vmem>>
    %dma_start3A_81 = arith.constant 0 : i32
    %dma_start3A_82 = tpu.memref_slice %arg5[%dma_start3A_77, %dma_start3A_81] : memref<16x50xi32, #tpu.memory_space<vmem>> -> memref<1x50xi32, #tpu.memory_space<vmem>>
    %dma_start3A_83 = tpu.memref_squeeze %dma_start3A_82 : memref<1x50xi32, #tpu.memory_space<vmem>> -> memref<50xi32, #tpu.memory_space<vmem>>
    %dma_start3A_84 = tpu.memref_reshape %arg3 : memref<128x100x8x128xf32, #tpu.memory_space<hbm>> -> memref<102400x128xf32, #tpu.memory_space<hbm>>
    %dma_start3A_85 = arith.constant 0 : i32
    %dma_start3A_86 = arith.constant 0 : i32
    %dma_start3A_87 = tpu.memref_slice %dma_start3A_84[%dma_start3A_85, %dma_start3A_86] : memref<102400x128xf32, #tpu.memory_space<hbm>> -> memref<102400x128xf32, #tpu.memory_space<hbm>>
    tpu.enqueue_indirect_dma source(%dma_start3A_87 : memref<102400x128xf32, #tpu.memory_space<hbm>>) target(%dma_start3A_80 : memref<50x128xf32, #tpu.memory_space<vmem>>) offsets(%dma_start3A_83 : memref<50xi32, #tpu.memory_space<vmem>>) semaphore(%arg7 : memref<!tpu.dma_semaphore, #tpu.memory_space<semaphore_mem>>)
    %dma_wait3A = arith.constant 0 : i32
    %dma_wait3A_88 = arith.constant 0 : i32
    %dma_wait3A_89 = arith.constant 0 : i32
    %dma_wait3A_90 = tpu.memref_slice %arg6[%dma_wait3A_88, %dma_wait3A_89] : memref<448x128xf32, #tpu.memory_space<vmem>> -> memref<50x128xf32, #tpu.memory_space<vmem>>
    %dma_wait3A_91 = arith.constant 0 : i32
    %dma_wait3A_92 = tpu.memref_slice %arg5[%dma_wait3A, %dma_wait3A_91] : memref<16x50xi32, #tpu.memory_space<vmem>> -> memref<1x50xi32, #tpu.memory_space<vmem>>
    %dma_wait3A_93 = tpu.memref_squeeze %dma_wait3A_92 : memref<1x50xi32, #tpu.memory_space<vmem>> -> memref<50xi32, #tpu.memory_space<vmem>>
    %dma_wait3A_94 = tpu.memref_reshape %arg3 : memref<128x100x8x128xf32, #tpu.memory_space<hbm>> -> memref<102400x128xf32, #tpu.memory_space<hbm>>
    %dma_wait3A_95 = arith.constant 0 : i32
    %dma_wait3A_96 = arith.constant 0 : i32
    %dma_wait3A_97 = tpu.memref_slice %dma_wait3A_94[%dma_wait3A_95, %dma_wait3A_96] : memref<102400x128xf32, #tpu.memory_space<hbm>> -> memref<102400x128xf32, #tpu.memory_space<hbm>>
    tpu.wait_indirect_dma semaphore(%arg7 : memref<!tpu.dma_semaphore, #tpu.memory_space<semaphore_mem>>) src(%dma_wait3A_97 : memref<102400x128xf32, #tpu.memory_space<hbm>>) dst(%dma_wait3A_90 : memref<50x128xf32, #tpu.memory_space<vmem>>)
    %dma_wait3A_98 = arith.constant 1 : i32
    %dma_wait3A_99 = arith.constant 56 : i32
    %dma_wait3A_100 = arith.constant 0 : i32
    %dma_wait3A_101 = tpu.memref_slice %arg6[%dma_wait3A_99, %dma_wait3A_100] : memref<448x128xf32, #tpu.memory_space<vmem>> -> memref<50x128xf32, #tpu.memory_space<vmem>>
    %dma_wait3A_102 = arith.constant 0 : i32
    %dma_wait3A_103 = tpu.memref_slice %arg5[%dma_wait3A_98, %dma_wait3A_102] : memref<16x50xi32, #tpu.memory_space<vmem>> -> memref<1x50xi32, #tpu.memory_space<vmem>>
    %dma_wait3A_104 = tpu.memref_squeeze %dma_wait3A_103 : memref<1x50xi32, #tpu.memory_space<vmem>> -> memref<50xi32, #tpu.memory_space<vmem>>
    %dma_wait3A_105 = tpu.memref_reshape %arg3 : memref<128x100x8x128xf32, #tpu.memory_space<hbm>> -> memref<102400x128xf32, #tpu.memory_space<hbm>>
    %dma_wait3A_106 = arith.constant 0 : i32
    %dma_wait3A_107 = arith.constant 0 : i32
    %dma_wait3A_108 = tpu.memref_slice %dma_wait3A_105[%dma_wait3A_106, %dma_wait3A_107] : memref<102400x128xf32, #tpu.memory_space<hbm>> -> memref<102400x128xf32, #tpu.memory_space<hbm>>
    tpu.wait_indirect_dma semaphore(%arg7 : memref<!tpu.dma_semaphore, #tpu.memory_space<semaphore_mem>>) src(%dma_wait3A_108 : memref<102400x128xf32, #tpu.memory_space<hbm>>) dst(%dma_wait3A_101 : memref<50x128xf32, #tpu.memory_space<vmem>>)
    %dma_wait3A_109 = arith.constant 2 : i32
    %dma_wait3A_110 = arith.constant 112 : i32
    %dma_wait3A_111 = arith.constant 0 : i32
    %dma_wait3A_112 = tpu.memref_slice %arg6[%dma_wait3A_110, %dma_wait3A_111] : memref<448x128xf32, #tpu.memory_space<vmem>> -> memref<50x128xf32, #tpu.memory_space<vmem>>
    %dma_wait3A_113 = arith.constant 0 : i32
    %dma_wait3A_114 = tpu.memref_slice %arg5[%dma_wait3A_109, %dma_wait3A_113] : memref<16x50xi32, #tpu.memory_space<vmem>> -> memref<1x50xi32, #tpu.memory_space<vmem>>
    %dma_wait3A_115 = tpu.memref_squeeze %dma_wait3A_114 : memref<1x50xi32, #tpu.memory_space<vmem>> -> memref<50xi32, #tpu.memory_space<vmem>>
    %dma_wait3A_116 = tpu.memref_reshape %arg3 : memref<128x100x8x128xf32, #tpu.memory_space<hbm>> -> memref<102400x128xf32, #tpu.memory_space<hbm>>
    %dma_wait3A_117 = arith.constant 0 : i32
    %dma_wait3A_118 = arith.constant 0 : i32
    %dma_wait3A_119 = tpu.memref_slice %dma_wait3A_116[%dma_wait3A_117, %dma_wait3A_118] : memref<102400x128xf32, #tpu.memory_space<hbm>> -> memref<102400x128xf32, #tpu.memory_space<hbm>>
    tpu.wait_indirect_dma semaphore(%arg7 : memref<!tpu.dma_semaphore, #tpu.memory_space<semaphore_mem>>) src(%dma_wait3A_119 : memref<102400x128xf32, #tpu.memory_space<hbm>>) dst(%dma_wait3A_112 : memref<50x128xf32, #tpu.memory_space<vmem>>)
    %dma_wait3A_120 = arith.constant 3 : i32
    %dma_wait3A_121 = arith.constant 168 : i32
    %dma_wait3A_122 = arith.constant 0 : i32
    %dma_wait3A_123 = tpu.memref_slice %arg6[%dma_wait3A_121, %dma_wait3A_122] : memref<448x128xf32, #tpu.memory_space<vmem>> -> memref<50x128xf32, #tpu.memory_space<vmem>>
    %dma_wait3A_124 = arith.constant 0 : i32
    %dma_wait3A_125 = tpu.memref_slice %arg5[%dma_wait3A_120, %dma_wait3A_124] : memref<16x50xi32, #tpu.memory_space<vmem>> -> memref<1x50xi32, #tpu.memory_space<vmem>>
    %dma_wait3A_126 = tpu.memref_squeeze %dma_wait3A_125 : memref<1x50xi32, #tpu.memory_space<vmem>> -> memref<50xi32, #tpu.memory_space<vmem>>
    %dma_wait3A_127 = tpu.memref_reshape %arg3 : memref<128x100x8x128xf32, #tpu.memory_space<hbm>> -> memref<102400x128xf32, #tpu.memory_space<hbm>>
    %dma_wait3A_128 = arith.constant 0 : i32
    %dma_wait3A_129 = arith.constant 0 : i32
    %dma_wait3A_130 = tpu.memref_slice %dma_wait3A_127[%dma_wait3A_128, %dma_wait3A_129] : memref<102400x128xf32, #tpu.memory_space<hbm>> -> memref<102400x128xf32, #tpu.memory_space<hbm>>
    tpu.wait_indirect_dma semaphore(%arg7 : memref<!tpu.dma_semaphore, #tpu.memory_space<semaphore_mem>>) src(%dma_wait3A_130 : memref<102400x128xf32, #tpu.memory_space<hbm>>) dst(%dma_wait3A_123 : memref<50x128xf32, #tpu.memory_space<vmem>>)
    %dma_wait3A_131 = arith.constant 4 : i32
    %dma_wait3A_132 = arith.constant 224 : i32
    %dma_wait3A_133 = arith.constant 0 : i32
    %dma_wait3A_134 = tpu.memref_slice %arg6[%dma_wait3A_132, %dma_wait3A_133] : memref<448x128xf32, #tpu.memory_space<vmem>> -> memref<50x128xf32, #tpu.memory_space<vmem>>
    %dma_wait3A_135 = arith.constant 0 : i32
    %dma_wait3A_136 = tpu.memref_slice %arg5[%dma_wait3A_131, %dma_wait3A_135] : memref<16x50xi32, #tpu.memory_space<vmem>> -> memref<1x50xi32, #tpu.memory_space<vmem>>
    %dma_wait3A_137 = tpu.memref_squeeze %dma_wait3A_136 : memref<1x50xi32, #tpu.memory_space<vmem>> -> memref<50xi32, #tpu.memory_space<vmem>>
    %dma_wait3A_138 = tpu.memref_reshape %arg3 : memref<128x100x8x128xf32, #tpu.memory_space<hbm>> -> memref<102400x128xf32, #tpu.memory_space<hbm>>
    %dma_wait3A_139 = arith.constant 0 : i32
    %dma_wait3A_140 = arith.constant 0 : i32
    %dma_wait3A_141 = tpu.memref_slice %dma_wait3A_138[%dma_wait3A_139, %dma_wait3A_140] : memref<102400x128xf32, #tpu.memory_space<hbm>> -> memref<102400x128xf32, #tpu.memory_space<hbm>>
    tpu.wait_indirect_dma semaphore(%arg7 : memref<!tpu.dma_semaphore, #tpu.memory_space<semaphore_mem>>) src(%dma_wait3A_141 : memref<102400x128xf32, #tpu.memory_space<hbm>>) dst(%dma_wait3A_134 : memref<50x128xf32, #tpu.memory_space<vmem>>)
    %dma_wait3A_142 = arith.constant 5 : i32
    %dma_wait3A_143 = arith.constant 280 : i32
    %dma_wait3A_144 = arith.constant 0 : i32
    %dma_wait3A_145 = tpu.memref_slice %arg6[%dma_wait3A_143, %dma_wait3A_144] : memref<448x128xf32, #tpu.memory_space<vmem>> -> memref<50x128xf32, #tpu.memory_space<vmem>>
    %dma_wait3A_146 = arith.constant 0 : i32
    %dma_wait3A_147 = tpu.memref_slice %arg5[%dma_wait3A_142, %dma_wait3A_146] : memref<16x50xi32, #tpu.memory_space<vmem>> -> memref<1x50xi32, #tpu.memory_space<vmem>>
    %dma_wait3A_148 = tpu.memref_squeeze %dma_wait3A_147 : memref<1x50xi32, #tpu.memory_space<vmem>> -> memref<50xi32, #tpu.memory_space<vmem>>
    %dma_wait3A_149 = tpu.memref_reshape %arg3 : memref<128x100x8x128xf32, #tpu.memory_space<hbm>> -> memref<102400x128xf32, #tpu.memory_space<hbm>>
    %dma_wait3A_150 = arith.constant 0 : i32
    %dma_wait3A_151 = arith.constant 0 : i32
    %dma_wait3A_152 = tpu.memref_slice %dma_wait3A_149[%dma_wait3A_150, %dma_wait3A_151] : memref<102400x128xf32, #tpu.memory_space<hbm>> -> memref<102400x128xf32, #tpu.memory_space<hbm>>
    tpu.wait_indirect_dma semaphore(%arg7 : memref<!tpu.dma_semaphore, #tpu.memory_space<semaphore_mem>>) src(%dma_wait3A_152 : memref<102400x128xf32, #tpu.memory_space<hbm>>) dst(%dma_wait3A_145 : memref<50x128xf32, #tpu.memory_space<vmem>>)
    %dma_wait3A_153 = arith.constant 6 : i32
    %dma_wait3A_154 = arith.constant 336 : i32
    %dma_wait3A_155 = arith.constant 0 : i32
    %dma_wait3A_156 = tpu.memref_slice %arg6[%dma_wait3A_154, %dma_wait3A_155] : memref<448x128xf32, #tpu.memory_space<vmem>> -> memref<50x128xf32, #tpu.memory_space<vmem>>
    %dma_wait3A_157 = arith.constant 0 : i32
    %dma_wait3A_158 = tpu.memref_slice %arg5[%dma_wait3A_153, %dma_wait3A_157] : memref<16x50xi32, #tpu.memory_space<vmem>> -> memref<1x50xi32, #tpu.memory_space<vmem>>
    %dma_wait3A_159 = tpu.memref_squeeze %dma_wait3A_158 : memref<1x50xi32, #tpu.memory_space<vmem>> -> memref<50xi32, #tpu.memory_space<vmem>>
    %dma_wait3A_160 = tpu.memref_reshape %arg3 : memref<128x100x8x128xf32, #tpu.memory_space<hbm>> -> memref<102400x128xf32, #tpu.memory_space<hbm>>
    %dma_wait3A_161 = arith.constant 0 : i32
    %dma_wait3A_162 = arith.constant 0 : i32
    %dma_wait3A_163 = tpu.memref_slice %dma_wait3A_160[%dma_wait3A_161, %dma_wait3A_162] : memref<102400x128xf32, #tpu.memory_space<hbm>> -> memref<102400x128xf32, #tpu.memory_space<hbm>>
    tpu.wait_indirect_dma semaphore(%arg7 : memref<!tpu.dma_semaphore, #tpu.memory_space<semaphore_mem>>) src(%dma_wait3A_163 : memref<102400x128xf32, #tpu.memory_space<hbm>>) dst(%dma_wait3A_156 : memref<50x128xf32, #tpu.memory_space<vmem>>)
    %dma_wait3A_164 = arith.constant 7 : i32
    %dma_wait3A_165 = arith.constant 392 : i32
    %dma_wait3A_166 = arith.constant 0 : i32
    %dma_wait3A_167 = tpu.memref_slice %arg6[%dma_wait3A_165, %dma_wait3A_166] : memref<448x128xf32, #tpu.memory_space<vmem>> -> memref<50x128xf32, #tpu.memory_space<vmem>>
    %dma_wait3A_168 = arith.constant 0 : i32
    %dma_wait3A_169 = tpu.memref_slice %arg5[%dma_wait3A_164, %dma_wait3A_168] : memref<16x50xi32, #tpu.memory_space<vmem>> -> memref<1x50xi32, #tpu.memory_space<vmem>>
    %dma_wait3A_170 = tpu.memref_squeeze %dma_wait3A_169 : memref<1x50xi32, #tpu.memory_space<vmem>> -> memref<50xi32, #tpu.memory_space<vmem>>
    %dma_wait3A_171 = tpu.memref_reshape %arg3 : memref<128x100x8x128xf32, #tpu.memory_space<hbm>> -> memref<102400x128xf32, #tpu.memory_space<hbm>>
    %dma_wait3A_172 = arith.constant 0 : i32
    %dma_wait3A_173 = arith.constant 0 : i32
    %dma_wait3A_174 = tpu.memref_slice %dma_wait3A_171[%dma_wait3A_172, %dma_wait3A_173] : memref<102400x128xf32, #tpu.memory_space<hbm>> -> memref<102400x128xf32, #tpu.memory_space<hbm>>
    tpu.wait_indirect_dma semaphore(%arg7 : memref<!tpu.dma_semaphore, #tpu.memory_space<semaphore_mem>>) src(%dma_wait3A_174 : memref<102400x128xf32, #tpu.memory_space<hbm>>) dst(%dma_wait3A_167 : memref<50x128xf32, #tpu.memory_space<vmem>>)
    %mul3A_175 = arith.constant 16 : i32
    %mul3A_176 = arith.muli %add3A, %mul3A_175 : i32
    %add3A_177 = arith.constant 0 : i32
    %add3A_178 = arith.addi %mul3A_176, %add3A_177 : i32
    %mul3A_179 = arith.constant 56 : i32
    %mul3A_180 = arith.muli %add3A_178, %mul3A_179 : i32
    "tpu.region"() ({
      %run_scoped3A = tpu.sem_alloc : memref<!tpu.dma_semaphore, #tpu.memory_space<semaphore_mem>>
      %dma_start3A_363 = arith.constant 0 : i32
      %dma_start3A_364 = tpu.memref_slice %arg4[%mul3A_180, %dma_start3A_363] : memref<28672x128xf32, #tpu.memory_space<hbm>> -> memref<448x128xf32, #tpu.memory_space<hbm>>
      %dma_start3A_365 = arith.constant 0 : i32
      %dma_start3A_366 = tpu.memref_slice %arg4[%mul3A_180, %dma_start3A_365] : memref<28672x128xf32, #tpu.memory_space<hbm>> -> memref<448x128xf32, #tpu.memory_space<hbm>>
      tpu.enqueue_dma source(%arg6 : memref<448x128xf32, #tpu.memory_space<vmem>>) target(%dma_start3A_366 : memref<448x128xf32, #tpu.memory_space<hbm>>) target_semaphore(%run_scoped3A : memref<!tpu.dma_semaphore, #tpu.memory_space<semaphore_mem>>)
      %dma_wait3A_367 = arith.constant 0 : i32
      %dma_wait3A_368 = tpu.memref_slice %arg4[%mul3A_180, %dma_wait3A_367] : memref<28672x128xf32, #tpu.memory_space<hbm>> -> memref<448x128xf32, #tpu.memory_space<hbm>>
      %dma_wait3A_369 = arith.constant 0 : i32
      %dma_wait3A_370 = tpu.memref_slice %arg4[%mul3A_180, %dma_wait3A_369] : memref<28672x128xf32, #tpu.memory_space<hbm>> -> memref<448x128xf32, #tpu.memory_space<hbm>>
      tpu.wait_dma2 semaphore(%run_scoped3A : memref<!tpu.dma_semaphore, #tpu.memory_space<semaphore_mem>>) src(%arg6 : memref<448x128xf32, #tpu.memory_space<vmem>>) dst(%dma_wait3A_370 : memref<448x128xf32, #tpu.memory_space<hbm>>)
      tpu.yield
    }) : () -> ()
    %dma_start3A_181 = arith.constant 8 : i32
    %dma_start3A_182 = arith.constant 0 : i32
    %dma_start3A_183 = arith.constant 0 : i32
    %dma_start3A_184 = tpu.memref_slice %arg6[%dma_start3A_182, %dma_start3A_183] : memref<448x128xf32, #tpu.memory_space<vmem>> -> memref<50x128xf32, #tpu.memory_space<vmem>>
    %dma_start3A_185 = arith.constant 0 : i32
    %dma_start3A_186 = tpu.memref_slice %arg5[%dma_start3A_181, %dma_start3A_185] : memref<16x50xi32, #tpu.memory_space<vmem>> -> memref<1x50xi32, #tpu.memory_space<vmem>>
    %dma_start3A_187 = tpu.memref_squeeze %dma_start3A_186 : memref<1x50xi32, #tpu.memory_space<vmem>> -> memref<50xi32, #tpu.memory_space<vmem>>
    %dma_start3A_188 = tpu.memref_reshape %arg3 : memref<128x100x8x128xf32, #tpu.memory_space<hbm>> -> memref<102400x128xf32, #tpu.memory_space<hbm>>
    %dma_start3A_189 = arith.constant 0 : i32
    %dma_start3A_190 = arith.constant 0 : i32
    %dma_start3A_191 = tpu.memref_slice %dma_start3A_188[%dma_start3A_189, %dma_start3A_190] : memref<102400x128xf32, #tpu.memory_space<hbm>> -> memref<102400x128xf32, #tpu.memory_space<hbm>>
    tpu.enqueue_indirect_dma source(%dma_start3A_191 : memref<102400x128xf32, #tpu.memory_space<hbm>>) target(%dma_start3A_184 : memref<50x128xf32, #tpu.memory_space<vmem>>) offsets(%dma_start3A_187 : memref<50xi32, #tpu.memory_space<vmem>>) semaphore(%arg7 : memref<!tpu.dma_semaphore, #tpu.memory_space<semaphore_mem>>)
    %dma_start3A_192 = arith.constant 9 : i32
    %dma_start3A_193 = arith.constant 56 : i32
    %dma_start3A_194 = arith.constant 0 : i32
    %dma_start3A_195 = tpu.memref_slice %arg6[%dma_start3A_193, %dma_start3A_194] : memref<448x128xf32, #tpu.memory_space<vmem>> -> memref<50x128xf32, #tpu.memory_space<vmem>>
    %dma_start3A_196 = arith.constant 0 : i32
    %dma_start3A_197 = tpu.memref_slice %arg5[%dma_start3A_192, %dma_start3A_196] : memref<16x50xi32, #tpu.memory_space<vmem>> -> memref<1x50xi32, #tpu.memory_space<vmem>>
    %dma_start3A_198 = tpu.memref_squeeze %dma_start3A_197 : memref<1x50xi32, #tpu.memory_space<vmem>> -> memref<50xi32, #tpu.memory_space<vmem>>
    %dma_start3A_199 = tpu.memref_reshape %arg3 : memref<128x100x8x128xf32, #tpu.memory_space<hbm>> -> memref<102400x128xf32, #tpu.memory_space<hbm>>
    %dma_start3A_200 = arith.constant 0 : i32
    %dma_start3A_201 = arith.constant 0 : i32
    %dma_start3A_202 = tpu.memref_slice %dma_start3A_199[%dma_start3A_200, %dma_start3A_201] : memref<102400x128xf32, #tpu.memory_space<hbm>> -> memref<102400x128xf32, #tpu.memory_space<hbm>>
    tpu.enqueue_indirect_dma source(%dma_start3A_202 : memref<102400x128xf32, #tpu.memory_space<hbm>>) target(%dma_start3A_195 : memref<50x128xf32, #tpu.memory_space<vmem>>) offsets(%dma_start3A_198 : memref<50xi32, #tpu.memory_space<vmem>>) semaphore(%arg7 : memref<!tpu.dma_semaphore, #tpu.memory_space<semaphore_mem>>)
    %dma_start3A_203 = arith.constant 10 : i32
    %dma_start3A_204 = arith.constant 112 : i32
    %dma_start3A_205 = arith.constant 0 : i32
    %dma_start3A_206 = tpu.memref_slice %arg6[%dma_start3A_204, %dma_start3A_205] : memref<448x128xf32, #tpu.memory_space<vmem>> -> memref<50x128xf32, #tpu.memory_space<vmem>>
    %dma_start3A_207 = arith.constant 0 : i32
    %dma_start3A_208 = tpu.memref_slice %arg5[%dma_start3A_203, %dma_start3A_207] : memref<16x50xi32, #tpu.memory_space<vmem>> -> memref<1x50xi32, #tpu.memory_space<vmem>>
    %dma_start3A_209 = tpu.memref_squeeze %dma_start3A_208 : memref<1x50xi32, #tpu.memory_space<vmem>> -> memref<50xi32, #tpu.memory_space<vmem>>
    %dma_start3A_210 = tpu.memref_reshape %arg3 : memref<128x100x8x128xf32, #tpu.memory_space<hbm>> -> memref<102400x128xf32, #tpu.memory_space<hbm>>
    %dma_start3A_211 = arith.constant 0 : i32
    %dma_start3A_212 = arith.constant 0 : i32
    %dma_start3A_213 = tpu.memref_slice %dma_start3A_210[%dma_start3A_211, %dma_start3A_212] : memref<102400x128xf32, #tpu.memory_space<hbm>> -> memref<102400x128xf32, #tpu.memory_space<hbm>>
    tpu.enqueue_indirect_dma source(%dma_start3A_213 : memref<102400x128xf32, #tpu.memory_space<hbm>>) target(%dma_start3A_206 : memref<50x128xf32, #tpu.memory_space<vmem>>) offsets(%dma_start3A_209 : memref<50xi32, #tpu.memory_space<vmem>>) semaphore(%arg7 : memref<!tpu.dma_semaphore, #tpu.memory_space<semaphore_mem>>)
    %dma_start3A_214 = arith.constant 11 : i32
    %dma_start3A_215 = arith.constant 168 : i32
    %dma_start3A_216 = arith.constant 0 : i32
    %dma_start3A_217 = tpu.memref_slice %arg6[%dma_start3A_215, %dma_start3A_216] : memref<448x128xf32, #tpu.memory_space<vmem>> -> memref<50x128xf32, #tpu.memory_space<vmem>>
    %dma_start3A_218 = arith.constant 0 : i32
    %dma_start3A_219 = tpu.memref_slice %arg5[%dma_start3A_214, %dma_start3A_218] : memref<16x50xi32, #tpu.memory_space<vmem>> -> memref<1x50xi32, #tpu.memory_space<vmem>>
    %dma_start3A_220 = tpu.memref_squeeze %dma_start3A_219 : memref<1x50xi32, #tpu.memory_space<vmem>> -> memref<50xi32, #tpu.memory_space<vmem>>
    %dma_start3A_221 = tpu.memref_reshape %arg3 : memref<128x100x8x128xf32, #tpu.memory_space<hbm>> -> memref<102400x128xf32, #tpu.memory_space<hbm>>
    %dma_start3A_222 = arith.constant 0 : i32
    %dma_start3A_223 = arith.constant 0 : i32
    %dma_start3A_224 = tpu.memref_slice %dma_start3A_221[%dma_start3A_222, %dma_start3A_223] : memref<102400x128xf32, #tpu.memory_space<hbm>> -> memref<102400x128xf32, #tpu.memory_space<hbm>>
    tpu.enqueue_indirect_dma source(%dma_start3A_224 : memref<102400x128xf32, #tpu.memory_space<hbm>>) target(%dma_start3A_217 : memref<50x128xf32, #tpu.memory_space<vmem>>) offsets(%dma_start3A_220 : memref<50xi32, #tpu.memory_space<vmem>>) semaphore(%arg7 : memref<!tpu.dma_semaphore, #tpu.memory_space<semaphore_mem>>)
    %dma_start3A_225 = arith.constant 12 : i32
    %dma_start3A_226 = arith.constant 224 : i32
    %dma_start3A_227 = arith.constant 0 : i32
    %dma_start3A_228 = tpu.memref_slice %arg6[%dma_start3A_226, %dma_start3A_227] : memref<448x128xf32, #tpu.memory_space<vmem>> -> memref<50x128xf32, #tpu.memory_space<vmem>>
    %dma_start3A_229 = arith.constant 0 : i32
    %dma_start3A_230 = tpu.memref_slice %arg5[%dma_start3A_225, %dma_start3A_229] : memref<16x50xi32, #tpu.memory_space<vmem>> -> memref<1x50xi32, #tpu.memory_space<vmem>>
    %dma_start3A_231 = tpu.memref_squeeze %dma_start3A_230 : memref<1x50xi32, #tpu.memory_space<vmem>> -> memref<50xi32, #tpu.memory_space<vmem>>
    %dma_start3A_232 = tpu.memref_reshape %arg3 : memref<128x100x8x128xf32, #tpu.memory_space<hbm>> -> memref<102400x128xf32, #tpu.memory_space<hbm>>
    %dma_start3A_233 = arith.constant 0 : i32
    %dma_start3A_234 = arith.constant 0 : i32
    %dma_start3A_235 = tpu.memref_slice %dma_start3A_232[%dma_start3A_233, %dma_start3A_234] : memref<102400x128xf32, #tpu.memory_space<hbm>> -> memref<102400x128xf32, #tpu.memory_space<hbm>>
    tpu.enqueue_indirect_dma source(%dma_start3A_235 : memref<102400x128xf32, #tpu.memory_space<hbm>>) target(%dma_start3A_228 : memref<50x128xf32, #tpu.memory_space<vmem>>) offsets(%dma_start3A_231 : memref<50xi32, #tpu.memory_space<vmem>>) semaphore(%arg7 : memref<!tpu.dma_semaphore, #tpu.memory_space<semaphore_mem>>)
    %dma_start3A_236 = arith.constant 13 : i32
    %dma_start3A_237 = arith.constant 280 : i32
    %dma_start3A_238 = arith.constant 0 : i32
    %dma_start3A_239 = tpu.memref_slice %arg6[%dma_start3A_237, %dma_start3A_238] : memref<448x128xf32, #tpu.memory_space<vmem>> -> memref<50x128xf32, #tpu.memory_space<vmem>>
    %dma_start3A_240 = arith.constant 0 : i32
    %dma_start3A_241 = tpu.memref_slice %arg5[%dma_start3A_236, %dma_start3A_240] : memref<16x50xi32, #tpu.memory_space<vmem>> -> memref<1x50xi32, #tpu.memory_space<vmem>>
    %dma_start3A_242 = tpu.memref_squeeze %dma_start3A_241 : memref<1x50xi32, #tpu.memory_space<vmem>> -> memref<50xi32, #tpu.memory_space<vmem>>
    %dma_start3A_243 = tpu.memref_reshape %arg3 : memref<128x100x8x128xf32, #tpu.memory_space<hbm>> -> memref<102400x128xf32, #tpu.memory_space<hbm>>
    %dma_start3A_244 = arith.constant 0 : i32
    %dma_start3A_245 = arith.constant 0 : i32
    %dma_start3A_246 = tpu.memref_slice %dma_start3A_243[%dma_start3A_244, %dma_start3A_245] : memref<102400x128xf32, #tpu.memory_space<hbm>> -> memref<102400x128xf32, #tpu.memory_space<hbm>>
    tpu.enqueue_indirect_dma source(%dma_start3A_246 : memref<102400x128xf32, #tpu.memory_space<hbm>>) target(%dma_start3A_239 : memref<50x128xf32, #tpu.memory_space<vmem>>) offsets(%dma_start3A_242 : memref<50xi32, #tpu.memory_space<vmem>>) semaphore(%arg7 : memref<!tpu.dma_semaphore, #tpu.memory_space<semaphore_mem>>)
    %dma_start3A_247 = arith.constant 14 : i32
    %dma_start3A_248 = arith.constant 336 : i32
    %dma_start3A_249 = arith.constant 0 : i32
    %dma_start3A_250 = tpu.memref_slice %arg6[%dma_start3A_248, %dma_start3A_249] : memref<448x128xf32, #tpu.memory_space<vmem>> -> memref<50x128xf32, #tpu.memory_space<vmem>>
    %dma_start3A_251 = arith.constant 0 : i32
    %dma_start3A_252 = tpu.memref_slice %arg5[%dma_start3A_247, %dma_start3A_251] : memref<16x50xi32, #tpu.memory_space<vmem>> -> memref<1x50xi32, #tpu.memory_space<vmem>>
    %dma_start3A_253 = tpu.memref_squeeze %dma_start3A_252 : memref<1x50xi32, #tpu.memory_space<vmem>> -> memref<50xi32, #tpu.memory_space<vmem>>
    %dma_start3A_254 = tpu.memref_reshape %arg3 : memref<128x100x8x128xf32, #tpu.memory_space<hbm>> -> memref<102400x128xf32, #tpu.memory_space<hbm>>
    %dma_start3A_255 = arith.constant 0 : i32
    %dma_start3A_256 = arith.constant 0 : i32
    %dma_start3A_257 = tpu.memref_slice %dma_start3A_254[%dma_start3A_255, %dma_start3A_256] : memref<102400x128xf32, #tpu.memory_space<hbm>> -> memref<102400x128xf32, #tpu.memory_space<hbm>>
    tpu.enqueue_indirect_dma source(%dma_start3A_257 : memref<102400x128xf32, #tpu.memory_space<hbm>>) target(%dma_start3A_250 : memref<50x128xf32, #tpu.memory_space<vmem>>) offsets(%dma_start3A_253 : memref<50xi32, #tpu.memory_space<vmem>>) semaphore(%arg7 : memref<!tpu.dma_semaphore, #tpu.memory_space<semaphore_mem>>)
    %dma_start3A_258 = arith.constant 15 : i32
    %dma_start3A_259 = arith.constant 392 : i32
    %dma_start3A_260 = arith.constant 0 : i32
    %dma_start3A_261 = tpu.memref_slice %arg6[%dma_start3A_259, %dma_start3A_260] : memref<448x128xf32, #tpu.memory_space<vmem>> -> memref<50x128xf32, #tpu.memory_space<vmem>>
    %dma_start3A_262 = arith.constant 0 : i32
    %dma_start3A_263 = tpu.memref_slice %arg5[%dma_start3A_258, %dma_start3A_262] : memref<16x50xi32, #tpu.memory_space<vmem>> -> memref<1x50xi32, #tpu.memory_space<vmem>>
    %dma_start3A_264 = tpu.memref_squeeze %dma_start3A_263 : memref<1x50xi32, #tpu.memory_space<vmem>> -> memref<50xi32, #tpu.memory_space<vmem>>
    %dma_start3A_265 = tpu.memref_reshape %arg3 : memref<128x100x8x128xf32, #tpu.memory_space<hbm>> -> memref<102400x128xf32, #tpu.memory_space<hbm>>
    %dma_start3A_266 = arith.constant 0 : i32
    %dma_start3A_267 = arith.constant 0 : i32
    %dma_start3A_268 = tpu.memref_slice %dma_start3A_265[%dma_start3A_266, %dma_start3A_267] : memref<102400x128xf32, #tpu.memory_space<hbm>> -> memref<102400x128xf32, #tpu.memory_space<hbm>>
    tpu.enqueue_indirect_dma source(%dma_start3A_268 : memref<102400x128xf32, #tpu.memory_space<hbm>>) target(%dma_start3A_261 : memref<50x128xf32, #tpu.memory_space<vmem>>) offsets(%dma_start3A_264 : memref<50xi32, #tpu.memory_space<vmem>>) semaphore(%arg7 : memref<!tpu.dma_semaphore, #tpu.memory_space<semaphore_mem>>)
    %dma_wait3A_269 = arith.constant 8 : i32
    %dma_wait3A_270 = arith.constant 0 : i32
    %dma_wait3A_271 = arith.constant 0 : i32
    %dma_wait3A_272 = tpu.memref_slice %arg6[%dma_wait3A_270, %dma_wait3A_271] : memref<448x128xf32, #tpu.memory_space<vmem>> -> memref<50x128xf32, #tpu.memory_space<vmem>>
    %dma_wait3A_273 = arith.constant 0 : i32
    %dma_wait3A_274 = tpu.memref_slice %arg5[%dma_wait3A_269, %dma_wait3A_273] : memref<16x50xi32, #tpu.memory_space<vmem>> -> memref<1x50xi32, #tpu.memory_space<vmem>>
    %dma_wait3A_275 = tpu.memref_squeeze %dma_wait3A_274 : memref<1x50xi32, #tpu.memory_space<vmem>> -> memref<50xi32, #tpu.memory_space<vmem>>
    %dma_wait3A_276 = tpu.memref_reshape %arg3 : memref<128x100x8x128xf32, #tpu.memory_space<hbm>> -> memref<102400x128xf32, #tpu.memory_space<hbm>>
    %dma_wait3A_277 = arith.constant 0 : i32
    %dma_wait3A_278 = arith.constant 0 : i32
    %dma_wait3A_279 = tpu.memref_slice %dma_wait3A_276[%dma_wait3A_277, %dma_wait3A_278] : memref<102400x128xf32, #tpu.memory_space<hbm>> -> memref<102400x128xf32, #tpu.memory_space<hbm>>
    tpu.wait_indirect_dma semaphore(%arg7 : memref<!tpu.dma_semaphore, #tpu.memory_space<semaphore_mem>>) src(%dma_wait3A_279 : memref<102400x128xf32, #tpu.memory_space<hbm>>) dst(%dma_wait3A_272 : memref<50x128xf32, #tpu.memory_space<vmem>>)
    %dma_wait3A_280 = arith.constant 9 : i32
    %dma_wait3A_281 = arith.constant 56 : i32
    %dma_wait3A_282 = arith.constant 0 : i32
    %dma_wait3A_283 = tpu.memref_slice %arg6[%dma_wait3A_281, %dma_wait3A_282] : memref<448x128xf32, #tpu.memory_space<vmem>> -> memref<50x128xf32, #tpu.memory_space<vmem>>
    %dma_wait3A_284 = arith.constant 0 : i32
    %dma_wait3A_285 = tpu.memref_slice %arg5[%dma_wait3A_280, %dma_wait3A_284] : memref<16x50xi32, #tpu.memory_space<vmem>> -> memref<1x50xi32, #tpu.memory_space<vmem>>
    %dma_wait3A_286 = tpu.memref_squeeze %dma_wait3A_285 : memref<1x50xi32, #tpu.memory_space<vmem>> -> memref<50xi32, #tpu.memory_space<vmem>>
    %dma_wait3A_287 = tpu.memref_reshape %arg3 : memref<128x100x8x128xf32, #tpu.memory_space<hbm>> -> memref<102400x128xf32, #tpu.memory_space<hbm>>
    %dma_wait3A_288 = arith.constant 0 : i32
    %dma_wait3A_289 = arith.constant 0 : i32
    %dma_wait3A_290 = tpu.memref_slice %dma_wait3A_287[%dma_wait3A_288, %dma_wait3A_289] : memref<102400x128xf32, #tpu.memory_space<hbm>> -> memref<102400x128xf32, #tpu.memory_space<hbm>>
    tpu.wait_indirect_dma semaphore(%arg7 : memref<!tpu.dma_semaphore, #tpu.memory_space<semaphore_mem>>) src(%dma_wait3A_290 : memref<102400x128xf32, #tpu.memory_space<hbm>>) dst(%dma_wait3A_283 : memref<50x128xf32, #tpu.memory_space<vmem>>)
    %dma_wait3A_291 = arith.constant 10 : i32
    %dma_wait3A_292 = arith.constant 112 : i32
    %dma_wait3A_293 = arith.constant 0 : i32
    %dma_wait3A_294 = tpu.memref_slice %arg6[%dma_wait3A_292, %dma_wait3A_293] : memref<448x128xf32, #tpu.memory_space<vmem>> -> memref<50x128xf32, #tpu.memory_space<vmem>>
    %dma_wait3A_295 = arith.constant 0 : i32
    %dma_wait3A_296 = tpu.memref_slice %arg5[%dma_wait3A_291, %dma_wait3A_295] : memref<16x50xi32, #tpu.memory_space<vmem>> -> memref<1x50xi32, #tpu.memory_space<vmem>>
    %dma_wait3A_297 = tpu.memref_squeeze %dma_wait3A_296 : memref<1x50xi32, #tpu.memory_space<vmem>> -> memref<50xi32, #tpu.memory_space<vmem>>
    %dma_wait3A_298 = tpu.memref_reshape %arg3 : memref<128x100x8x128xf32, #tpu.memory_space<hbm>> -> memref<102400x128xf32, #tpu.memory_space<hbm>>
    %dma_wait3A_299 = arith.constant 0 : i32
    %dma_wait3A_300 = arith.constant 0 : i32
    %dma_wait3A_301 = tpu.memref_slice %dma_wait3A_298[%dma_wait3A_299, %dma_wait3A_300] : memref<102400x128xf32, #tpu.memory_space<hbm>> -> memref<102400x128xf32, #tpu.memory_space<hbm>>
    tpu.wait_indirect_dma semaphore(%arg7 : memref<!tpu.dma_semaphore, #tpu.memory_space<semaphore_mem>>) src(%dma_wait3A_301 : memref<102400x128xf32, #tpu.memory_space<hbm>>) dst(%dma_wait3A_294 : memref<50x128xf32, #tpu.memory_space<vmem>>)
    %dma_wait3A_302 = arith.constant 11 : i32
    %dma_wait3A_303 = arith.constant 168 : i32
    %dma_wait3A_304 = arith.constant 0 : i32
    %dma_wait3A_305 = tpu.memref_slice %arg6[%dma_wait3A_303, %dma_wait3A_304] : memref<448x128xf32, #tpu.memory_space<vmem>> -> memref<50x128xf32, #tpu.memory_space<vmem>>
    %dma_wait3A_306 = arith.constant 0 : i32
    %dma_wait3A_307 = tpu.memref_slice %arg5[%dma_wait3A_302, %dma_wait3A_306] : memref<16x50xi32, #tpu.memory_space<vmem>> -> memref<1x50xi32, #tpu.memory_space<vmem>>
    %dma_wait3A_308 = tpu.memref_squeeze %dma_wait3A_307 : memref<1x50xi32, #tpu.memory_space<vmem>> -> memref<50xi32, #tpu.memory_space<vmem>>
    %dma_wait3A_309 = tpu.memref_reshape %arg3 : memref<128x100x8x128xf32, #tpu.memory_space<hbm>> -> memref<102400x128xf32, #tpu.memory_space<hbm>>
    %dma_wait3A_310 = arith.constant 0 : i32
    %dma_wait3A_311 = arith.constant 0 : i32
    %dma_wait3A_312 = tpu.memref_slice %dma_wait3A_309[%dma_wait3A_310, %dma_wait3A_311] : memref<102400x128xf32, #tpu.memory_space<hbm>> -> memref<102400x128xf32, #tpu.memory_space<hbm>>
    tpu.wait_indirect_dma semaphore(%arg7 : memref<!tpu.dma_semaphore, #tpu.memory_space<semaphore_mem>>) src(%dma_wait3A_312 : memref<102400x128xf32, #tpu.memory_space<hbm>>) dst(%dma_wait3A_305 : memref<50x128xf32, #tpu.memory_space<vmem>>)
    %dma_wait3A_313 = arith.constant 12 : i32
    %dma_wait3A_314 = arith.constant 224 : i32
    %dma_wait3A_315 = arith.constant 0 : i32
    %dma_wait3A_316 = tpu.memref_slice %arg6[%dma_wait3A_314, %dma_wait3A_315] : memref<448x128xf32, #tpu.memory_space<vmem>> -> memref<50x128xf32, #tpu.memory_space<vmem>>
    %dma_wait3A_317 = arith.constant 0 : i32
    %dma_wait3A_318 = tpu.memref_slice %arg5[%dma_wait3A_313, %dma_wait3A_317] : memref<16x50xi32, #tpu.memory_space<vmem>> -> memref<1x50xi32, #tpu.memory_space<vmem>>
    %dma_wait3A_319 = tpu.memref_squeeze %dma_wait3A_318 : memref<1x50xi32, #tpu.memory_space<vmem>> -> memref<50xi32, #tpu.memory_space<vmem>>
    %dma_wait3A_320 = tpu.memref_reshape %arg3 : memref<128x100x8x128xf32, #tpu.memory_space<hbm>> -> memref<102400x128xf32, #tpu.memory_space<hbm>>
    %dma_wait3A_321 = arith.constant 0 : i32
    %dma_wait3A_322 = arith.constant 0 : i32
    %dma_wait3A_323 = tpu.memref_slice %dma_wait3A_320[%dma_wait3A_321, %dma_wait3A_322] : memref<102400x128xf32, #tpu.memory_space<hbm>> -> memref<102400x128xf32, #tpu.memory_space<hbm>>
    tpu.wait_indirect_dma semaphore(%arg7 : memref<!tpu.dma_semaphore, #tpu.memory_space<semaphore_mem>>) src(%dma_wait3A_323 : memref<102400x128xf32, #tpu.memory_space<hbm>>) dst(%dma_wait3A_316 : memref<50x128xf32, #tpu.memory_space<vmem>>)
    %dma_wait3A_324 = arith.constant 13 : i32
    %dma_wait3A_325 = arith.constant 280 : i32
    %dma_wait3A_326 = arith.constant 0 : i32
    %dma_wait3A_327 = tpu.memref_slice %arg6[%dma_wait3A_325, %dma_wait3A_326] : memref<448x128xf32, #tpu.memory_space<vmem>> -> memref<50x128xf32, #tpu.memory_space<vmem>>
    %dma_wait3A_328 = arith.constant 0 : i32
    %dma_wait3A_329 = tpu.memref_slice %arg5[%dma_wait3A_324, %dma_wait3A_328] : memref<16x50xi32, #tpu.memory_space<vmem>> -> memref<1x50xi32, #tpu.memory_space<vmem>>
    %dma_wait3A_330 = tpu.memref_squeeze %dma_wait3A_329 : memref<1x50xi32, #tpu.memory_space<vmem>> -> memref<50xi32, #tpu.memory_space<vmem>>
    %dma_wait3A_331 = tpu.memref_reshape %arg3 : memref<128x100x8x128xf32, #tpu.memory_space<hbm>> -> memref<102400x128xf32, #tpu.memory_space<hbm>>
    %dma_wait3A_332 = arith.constant 0 : i32
    %dma_wait3A_333 = arith.constant 0 : i32
    %dma_wait3A_334 = tpu.memref_slice %dma_wait3A_331[%dma_wait3A_332, %dma_wait3A_333] : memref<102400x128xf32, #tpu.memory_space<hbm>> -> memref<102400x128xf32, #tpu.memory_space<hbm>>
    tpu.wait_indirect_dma semaphore(%arg7 : memref<!tpu.dma_semaphore, #tpu.memory_space<semaphore_mem>>) src(%dma_wait3A_334 : memref<102400x128xf32, #tpu.memory_space<hbm>>) dst(%dma_wait3A_327 : memref<50x128xf32, #tpu.memory_space<vmem>>)
    %dma_wait3A_335 = arith.constant 14 : i32
    %dma_wait3A_336 = arith.constant 336 : i32
    %dma_wait3A_337 = arith.constant 0 : i32
    %dma_wait3A_338 = tpu.memref_slice %arg6[%dma_wait3A_336, %dma_wait3A_337] : memref<448x128xf32, #tpu.memory_space<vmem>> -> memref<50x128xf32, #tpu.memory_space<vmem>>
    %dma_wait3A_339 = arith.constant 0 : i32
    %dma_wait3A_340 = tpu.memref_slice %arg5[%dma_wait3A_335, %dma_wait3A_339] : memref<16x50xi32, #tpu.memory_space<vmem>> -> memref<1x50xi32, #tpu.memory_space<vmem>>
    %dma_wait3A_341 = tpu.memref_squeeze %dma_wait3A_340 : memref<1x50xi32, #tpu.memory_space<vmem>> -> memref<50xi32, #tpu.memory_space<vmem>>
    %dma_wait3A_342 = tpu.memref_reshape %arg3 : memref<128x100x8x128xf32, #tpu.memory_space<hbm>> -> memref<102400x128xf32, #tpu.memory_space<hbm>>
    %dma_wait3A_343 = arith.constant 0 : i32
    %dma_wait3A_344 = arith.constant 0 : i32
    %dma_wait3A_345 = tpu.memref_slice %dma_wait3A_342[%dma_wait3A_343, %dma_wait3A_344] : memref<102400x128xf32, #tpu.memory_space<hbm>> -> memref<102400x128xf32, #tpu.memory_space<hbm>>
    tpu.wait_indirect_dma semaphore(%arg7 : memref<!tpu.dma_semaphore, #tpu.memory_space<semaphore_mem>>) src(%dma_wait3A_345 : memref<102400x128xf32, #tpu.memory_space<hbm>>) dst(%dma_wait3A_338 : memref<50x128xf32, #tpu.memory_space<vmem>>)
    %dma_wait3A_346 = arith.constant 15 : i32
    %dma_wait3A_347 = arith.constant 392 : i32
    %dma_wait3A_348 = arith.constant 0 : i32
    %dma_wait3A_349 = tpu.memref_slice %arg6[%dma_wait3A_347, %dma_wait3A_348] : memref<448x128xf32, #tpu.memory_space<vmem>> -> memref<50x128xf32, #tpu.memory_space<vmem>>
    %dma_wait3A_350 = arith.constant 0 : i32
    %dma_wait3A_351 = tpu.memref_slice %arg5[%dma_wait3A_346, %dma_wait3A_350] : memref<16x50xi32, #tpu.memory_space<vmem>> -> memref<1x50xi32, #tpu.memory_space<vmem>>
    %dma_wait3A_352 = tpu.memref_squeeze %dma_wait3A_351 : memref<1x50xi32, #tpu.memory_space<vmem>> -> memref<50xi32, #tpu.memory_space<vmem>>
    %dma_wait3A_353 = tpu.memref_reshape %arg3 : memref<128x100x8x128xf32, #tpu.memory_space<hbm>> -> memref<102400x128xf32, #tpu.memory_space<hbm>>
    %dma_wait3A_354 = arith.constant 0 : i32
    %dma_wait3A_355 = arith.constant 0 : i32
    %dma_wait3A_356 = tpu.memref_slice %dma_wait3A_353[%dma_wait3A_354, %dma_wait3A_355] : memref<102400x128xf32, #tpu.memory_space<hbm>> -> memref<102400x128xf32, #tpu.memory_space<hbm>>
    tpu.wait_indirect_dma semaphore(%arg7 : memref<!tpu.dma_semaphore, #tpu.memory_space<semaphore_mem>>) src(%dma_wait3A_356 : memref<102400x128xf32, #tpu.memory_space<hbm>>) dst(%dma_wait3A_349 : memref<50x128xf32, #tpu.memory_space<vmem>>)
    %mul3A_357 = arith.constant 16 : i32
    %mul3A_358 = arith.muli %add3A, %mul3A_357 : i32
    %add3A_359 = arith.constant 8 : i32
    %add3A_360 = arith.addi %mul3A_358, %add3A_359 : i32
    %mul3A_361 = arith.constant 56 : i32
    %mul3A_362 = arith.muli %add3A_360, %mul3A_361 : i32
    "tpu.region"() ({
      %run_scoped3A = tpu.sem_alloc : memref<!tpu.dma_semaphore, #tpu.memory_space<semaphore_mem>>
      %dma_start3A_363 = arith.constant 0 : i32
      %dma_start3A_364 = tpu.memref_slice %arg4[%mul3A_362, %dma_start3A_363] : memref<28672x128xf32, #tpu.memory_space<hbm>> -> memref<448x128xf32, #tpu.memory_space<hbm>>
      %dma_start3A_365 = arith.constant 0 : i32
      %dma_start3A_366 = tpu.memref_slice %arg4[%mul3A_362, %dma_start3A_365] : memref<28672x128xf32, #tpu.memory_space<hbm>> -> memref<448x128xf32, #tpu.memory_space<hbm>>
      tpu.enqueue_dma source(%arg6 : memref<448x128xf32, #tpu.memory_space<vmem>>) target(%dma_start3A_366 : memref<448x128xf32, #tpu.memory_space<hbm>>) target_semaphore(%run_scoped3A : memref<!tpu.dma_semaphore, #tpu.memory_space<semaphore_mem>>)
      %dma_wait3A_367 = arith.constant 0 : i32
      %dma_wait3A_368 = tpu.memref_slice %arg4[%mul3A_362, %dma_wait3A_367] : memref<28672x128xf32, #tpu.memory_space<hbm>> -> memref<448x128xf32, #tpu.memory_space<hbm>>
      %dma_wait3A_369 = arith.constant 0 : i32
      %dma_wait3A_370 = tpu.memref_slice %arg4[%mul3A_362, %dma_wait3A_369] : memref<28672x128xf32, #tpu.memory_space<hbm>> -> memref<448x128xf32, #tpu.memory_space<hbm>>
      tpu.wait_dma2 semaphore(%run_scoped3A : memref<!tpu.dma_semaphore, #tpu.memory_space<semaphore_mem>>) src(%arg6 : memref<448x128xf32, #tpu.memory_space<vmem>>) dst(%dma_wait3A_370 : memref<448x128xf32, #tpu.memory_space<hbm>>)
      tpu.yield
    }) : () -> ()
    return
  }
}

module attributes {stable_mosaic.version = 14 : i64} {
  func.func @body(%arg0: i32, %arg1: memref<64x20x64xf32, #tpu.memory_space<vmem>>, %arg2: memref<3584x128xf32, #tpu.memory_space<vmem>>, %arg3: memref<64x50xf32, #tpu.memory_space<vmem>>, %arg4: memref<64x20x50xf32, #tpu.memory_space<vmem>>) attributes {dimension_semantics = [#tpu.dimension_semantics<arbitrary>], iteration_bounds = array<i64: 8>, scalar_prefetch = 0 : i64, scratch_operands = 0 : i64, tpu.core_type = #tpu.core_type<tc>, window_params = [{transform_indices = @transform_0, window_bounds = array<i64: 64, 20, 64>}, {transform_indices = @transform_1, window_bounds = array<i64: 3584, 128>}, {transform_indices = @transform_2, window_bounds = array<i64: 64, 50>}, {transform_indices = @transform_3, window_bounds = array<i64: 64, 20, 50>}]} {
    %get3A = arith.constant 0 : index
    %get3A_0 = arith.constant 0 : index
    %get3A_1 = vector.load %arg2[%get3A, %get3A_0] : memref<3584x128xf32, #tpu.memory_space<vmem>>, vector<50x128xf32>
    %get3A_2 = arith.constant 0 : index
    %get3A_3 = arith.constant 0 : index
    %get3A_4 = arith.constant 0 : index
    %get3A_5 = vector.load %arg1[%get3A_2, %get3A_3, %get3A_4] : memref<64x20x64xf32, #tpu.memory_space<vmem>>, vector<1x20x64xf32>
    %get3A_6 = vector.shape_cast %get3A_5 : vector<1x20x64xf32> to vector<20x64xf32>
    %slice3A = vector.extract_strided_slice %get3A_1 {offsets = [0, 0], sizes = [50, 64], strides = [1, 1]} : vector<50x128xf32> to vector<50x64xf32>
    %dot_general3A = arith.constant dense<0.000000e+00> : vector<20x50xf32>
    %dot_general3A_7 = tpu.matmul %get3A_6, %slice3A, %dot_general3A {dimension_numbers = #tpu.dot_dimension_numbers<[1], [1], [0], [0], [0, 0, 1, 0], [], []>, transpose_lhs_hint = false} : vector<20x64xf32>, vector<50x64xf32>, vector<20x50xf32> -> vector<20x50xf32>
    %slice3A_8 = vector.extract_strided_slice %get3A_1 {offsets = [0, 64], sizes = [50, 64], strides = [1, 1]} : vector<50x128xf32> to vector<50x64xf32>
    %dot_general3A_9 = arith.constant dense<0.000000e+00> : vector<20x50xf32>
    %dot_general3A_10 = tpu.matmul %get3A_6, %slice3A_8, %dot_general3A_9 {dimension_numbers = #tpu.dot_dimension_numbers<[1], [1], [0], [0], [0, 0, 1, 0], [], []>, transpose_lhs_hint = false} : vector<20x64xf32>, vector<50x64xf32>, vector<20x50xf32> -> vector<20x50xf32>
    %get3A_11 = arith.constant 0 : index
    %get3A_12 = arith.constant 0 : index
    %get3A_13 = vector.load %arg3[%get3A_11, %get3A_12] : memref<64x50xf32, #tpu.memory_space<vmem>>, vector<1x50xf32>
    %get3A_14 = vector.shape_cast %get3A_13 : vector<1x50xf32> to vector<50xf32>
    %broadcast_in_dim3A = vector.shape_cast %get3A_14 : vector<50xf32> to vector<1x50xf32>
    %sub3A = arith.subf %dot_general3A_10, %dot_general3A_7 : vector<20x50xf32>
    %mul3A = vector.broadcast %broadcast_in_dim3A : vector<1x50xf32> to vector<20x50xf32>
    %mul3A_15 = arith.mulf %mul3A, %sub3A : vector<20x50xf32>
    %add3A = arith.addf %dot_general3A_7, %mul3A_15 : vector<20x50xf32>
    %swap3A = arith.constant 0 : index
    %swap3A_16 = arith.constant 0 : index
    %swap3A_17 = arith.constant 0 : index
    %swap3A_18 = vector.load %arg4[%swap3A, %swap3A_16, %swap3A_17] : memref<64x20x50xf32, #tpu.memory_space<vmem>>, vector<1x20x50xf32>
    %swap3A_19 = vector.shape_cast %swap3A_18 : vector<1x20x50xf32> to vector<20x50xf32>
    %swap3A_20 = vector.shape_cast %add3A : vector<20x50xf32> to vector<1x20x50xf32>
    tpu.vector_store %arg4[%swap3A, %swap3A_16, %swap3A_17], %swap3A_20 {strides = array<i32>} : memref<64x20x50xf32, #tpu.memory_space<vmem>>, vector<1x20x50xf32>,
    %get3A_21 = arith.constant 56 : index
    %get3A_22 = arith.constant 0 : index
    %get3A_23 = vector.load %arg2[%get3A_21, %get3A_22] : memref<3584x128xf32, #tpu.memory_space<vmem>>, vector<50x128xf32>
    %get3A_24 = arith.constant 1 : index
    %get3A_25 = arith.constant 0 : index
    %get3A_26 = arith.constant 0 : index
    %get3A_27 = vector.load %arg1[%get3A_24, %get3A_25, %get3A_26] : memref<64x20x64xf32, #tpu.memory_space<vmem>>, vector<1x20x64xf32>
    %get3A_28 = vector.shape_cast %get3A_27 : vector<1x20x64xf32> to vector<20x64xf32>
    %slice3A_29 = vector.extract_strided_slice %get3A_23 {offsets = [0, 0], sizes = [50, 64], strides = [1, 1]} : vector<50x128xf32> to vector<50x64xf32>
    %dot_general3A_30 = arith.constant dense<0.000000e+00> : vector<20x50xf32>
    %dot_general3A_31 = tpu.matmul %get3A_28, %slice3A_29, %dot_general3A_30 {dimension_numbers = #tpu.dot_dimension_numbers<[1], [1], [0], [0], [0, 0, 1, 0], [], []>, transpose_lhs_hint = false} : vector<20x64xf32>, vector<50x64xf32>, vector<20x50xf32> -> vector<20x50xf32>
    %slice3A_32 = vector.extract_strided_slice %get3A_23 {offsets = [0, 64], sizes = [50, 64], strides = [1, 1]} : vector<50x128xf32> to vector<50x64xf32>
    %dot_general3A_33 = arith.constant dense<0.000000e+00> : vector<20x50xf32>
    %dot_general3A_34 = tpu.matmul %get3A_28, %slice3A_32, %dot_general3A_33 {dimension_numbers = #tpu.dot_dimension_numbers<[1], [1], [0], [0], [0, 0, 1, 0], [], []>, transpose_lhs_hint = false} : vector<20x64xf32>, vector<50x64xf32>, vector<20x50xf32> -> vector<20x50xf32>
    %get3A_35 = arith.constant 1 : index
    %get3A_36 = arith.constant 0 : index
    %get3A_37 = vector.load %arg3[%get3A_35, %get3A_36] : memref<64x50xf32, #tpu.memory_space<vmem>>, vector<1x50xf32>
    %get3A_38 = vector.shape_cast %get3A_37 : vector<1x50xf32> to vector<50xf32>
    %broadcast_in_dim3A_39 = vector.shape_cast %get3A_38 : vector<50xf32> to vector<1x50xf32>
    %sub3A_40 = arith.subf %dot_general3A_34, %dot_general3A_31 : vector<20x50xf32>
    %mul3A_41 = vector.broadcast %broadcast_in_dim3A_39 : vector<1x50xf32> to vector<20x50xf32>
    %mul3A_42 = arith.mulf %mul3A_41, %sub3A_40 : vector<20x50xf32>
    %add3A_43 = arith.addf %dot_general3A_31, %mul3A_42 : vector<20x50xf32>
    %swap3A_44 = arith.constant 1 : index
    %swap3A_45 = arith.constant 0 : index
    %swap3A_46 = arith.constant 0 : index
    %swap3A_47 = vector.load %arg4[%swap3A_44, %swap3A_45, %swap3A_46] : memref<64x20x50xf32, #tpu.memory_space<vmem>>, vector<1x20x50xf32>
    %swap3A_48 = vector.shape_cast %swap3A_47 : vector<1x20x50xf32> to vector<20x50xf32>
    %swap3A_49 = vector.shape_cast %add3A_43 : vector<20x50xf32> to vector<1x20x50xf32>
    tpu.vector_store %arg4[%swap3A_44, %swap3A_45, %swap3A_46], %swap3A_49 {strides = array<i32>} : memref<64x20x50xf32, #tpu.memory_space<vmem>>, vector<1x20x50xf32>,
    %get3A_50 = arith.constant 112 : index
    %get3A_51 = arith.constant 0 : index
    %get3A_52 = vector.load %arg2[%get3A_50, %get3A_51] : memref<3584x128xf32, #tpu.memory_space<vmem>>, vector<50x128xf32>
    %get3A_53 = arith.constant 2 : index
    %get3A_54 = arith.constant 0 : index
    %get3A_55 = arith.constant 0 : index
    %get3A_56 = vector.load %arg1[%get3A_53, %get3A_54, %get3A_55] : memref<64x20x64xf32, #tpu.memory_space<vmem>>, vector<1x20x64xf32>
    %get3A_57 = vector.shape_cast %get3A_56 : vector<1x20x64xf32> to vector<20x64xf32>
    %slice3A_58 = vector.extract_strided_slice %get3A_52 {offsets = [0, 0], sizes = [50, 64], strides = [1, 1]} : vector<50x128xf32> to vector<50x64xf32>
    %dot_general3A_59 = arith.constant dense<0.000000e+00> : vector<20x50xf32>
    %dot_general3A_60 = tpu.matmul %get3A_57, %slice3A_58, %dot_general3A_59 {dimension_numbers = #tpu.dot_dimension_numbers<[1], [1], [0], [0], [0, 0, 1, 0], [], []>, transpose_lhs_hint = false} : vector<20x64xf32>, vector<50x64xf32>, vector<20x50xf32> -> vector<20x50xf32>
    %slice3A_61 = vector.extract_strided_slice %get3A_52 {offsets = [0, 64], sizes = [50, 64], strides = [1, 1]} : vector<50x128xf32> to vector<50x64xf32>
    %dot_general3A_62 = arith.constant dense<0.000000e+00> : vector<20x50xf32>
    %dot_general3A_63 = tpu.matmul %get3A_57, %slice3A_61, %dot_general3A_62 {dimension_numbers = #tpu.dot_dimension_numbers<[1], [1], [0], [0], [0, 0, 1, 0], [], []>, transpose_lhs_hint = false} : vector<20x64xf32>, vector<50x64xf32>, vector<20x50xf32> -> vector<20x50xf32>
    %get3A_64 = arith.constant 2 : index
    %get3A_65 = arith.constant 0 : index
    %get3A_66 = vector.load %arg3[%get3A_64, %get3A_65] : memref<64x50xf32, #tpu.memory_space<vmem>>, vector<1x50xf32>
    %get3A_67 = vector.shape_cast %get3A_66 : vector<1x50xf32> to vector<50xf32>
    %broadcast_in_dim3A_68 = vector.shape_cast %get3A_67 : vector<50xf32> to vector<1x50xf32>
    %sub3A_69 = arith.subf %dot_general3A_63, %dot_general3A_60 : vector<20x50xf32>
    %mul3A_70 = vector.broadcast %broadcast_in_dim3A_68 : vector<1x50xf32> to vector<20x50xf32>
    %mul3A_71 = arith.mulf %mul3A_70, %sub3A_69 : vector<20x50xf32>
    %add3A_72 = arith.addf %dot_general3A_60, %mul3A_71 : vector<20x50xf32>
    %swap3A_73 = arith.constant 2 : index
    %swap3A_74 = arith.constant 0 : index
    %swap3A_75 = arith.constant 0 : index
    %swap3A_76 = vector.load %arg4[%swap3A_73, %swap3A_74, %swap3A_75] : memref<64x20x50xf32, #tpu.memory_space<vmem>>, vector<1x20x50xf32>
    %swap3A_77 = vector.shape_cast %swap3A_76 : vector<1x20x50xf32> to vector<20x50xf32>
    %swap3A_78 = vector.shape_cast %add3A_72 : vector<20x50xf32> to vector<1x20x50xf32>
    tpu.vector_store %arg4[%swap3A_73, %swap3A_74, %swap3A_75], %swap3A_78 {strides = array<i32>} : memref<64x20x50xf32, #tpu.memory_space<vmem>>, vector<1x20x50xf32>,
    %get3A_79 = arith.constant 168 : index
    %get3A_80 = arith.constant 0 : index
    %get3A_81 = vector.load %arg2[%get3A_79, %get3A_80] : memref<3584x128xf32, #tpu.memory_space<vmem>>, vector<50x128xf32>
    %get3A_82 = arith.constant 3 : index
    %get3A_83 = arith.constant 0 : index
    %get3A_84 = arith.constant 0 : index
    %get3A_85 = vector.load %arg1[%get3A_82, %get3A_83, %get3A_84] : memref<64x20x64xf32, #tpu.memory_space<vmem>>, vector<1x20x64xf32>
    %get3A_86 = vector.shape_cast %get3A_85 : vector<1x20x64xf32> to vector<20x64xf32>
    %slice3A_87 = vector.extract_strided_slice %get3A_81 {offsets = [0, 0], sizes = [50, 64], strides = [1, 1]} : vector<50x128xf32> to vector<50x64xf32>
    %dot_general3A_88 = arith.constant dense<0.000000e+00> : vector<20x50xf32>
    %dot_general3A_89 = tpu.matmul %get3A_86, %slice3A_87, %dot_general3A_88 {dimension_numbers = #tpu.dot_dimension_numbers<[1], [1], [0], [0], [0, 0, 1, 0], [], []>, transpose_lhs_hint = false} : vector<20x64xf32>, vector<50x64xf32>, vector<20x50xf32> -> vector<20x50xf32>
    %slice3A_90 = vector.extract_strided_slice %get3A_81 {offsets = [0, 64], sizes = [50, 64], strides = [1, 1]} : vector<50x128xf32> to vector<50x64xf32>
    %dot_general3A_91 = arith.constant dense<0.000000e+00> : vector<20x50xf32>
    %dot_general3A_92 = tpu.matmul %get3A_86, %slice3A_90, %dot_general3A_91 {dimension_numbers = #tpu.dot_dimension_numbers<[1], [1], [0], [0], [0, 0, 1, 0], [], []>, transpose_lhs_hint = false} : vector<20x64xf32>, vector<50x64xf32>, vector<20x50xf32> -> vector<20x50xf32>
    %get3A_93 = arith.constant 3 : index
    %get3A_94 = arith.constant 0 : index
    %get3A_95 = vector.load %arg3[%get3A_93, %get3A_94] : memref<64x50xf32, #tpu.memory_space<vmem>>, vector<1x50xf32>
    %get3A_96 = vector.shape_cast %get3A_95 : vector<1x50xf32> to vector<50xf32>
    %broadcast_in_dim3A_97 = vector.shape_cast %get3A_96 : vector<50xf32> to vector<1x50xf32>
    %sub3A_98 = arith.subf %dot_general3A_92, %dot_general3A_89 : vector<20x50xf32>
    %mul3A_99 = vector.broadcast %broadcast_in_dim3A_97 : vector<1x50xf32> to vector<20x50xf32>
    %mul3A_100 = arith.mulf %mul3A_99, %sub3A_98 : vector<20x50xf32>
    %add3A_101 = arith.addf %dot_general3A_89, %mul3A_100 : vector<20x50xf32>
    %swap3A_102 = arith.constant 3 : index
    %swap3A_103 = arith.constant 0 : index
    %swap3A_104 = arith.constant 0 : index
    %swap3A_105 = vector.load %arg4[%swap3A_102, %swap3A_103, %swap3A_104] : memref<64x20x50xf32, #tpu.memory_space<vmem>>, vector<1x20x50xf32>
    %swap3A_106 = vector.shape_cast %swap3A_105 : vector<1x20x50xf32> to vector<20x50xf32>
    %swap3A_107 = vector.shape_cast %add3A_101 : vector<20x50xf32> to vector<1x20x50xf32>
    tpu.vector_store %arg4[%swap3A_102, %swap3A_103, %swap3A_104], %swap3A_107 {strides = array<i32>} : memref<64x20x50xf32, #tpu.memory_space<vmem>>, vector<1x20x50xf32>,
    %get3A_108 = arith.constant 224 : index
    %get3A_109 = arith.constant 0 : index
    %get3A_110 = vector.load %arg2[%get3A_108, %get3A_109] : memref<3584x128xf32, #tpu.memory_space<vmem>>, vector<50x128xf32>
    %get3A_111 = arith.constant 4 : index
    %get3A_112 = arith.constant 0 : index
    %get3A_113 = arith.constant 0 : index
    %get3A_114 = vector.load %arg1[%get3A_111, %get3A_112, %get3A_113] : memref<64x20x64xf32, #tpu.memory_space<vmem>>, vector<1x20x64xf32>
    %get3A_115 = vector.shape_cast %get3A_114 : vector<1x20x64xf32> to vector<20x64xf32>
    %slice3A_116 = vector.extract_strided_slice %get3A_110 {offsets = [0, 0], sizes = [50, 64], strides = [1, 1]} : vector<50x128xf32> to vector<50x64xf32>
    %dot_general3A_117 = arith.constant dense<0.000000e+00> : vector<20x50xf32>
    %dot_general3A_118 = tpu.matmul %get3A_115, %slice3A_116, %dot_general3A_117 {dimension_numbers = #tpu.dot_dimension_numbers<[1], [1], [0], [0], [0, 0, 1, 0], [], []>, transpose_lhs_hint = false} : vector<20x64xf32>, vector<50x64xf32>, vector<20x50xf32> -> vector<20x50xf32>
    %slice3A_119 = vector.extract_strided_slice %get3A_110 {offsets = [0, 64], sizes = [50, 64], strides = [1, 1]} : vector<50x128xf32> to vector<50x64xf32>
    %dot_general3A_120 = arith.constant dense<0.000000e+00> : vector<20x50xf32>
    %dot_general3A_121 = tpu.matmul %get3A_115, %slice3A_119, %dot_general3A_120 {dimension_numbers = #tpu.dot_dimension_numbers<[1], [1], [0], [0], [0, 0, 1, 0], [], []>, transpose_lhs_hint = false} : vector<20x64xf32>, vector<50x64xf32>, vector<20x50xf32> -> vector<20x50xf32>
    %get3A_122 = arith.constant 4 : index
    %get3A_123 = arith.constant 0 : index
    %get3A_124 = vector.load %arg3[%get3A_122, %get3A_123] : memref<64x50xf32, #tpu.memory_space<vmem>>, vector<1x50xf32>
    %get3A_125 = vector.shape_cast %get3A_124 : vector<1x50xf32> to vector<50xf32>
    %broadcast_in_dim3A_126 = vector.shape_cast %get3A_125 : vector<50xf32> to vector<1x50xf32>
    %sub3A_127 = arith.subf %dot_general3A_121, %dot_general3A_118 : vector<20x50xf32>
    %mul3A_128 = vector.broadcast %broadcast_in_dim3A_126 : vector<1x50xf32> to vector<20x50xf32>
    %mul3A_129 = arith.mulf %mul3A_128, %sub3A_127 : vector<20x50xf32>
    %add3A_130 = arith.addf %dot_general3A_118, %mul3A_129 : vector<20x50xf32>
    %swap3A_131 = arith.constant 4 : index
    %swap3A_132 = arith.constant 0 : index
    %swap3A_133 = arith.constant 0 : index
    %swap3A_134 = vector.load %arg4[%swap3A_131, %swap3A_132, %swap3A_133] : memref<64x20x50xf32, #tpu.memory_space<vmem>>, vector<1x20x50xf32>
    %swap3A_135 = vector.shape_cast %swap3A_134 : vector<1x20x50xf32> to vector<20x50xf32>
    %swap3A_136 = vector.shape_cast %add3A_130 : vector<20x50xf32> to vector<1x20x50xf32>
    tpu.vector_store %arg4[%swap3A_131, %swap3A_132, %swap3A_133], %swap3A_136 {strides = array<i32>} : memref<64x20x50xf32, #tpu.memory_space<vmem>>, vector<1x20x50xf32>,
    %get3A_137 = arith.constant 280 : index
    %get3A_138 = arith.constant 0 : index
    %get3A_139 = vector.load %arg2[%get3A_137, %get3A_138] : memref<3584x128xf32, #tpu.memory_space<vmem>>, vector<50x128xf32>
    %get3A_140 = arith.constant 5 : index
    %get3A_141 = arith.constant 0 : index
    %get3A_142 = arith.constant 0 : index
    %get3A_143 = vector.load %arg1[%get3A_140, %get3A_141, %get3A_142] : memref<64x20x64xf32, #tpu.memory_space<vmem>>, vector<1x20x64xf32>
    %get3A_144 = vector.shape_cast %get3A_143 : vector<1x20x64xf32> to vector<20x64xf32>
    %slice3A_145 = vector.extract_strided_slice %get3A_139 {offsets = [0, 0], sizes = [50, 64], strides = [1, 1]} : vector<50x128xf32> to vector<50x64xf32>
    %dot_general3A_146 = arith.constant dense<0.000000e+00> : vector<20x50xf32>
    %dot_general3A_147 = tpu.matmul %get3A_144, %slice3A_145, %dot_general3A_146 {dimension_numbers = #tpu.dot_dimension_numbers<[1], [1], [0], [0], [0, 0, 1, 0], [], []>, transpose_lhs_hint = false} : vector<20x64xf32>, vector<50x64xf32>, vector<20x50xf32> -> vector<20x50xf32>
    %slice3A_148 = vector.extract_strided_slice %get3A_139 {offsets = [0, 64], sizes = [50, 64], strides = [1, 1]} : vector<50x128xf32> to vector<50x64xf32>
    %dot_general3A_149 = arith.constant dense<0.000000e+00> : vector<20x50xf32>
    %dot_general3A_150 = tpu.matmul %get3A_144, %slice3A_148, %dot_general3A_149 {dimension_numbers = #tpu.dot_dimension_numbers<[1], [1], [0], [0], [0, 0, 1, 0], [], []>, transpose_lhs_hint = false} : vector<20x64xf32>, vector<50x64xf32>, vector<20x50xf32> -> vector<20x50xf32>
    %get3A_151 = arith.constant 5 : index
    %get3A_152 = arith.constant 0 : index
    %get3A_153 = vector.load %arg3[%get3A_151, %get3A_152] : memref<64x50xf32, #tpu.memory_space<vmem>>, vector<1x50xf32>
    %get3A_154 = vector.shape_cast %get3A_153 : vector<1x50xf32> to vector<50xf32>
    %broadcast_in_dim3A_155 = vector.shape_cast %get3A_154 : vector<50xf32> to vector<1x50xf32>
    %sub3A_156 = arith.subf %dot_general3A_150, %dot_general3A_147 : vector<20x50xf32>
    %mul3A_157 = vector.broadcast %broadcast_in_dim3A_155 : vector<1x50xf32> to vector<20x50xf32>
    %mul3A_158 = arith.mulf %mul3A_157, %sub3A_156 : vector<20x50xf32>
    %add3A_159 = arith.addf %dot_general3A_147, %mul3A_158 : vector<20x50xf32>
    %swap3A_160 = arith.constant 5 : index
    %swap3A_161 = arith.constant 0 : index
    %swap3A_162 = arith.constant 0 : index
    %swap3A_163 = vector.load %arg4[%swap3A_160, %swap3A_161, %swap3A_162] : memref<64x20x50xf32, #tpu.memory_space<vmem>>, vector<1x20x50xf32>
    %swap3A_164 = vector.shape_cast %swap3A_163 : vector<1x20x50xf32> to vector<20x50xf32>
    %swap3A_165 = vector.shape_cast %add3A_159 : vector<20x50xf32> to vector<1x20x50xf32>
    tpu.vector_store %arg4[%swap3A_160, %swap3A_161, %swap3A_162], %swap3A_165 {strides = array<i32>} : memref<64x20x50xf32, #tpu.memory_space<vmem>>, vector<1x20x50xf32>,
    %get3A_166 = arith.constant 336 : index
    %get3A_167 = arith.constant 0 : index
    %get3A_168 = vector.load %arg2[%get3A_166, %get3A_167] : memref<3584x128xf32, #tpu.memory_space<vmem>>, vector<50x128xf32>
    %get3A_169 = arith.constant 6 : index
    %get3A_170 = arith.constant 0 : index
    %get3A_171 = arith.constant 0 : index
    %get3A_172 = vector.load %arg1[%get3A_169, %get3A_170, %get3A_171] : memref<64x20x64xf32, #tpu.memory_space<vmem>>, vector<1x20x64xf32>
    %get3A_173 = vector.shape_cast %get3A_172 : vector<1x20x64xf32> to vector<20x64xf32>
    %slice3A_174 = vector.extract_strided_slice %get3A_168 {offsets = [0, 0], sizes = [50, 64], strides = [1, 1]} : vector<50x128xf32> to vector<50x64xf32>
    %dot_general3A_175 = arith.constant dense<0.000000e+00> : vector<20x50xf32>
    %dot_general3A_176 = tpu.matmul %get3A_173, %slice3A_174, %dot_general3A_175 {dimension_numbers = #tpu.dot_dimension_numbers<[1], [1], [0], [0], [0, 0, 1, 0], [], []>, transpose_lhs_hint = false} : vector<20x64xf32>, vector<50x64xf32>, vector<20x50xf32> -> vector<20x50xf32>
    %slice3A_177 = vector.extract_strided_slice %get3A_168 {offsets = [0, 64], sizes = [50, 64], strides = [1, 1]} : vector<50x128xf32> to vector<50x64xf32>
    %dot_general3A_178 = arith.constant dense<0.000000e+00> : vector<20x50xf32>
    %dot_general3A_179 = tpu.matmul %get3A_173, %slice3A_177, %dot_general3A_178 {dimension_numbers = #tpu.dot_dimension_numbers<[1], [1], [0], [0], [0, 0, 1, 0], [], []>, transpose_lhs_hint = false} : vector<20x64xf32>, vector<50x64xf32>, vector<20x50xf32> -> vector<20x50xf32>
    %get3A_180 = arith.constant 6 : index
    %get3A_181 = arith.constant 0 : index
    %get3A_182 = vector.load %arg3[%get3A_180, %get3A_181] : memref<64x50xf32, #tpu.memory_space<vmem>>, vector<1x50xf32>
    %get3A_183 = vector.shape_cast %get3A_182 : vector<1x50xf32> to vector<50xf32>
    %broadcast_in_dim3A_184 = vector.shape_cast %get3A_183 : vector<50xf32> to vector<1x50xf32>
    %sub3A_185 = arith.subf %dot_general3A_179, %dot_general3A_176 : vector<20x50xf32>
    %mul3A_186 = vector.broadcast %broadcast_in_dim3A_184 : vector<1x50xf32> to vector<20x50xf32>
    %mul3A_187 = arith.mulf %mul3A_186, %sub3A_185 : vector<20x50xf32>
    %add3A_188 = arith.addf %dot_general3A_176, %mul3A_187 : vector<20x50xf32>
    %swap3A_189 = arith.constant 6 : index
    %swap3A_190 = arith.constant 0 : index
    %swap3A_191 = arith.constant 0 : index
    %swap3A_192 = vector.load %arg4[%swap3A_189, %swap3A_190, %swap3A_191] : memref<64x20x50xf32, #tpu.memory_space<vmem>>, vector<1x20x50xf32>
    %swap3A_193 = vector.shape_cast %swap3A_192 : vector<1x20x50xf32> to vector<20x50xf32>
    %swap3A_194 = vector.shape_cast %add3A_188 : vector<20x50xf32> to vector<1x20x50xf32>
    tpu.vector_store %arg4[%swap3A_189, %swap3A_190, %swap3A_191], %swap3A_194 {strides = array<i32>} : memref<64x20x50xf32, #tpu.memory_space<vmem>>, vector<1x20x50xf32>,
    %get3A_195 = arith.constant 392 : index
    %get3A_196 = arith.constant 0 : index
    %get3A_197 = vector.load %arg2[%get3A_195, %get3A_196] : memref<3584x128xf32, #tpu.memory_space<vmem>>, vector<50x128xf32>
    %get3A_198 = arith.constant 7 : index
    %get3A_199 = arith.constant 0 : index
    %get3A_200 = arith.constant 0 : index
    %get3A_201 = vector.load %arg1[%get3A_198, %get3A_199, %get3A_200] : memref<64x20x64xf32, #tpu.memory_space<vmem>>, vector<1x20x64xf32>
    %get3A_202 = vector.shape_cast %get3A_201 : vector<1x20x64xf32> to vector<20x64xf32>
    %slice3A_203 = vector.extract_strided_slice %get3A_197 {offsets = [0, 0], sizes = [50, 64], strides = [1, 1]} : vector<50x128xf32> to vector<50x64xf32>
    %dot_general3A_204 = arith.constant dense<0.000000e+00> : vector<20x50xf32>
    %dot_general3A_205 = tpu.matmul %get3A_202, %slice3A_203, %dot_general3A_204 {dimension_numbers = #tpu.dot_dimension_numbers<[1], [1], [0], [0], [0, 0, 1, 0], [], []>, transpose_lhs_hint = false} : vector<20x64xf32>, vector<50x64xf32>, vector<20x50xf32> -> vector<20x50xf32>
    %slice3A_206 = vector.extract_strided_slice %get3A_197 {offsets = [0, 64], sizes = [50, 64], strides = [1, 1]} : vector<50x128xf32> to vector<50x64xf32>
    %dot_general3A_207 = arith.constant dense<0.000000e+00> : vector<20x50xf32>
    %dot_general3A_208 = tpu.matmul %get3A_202, %slice3A_206, %dot_general3A_207 {dimension_numbers = #tpu.dot_dimension_numbers<[1], [1], [0], [0], [0, 0, 1, 0], [], []>, transpose_lhs_hint = false} : vector<20x64xf32>, vector<50x64xf32>, vector<20x50xf32> -> vector<20x50xf32>
    %get3A_209 = arith.constant 7 : index
    %get3A_210 = arith.constant 0 : index
    %get3A_211 = vector.load %arg3[%get3A_209, %get3A_210] : memref<64x50xf32, #tpu.memory_space<vmem>>, vector<1x50xf32>
    %get3A_212 = vector.shape_cast %get3A_211 : vector<1x50xf32> to vector<50xf32>
    %broadcast_in_dim3A_213 = vector.shape_cast %get3A_212 : vector<50xf32> to vector<1x50xf32>
    %sub3A_214 = arith.subf %dot_general3A_208, %dot_general3A_205 : vector<20x50xf32>
    %mul3A_215 = vector.broadcast %broadcast_in_dim3A_213 : vector<1x50xf32> to vector<20x50xf32>
    %mul3A_216 = arith.mulf %mul3A_215, %sub3A_214 : vector<20x50xf32>
    %add3A_217 = arith.addf %dot_general3A_205, %mul3A_216 : vector<20x50xf32>
    %swap3A_218 = arith.constant 7 : index
    %swap3A_219 = arith.constant 0 : index
    %swap3A_220 = arith.constant 0 : index
    %swap3A_221 = vector.load %arg4[%swap3A_218, %swap3A_219, %swap3A_220] : memref<64x20x50xf32, #tpu.memory_space<vmem>>, vector<1x20x50xf32>
    %swap3A_222 = vector.shape_cast %swap3A_221 : vector<1x20x50xf32> to vector<20x50xf32>
    %swap3A_223 = vector.shape_cast %add3A_217 : vector<20x50xf32> to vector<1x20x50xf32>
    tpu.vector_store %arg4[%swap3A_218, %swap3A_219, %swap3A_220], %swap3A_223 {strides = array<i32>} : memref<64x20x50xf32, #tpu.memory_space<vmem>>, vector<1x20x50xf32>,
    %get3A_224 = arith.constant 448 : index
    %get3A_225 = arith.constant 0 : index
    %get3A_226 = vector.load %arg2[%get3A_224, %get3A_225] : memref<3584x128xf32, #tpu.memory_space<vmem>>, vector<50x128xf32>
    %get3A_227 = arith.constant 8 : index
    %get3A_228 = arith.constant 0 : index
    %get3A_229 = arith.constant 0 : index
    %get3A_230 = vector.load %arg1[%get3A_227, %get3A_228, %get3A_229] : memref<64x20x64xf32, #tpu.memory_space<vmem>>, vector<1x20x64xf32>
    %get3A_231 = vector.shape_cast %get3A_230 : vector<1x20x64xf32> to vector<20x64xf32>
    %slice3A_232 = vector.extract_strided_slice %get3A_226 {offsets = [0, 0], sizes = [50, 64], strides = [1, 1]} : vector<50x128xf32> to vector<50x64xf32>
    %dot_general3A_233 = arith.constant dense<0.000000e+00> : vector<20x50xf32>
    %dot_general3A_234 = tpu.matmul %get3A_231, %slice3A_232, %dot_general3A_233 {dimension_numbers = #tpu.dot_dimension_numbers<[1], [1], [0], [0], [0, 0, 1, 0], [], []>, transpose_lhs_hint = false} : vector<20x64xf32>, vector<50x64xf32>, vector<20x50xf32> -> vector<20x50xf32>
    %slice3A_235 = vector.extract_strided_slice %get3A_226 {offsets = [0, 64], sizes = [50, 64], strides = [1, 1]} : vector<50x128xf32> to vector<50x64xf32>
    %dot_general3A_236 = arith.constant dense<0.000000e+00> : vector<20x50xf32>
    %dot_general3A_237 = tpu.matmul %get3A_231, %slice3A_235, %dot_general3A_236 {dimension_numbers = #tpu.dot_dimension_numbers<[1], [1], [0], [0], [0, 0, 1, 0], [], []>, transpose_lhs_hint = false} : vector<20x64xf32>, vector<50x64xf32>, vector<20x50xf32> -> vector<20x50xf32>
    %get3A_238 = arith.constant 8 : index
    %get3A_239 = arith.constant 0 : index
    %get3A_240 = vector.load %arg3[%get3A_238, %get3A_239] : memref<64x50xf32, #tpu.memory_space<vmem>>, vector<1x50xf32>
    %get3A_241 = vector.shape_cast %get3A_240 : vector<1x50xf32> to vector<50xf32>
    %broadcast_in_dim3A_242 = vector.shape_cast %get3A_241 : vector<50xf32> to vector<1x50xf32>
    %sub3A_243 = arith.subf %dot_general3A_237, %dot_general3A_234 : vector<20x50xf32>
    %mul3A_244 = vector.broadcast %broadcast_in_dim3A_242 : vector<1x50xf32> to vector<20x50xf32>
    %mul3A_245 = arith.mulf %mul3A_244, %sub3A_243 : vector<20x50xf32>
    %add3A_246 = arith.addf %dot_general3A_234, %mul3A_245 : vector<20x50xf32>
    %swap3A_247 = arith.constant 8 : index
    %swap3A_248 = arith.constant 0 : index
    %swap3A_249 = arith.constant 0 : index
    %swap3A_250 = vector.load %arg4[%swap3A_247, %swap3A_248, %swap3A_249] : memref<64x20x50xf32, #tpu.memory_space<vmem>>, vector<1x20x50xf32>
    %swap3A_251 = vector.shape_cast %swap3A_250 : vector<1x20x50xf32> to vector<20x50xf32>
    %swap3A_252 = vector.shape_cast %add3A_246 : vector<20x50xf32> to vector<1x20x50xf32>
    tpu.vector_store %arg4[%swap3A_247, %swap3A_248, %swap3A_249], %swap3A_252 {strides = array<i32>} : memref<64x20x50xf32, #tpu.memory_space<vmem>>, vector<1x20x50xf32>,
    %get3A_253 = arith.constant 504 : index
    %get3A_254 = arith.constant 0 : index
    %get3A_255 = vector.load %arg2[%get3A_253, %get3A_254] : memref<3584x128xf32, #tpu.memory_space<vmem>>, vector<50x128xf32>
    %get3A_256 = arith.constant 9 : index
    %get3A_257 = arith.constant 0 : index
    %get3A_258 = arith.constant 0 : index
    %get3A_259 = vector.load %arg1[%get3A_256, %get3A_257, %get3A_258] : memref<64x20x64xf32, #tpu.memory_space<vmem>>, vector<1x20x64xf32>
    %get3A_260 = vector.shape_cast %get3A_259 : vector<1x20x64xf32> to vector<20x64xf32>
    %slice3A_261 = vector.extract_strided_slice %get3A_255 {offsets = [0, 0], sizes = [50, 64], strides = [1, 1]} : vector<50x128xf32> to vector<50x64xf32>
    %dot_general3A_262 = arith.constant dense<0.000000e+00> : vector<20x50xf32>
    %dot_general3A_263 = tpu.matmul %get3A_260, %slice3A_261, %dot_general3A_262 {dimension_numbers = #tpu.dot_dimension_numbers<[1], [1], [0], [0], [0, 0, 1, 0], [], []>, transpose_lhs_hint = false} : vector<20x64xf32>, vector<50x64xf32>, vector<20x50xf32> -> vector<20x50xf32>
    %slice3A_264 = vector.extract_strided_slice %get3A_255 {offsets = [0, 64], sizes = [50, 64], strides = [1, 1]} : vector<50x128xf32> to vector<50x64xf32>
    %dot_general3A_265 = arith.constant dense<0.000000e+00> : vector<20x50xf32>
    %dot_general3A_266 = tpu.matmul %get3A_260, %slice3A_264, %dot_general3A_265 {dimension_numbers = #tpu.dot_dimension_numbers<[1], [1], [0], [0], [0, 0, 1, 0], [], []>, transpose_lhs_hint = false} : vector<20x64xf32>, vector<50x64xf32>, vector<20x50xf32> -> vector<20x50xf32>
    %get3A_267 = arith.constant 9 : index
    %get3A_268 = arith.constant 0 : index
    %get3A_269 = vector.load %arg3[%get3A_267, %get3A_268] : memref<64x50xf32, #tpu.memory_space<vmem>>, vector<1x50xf32>
    %get3A_270 = vector.shape_cast %get3A_269 : vector<1x50xf32> to vector<50xf32>
    %broadcast_in_dim3A_271 = vector.shape_cast %get3A_270 : vector<50xf32> to vector<1x50xf32>
    %sub3A_272 = arith.subf %dot_general3A_266, %dot_general3A_263 : vector<20x50xf32>
    %mul3A_273 = vector.broadcast %broadcast_in_dim3A_271 : vector<1x50xf32> to vector<20x50xf32>
    %mul3A_274 = arith.mulf %mul3A_273, %sub3A_272 : vector<20x50xf32>
    %add3A_275 = arith.addf %dot_general3A_263, %mul3A_274 : vector<20x50xf32>
    %swap3A_276 = arith.constant 9 : index
    %swap3A_277 = arith.constant 0 : index
    %swap3A_278 = arith.constant 0 : index
    %swap3A_279 = vector.load %arg4[%swap3A_276, %swap3A_277, %swap3A_278] : memref<64x20x50xf32, #tpu.memory_space<vmem>>, vector<1x20x50xf32>
    %swap3A_280 = vector.shape_cast %swap3A_279 : vector<1x20x50xf32> to vector<20x50xf32>
    %swap3A_281 = vector.shape_cast %add3A_275 : vector<20x50xf32> to vector<1x20x50xf32>
    tpu.vector_store %arg4[%swap3A_276, %swap3A_277, %swap3A_278], %swap3A_281 {strides = array<i32>} : memref<64x20x50xf32, #tpu.memory_space<vmem>>, vector<1x20x50xf32>,
    %get3A_282 = arith.constant 560 : index
    %get3A_283 = arith.constant 0 : index
    %get3A_284 = vector.load %arg2[%get3A_282, %get3A_283] : memref<3584x128xf32, #tpu.memory_space<vmem>>, vector<50x128xf32>
    %get3A_285 = arith.constant 10 : index
    %get3A_286 = arith.constant 0 : index
    %get3A_287 = arith.constant 0 : index
    %get3A_288 = vector.load %arg1[%get3A_285, %get3A_286, %get3A_287] : memref<64x20x64xf32, #tpu.memory_space<vmem>>, vector<1x20x64xf32>
    %get3A_289 = vector.shape_cast %get3A_288 : vector<1x20x64xf32> to vector<20x64xf32>
    %slice3A_290 = vector.extract_strided_slice %get3A_284 {offsets = [0, 0], sizes = [50, 64], strides = [1, 1]} : vector<50x128xf32> to vector<50x64xf32>
    %dot_general3A_291 = arith.constant dense<0.000000e+00> : vector<20x50xf32>
    %dot_general3A_292 = tpu.matmul %get3A_289, %slice3A_290, %dot_general3A_291 {dimension_numbers = #tpu.dot_dimension_numbers<[1], [1], [0], [0], [0, 0, 1, 0], [], []>, transpose_lhs_hint = false} : vector<20x64xf32>, vector<50x64xf32>, vector<20x50xf32> -> vector<20x50xf32>
    %slice3A_293 = vector.extract_strided_slice %get3A_284 {offsets = [0, 64], sizes = [50, 64], strides = [1, 1]} : vector<50x128xf32> to vector<50x64xf32>
    %dot_general3A_294 = arith.constant dense<0.000000e+00> : vector<20x50xf32>
    %dot_general3A_295 = tpu.matmul %get3A_289, %slice3A_293, %dot_general3A_294 {dimension_numbers = #tpu.dot_dimension_numbers<[1], [1], [0], [0], [0, 0, 1, 0], [], []>, transpose_lhs_hint = false} : vector<20x64xf32>, vector<50x64xf32>, vector<20x50xf32> -> vector<20x50xf32>
    %get3A_296 = arith.constant 10 : index
    %get3A_297 = arith.constant 0 : index
    %get3A_298 = vector.load %arg3[%get3A_296, %get3A_297] : memref<64x50xf32, #tpu.memory_space<vmem>>, vector<1x50xf32>
    %get3A_299 = vector.shape_cast %get3A_298 : vector<1x50xf32> to vector<50xf32>
    %broadcast_in_dim3A_300 = vector.shape_cast %get3A_299 : vector<50xf32> to vector<1x50xf32>
    %sub3A_301 = arith.subf %dot_general3A_295, %dot_general3A_292 : vector<20x50xf32>
    %mul3A_302 = vector.broadcast %broadcast_in_dim3A_300 : vector<1x50xf32> to vector<20x50xf32>
    %mul3A_303 = arith.mulf %mul3A_302, %sub3A_301 : vector<20x50xf32>
    %add3A_304 = arith.addf %dot_general3A_292, %mul3A_303 : vector<20x50xf32>
    %swap3A_305 = arith.constant 10 : index
    %swap3A_306 = arith.constant 0 : index
    %swap3A_307 = arith.constant 0 : index
    %swap3A_308 = vector.load %arg4[%swap3A_305, %swap3A_306, %swap3A_307] : memref<64x20x50xf32, #tpu.memory_space<vmem>>, vector<1x20x50xf32>
    %swap3A_309 = vector.shape_cast %swap3A_308 : vector<1x20x50xf32> to vector<20x50xf32>
    %swap3A_310 = vector.shape_cast %add3A_304 : vector<20x50xf32> to vector<1x20x50xf32>
    tpu.vector_store %arg4[%swap3A_305, %swap3A_306, %swap3A_307], %swap3A_310 {strides = array<i32>} : memref<64x20x50xf32, #tpu.memory_space<vmem>>, vector<1x20x50xf32>,
    %get3A_311 = arith.constant 616 : index
    %get3A_312 = arith.constant 0 : index
    %get3A_313 = vector.load %arg2[%get3A_311, %get3A_312] : memref<3584x128xf32, #tpu.memory_space<vmem>>, vector<50x128xf32>
    %get3A_314 = arith.constant 11 : index
    %get3A_315 = arith.constant 0 : index
    %get3A_316 = arith.constant 0 : index
    %get3A_317 = vector.load %arg1[%get3A_314, %get3A_315, %get3A_316] : memref<64x20x64xf32, #tpu.memory_space<vmem>>, vector<1x20x64xf32>
    %get3A_318 = vector.shape_cast %get3A_317 : vector<1x20x64xf32> to vector<20x64xf32>
    %slice3A_319 = vector.extract_strided_slice %get3A_313 {offsets = [0, 0], sizes = [50, 64], strides = [1, 1]} : vector<50x128xf32> to vector<50x64xf32>
    %dot_general3A_320 = arith.constant dense<0.000000e+00> : vector<20x50xf32>
    %dot_general3A_321 = tpu.matmul %get3A_318, %slice3A_319, %dot_general3A_320 {dimension_numbers = #tpu.dot_dimension_numbers<[1], [1], [0], [0], [0, 0, 1, 0], [], []>, transpose_lhs_hint = false} : vector<20x64xf32>, vector<50x64xf32>, vector<20x50xf32> -> vector<20x50xf32>
    %slice3A_322 = vector.extract_strided_slice %get3A_313 {offsets = [0, 64], sizes = [50, 64], strides = [1, 1]} : vector<50x128xf32> to vector<50x64xf32>
    %dot_general3A_323 = arith.constant dense<0.000000e+00> : vector<20x50xf32>
    %dot_general3A_324 = tpu.matmul %get3A_318, %slice3A_322, %dot_general3A_323 {dimension_numbers = #tpu.dot_dimension_numbers<[1], [1], [0], [0], [0, 0, 1, 0], [], []>, transpose_lhs_hint = false} : vector<20x64xf32>, vector<50x64xf32>, vector<20x50xf32> -> vector<20x50xf32>
    %get3A_325 = arith.constant 11 : index
    %get3A_326 = arith.constant 0 : index
    %get3A_327 = vector.load %arg3[%get3A_325, %get3A_326] : memref<64x50xf32, #tpu.memory_space<vmem>>, vector<1x50xf32>
    %get3A_328 = vector.shape_cast %get3A_327 : vector<1x50xf32> to vector<50xf32>
    %broadcast_in_dim3A_329 = vector.shape_cast %get3A_328 : vector<50xf32> to vector<1x50xf32>
    %sub3A_330 = arith.subf %dot_general3A_324, %dot_general3A_321 : vector<20x50xf32>
    %mul3A_331 = vector.broadcast %broadcast_in_dim3A_329 : vector<1x50xf32> to vector<20x50xf32>
    %mul3A_332 = arith.mulf %mul3A_331, %sub3A_330 : vector<20x50xf32>
    %add3A_333 = arith.addf %dot_general3A_321, %mul3A_332 : vector<20x50xf32>
    %swap3A_334 = arith.constant 11 : index
    %swap3A_335 = arith.constant 0 : index
    %swap3A_336 = arith.constant 0 : index
    %swap3A_337 = vector.load %arg4[%swap3A_334, %swap3A_335, %swap3A_336] : memref<64x20x50xf32, #tpu.memory_space<vmem>>, vector<1x20x50xf32>
    %swap3A_338 = vector.shape_cast %swap3A_337 : vector<1x20x50xf32> to vector<20x50xf32>
    %swap3A_339 = vector.shape_cast %add3A_333 : vector<20x50xf32> to vector<1x20x50xf32>
    tpu.vector_store %arg4[%swap3A_334, %swap3A_335, %swap3A_336], %swap3A_339 {strides = array<i32>} : memref<64x20x50xf32, #tpu.memory_space<vmem>>, vector<1x20x50xf32>,
    %get3A_340 = arith.constant 672 : index
    %get3A_341 = arith.constant 0 : index
    %get3A_342 = vector.load %arg2[%get3A_340, %get3A_341] : memref<3584x128xf32, #tpu.memory_space<vmem>>, vector<50x128xf32>
    %get3A_343 = arith.constant 12 : index
    %get3A_344 = arith.constant 0 : index
    %get3A_345 = arith.constant 0 : index
    %get3A_346 = vector.load %arg1[%get3A_343, %get3A_344, %get3A_345] : memref<64x20x64xf32, #tpu.memory_space<vmem>>, vector<1x20x64xf32>
    %get3A_347 = vector.shape_cast %get3A_346 : vector<1x20x64xf32> to vector<20x64xf32>
    %slice3A_348 = vector.extract_strided_slice %get3A_342 {offsets = [0, 0], sizes = [50, 64], strides = [1, 1]} : vector<50x128xf32> to vector<50x64xf32>
    %dot_general3A_349 = arith.constant dense<0.000000e+00> : vector<20x50xf32>
    %dot_general3A_350 = tpu.matmul %get3A_347, %slice3A_348, %dot_general3A_349 {dimension_numbers = #tpu.dot_dimension_numbers<[1], [1], [0], [0], [0, 0, 1, 0], [], []>, transpose_lhs_hint = false} : vector<20x64xf32>, vector<50x64xf32>, vector<20x50xf32> -> vector<20x50xf32>
    %slice3A_351 = vector.extract_strided_slice %get3A_342 {offsets = [0, 64], sizes = [50, 64], strides = [1, 1]} : vector<50x128xf32> to vector<50x64xf32>
    %dot_general3A_352 = arith.constant dense<0.000000e+00> : vector<20x50xf32>
    %dot_general3A_353 = tpu.matmul %get3A_347, %slice3A_351, %dot_general3A_352 {dimension_numbers = #tpu.dot_dimension_numbers<[1], [1], [0], [0], [0, 0, 1, 0], [], []>, transpose_lhs_hint = false} : vector<20x64xf32>, vector<50x64xf32>, vector<20x50xf32> -> vector<20x50xf32>
    %get3A_354 = arith.constant 12 : index
    %get3A_355 = arith.constant 0 : index
    %get3A_356 = vector.load %arg3[%get3A_354, %get3A_355] : memref<64x50xf32, #tpu.memory_space<vmem>>, vector<1x50xf32>
    %get3A_357 = vector.shape_cast %get3A_356 : vector<1x50xf32> to vector<50xf32>
    %broadcast_in_dim3A_358 = vector.shape_cast %get3A_357 : vector<50xf32> to vector<1x50xf32>
    %sub3A_359 = arith.subf %dot_general3A_353, %dot_general3A_350 : vector<20x50xf32>
    %mul3A_360 = vector.broadcast %broadcast_in_dim3A_358 : vector<1x50xf32> to vector<20x50xf32>
    %mul3A_361 = arith.mulf %mul3A_360, %sub3A_359 : vector<20x50xf32>
    %add3A_362 = arith.addf %dot_general3A_350, %mul3A_361 : vector<20x50xf32>
    %swap3A_363 = arith.constant 12 : index
    %swap3A_364 = arith.constant 0 : index
    %swap3A_365 = arith.constant 0 : index
    %swap3A_366 = vector.load %arg4[%swap3A_363, %swap3A_364, %swap3A_365] : memref<64x20x50xf32, #tpu.memory_space<vmem>>, vector<1x20x50xf32>
    %swap3A_367 = vector.shape_cast %swap3A_366 : vector<1x20x50xf32> to vector<20x50xf32>
    %swap3A_368 = vector.shape_cast %add3A_362 : vector<20x50xf32> to vector<1x20x50xf32>
    tpu.vector_store %arg4[%swap3A_363, %swap3A_364, %swap3A_365], %swap3A_368 {strides = array<i32>} : memref<64x20x50xf32, #tpu.memory_space<vmem>>, vector<1x20x50xf32>,
    %get3A_369 = arith.constant 728 : index
    %get3A_370 = arith.constant 0 : index
    %get3A_371 = vector.load %arg2[%get3A_369, %get3A_370] : memref<3584x128xf32, #tpu.memory_space<vmem>>, vector<50x128xf32>
    %get3A_372 = arith.constant 13 : index
    %get3A_373 = arith.constant 0 : index
    %get3A_374 = arith.constant 0 : index
    %get3A_375 = vector.load %arg1[%get3A_372, %get3A_373, %get3A_374] : memref<64x20x64xf32, #tpu.memory_space<vmem>>, vector<1x20x64xf32>
    %get3A_376 = vector.shape_cast %get3A_375 : vector<1x20x64xf32> to vector<20x64xf32>
    %slice3A_377 = vector.extract_strided_slice %get3A_371 {offsets = [0, 0], sizes = [50, 64], strides = [1, 1]} : vector<50x128xf32> to vector<50x64xf32>
    %dot_general3A_378 = arith.constant dense<0.000000e+00> : vector<20x50xf32>
    %dot_general3A_379 = tpu.matmul %get3A_376, %slice3A_377, %dot_general3A_378 {dimension_numbers = #tpu.dot_dimension_numbers<[1], [1], [0], [0], [0, 0, 1, 0], [], []>, transpose_lhs_hint = false} : vector<20x64xf32>, vector<50x64xf32>, vector<20x50xf32> -> vector<20x50xf32>
    %slice3A_380 = vector.extract_strided_slice %get3A_371 {offsets = [0, 64], sizes = [50, 64], strides = [1, 1]} : vector<50x128xf32> to vector<50x64xf32>
    %dot_general3A_381 = arith.constant dense<0.000000e+00> : vector<20x50xf32>
    %dot_general3A_382 = tpu.matmul %get3A_376, %slice3A_380, %dot_general3A_381 {dimension_numbers = #tpu.dot_dimension_numbers<[1], [1], [0], [0], [0, 0, 1, 0], [], []>, transpose_lhs_hint = false} : vector<20x64xf32>, vector<50x64xf32>, vector<20x50xf32> -> vector<20x50xf32>
    %get3A_383 = arith.constant 13 : index
    %get3A_384 = arith.constant 0 : index
    %get3A_385 = vector.load %arg3[%get3A_383, %get3A_384] : memref<64x50xf32, #tpu.memory_space<vmem>>, vector<1x50xf32>
    %get3A_386 = vector.shape_cast %get3A_385 : vector<1x50xf32> to vector<50xf32>
    %broadcast_in_dim3A_387 = vector.shape_cast %get3A_386 : vector<50xf32> to vector<1x50xf32>
    %sub3A_388 = arith.subf %dot_general3A_382, %dot_general3A_379 : vector<20x50xf32>
    %mul3A_389 = vector.broadcast %broadcast_in_dim3A_387 : vector<1x50xf32> to vector<20x50xf32>
    %mul3A_390 = arith.mulf %mul3A_389, %sub3A_388 : vector<20x50xf32>
    %add3A_391 = arith.addf %dot_general3A_379, %mul3A_390 : vector<20x50xf32>
    %swap3A_392 = arith.constant 13 : index
    %swap3A_393 = arith.constant 0 : index
    %swap3A_394 = arith.constant 0 : index
    %swap3A_395 = vector.load %arg4[%swap3A_392, %swap3A_393, %swap3A_394] : memref<64x20x50xf32, #tpu.memory_space<vmem>>, vector<1x20x50xf32>
    %swap3A_396 = vector.shape_cast %swap3A_395 : vector<1x20x50xf32> to vector<20x50xf32>
    %swap3A_397 = vector.shape_cast %add3A_391 : vector<20x50xf32> to vector<1x20x50xf32>
    tpu.vector_store %arg4[%swap3A_392, %swap3A_393, %swap3A_394], %swap3A_397 {strides = array<i32>} : memref<64x20x50xf32, #tpu.memory_space<vmem>>, vector<1x20x50xf32>,
    %get3A_398 = arith.constant 784 : index
    %get3A_399 = arith.constant 0 : index
    %get3A_400 = vector.load %arg2[%get3A_398, %get3A_399] : memref<3584x128xf32, #tpu.memory_space<vmem>>, vector<50x128xf32>
    %get3A_401 = arith.constant 14 : index
    %get3A_402 = arith.constant 0 : index
    %get3A_403 = arith.constant 0 : index
    %get3A_404 = vector.load %arg1[%get3A_401, %get3A_402, %get3A_403] : memref<64x20x64xf32, #tpu.memory_space<vmem>>, vector<1x20x64xf32>
    %get3A_405 = vector.shape_cast %get3A_404 : vector<1x20x64xf32> to vector<20x64xf32>
    %slice3A_406 = vector.extract_strided_slice %get3A_400 {offsets = [0, 0], sizes = [50, 64], strides = [1, 1]} : vector<50x128xf32> to vector<50x64xf32>
    %dot_general3A_407 = arith.constant dense<0.000000e+00> : vector<20x50xf32>
    %dot_general3A_408 = tpu.matmul %get3A_405, %slice3A_406, %dot_general3A_407 {dimension_numbers = #tpu.dot_dimension_numbers<[1], [1], [0], [0], [0, 0, 1, 0], [], []>, transpose_lhs_hint = false} : vector<20x64xf32>, vector<50x64xf32>, vector<20x50xf32> -> vector<20x50xf32>
    %slice3A_409 = vector.extract_strided_slice %get3A_400 {offsets = [0, 64], sizes = [50, 64], strides = [1, 1]} : vector<50x128xf32> to vector<50x64xf32>
    %dot_general3A_410 = arith.constant dense<0.000000e+00> : vector<20x50xf32>
    %dot_general3A_411 = tpu.matmul %get3A_405, %slice3A_409, %dot_general3A_410 {dimension_numbers = #tpu.dot_dimension_numbers<[1], [1], [0], [0], [0, 0, 1, 0], [], []>, transpose_lhs_hint = false} : vector<20x64xf32>, vector<50x64xf32>, vector<20x50xf32> -> vector<20x50xf32>
    %get3A_412 = arith.constant 14 : index
    %get3A_413 = arith.constant 0 : index
    %get3A_414 = vector.load %arg3[%get3A_412, %get3A_413] : memref<64x50xf32, #tpu.memory_space<vmem>>, vector<1x50xf32>
    %get3A_415 = vector.shape_cast %get3A_414 : vector<1x50xf32> to vector<50xf32>
    %broadcast_in_dim3A_416 = vector.shape_cast %get3A_415 : vector<50xf32> to vector<1x50xf32>
    %sub3A_417 = arith.subf %dot_general3A_411, %dot_general3A_408 : vector<20x50xf32>
    %mul3A_418 = vector.broadcast %broadcast_in_dim3A_416 : vector<1x50xf32> to vector<20x50xf32>
    %mul3A_419 = arith.mulf %mul3A_418, %sub3A_417 : vector<20x50xf32>
    %add3A_420 = arith.addf %dot_general3A_408, %mul3A_419 : vector<20x50xf32>
    %swap3A_421 = arith.constant 14 : index
    %swap3A_422 = arith.constant 0 : index
    %swap3A_423 = arith.constant 0 : index
    %swap3A_424 = vector.load %arg4[%swap3A_421, %swap3A_422, %swap3A_423] : memref<64x20x50xf32, #tpu.memory_space<vmem>>, vector<1x20x50xf32>
    %swap3A_425 = vector.shape_cast %swap3A_424 : vector<1x20x50xf32> to vector<20x50xf32>
    %swap3A_426 = vector.shape_cast %add3A_420 : vector<20x50xf32> to vector<1x20x50xf32>
    tpu.vector_store %arg4[%swap3A_421, %swap3A_422, %swap3A_423], %swap3A_426 {strides = array<i32>} : memref<64x20x50xf32, #tpu.memory_space<vmem>>, vector<1x20x50xf32>,
    %get3A_427 = arith.constant 840 : index
    %get3A_428 = arith.constant 0 : index
    %get3A_429 = vector.load %arg2[%get3A_427, %get3A_428] : memref<3584x128xf32, #tpu.memory_space<vmem>>, vector<50x128xf32>
    %get3A_430 = arith.constant 15 : index
    %get3A_431 = arith.constant 0 : index
    %get3A_432 = arith.constant 0 : index
    %get3A_433 = vector.load %arg1[%get3A_430, %get3A_431, %get3A_432] : memref<64x20x64xf32, #tpu.memory_space<vmem>>, vector<1x20x64xf32>
    %get3A_434 = vector.shape_cast %get3A_433 : vector<1x20x64xf32> to vector<20x64xf32>
    %slice3A_435 = vector.extract_strided_slice %get3A_429 {offsets = [0, 0], sizes = [50, 64], strides = [1, 1]} : vector<50x128xf32> to vector<50x64xf32>
    %dot_general3A_436 = arith.constant dense<0.000000e+00> : vector<20x50xf32>
    %dot_general3A_437 = tpu.matmul %get3A_434, %slice3A_435, %dot_general3A_436 {dimension_numbers = #tpu.dot_dimension_numbers<[1], [1], [0], [0], [0, 0, 1, 0], [], []>, transpose_lhs_hint = false} : vector<20x64xf32>, vector<50x64xf32>, vector<20x50xf32> -> vector<20x50xf32>
    %slice3A_438 = vector.extract_strided_slice %get3A_429 {offsets = [0, 64], sizes = [50, 64], strides = [1, 1]} : vector<50x128xf32> to vector<50x64xf32>
    %dot_general3A_439 = arith.constant dense<0.000000e+00> : vector<20x50xf32>
    %dot_general3A_440 = tpu.matmul %get3A_434, %slice3A_438, %dot_general3A_439 {dimension_numbers = #tpu.dot_dimension_numbers<[1], [1], [0], [0], [0, 0, 1, 0], [], []>, transpose_lhs_hint = false} : vector<20x64xf32>, vector<50x64xf32>, vector<20x50xf32> -> vector<20x50xf32>
    %get3A_441 = arith.constant 15 : index
    %get3A_442 = arith.constant 0 : index
    %get3A_443 = vector.load %arg3[%get3A_441, %get3A_442] : memref<64x50xf32, #tpu.memory_space<vmem>>, vector<1x50xf32>
    %get3A_444 = vector.shape_cast %get3A_443 : vector<1x50xf32> to vector<50xf32>
    %broadcast_in_dim3A_445 = vector.shape_cast %get3A_444 : vector<50xf32> to vector<1x50xf32>
    %sub3A_446 = arith.subf %dot_general3A_440, %dot_general3A_437 : vector<20x50xf32>
    %mul3A_447 = vector.broadcast %broadcast_in_dim3A_445 : vector<1x50xf32> to vector<20x50xf32>
    %mul3A_448 = arith.mulf %mul3A_447, %sub3A_446 : vector<20x50xf32>
    %add3A_449 = arith.addf %dot_general3A_437, %mul3A_448 : vector<20x50xf32>
    %swap3A_450 = arith.constant 15 : index
    %swap3A_451 = arith.constant 0 : index
    %swap3A_452 = arith.constant 0 : index
    %swap3A_453 = vector.load %arg4[%swap3A_450, %swap3A_451, %swap3A_452] : memref<64x20x50xf32, #tpu.memory_space<vmem>>, vector<1x20x50xf32>
    %swap3A_454 = vector.shape_cast %swap3A_453 : vector<1x20x50xf32> to vector<20x50xf32>
    %swap3A_455 = vector.shape_cast %add3A_449 : vector<20x50xf32> to vector<1x20x50xf32>
    tpu.vector_store %arg4[%swap3A_450, %swap3A_451, %swap3A_452], %swap3A_455 {strides = array<i32>} : memref<64x20x50xf32, #tpu.memory_space<vmem>>, vector<1x20x50xf32>,
    %get3A_456 = arith.constant 896 : index
    %get3A_457 = arith.constant 0 : index
    %get3A_458 = vector.load %arg2[%get3A_456, %get3A_457] : memref<3584x128xf32, #tpu.memory_space<vmem>>, vector<50x128xf32>
    %get3A_459 = arith.constant 16 : index
    %get3A_460 = arith.constant 0 : index
    %get3A_461 = arith.constant 0 : index
    %get3A_462 = vector.load %arg1[%get3A_459, %get3A_460, %get3A_461] : memref<64x20x64xf32, #tpu.memory_space<vmem>>, vector<1x20x64xf32>
    %get3A_463 = vector.shape_cast %get3A_462 : vector<1x20x64xf32> to vector<20x64xf32>
    %slice3A_464 = vector.extract_strided_slice %get3A_458 {offsets = [0, 0], sizes = [50, 64], strides = [1, 1]} : vector<50x128xf32> to vector<50x64xf32>
    %dot_general3A_465 = arith.constant dense<0.000000e+00> : vector<20x50xf32>
    %dot_general3A_466 = tpu.matmul %get3A_463, %slice3A_464, %dot_general3A_465 {dimension_numbers = #tpu.dot_dimension_numbers<[1], [1], [0], [0], [0, 0, 1, 0], [], []>, transpose_lhs_hint = false} : vector<20x64xf32>, vector<50x64xf32>, vector<20x50xf32> -> vector<20x50xf32>
    %slice3A_467 = vector.extract_strided_slice %get3A_458 {offsets = [0, 64], sizes = [50, 64], strides = [1, 1]} : vector<50x128xf32> to vector<50x64xf32>
    %dot_general3A_468 = arith.constant dense<0.000000e+00> : vector<20x50xf32>
    %dot_general3A_469 = tpu.matmul %get3A_463, %slice3A_467, %dot_general3A_468 {dimension_numbers = #tpu.dot_dimension_numbers<[1], [1], [0], [0], [0, 0, 1, 0], [], []>, transpose_lhs_hint = false} : vector<20x64xf32>, vector<50x64xf32>, vector<20x50xf32> -> vector<20x50xf32>
    %get3A_470 = arith.constant 16 : index
    %get3A_471 = arith.constant 0 : index
    %get3A_472 = vector.load %arg3[%get3A_470, %get3A_471] : memref<64x50xf32, #tpu.memory_space<vmem>>, vector<1x50xf32>
    %get3A_473 = vector.shape_cast %get3A_472 : vector<1x50xf32> to vector<50xf32>
    %broadcast_in_dim3A_474 = vector.shape_cast %get3A_473 : vector<50xf32> to vector<1x50xf32>
    %sub3A_475 = arith.subf %dot_general3A_469, %dot_general3A_466 : vector<20x50xf32>
    %mul3A_476 = vector.broadcast %broadcast_in_dim3A_474 : vector<1x50xf32> to vector<20x50xf32>
    %mul3A_477 = arith.mulf %mul3A_476, %sub3A_475 : vector<20x50xf32>
    %add3A_478 = arith.addf %dot_general3A_466, %mul3A_477 : vector<20x50xf32>
    %swap3A_479 = arith.constant 16 : index
    %swap3A_480 = arith.constant 0 : index
    %swap3A_481 = arith.constant 0 : index
    %swap3A_482 = vector.load %arg4[%swap3A_479, %swap3A_480, %swap3A_481] : memref<64x20x50xf32, #tpu.memory_space<vmem>>, vector<1x20x50xf32>
    %swap3A_483 = vector.shape_cast %swap3A_482 : vector<1x20x50xf32> to vector<20x50xf32>
    %swap3A_484 = vector.shape_cast %add3A_478 : vector<20x50xf32> to vector<1x20x50xf32>
    tpu.vector_store %arg4[%swap3A_479, %swap3A_480, %swap3A_481], %swap3A_484 {strides = array<i32>} : memref<64x20x50xf32, #tpu.memory_space<vmem>>, vector<1x20x50xf32>,
    %get3A_485 = arith.constant 952 : index
    %get3A_486 = arith.constant 0 : index
    %get3A_487 = vector.load %arg2[%get3A_485, %get3A_486] : memref<3584x128xf32, #tpu.memory_space<vmem>>, vector<50x128xf32>
    %get3A_488 = arith.constant 17 : index
    %get3A_489 = arith.constant 0 : index
    %get3A_490 = arith.constant 0 : index
    %get3A_491 = vector.load %arg1[%get3A_488, %get3A_489, %get3A_490] : memref<64x20x64xf32, #tpu.memory_space<vmem>>, vector<1x20x64xf32>
    %get3A_492 = vector.shape_cast %get3A_491 : vector<1x20x64xf32> to vector<20x64xf32>
    %slice3A_493 = vector.extract_strided_slice %get3A_487 {offsets = [0, 0], sizes = [50, 64], strides = [1, 1]} : vector<50x128xf32> to vector<50x64xf32>
    %dot_general3A_494 = arith.constant dense<0.000000e+00> : vector<20x50xf32>
    %dot_general3A_495 = tpu.matmul %get3A_492, %slice3A_493, %dot_general3A_494 {dimension_numbers = #tpu.dot_dimension_numbers<[1], [1], [0], [0], [0, 0, 1, 0], [], []>, transpose_lhs_hint = false} : vector<20x64xf32>, vector<50x64xf32>, vector<20x50xf32> -> vector<20x50xf32>
    %slice3A_496 = vector.extract_strided_slice %get3A_487 {offsets = [0, 64], sizes = [50, 64], strides = [1, 1]} : vector<50x128xf32> to vector<50x64xf32>
    %dot_general3A_497 = arith.constant dense<0.000000e+00> : vector<20x50xf32>
    %dot_general3A_498 = tpu.matmul %get3A_492, %slice3A_496, %dot_general3A_497 {dimension_numbers = #tpu.dot_dimension_numbers<[1], [1], [0], [0], [0, 0, 1, 0], [], []>, transpose_lhs_hint = false} : vector<20x64xf32>, vector<50x64xf32>, vector<20x50xf32> -> vector<20x50xf32>
    %get3A_499 = arith.constant 17 : index
    %get3A_500 = arith.constant 0 : index
    %get3A_501 = vector.load %arg3[%get3A_499, %get3A_500] : memref<64x50xf32, #tpu.memory_space<vmem>>, vector<1x50xf32>
    %get3A_502 = vector.shape_cast %get3A_501 : vector<1x50xf32> to vector<50xf32>
    %broadcast_in_dim3A_503 = vector.shape_cast %get3A_502 : vector<50xf32> to vector<1x50xf32>
    %sub3A_504 = arith.subf %dot_general3A_498, %dot_general3A_495 : vector<20x50xf32>
    %mul3A_505 = vector.broadcast %broadcast_in_dim3A_503 : vector<1x50xf32> to vector<20x50xf32>
    %mul3A_506 = arith.mulf %mul3A_505, %sub3A_504 : vector<20x50xf32>
    %add3A_507 = arith.addf %dot_general3A_495, %mul3A_506 : vector<20x50xf32>
    %swap3A_508 = arith.constant 17 : index
    %swap3A_509 = arith.constant 0 : index
    %swap3A_510 = arith.constant 0 : index
    %swap3A_511 = vector.load %arg4[%swap3A_508, %swap3A_509, %swap3A_510] : memref<64x20x50xf32, #tpu.memory_space<vmem>>, vector<1x20x50xf32>
    %swap3A_512 = vector.shape_cast %swap3A_511 : vector<1x20x50xf32> to vector<20x50xf32>
    %swap3A_513 = vector.shape_cast %add3A_507 : vector<20x50xf32> to vector<1x20x50xf32>
    tpu.vector_store %arg4[%swap3A_508, %swap3A_509, %swap3A_510], %swap3A_513 {strides = array<i32>} : memref<64x20x50xf32, #tpu.memory_space<vmem>>, vector<1x20x50xf32>,
    %get3A_514 = arith.constant 1008 : index
    %get3A_515 = arith.constant 0 : index
    %get3A_516 = vector.load %arg2[%get3A_514, %get3A_515] : memref<3584x128xf32, #tpu.memory_space<vmem>>, vector<50x128xf32>
    %get3A_517 = arith.constant 18 : index
    %get3A_518 = arith.constant 0 : index
    %get3A_519 = arith.constant 0 : index
    %get3A_520 = vector.load %arg1[%get3A_517, %get3A_518, %get3A_519] : memref<64x20x64xf32, #tpu.memory_space<vmem>>, vector<1x20x64xf32>
    %get3A_521 = vector.shape_cast %get3A_520 : vector<1x20x64xf32> to vector<20x64xf32>
    %slice3A_522 = vector.extract_strided_slice %get3A_516 {offsets = [0, 0], sizes = [50, 64], strides = [1, 1]} : vector<50x128xf32> to vector<50x64xf32>
    %dot_general3A_523 = arith.constant dense<0.000000e+00> : vector<20x50xf32>
    %dot_general3A_524 = tpu.matmul %get3A_521, %slice3A_522, %dot_general3A_523 {dimension_numbers = #tpu.dot_dimension_numbers<[1], [1], [0], [0], [0, 0, 1, 0], [], []>, transpose_lhs_hint = false} : vector<20x64xf32>, vector<50x64xf32>, vector<20x50xf32> -> vector<20x50xf32>
    %slice3A_525 = vector.extract_strided_slice %get3A_516 {offsets = [0, 64], sizes = [50, 64], strides = [1, 1]} : vector<50x128xf32> to vector<50x64xf32>
    %dot_general3A_526 = arith.constant dense<0.000000e+00> : vector<20x50xf32>
    %dot_general3A_527 = tpu.matmul %get3A_521, %slice3A_525, %dot_general3A_526 {dimension_numbers = #tpu.dot_dimension_numbers<[1], [1], [0], [0], [0, 0, 1, 0], [], []>, transpose_lhs_hint = false} : vector<20x64xf32>, vector<50x64xf32>, vector<20x50xf32> -> vector<20x50xf32>
    %get3A_528 = arith.constant 18 : index
    %get3A_529 = arith.constant 0 : index
    %get3A_530 = vector.load %arg3[%get3A_528, %get3A_529] : memref<64x50xf32, #tpu.memory_space<vmem>>, vector<1x50xf32>
    %get3A_531 = vector.shape_cast %get3A_530 : vector<1x50xf32> to vector<50xf32>
    %broadcast_in_dim3A_532 = vector.shape_cast %get3A_531 : vector<50xf32> to vector<1x50xf32>
    %sub3A_533 = arith.subf %dot_general3A_527, %dot_general3A_524 : vector<20x50xf32>
    %mul3A_534 = vector.broadcast %broadcast_in_dim3A_532 : vector<1x50xf32> to vector<20x50xf32>
    %mul3A_535 = arith.mulf %mul3A_534, %sub3A_533 : vector<20x50xf32>
    %add3A_536 = arith.addf %dot_general3A_524, %mul3A_535 : vector<20x50xf32>
    %swap3A_537 = arith.constant 18 : index
    %swap3A_538 = arith.constant 0 : index
    %swap3A_539 = arith.constant 0 : index
    %swap3A_540 = vector.load %arg4[%swap3A_537, %swap3A_538, %swap3A_539] : memref<64x20x50xf32, #tpu.memory_space<vmem>>, vector<1x20x50xf32>
    %swap3A_541 = vector.shape_cast %swap3A_540 : vector<1x20x50xf32> to vector<20x50xf32>
    %swap3A_542 = vector.shape_cast %add3A_536 : vector<20x50xf32> to vector<1x20x50xf32>
    tpu.vector_store %arg4[%swap3A_537, %swap3A_538, %swap3A_539], %swap3A_542 {strides = array<i32>} : memref<64x20x50xf32, #tpu.memory_space<vmem>>, vector<1x20x50xf32>,
    %get3A_543 = arith.constant 1064 : index
    %get3A_544 = arith.constant 0 : index
    %get3A_545 = vector.load %arg2[%get3A_543, %get3A_544] : memref<3584x128xf32, #tpu.memory_space<vmem>>, vector<50x128xf32>
    %get3A_546 = arith.constant 19 : index
    %get3A_547 = arith.constant 0 : index
    %get3A_548 = arith.constant 0 : index
    %get3A_549 = vector.load %arg1[%get3A_546, %get3A_547, %get3A_548] : memref<64x20x64xf32, #tpu.memory_space<vmem>>, vector<1x20x64xf32>
    %get3A_550 = vector.shape_cast %get3A_549 : vector<1x20x64xf32> to vector<20x64xf32>
    %slice3A_551 = vector.extract_strided_slice %get3A_545 {offsets = [0, 0], sizes = [50, 64], strides = [1, 1]} : vector<50x128xf32> to vector<50x64xf32>
    %dot_general3A_552 = arith.constant dense<0.000000e+00> : vector<20x50xf32>
    %dot_general3A_553 = tpu.matmul %get3A_550, %slice3A_551, %dot_general3A_552 {dimension_numbers = #tpu.dot_dimension_numbers<[1], [1], [0], [0], [0, 0, 1, 0], [], []>, transpose_lhs_hint = false} : vector<20x64xf32>, vector<50x64xf32>, vector<20x50xf32> -> vector<20x50xf32>
    %slice3A_554 = vector.extract_strided_slice %get3A_545 {offsets = [0, 64], sizes = [50, 64], strides = [1, 1]} : vector<50x128xf32> to vector<50x64xf32>
    %dot_general3A_555 = arith.constant dense<0.000000e+00> : vector<20x50xf32>
    %dot_general3A_556 = tpu.matmul %get3A_550, %slice3A_554, %dot_general3A_555 {dimension_numbers = #tpu.dot_dimension_numbers<[1], [1], [0], [0], [0, 0, 1, 0], [], []>, transpose_lhs_hint = false} : vector<20x64xf32>, vector<50x64xf32>, vector<20x50xf32> -> vector<20x50xf32>
    %get3A_557 = arith.constant 19 : index
    %get3A_558 = arith.constant 0 : index
    %get3A_559 = vector.load %arg3[%get3A_557, %get3A_558] : memref<64x50xf32, #tpu.memory_space<vmem>>, vector<1x50xf32>
    %get3A_560 = vector.shape_cast %get3A_559 : vector<1x50xf32> to vector<50xf32>
    %broadcast_in_dim3A_561 = vector.shape_cast %get3A_560 : vector<50xf32> to vector<1x50xf32>
    %sub3A_562 = arith.subf %dot_general3A_556, %dot_general3A_553 : vector<20x50xf32>
    %mul3A_563 = vector.broadcast %broadcast_in_dim3A_561 : vector<1x50xf32> to vector<20x50xf32>
    %mul3A_564 = arith.mulf %mul3A_563, %sub3A_562 : vector<20x50xf32>
    %add3A_565 = arith.addf %dot_general3A_553, %mul3A_564 : vector<20x50xf32>
    %swap3A_566 = arith.constant 19 : index
    %swap3A_567 = arith.constant 0 : index
    %swap3A_568 = arith.constant 0 : index
    %swap3A_569 = vector.load %arg4[%swap3A_566, %swap3A_567, %swap3A_568] : memref<64x20x50xf32, #tpu.memory_space<vmem>>, vector<1x20x50xf32>
    %swap3A_570 = vector.shape_cast %swap3A_569 : vector<1x20x50xf32> to vector<20x50xf32>
    %swap3A_571 = vector.shape_cast %add3A_565 : vector<20x50xf32> to vector<1x20x50xf32>
    tpu.vector_store %arg4[%swap3A_566, %swap3A_567, %swap3A_568], %swap3A_571 {strides = array<i32>} : memref<64x20x50xf32, #tpu.memory_space<vmem>>, vector<1x20x50xf32>,
    %get3A_572 = arith.constant 1120 : index
    %get3A_573 = arith.constant 0 : index
    %get3A_574 = vector.load %arg2[%get3A_572, %get3A_573] : memref<3584x128xf32, #tpu.memory_space<vmem>>, vector<50x128xf32>
    %get3A_575 = arith.constant 20 : index
    %get3A_576 = arith.constant 0 : index
    %get3A_577 = arith.constant 0 : index
    %get3A_578 = vector.load %arg1[%get3A_575, %get3A_576, %get3A_577] : memref<64x20x64xf32, #tpu.memory_space<vmem>>, vector<1x20x64xf32>
    %get3A_579 = vector.shape_cast %get3A_578 : vector<1x20x64xf32> to vector<20x64xf32>
    %slice3A_580 = vector.extract_strided_slice %get3A_574 {offsets = [0, 0], sizes = [50, 64], strides = [1, 1]} : vector<50x128xf32> to vector<50x64xf32>
    %dot_general3A_581 = arith.constant dense<0.000000e+00> : vector<20x50xf32>
    %dot_general3A_582 = tpu.matmul %get3A_579, %slice3A_580, %dot_general3A_581 {dimension_numbers = #tpu.dot_dimension_numbers<[1], [1], [0], [0], [0, 0, 1, 0], [], []>, transpose_lhs_hint = false} : vector<20x64xf32>, vector<50x64xf32>, vector<20x50xf32> -> vector<20x50xf32>
    %slice3A_583 = vector.extract_strided_slice %get3A_574 {offsets = [0, 64], sizes = [50, 64], strides = [1, 1]} : vector<50x128xf32> to vector<50x64xf32>
    %dot_general3A_584 = arith.constant dense<0.000000e+00> : vector<20x50xf32>
    %dot_general3A_585 = tpu.matmul %get3A_579, %slice3A_583, %dot_general3A_584 {dimension_numbers = #tpu.dot_dimension_numbers<[1], [1], [0], [0], [0, 0, 1, 0], [], []>, transpose_lhs_hint = false} : vector<20x64xf32>, vector<50x64xf32>, vector<20x50xf32> -> vector<20x50xf32>
    %get3A_586 = arith.constant 20 : index
    %get3A_587 = arith.constant 0 : index
    %get3A_588 = vector.load %arg3[%get3A_586, %get3A_587] : memref<64x50xf32, #tpu.memory_space<vmem>>, vector<1x50xf32>
    %get3A_589 = vector.shape_cast %get3A_588 : vector<1x50xf32> to vector<50xf32>
    %broadcast_in_dim3A_590 = vector.shape_cast %get3A_589 : vector<50xf32> to vector<1x50xf32>
    %sub3A_591 = arith.subf %dot_general3A_585, %dot_general3A_582 : vector<20x50xf32>
    %mul3A_592 = vector.broadcast %broadcast_in_dim3A_590 : vector<1x50xf32> to vector<20x50xf32>
    %mul3A_593 = arith.mulf %mul3A_592, %sub3A_591 : vector<20x50xf32>
    %add3A_594 = arith.addf %dot_general3A_582, %mul3A_593 : vector<20x50xf32>
    %swap3A_595 = arith.constant 20 : index
    %swap3A_596 = arith.constant 0 : index
    %swap3A_597 = arith.constant 0 : index
    %swap3A_598 = vector.load %arg4[%swap3A_595, %swap3A_596, %swap3A_597] : memref<64x20x50xf32, #tpu.memory_space<vmem>>, vector<1x20x50xf32>
    %swap3A_599 = vector.shape_cast %swap3A_598 : vector<1x20x50xf32> to vector<20x50xf32>
    %swap3A_600 = vector.shape_cast %add3A_594 : vector<20x50xf32> to vector<1x20x50xf32>
    tpu.vector_store %arg4[%swap3A_595, %swap3A_596, %swap3A_597], %swap3A_600 {strides = array<i32>} : memref<64x20x50xf32, #tpu.memory_space<vmem>>, vector<1x20x50xf32>,
    %get3A_601 = arith.constant 1176 : index
    %get3A_602 = arith.constant 0 : index
    %get3A_603 = vector.load %arg2[%get3A_601, %get3A_602] : memref<3584x128xf32, #tpu.memory_space<vmem>>, vector<50x128xf32>
    %get3A_604 = arith.constant 21 : index
    %get3A_605 = arith.constant 0 : index
    %get3A_606 = arith.constant 0 : index
    %get3A_607 = vector.load %arg1[%get3A_604, %get3A_605, %get3A_606] : memref<64x20x64xf32, #tpu.memory_space<vmem>>, vector<1x20x64xf32>
    %get3A_608 = vector.shape_cast %get3A_607 : vector<1x20x64xf32> to vector<20x64xf32>
    %slice3A_609 = vector.extract_strided_slice %get3A_603 {offsets = [0, 0], sizes = [50, 64], strides = [1, 1]} : vector<50x128xf32> to vector<50x64xf32>
    %dot_general3A_610 = arith.constant dense<0.000000e+00> : vector<20x50xf32>
    %dot_general3A_611 = tpu.matmul %get3A_608, %slice3A_609, %dot_general3A_610 {dimension_numbers = #tpu.dot_dimension_numbers<[1], [1], [0], [0], [0, 0, 1, 0], [], []>, transpose_lhs_hint = false} : vector<20x64xf32>, vector<50x64xf32>, vector<20x50xf32> -> vector<20x50xf32>
    %slice3A_612 = vector.extract_strided_slice %get3A_603 {offsets = [0, 64], sizes = [50, 64], strides = [1, 1]} : vector<50x128xf32> to vector<50x64xf32>
    %dot_general3A_613 = arith.constant dense<0.000000e+00> : vector<20x50xf32>
    %dot_general3A_614 = tpu.matmul %get3A_608, %slice3A_612, %dot_general3A_613 {dimension_numbers = #tpu.dot_dimension_numbers<[1], [1], [0], [0], [0, 0, 1, 0], [], []>, transpose_lhs_hint = false} : vector<20x64xf32>, vector<50x64xf32>, vector<20x50xf32> -> vector<20x50xf32>
    %get3A_615 = arith.constant 21 : index
    %get3A_616 = arith.constant 0 : index
    %get3A_617 = vector.load %arg3[%get3A_615, %get3A_616] : memref<64x50xf32, #tpu.memory_space<vmem>>, vector<1x50xf32>
    %get3A_618 = vector.shape_cast %get3A_617 : vector<1x50xf32> to vector<50xf32>
    %broadcast_in_dim3A_619 = vector.shape_cast %get3A_618 : vector<50xf32> to vector<1x50xf32>
    %sub3A_620 = arith.subf %dot_general3A_614, %dot_general3A_611 : vector<20x50xf32>
    %mul3A_621 = vector.broadcast %broadcast_in_dim3A_619 : vector<1x50xf32> to vector<20x50xf32>
    %mul3A_622 = arith.mulf %mul3A_621, %sub3A_620 : vector<20x50xf32>
    %add3A_623 = arith.addf %dot_general3A_611, %mul3A_622 : vector<20x50xf32>
    %swap3A_624 = arith.constant 21 : index
    %swap3A_625 = arith.constant 0 : index
    %swap3A_626 = arith.constant 0 : index
    %swap3A_627 = vector.load %arg4[%swap3A_624, %swap3A_625, %swap3A_626] : memref<64x20x50xf32, #tpu.memory_space<vmem>>, vector<1x20x50xf32>
    %swap3A_628 = vector.shape_cast %swap3A_627 : vector<1x20x50xf32> to vector<20x50xf32>
    %swap3A_629 = vector.shape_cast %add3A_623 : vector<20x50xf32> to vector<1x20x50xf32>
    tpu.vector_store %arg4[%swap3A_624, %swap3A_625, %swap3A_626], %swap3A_629 {strides = array<i32>} : memref<64x20x50xf32, #tpu.memory_space<vmem>>, vector<1x20x50xf32>,
    %get3A_630 = arith.constant 1232 : index
    %get3A_631 = arith.constant 0 : index
    %get3A_632 = vector.load %arg2[%get3A_630, %get3A_631] : memref<3584x128xf32, #tpu.memory_space<vmem>>, vector<50x128xf32>
    %get3A_633 = arith.constant 22 : index
    %get3A_634 = arith.constant 0 : index
    %get3A_635 = arith.constant 0 : index
    %get3A_636 = vector.load %arg1[%get3A_633, %get3A_634, %get3A_635] : memref<64x20x64xf32, #tpu.memory_space<vmem>>, vector<1x20x64xf32>
    %get3A_637 = vector.shape_cast %get3A_636 : vector<1x20x64xf32> to vector<20x64xf32>
    %slice3A_638 = vector.extract_strided_slice %get3A_632 {offsets = [0, 0], sizes = [50, 64], strides = [1, 1]} : vector<50x128xf32> to vector<50x64xf32>
    %dot_general3A_639 = arith.constant dense<0.000000e+00> : vector<20x50xf32>
    %dot_general3A_640 = tpu.matmul %get3A_637, %slice3A_638, %dot_general3A_639 {dimension_numbers = #tpu.dot_dimension_numbers<[1], [1], [0], [0], [0, 0, 1, 0], [], []>, transpose_lhs_hint = false} : vector<20x64xf32>, vector<50x64xf32>, vector<20x50xf32> -> vector<20x50xf32>
    %slice3A_641 = vector.extract_strided_slice %get3A_632 {offsets = [0, 64], sizes = [50, 64], strides = [1, 1]} : vector<50x128xf32> to vector<50x64xf32>
    %dot_general3A_642 = arith.constant dense<0.000000e+00> : vector<20x50xf32>
    %dot_general3A_643 = tpu.matmul %get3A_637, %slice3A_641, %dot_general3A_642 {dimension_numbers = #tpu.dot_dimension_numbers<[1], [1], [0], [0], [0, 0, 1, 0], [], []>, transpose_lhs_hint = false} : vector<20x64xf32>, vector<50x64xf32>, vector<20x50xf32> -> vector<20x50xf32>
    %get3A_644 = arith.constant 22 : index
    %get3A_645 = arith.constant 0 : index
    %get3A_646 = vector.load %arg3[%get3A_644, %get3A_645] : memref<64x50xf32, #tpu.memory_space<vmem>>, vector<1x50xf32>
    %get3A_647 = vector.shape_cast %get3A_646 : vector<1x50xf32> to vector<50xf32>
    %broadcast_in_dim3A_648 = vector.shape_cast %get3A_647 : vector<50xf32> to vector<1x50xf32>
    %sub3A_649 = arith.subf %dot_general3A_643, %dot_general3A_640 : vector<20x50xf32>
    %mul3A_650 = vector.broadcast %broadcast_in_dim3A_648 : vector<1x50xf32> to vector<20x50xf32>
    %mul3A_651 = arith.mulf %mul3A_650, %sub3A_649 : vector<20x50xf32>
    %add3A_652 = arith.addf %dot_general3A_640, %mul3A_651 : vector<20x50xf32>
    %swap3A_653 = arith.constant 22 : index
    %swap3A_654 = arith.constant 0 : index
    %swap3A_655 = arith.constant 0 : index
    %swap3A_656 = vector.load %arg4[%swap3A_653, %swap3A_654, %swap3A_655] : memref<64x20x50xf32, #tpu.memory_space<vmem>>, vector<1x20x50xf32>
    %swap3A_657 = vector.shape_cast %swap3A_656 : vector<1x20x50xf32> to vector<20x50xf32>
    %swap3A_658 = vector.shape_cast %add3A_652 : vector<20x50xf32> to vector<1x20x50xf32>
    tpu.vector_store %arg4[%swap3A_653, %swap3A_654, %swap3A_655], %swap3A_658 {strides = array<i32>} : memref<64x20x50xf32, #tpu.memory_space<vmem>>, vector<1x20x50xf32>,
    %get3A_659 = arith.constant 1288 : index
    %get3A_660 = arith.constant 0 : index
    %get3A_661 = vector.load %arg2[%get3A_659, %get3A_660] : memref<3584x128xf32, #tpu.memory_space<vmem>>, vector<50x128xf32>
    %get3A_662 = arith.constant 23 : index
    %get3A_663 = arith.constant 0 : index
    %get3A_664 = arith.constant 0 : index
    %get3A_665 = vector.load %arg1[%get3A_662, %get3A_663, %get3A_664] : memref<64x20x64xf32, #tpu.memory_space<vmem>>, vector<1x20x64xf32>
    %get3A_666 = vector.shape_cast %get3A_665 : vector<1x20x64xf32> to vector<20x64xf32>
    %slice3A_667 = vector.extract_strided_slice %get3A_661 {offsets = [0, 0], sizes = [50, 64], strides = [1, 1]} : vector<50x128xf32> to vector<50x64xf32>
    %dot_general3A_668 = arith.constant dense<0.000000e+00> : vector<20x50xf32>
    %dot_general3A_669 = tpu.matmul %get3A_666, %slice3A_667, %dot_general3A_668 {dimension_numbers = #tpu.dot_dimension_numbers<[1], [1], [0], [0], [0, 0, 1, 0], [], []>, transpose_lhs_hint = false} : vector<20x64xf32>, vector<50x64xf32>, vector<20x50xf32> -> vector<20x50xf32>
    %slice3A_670 = vector.extract_strided_slice %get3A_661 {offsets = [0, 64], sizes = [50, 64], strides = [1, 1]} : vector<50x128xf32> to vector<50x64xf32>
    %dot_general3A_671 = arith.constant dense<0.000000e+00> : vector<20x50xf32>
    %dot_general3A_672 = tpu.matmul %get3A_666, %slice3A_670, %dot_general3A_671 {dimension_numbers = #tpu.dot_dimension_numbers<[1], [1], [0], [0], [0, 0, 1, 0], [], []>, transpose_lhs_hint = false} : vector<20x64xf32>, vector<50x64xf32>, vector<20x50xf32> -> vector<20x50xf32>
    %get3A_673 = arith.constant 23 : index
    %get3A_674 = arith.constant 0 : index
    %get3A_675 = vector.load %arg3[%get3A_673, %get3A_674] : memref<64x50xf32, #tpu.memory_space<vmem>>, vector<1x50xf32>
    %get3A_676 = vector.shape_cast %get3A_675 : vector<1x50xf32> to vector<50xf32>
    %broadcast_in_dim3A_677 = vector.shape_cast %get3A_676 : vector<50xf32> to vector<1x50xf32>
    %sub3A_678 = arith.subf %dot_general3A_672, %dot_general3A_669 : vector<20x50xf32>
    %mul3A_679 = vector.broadcast %broadcast_in_dim3A_677 : vector<1x50xf32> to vector<20x50xf32>
    %mul3A_680 = arith.mulf %mul3A_679, %sub3A_678 : vector<20x50xf32>
    %add3A_681 = arith.addf %dot_general3A_669, %mul3A_680 : vector<20x50xf32>
    %swap3A_682 = arith.constant 23 : index
    %swap3A_683 = arith.constant 0 : index
    %swap3A_684 = arith.constant 0 : index
    %swap3A_685 = vector.load %arg4[%swap3A_682, %swap3A_683, %swap3A_684] : memref<64x20x50xf32, #tpu.memory_space<vmem>>, vector<1x20x50xf32>
    %swap3A_686 = vector.shape_cast %swap3A_685 : vector<1x20x50xf32> to vector<20x50xf32>
    %swap3A_687 = vector.shape_cast %add3A_681 : vector<20x50xf32> to vector<1x20x50xf32>
    tpu.vector_store %arg4[%swap3A_682, %swap3A_683, %swap3A_684], %swap3A_687 {strides = array<i32>} : memref<64x20x50xf32, #tpu.memory_space<vmem>>, vector<1x20x50xf32>,
    %get3A_688 = arith.constant 1344 : index
    %get3A_689 = arith.constant 0 : index
    %get3A_690 = vector.load %arg2[%get3A_688, %get3A_689] : memref<3584x128xf32, #tpu.memory_space<vmem>>, vector<50x128xf32>
    %get3A_691 = arith.constant 24 : index
    %get3A_692 = arith.constant 0 : index
    %get3A_693 = arith.constant 0 : index
    %get3A_694 = vector.load %arg1[%get3A_691, %get3A_692, %get3A_693] : memref<64x20x64xf32, #tpu.memory_space<vmem>>, vector<1x20x64xf32>
    %get3A_695 = vector.shape_cast %get3A_694 : vector<1x20x64xf32> to vector<20x64xf32>
    %slice3A_696 = vector.extract_strided_slice %get3A_690 {offsets = [0, 0], sizes = [50, 64], strides = [1, 1]} : vector<50x128xf32> to vector<50x64xf32>
    %dot_general3A_697 = arith.constant dense<0.000000e+00> : vector<20x50xf32>
    %dot_general3A_698 = tpu.matmul %get3A_695, %slice3A_696, %dot_general3A_697 {dimension_numbers = #tpu.dot_dimension_numbers<[1], [1], [0], [0], [0, 0, 1, 0], [], []>, transpose_lhs_hint = false} : vector<20x64xf32>, vector<50x64xf32>, vector<20x50xf32> -> vector<20x50xf32>
    %slice3A_699 = vector.extract_strided_slice %get3A_690 {offsets = [0, 64], sizes = [50, 64], strides = [1, 1]} : vector<50x128xf32> to vector<50x64xf32>
    %dot_general3A_700 = arith.constant dense<0.000000e+00> : vector<20x50xf32>
    %dot_general3A_701 = tpu.matmul %get3A_695, %slice3A_699, %dot_general3A_700 {dimension_numbers = #tpu.dot_dimension_numbers<[1], [1], [0], [0], [0, 0, 1, 0], [], []>, transpose_lhs_hint = false} : vector<20x64xf32>, vector<50x64xf32>, vector<20x50xf32> -> vector<20x50xf32>
    %get3A_702 = arith.constant 24 : index
    %get3A_703 = arith.constant 0 : index
    %get3A_704 = vector.load %arg3[%get3A_702, %get3A_703] : memref<64x50xf32, #tpu.memory_space<vmem>>, vector<1x50xf32>
    %get3A_705 = vector.shape_cast %get3A_704 : vector<1x50xf32> to vector<50xf32>
    %broadcast_in_dim3A_706 = vector.shape_cast %get3A_705 : vector<50xf32> to vector<1x50xf32>
    %sub3A_707 = arith.subf %dot_general3A_701, %dot_general3A_698 : vector<20x50xf32>
    %mul3A_708 = vector.broadcast %broadcast_in_dim3A_706 : vector<1x50xf32> to vector<20x50xf32>
    %mul3A_709 = arith.mulf %mul3A_708, %sub3A_707 : vector<20x50xf32>
    %add3A_710 = arith.addf %dot_general3A_698, %mul3A_709 : vector<20x50xf32>
    %swap3A_711 = arith.constant 24 : index
    %swap3A_712 = arith.constant 0 : index
    %swap3A_713 = arith.constant 0 : index
    %swap3A_714 = vector.load %arg4[%swap3A_711, %swap3A_712, %swap3A_713] : memref<64x20x50xf32, #tpu.memory_space<vmem>>, vector<1x20x50xf32>
    %swap3A_715 = vector.shape_cast %swap3A_714 : vector<1x20x50xf32> to vector<20x50xf32>
    %swap3A_716 = vector.shape_cast %add3A_710 : vector<20x50xf32> to vector<1x20x50xf32>
    tpu.vector_store %arg4[%swap3A_711, %swap3A_712, %swap3A_713], %swap3A_716 {strides = array<i32>} : memref<64x20x50xf32, #tpu.memory_space<vmem>>, vector<1x20x50xf32>,
    %get3A_717 = arith.constant 1400 : index
    %get3A_718 = arith.constant 0 : index
    %get3A_719 = vector.load %arg2[%get3A_717, %get3A_718] : memref<3584x128xf32, #tpu.memory_space<vmem>>, vector<50x128xf32>
    %get3A_720 = arith.constant 25 : index
    %get3A_721 = arith.constant 0 : index
    %get3A_722 = arith.constant 0 : index
    %get3A_723 = vector.load %arg1[%get3A_720, %get3A_721, %get3A_722] : memref<64x20x64xf32, #tpu.memory_space<vmem>>, vector<1x20x64xf32>
    %get3A_724 = vector.shape_cast %get3A_723 : vector<1x20x64xf32> to vector<20x64xf32>
    %slice3A_725 = vector.extract_strided_slice %get3A_719 {offsets = [0, 0], sizes = [50, 64], strides = [1, 1]} : vector<50x128xf32> to vector<50x64xf32>
    %dot_general3A_726 = arith.constant dense<0.000000e+00> : vector<20x50xf32>
    %dot_general3A_727 = tpu.matmul %get3A_724, %slice3A_725, %dot_general3A_726 {dimension_numbers = #tpu.dot_dimension_numbers<[1], [1], [0], [0], [0, 0, 1, 0], [], []>, transpose_lhs_hint = false} : vector<20x64xf32>, vector<50x64xf32>, vector<20x50xf32> -> vector<20x50xf32>
    %slice3A_728 = vector.extract_strided_slice %get3A_719 {offsets = [0, 64], sizes = [50, 64], strides = [1, 1]} : vector<50x128xf32> to vector<50x64xf32>
    %dot_general3A_729 = arith.constant dense<0.000000e+00> : vector<20x50xf32>
    %dot_general3A_730 = tpu.matmul %get3A_724, %slice3A_728, %dot_general3A_729 {dimension_numbers = #tpu.dot_dimension_numbers<[1], [1], [0], [0], [0, 0, 1, 0], [], []>, transpose_lhs_hint = false} : vector<20x64xf32>, vector<50x64xf32>, vector<20x50xf32> -> vector<20x50xf32>
    %get3A_731 = arith.constant 25 : index
    %get3A_732 = arith.constant 0 : index
    %get3A_733 = vector.load %arg3[%get3A_731, %get3A_732] : memref<64x50xf32, #tpu.memory_space<vmem>>, vector<1x50xf32>
    %get3A_734 = vector.shape_cast %get3A_733 : vector<1x50xf32> to vector<50xf32>
    %broadcast_in_dim3A_735 = vector.shape_cast %get3A_734 : vector<50xf32> to vector<1x50xf32>
    %sub3A_736 = arith.subf %dot_general3A_730, %dot_general3A_727 : vector<20x50xf32>
    %mul3A_737 = vector.broadcast %broadcast_in_dim3A_735 : vector<1x50xf32> to vector<20x50xf32>
    %mul3A_738 = arith.mulf %mul3A_737, %sub3A_736 : vector<20x50xf32>
    %add3A_739 = arith.addf %dot_general3A_727, %mul3A_738 : vector<20x50xf32>
    %swap3A_740 = arith.constant 25 : index
    %swap3A_741 = arith.constant 0 : index
    %swap3A_742 = arith.constant 0 : index
    %swap3A_743 = vector.load %arg4[%swap3A_740, %swap3A_741, %swap3A_742] : memref<64x20x50xf32, #tpu.memory_space<vmem>>, vector<1x20x50xf32>
    %swap3A_744 = vector.shape_cast %swap3A_743 : vector<1x20x50xf32> to vector<20x50xf32>
    %swap3A_745 = vector.shape_cast %add3A_739 : vector<20x50xf32> to vector<1x20x50xf32>
    tpu.vector_store %arg4[%swap3A_740, %swap3A_741, %swap3A_742], %swap3A_745 {strides = array<i32>} : memref<64x20x50xf32, #tpu.memory_space<vmem>>, vector<1x20x50xf32>,
    %get3A_746 = arith.constant 1456 : index
    %get3A_747 = arith.constant 0 : index
    %get3A_748 = vector.load %arg2[%get3A_746, %get3A_747] : memref<3584x128xf32, #tpu.memory_space<vmem>>, vector<50x128xf32>
    %get3A_749 = arith.constant 26 : index
    %get3A_750 = arith.constant 0 : index
    %get3A_751 = arith.constant 0 : index
    %get3A_752 = vector.load %arg1[%get3A_749, %get3A_750, %get3A_751] : memref<64x20x64xf32, #tpu.memory_space<vmem>>, vector<1x20x64xf32>
    %get3A_753 = vector.shape_cast %get3A_752 : vector<1x20x64xf32> to vector<20x64xf32>
    %slice3A_754 = vector.extract_strided_slice %get3A_748 {offsets = [0, 0], sizes = [50, 64], strides = [1, 1]} : vector<50x128xf32> to vector<50x64xf32>
    %dot_general3A_755 = arith.constant dense<0.000000e+00> : vector<20x50xf32>
    %dot_general3A_756 = tpu.matmul %get3A_753, %slice3A_754, %dot_general3A_755 {dimension_numbers = #tpu.dot_dimension_numbers<[1], [1], [0], [0], [0, 0, 1, 0], [], []>, transpose_lhs_hint = false} : vector<20x64xf32>, vector<50x64xf32>, vector<20x50xf32> -> vector<20x50xf32>
    %slice3A_757 = vector.extract_strided_slice %get3A_748 {offsets = [0, 64], sizes = [50, 64], strides = [1, 1]} : vector<50x128xf32> to vector<50x64xf32>
    %dot_general3A_758 = arith.constant dense<0.000000e+00> : vector<20x50xf32>
    %dot_general3A_759 = tpu.matmul %get3A_753, %slice3A_757, %dot_general3A_758 {dimension_numbers = #tpu.dot_dimension_numbers<[1], [1], [0], [0], [0, 0, 1, 0], [], []>, transpose_lhs_hint = false} : vector<20x64xf32>, vector<50x64xf32>, vector<20x50xf32> -> vector<20x50xf32>
    %get3A_760 = arith.constant 26 : index
    %get3A_761 = arith.constant 0 : index
    %get3A_762 = vector.load %arg3[%get3A_760, %get3A_761] : memref<64x50xf32, #tpu.memory_space<vmem>>, vector<1x50xf32>
    %get3A_763 = vector.shape_cast %get3A_762 : vector<1x50xf32> to vector<50xf32>
    %broadcast_in_dim3A_764 = vector.shape_cast %get3A_763 : vector<50xf32> to vector<1x50xf32>
    %sub3A_765 = arith.subf %dot_general3A_759, %dot_general3A_756 : vector<20x50xf32>
    %mul3A_766 = vector.broadcast %broadcast_in_dim3A_764 : vector<1x50xf32> to vector<20x50xf32>
    %mul3A_767 = arith.mulf %mul3A_766, %sub3A_765 : vector<20x50xf32>
    %add3A_768 = arith.addf %dot_general3A_756, %mul3A_767 : vector<20x50xf32>
    %swap3A_769 = arith.constant 26 : index
    %swap3A_770 = arith.constant 0 : index
    %swap3A_771 = arith.constant 0 : index
    %swap3A_772 = vector.load %arg4[%swap3A_769, %swap3A_770, %swap3A_771] : memref<64x20x50xf32, #tpu.memory_space<vmem>>, vector<1x20x50xf32>
    %swap3A_773 = vector.shape_cast %swap3A_772 : vector<1x20x50xf32> to vector<20x50xf32>
    %swap3A_774 = vector.shape_cast %add3A_768 : vector<20x50xf32> to vector<1x20x50xf32>
    tpu.vector_store %arg4[%swap3A_769, %swap3A_770, %swap3A_771], %swap3A_774 {strides = array<i32>} : memref<64x20x50xf32, #tpu.memory_space<vmem>>, vector<1x20x50xf32>,
    %get3A_775 = arith.constant 1512 : index
    %get3A_776 = arith.constant 0 : index
    %get3A_777 = vector.load %arg2[%get3A_775, %get3A_776] : memref<3584x128xf32, #tpu.memory_space<vmem>>, vector<50x128xf32>
    %get3A_778 = arith.constant 27 : index
    %get3A_779 = arith.constant 0 : index
    %get3A_780 = arith.constant 0 : index
    %get3A_781 = vector.load %arg1[%get3A_778, %get3A_779, %get3A_780] : memref<64x20x64xf32, #tpu.memory_space<vmem>>, vector<1x20x64xf32>
    %get3A_782 = vector.shape_cast %get3A_781 : vector<1x20x64xf32> to vector<20x64xf32>
    %slice3A_783 = vector.extract_strided_slice %get3A_777 {offsets = [0, 0], sizes = [50, 64], strides = [1, 1]} : vector<50x128xf32> to vector<50x64xf32>
    %dot_general3A_784 = arith.constant dense<0.000000e+00> : vector<20x50xf32>
    %dot_general3A_785 = tpu.matmul %get3A_782, %slice3A_783, %dot_general3A_784 {dimension_numbers = #tpu.dot_dimension_numbers<[1], [1], [0], [0], [0, 0, 1, 0], [], []>, transpose_lhs_hint = false} : vector<20x64xf32>, vector<50x64xf32>, vector<20x50xf32> -> vector<20x50xf32>
    %slice3A_786 = vector.extract_strided_slice %get3A_777 {offsets = [0, 64], sizes = [50, 64], strides = [1, 1]} : vector<50x128xf32> to vector<50x64xf32>
    %dot_general3A_787 = arith.constant dense<0.000000e+00> : vector<20x50xf32>
    %dot_general3A_788 = tpu.matmul %get3A_782, %slice3A_786, %dot_general3A_787 {dimension_numbers = #tpu.dot_dimension_numbers<[1], [1], [0], [0], [0, 0, 1, 0], [], []>, transpose_lhs_hint = false} : vector<20x64xf32>, vector<50x64xf32>, vector<20x50xf32> -> vector<20x50xf32>
    %get3A_789 = arith.constant 27 : index
    %get3A_790 = arith.constant 0 : index
    %get3A_791 = vector.load %arg3[%get3A_789, %get3A_790] : memref<64x50xf32, #tpu.memory_space<vmem>>, vector<1x50xf32>
    %get3A_792 = vector.shape_cast %get3A_791 : vector<1x50xf32> to vector<50xf32>
    %broadcast_in_dim3A_793 = vector.shape_cast %get3A_792 : vector<50xf32> to vector<1x50xf32>
    %sub3A_794 = arith.subf %dot_general3A_788, %dot_general3A_785 : vector<20x50xf32>
    %mul3A_795 = vector.broadcast %broadcast_in_dim3A_793 : vector<1x50xf32> to vector<20x50xf32>
    %mul3A_796 = arith.mulf %mul3A_795, %sub3A_794 : vector<20x50xf32>
    %add3A_797 = arith.addf %dot_general3A_785, %mul3A_796 : vector<20x50xf32>
    %swap3A_798 = arith.constant 27 : index
    %swap3A_799 = arith.constant 0 : index
    %swap3A_800 = arith.constant 0 : index
    %swap3A_801 = vector.load %arg4[%swap3A_798, %swap3A_799, %swap3A_800] : memref<64x20x50xf32, #tpu.memory_space<vmem>>, vector<1x20x50xf32>
    %swap3A_802 = vector.shape_cast %swap3A_801 : vector<1x20x50xf32> to vector<20x50xf32>
    %swap3A_803 = vector.shape_cast %add3A_797 : vector<20x50xf32> to vector<1x20x50xf32>
    tpu.vector_store %arg4[%swap3A_798, %swap3A_799, %swap3A_800], %swap3A_803 {strides = array<i32>} : memref<64x20x50xf32, #tpu.memory_space<vmem>>, vector<1x20x50xf32>,
    %get3A_804 = arith.constant 1568 : index
    %get3A_805 = arith.constant 0 : index
    %get3A_806 = vector.load %arg2[%get3A_804, %get3A_805] : memref<3584x128xf32, #tpu.memory_space<vmem>>, vector<50x128xf32>
    %get3A_807 = arith.constant 28 : index
    %get3A_808 = arith.constant 0 : index
    %get3A_809 = arith.constant 0 : index
    %get3A_810 = vector.load %arg1[%get3A_807, %get3A_808, %get3A_809] : memref<64x20x64xf32, #tpu.memory_space<vmem>>, vector<1x20x64xf32>
    %get3A_811 = vector.shape_cast %get3A_810 : vector<1x20x64xf32> to vector<20x64xf32>
    %slice3A_812 = vector.extract_strided_slice %get3A_806 {offsets = [0, 0], sizes = [50, 64], strides = [1, 1]} : vector<50x128xf32> to vector<50x64xf32>
    %dot_general3A_813 = arith.constant dense<0.000000e+00> : vector<20x50xf32>
    %dot_general3A_814 = tpu.matmul %get3A_811, %slice3A_812, %dot_general3A_813 {dimension_numbers = #tpu.dot_dimension_numbers<[1], [1], [0], [0], [0, 0, 1, 0], [], []>, transpose_lhs_hint = false} : vector<20x64xf32>, vector<50x64xf32>, vector<20x50xf32> -> vector<20x50xf32>
    %slice3A_815 = vector.extract_strided_slice %get3A_806 {offsets = [0, 64], sizes = [50, 64], strides = [1, 1]} : vector<50x128xf32> to vector<50x64xf32>
    %dot_general3A_816 = arith.constant dense<0.000000e+00> : vector<20x50xf32>
    %dot_general3A_817 = tpu.matmul %get3A_811, %slice3A_815, %dot_general3A_816 {dimension_numbers = #tpu.dot_dimension_numbers<[1], [1], [0], [0], [0, 0, 1, 0], [], []>, transpose_lhs_hint = false} : vector<20x64xf32>, vector<50x64xf32>, vector<20x50xf32> -> vector<20x50xf32>
    %get3A_818 = arith.constant 28 : index
    %get3A_819 = arith.constant 0 : index
    %get3A_820 = vector.load %arg3[%get3A_818, %get3A_819] : memref<64x50xf32, #tpu.memory_space<vmem>>, vector<1x50xf32>
    %get3A_821 = vector.shape_cast %get3A_820 : vector<1x50xf32> to vector<50xf32>
    %broadcast_in_dim3A_822 = vector.shape_cast %get3A_821 : vector<50xf32> to vector<1x50xf32>
    %sub3A_823 = arith.subf %dot_general3A_817, %dot_general3A_814 : vector<20x50xf32>
    %mul3A_824 = vector.broadcast %broadcast_in_dim3A_822 : vector<1x50xf32> to vector<20x50xf32>
    %mul3A_825 = arith.mulf %mul3A_824, %sub3A_823 : vector<20x50xf32>
    %add3A_826 = arith.addf %dot_general3A_814, %mul3A_825 : vector<20x50xf32>
    %swap3A_827 = arith.constant 28 : index
    %swap3A_828 = arith.constant 0 : index
    %swap3A_829 = arith.constant 0 : index
    %swap3A_830 = vector.load %arg4[%swap3A_827, %swap3A_828, %swap3A_829] : memref<64x20x50xf32, #tpu.memory_space<vmem>>, vector<1x20x50xf32>
    %swap3A_831 = vector.shape_cast %swap3A_830 : vector<1x20x50xf32> to vector<20x50xf32>
    %swap3A_832 = vector.shape_cast %add3A_826 : vector<20x50xf32> to vector<1x20x50xf32>
    tpu.vector_store %arg4[%swap3A_827, %swap3A_828, %swap3A_829], %swap3A_832 {strides = array<i32>} : memref<64x20x50xf32, #tpu.memory_space<vmem>>, vector<1x20x50xf32>,
    %get3A_833 = arith.constant 1624 : index
    %get3A_834 = arith.constant 0 : index
    %get3A_835 = vector.load %arg2[%get3A_833, %get3A_834] : memref<3584x128xf32, #tpu.memory_space<vmem>>, vector<50x128xf32>
    %get3A_836 = arith.constant 29 : index
    %get3A_837 = arith.constant 0 : index
    %get3A_838 = arith.constant 0 : index
    %get3A_839 = vector.load %arg1[%get3A_836, %get3A_837, %get3A_838] : memref<64x20x64xf32, #tpu.memory_space<vmem>>, vector<1x20x64xf32>
    %get3A_840 = vector.shape_cast %get3A_839 : vector<1x20x64xf32> to vector<20x64xf32>
    %slice3A_841 = vector.extract_strided_slice %get3A_835 {offsets = [0, 0], sizes = [50, 64], strides = [1, 1]} : vector<50x128xf32> to vector<50x64xf32>
    %dot_general3A_842 = arith.constant dense<0.000000e+00> : vector<20x50xf32>
    %dot_general3A_843 = tpu.matmul %get3A_840, %slice3A_841, %dot_general3A_842 {dimension_numbers = #tpu.dot_dimension_numbers<[1], [1], [0], [0], [0, 0, 1, 0], [], []>, transpose_lhs_hint = false} : vector<20x64xf32>, vector<50x64xf32>, vector<20x50xf32> -> vector<20x50xf32>
    %slice3A_844 = vector.extract_strided_slice %get3A_835 {offsets = [0, 64], sizes = [50, 64], strides = [1, 1]} : vector<50x128xf32> to vector<50x64xf32>
    %dot_general3A_845 = arith.constant dense<0.000000e+00> : vector<20x50xf32>
    %dot_general3A_846 = tpu.matmul %get3A_840, %slice3A_844, %dot_general3A_845 {dimension_numbers = #tpu.dot_dimension_numbers<[1], [1], [0], [0], [0, 0, 1, 0], [], []>, transpose_lhs_hint = false} : vector<20x64xf32>, vector<50x64xf32>, vector<20x50xf32> -> vector<20x50xf32>
    %get3A_847 = arith.constant 29 : index
    %get3A_848 = arith.constant 0 : index
    %get3A_849 = vector.load %arg3[%get3A_847, %get3A_848] : memref<64x50xf32, #tpu.memory_space<vmem>>, vector<1x50xf32>
    %get3A_850 = vector.shape_cast %get3A_849 : vector<1x50xf32> to vector<50xf32>
    %broadcast_in_dim3A_851 = vector.shape_cast %get3A_850 : vector<50xf32> to vector<1x50xf32>
    %sub3A_852 = arith.subf %dot_general3A_846, %dot_general3A_843 : vector<20x50xf32>
    %mul3A_853 = vector.broadcast %broadcast_in_dim3A_851 : vector<1x50xf32> to vector<20x50xf32>
    %mul3A_854 = arith.mulf %mul3A_853, %sub3A_852 : vector<20x50xf32>
    %add3A_855 = arith.addf %dot_general3A_843, %mul3A_854 : vector<20x50xf32>
    %swap3A_856 = arith.constant 29 : index
    %swap3A_857 = arith.constant 0 : index
    %swap3A_858 = arith.constant 0 : index
    %swap3A_859 = vector.load %arg4[%swap3A_856, %swap3A_857, %swap3A_858] : memref<64x20x50xf32, #tpu.memory_space<vmem>>, vector<1x20x50xf32>
    %swap3A_860 = vector.shape_cast %swap3A_859 : vector<1x20x50xf32> to vector<20x50xf32>
    %swap3A_861 = vector.shape_cast %add3A_855 : vector<20x50xf32> to vector<1x20x50xf32>
    tpu.vector_store %arg4[%swap3A_856, %swap3A_857, %swap3A_858], %swap3A_861 {strides = array<i32>} : memref<64x20x50xf32, #tpu.memory_space<vmem>>, vector<1x20x50xf32>,
    %get3A_862 = arith.constant 1680 : index
    %get3A_863 = arith.constant 0 : index
    %get3A_864 = vector.load %arg2[%get3A_862, %get3A_863] : memref<3584x128xf32, #tpu.memory_space<vmem>>, vector<50x128xf32>
    %get3A_865 = arith.constant 30 : index
    %get3A_866 = arith.constant 0 : index
    %get3A_867 = arith.constant 0 : index
    %get3A_868 = vector.load %arg1[%get3A_865, %get3A_866, %get3A_867] : memref<64x20x64xf32, #tpu.memory_space<vmem>>, vector<1x20x64xf32>
    %get3A_869 = vector.shape_cast %get3A_868 : vector<1x20x64xf32> to vector<20x64xf32>
    %slice3A_870 = vector.extract_strided_slice %get3A_864 {offsets = [0, 0], sizes = [50, 64], strides = [1, 1]} : vector<50x128xf32> to vector<50x64xf32>
    %dot_general3A_871 = arith.constant dense<0.000000e+00> : vector<20x50xf32>
    %dot_general3A_872 = tpu.matmul %get3A_869, %slice3A_870, %dot_general3A_871 {dimension_numbers = #tpu.dot_dimension_numbers<[1], [1], [0], [0], [0, 0, 1, 0], [], []>, transpose_lhs_hint = false} : vector<20x64xf32>, vector<50x64xf32>, vector<20x50xf32> -> vector<20x50xf32>
    %slice3A_873 = vector.extract_strided_slice %get3A_864 {offsets = [0, 64], sizes = [50, 64], strides = [1, 1]} : vector<50x128xf32> to vector<50x64xf32>
    %dot_general3A_874 = arith.constant dense<0.000000e+00> : vector<20x50xf32>
    %dot_general3A_875 = tpu.matmul %get3A_869, %slice3A_873, %dot_general3A_874 {dimension_numbers = #tpu.dot_dimension_numbers<[1], [1], [0], [0], [0, 0, 1, 0], [], []>, transpose_lhs_hint = false} : vector<20x64xf32>, vector<50x64xf32>, vector<20x50xf32> -> vector<20x50xf32>
    %get3A_876 = arith.constant 30 : index
    %get3A_877 = arith.constant 0 : index
    %get3A_878 = vector.load %arg3[%get3A_876, %get3A_877] : memref<64x50xf32, #tpu.memory_space<vmem>>, vector<1x50xf32>
    %get3A_879 = vector.shape_cast %get3A_878 : vector<1x50xf32> to vector<50xf32>
    %broadcast_in_dim3A_880 = vector.shape_cast %get3A_879 : vector<50xf32> to vector<1x50xf32>
    %sub3A_881 = arith.subf %dot_general3A_875, %dot_general3A_872 : vector<20x50xf32>
    %mul3A_882 = vector.broadcast %broadcast_in_dim3A_880 : vector<1x50xf32> to vector<20x50xf32>
    %mul3A_883 = arith.mulf %mul3A_882, %sub3A_881 : vector<20x50xf32>
    %add3A_884 = arith.addf %dot_general3A_872, %mul3A_883 : vector<20x50xf32>
    %swap3A_885 = arith.constant 30 : index
    %swap3A_886 = arith.constant 0 : index
    %swap3A_887 = arith.constant 0 : index
    %swap3A_888 = vector.load %arg4[%swap3A_885, %swap3A_886, %swap3A_887] : memref<64x20x50xf32, #tpu.memory_space<vmem>>, vector<1x20x50xf32>
    %swap3A_889 = vector.shape_cast %swap3A_888 : vector<1x20x50xf32> to vector<20x50xf32>
    %swap3A_890 = vector.shape_cast %add3A_884 : vector<20x50xf32> to vector<1x20x50xf32>
    tpu.vector_store %arg4[%swap3A_885, %swap3A_886, %swap3A_887], %swap3A_890 {strides = array<i32>} : memref<64x20x50xf32, #tpu.memory_space<vmem>>, vector<1x20x50xf32>,
    %get3A_891 = arith.constant 1736 : index
    %get3A_892 = arith.constant 0 : index
    %get3A_893 = vector.load %arg2[%get3A_891, %get3A_892] : memref<3584x128xf32, #tpu.memory_space<vmem>>, vector<50x128xf32>
    %get3A_894 = arith.constant 31 : index
    %get3A_895 = arith.constant 0 : index
    %get3A_896 = arith.constant 0 : index
    %get3A_897 = vector.load %arg1[%get3A_894, %get3A_895, %get3A_896] : memref<64x20x64xf32, #tpu.memory_space<vmem>>, vector<1x20x64xf32>
    %get3A_898 = vector.shape_cast %get3A_897 : vector<1x20x64xf32> to vector<20x64xf32>
    %slice3A_899 = vector.extract_strided_slice %get3A_893 {offsets = [0, 0], sizes = [50, 64], strides = [1, 1]} : vector<50x128xf32> to vector<50x64xf32>
    %dot_general3A_900 = arith.constant dense<0.000000e+00> : vector<20x50xf32>
    %dot_general3A_901 = tpu.matmul %get3A_898, %slice3A_899, %dot_general3A_900 {dimension_numbers = #tpu.dot_dimension_numbers<[1], [1], [0], [0], [0, 0, 1, 0], [], []>, transpose_lhs_hint = false} : vector<20x64xf32>, vector<50x64xf32>, vector<20x50xf32> -> vector<20x50xf32>
    %slice3A_902 = vector.extract_strided_slice %get3A_893 {offsets = [0, 64], sizes = [50, 64], strides = [1, 1]} : vector<50x128xf32> to vector<50x64xf32>
    %dot_general3A_903 = arith.constant dense<0.000000e+00> : vector<20x50xf32>
    %dot_general3A_904 = tpu.matmul %get3A_898, %slice3A_902, %dot_general3A_903 {dimension_numbers = #tpu.dot_dimension_numbers<[1], [1], [0], [0], [0, 0, 1, 0], [], []>, transpose_lhs_hint = false} : vector<20x64xf32>, vector<50x64xf32>, vector<20x50xf32> -> vector<20x50xf32>
    %get3A_905 = arith.constant 31 : index
    %get3A_906 = arith.constant 0 : index
    %get3A_907 = vector.load %arg3[%get3A_905, %get3A_906] : memref<64x50xf32, #tpu.memory_space<vmem>>, vector<1x50xf32>
    %get3A_908 = vector.shape_cast %get3A_907 : vector<1x50xf32> to vector<50xf32>
    %broadcast_in_dim3A_909 = vector.shape_cast %get3A_908 : vector<50xf32> to vector<1x50xf32>
    %sub3A_910 = arith.subf %dot_general3A_904, %dot_general3A_901 : vector<20x50xf32>
    %mul3A_911 = vector.broadcast %broadcast_in_dim3A_909 : vector<1x50xf32> to vector<20x50xf32>
    %mul3A_912 = arith.mulf %mul3A_911, %sub3A_910 : vector<20x50xf32>
    %add3A_913 = arith.addf %dot_general3A_901, %mul3A_912 : vector<20x50xf32>
    %swap3A_914 = arith.constant 31 : index
    %swap3A_915 = arith.constant 0 : index
    %swap3A_916 = arith.constant 0 : index
    %swap3A_917 = vector.load %arg4[%swap3A_914, %swap3A_915, %swap3A_916] : memref<64x20x50xf32, #tpu.memory_space<vmem>>, vector<1x20x50xf32>
    %swap3A_918 = vector.shape_cast %swap3A_917 : vector<1x20x50xf32> to vector<20x50xf32>
    %swap3A_919 = vector.shape_cast %add3A_913 : vector<20x50xf32> to vector<1x20x50xf32>
    tpu.vector_store %arg4[%swap3A_914, %swap3A_915, %swap3A_916], %swap3A_919 {strides = array<i32>} : memref<64x20x50xf32, #tpu.memory_space<vmem>>, vector<1x20x50xf32>,
    %get3A_920 = arith.constant 1792 : index
    %get3A_921 = arith.constant 0 : index
    %get3A_922 = vector.load %arg2[%get3A_920, %get3A_921] : memref<3584x128xf32, #tpu.memory_space<vmem>>, vector<50x128xf32>
    %get3A_923 = arith.constant 32 : index
    %get3A_924 = arith.constant 0 : index
    %get3A_925 = arith.constant 0 : index
    %get3A_926 = vector.load %arg1[%get3A_923, %get3A_924, %get3A_925] : memref<64x20x64xf32, #tpu.memory_space<vmem>>, vector<1x20x64xf32>
    %get3A_927 = vector.shape_cast %get3A_926 : vector<1x20x64xf32> to vector<20x64xf32>
    %slice3A_928 = vector.extract_strided_slice %get3A_922 {offsets = [0, 0], sizes = [50, 64], strides = [1, 1]} : vector<50x128xf32> to vector<50x64xf32>
    %dot_general3A_929 = arith.constant dense<0.000000e+00> : vector<20x50xf32>
    %dot_general3A_930 = tpu.matmul %get3A_927, %slice3A_928, %dot_general3A_929 {dimension_numbers = #tpu.dot_dimension_numbers<[1], [1], [0], [0], [0, 0, 1, 0], [], []>, transpose_lhs_hint = false} : vector<20x64xf32>, vector<50x64xf32>, vector<20x50xf32> -> vector<20x50xf32>
    %slice3A_931 = vector.extract_strided_slice %get3A_922 {offsets = [0, 64], sizes = [50, 64], strides = [1, 1]} : vector<50x128xf32> to vector<50x64xf32>
    %dot_general3A_932 = arith.constant dense<0.000000e+00> : vector<20x50xf32>
    %dot_general3A_933 = tpu.matmul %get3A_927, %slice3A_931, %dot_general3A_932 {dimension_numbers = #tpu.dot_dimension_numbers<[1], [1], [0], [0], [0, 0, 1, 0], [], []>, transpose_lhs_hint = false} : vector<20x64xf32>, vector<50x64xf32>, vector<20x50xf32> -> vector<20x50xf32>
    %get3A_934 = arith.constant 32 : index
    %get3A_935 = arith.constant 0 : index
    %get3A_936 = vector.load %arg3[%get3A_934, %get3A_935] : memref<64x50xf32, #tpu.memory_space<vmem>>, vector<1x50xf32>
    %get3A_937 = vector.shape_cast %get3A_936 : vector<1x50xf32> to vector<50xf32>
    %broadcast_in_dim3A_938 = vector.shape_cast %get3A_937 : vector<50xf32> to vector<1x50xf32>
    %sub3A_939 = arith.subf %dot_general3A_933, %dot_general3A_930 : vector<20x50xf32>
    %mul3A_940 = vector.broadcast %broadcast_in_dim3A_938 : vector<1x50xf32> to vector<20x50xf32>
    %mul3A_941 = arith.mulf %mul3A_940, %sub3A_939 : vector<20x50xf32>
    %add3A_942 = arith.addf %dot_general3A_930, %mul3A_941 : vector<20x50xf32>
    %swap3A_943 = arith.constant 32 : index
    %swap3A_944 = arith.constant 0 : index
    %swap3A_945 = arith.constant 0 : index
    %swap3A_946 = vector.load %arg4[%swap3A_943, %swap3A_944, %swap3A_945] : memref<64x20x50xf32, #tpu.memory_space<vmem>>, vector<1x20x50xf32>
    %swap3A_947 = vector.shape_cast %swap3A_946 : vector<1x20x50xf32> to vector<20x50xf32>
    %swap3A_948 = vector.shape_cast %add3A_942 : vector<20x50xf32> to vector<1x20x50xf32>
    tpu.vector_store %arg4[%swap3A_943, %swap3A_944, %swap3A_945], %swap3A_948 {strides = array<i32>} : memref<64x20x50xf32, #tpu.memory_space<vmem>>, vector<1x20x50xf32>,
    %get3A_949 = arith.constant 1848 : index
    %get3A_950 = arith.constant 0 : index
    %get3A_951 = vector.load %arg2[%get3A_949, %get3A_950] : memref<3584x128xf32, #tpu.memory_space<vmem>>, vector<50x128xf32>
    %get3A_952 = arith.constant 33 : index
    %get3A_953 = arith.constant 0 : index
    %get3A_954 = arith.constant 0 : index
    %get3A_955 = vector.load %arg1[%get3A_952, %get3A_953, %get3A_954] : memref<64x20x64xf32, #tpu.memory_space<vmem>>, vector<1x20x64xf32>
    %get3A_956 = vector.shape_cast %get3A_955 : vector<1x20x64xf32> to vector<20x64xf32>
    %slice3A_957 = vector.extract_strided_slice %get3A_951 {offsets = [0, 0], sizes = [50, 64], strides = [1, 1]} : vector<50x128xf32> to vector<50x64xf32>
    %dot_general3A_958 = arith.constant dense<0.000000e+00> : vector<20x50xf32>
    %dot_general3A_959 = tpu.matmul %get3A_956, %slice3A_957, %dot_general3A_958 {dimension_numbers = #tpu.dot_dimension_numbers<[1], [1], [0], [0], [0, 0, 1, 0], [], []>, transpose_lhs_hint = false} : vector<20x64xf32>, vector<50x64xf32>, vector<20x50xf32> -> vector<20x50xf32>
    %slice3A_960 = vector.extract_strided_slice %get3A_951 {offsets = [0, 64], sizes = [50, 64], strides = [1, 1]} : vector<50x128xf32> to vector<50x64xf32>
    %dot_general3A_961 = arith.constant dense<0.000000e+00> : vector<20x50xf32>
    %dot_general3A_962 = tpu.matmul %get3A_956, %slice3A_960, %dot_general3A_961 {dimension_numbers = #tpu.dot_dimension_numbers<[1], [1], [0], [0], [0, 0, 1, 0], [], []>, transpose_lhs_hint = false} : vector<20x64xf32>, vector<50x64xf32>, vector<20x50xf32> -> vector<20x50xf32>
    %get3A_963 = arith.constant 33 : index
    %get3A_964 = arith.constant 0 : index
    %get3A_965 = vector.load %arg3[%get3A_963, %get3A_964] : memref<64x50xf32, #tpu.memory_space<vmem>>, vector<1x50xf32>
    %get3A_966 = vector.shape_cast %get3A_965 : vector<1x50xf32> to vector<50xf32>
    %broadcast_in_dim3A_967 = vector.shape_cast %get3A_966 : vector<50xf32> to vector<1x50xf32>
    %sub3A_968 = arith.subf %dot_general3A_962, %dot_general3A_959 : vector<20x50xf32>
    %mul3A_969 = vector.broadcast %broadcast_in_dim3A_967 : vector<1x50xf32> to vector<20x50xf32>
    %mul3A_970 = arith.mulf %mul3A_969, %sub3A_968 : vector<20x50xf32>
    %add3A_971 = arith.addf %dot_general3A_959, %mul3A_970 : vector<20x50xf32>
    %swap3A_972 = arith.constant 33 : index
    %swap3A_973 = arith.constant 0 : index
    %swap3A_974 = arith.constant 0 : index
    %swap3A_975 = vector.load %arg4[%swap3A_972, %swap3A_973, %swap3A_974] : memref<64x20x50xf32, #tpu.memory_space<vmem>>, vector<1x20x50xf32>
    %swap3A_976 = vector.shape_cast %swap3A_975 : vector<1x20x50xf32> to vector<20x50xf32>
    %swap3A_977 = vector.shape_cast %add3A_971 : vector<20x50xf32> to vector<1x20x50xf32>
    tpu.vector_store %arg4[%swap3A_972, %swap3A_973, %swap3A_974], %swap3A_977 {strides = array<i32>} : memref<64x20x50xf32, #tpu.memory_space<vmem>>, vector<1x20x50xf32>,
    %get3A_978 = arith.constant 1904 : index
    %get3A_979 = arith.constant 0 : index
    %get3A_980 = vector.load %arg2[%get3A_978, %get3A_979] : memref<3584x128xf32, #tpu.memory_space<vmem>>, vector<50x128xf32>
    %get3A_981 = arith.constant 34 : index
    %get3A_982 = arith.constant 0 : index
    %get3A_983 = arith.constant 0 : index
    %get3A_984 = vector.load %arg1[%get3A_981, %get3A_982, %get3A_983] : memref<64x20x64xf32, #tpu.memory_space<vmem>>, vector<1x20x64xf32>
    %get3A_985 = vector.shape_cast %get3A_984 : vector<1x20x64xf32> to vector<20x64xf32>
    %slice3A_986 = vector.extract_strided_slice %get3A_980 {offsets = [0, 0], sizes = [50, 64], strides = [1, 1]} : vector<50x128xf32> to vector<50x64xf32>
    %dot_general3A_987 = arith.constant dense<0.000000e+00> : vector<20x50xf32>
    %dot_general3A_988 = tpu.matmul %get3A_985, %slice3A_986, %dot_general3A_987 {dimension_numbers = #tpu.dot_dimension_numbers<[1], [1], [0], [0], [0, 0, 1, 0], [], []>, transpose_lhs_hint = false} : vector<20x64xf32>, vector<50x64xf32>, vector<20x50xf32> -> vector<20x50xf32>
    %slice3A_989 = vector.extract_strided_slice %get3A_980 {offsets = [0, 64], sizes = [50, 64], strides = [1, 1]} : vector<50x128xf32> to vector<50x64xf32>
    %dot_general3A_990 = arith.constant dense<0.000000e+00> : vector<20x50xf32>
    %dot_general3A_991 = tpu.matmul %get3A_985, %slice3A_989, %dot_general3A_990 {dimension_numbers = #tpu.dot_dimension_numbers<[1], [1], [0], [0], [0, 0, 1, 0], [], []>, transpose_lhs_hint = false} : vector<20x64xf32>, vector<50x64xf32>, vector<20x50xf32> -> vector<20x50xf32>
    %get3A_992 = arith.constant 34 : index
    %get3A_993 = arith.constant 0 : index
    %get3A_994 = vector.load %arg3[%get3A_992, %get3A_993] : memref<64x50xf32, #tpu.memory_space<vmem>>, vector<1x50xf32>
    %get3A_995 = vector.shape_cast %get3A_994 : vector<1x50xf32> to vector<50xf32>
    %broadcast_in_dim3A_996 = vector.shape_cast %get3A_995 : vector<50xf32> to vector<1x50xf32>
    %sub3A_997 = arith.subf %dot_general3A_991, %dot_general3A_988 : vector<20x50xf32>
    %mul3A_998 = vector.broadcast %broadcast_in_dim3A_996 : vector<1x50xf32> to vector<20x50xf32>
    %mul3A_999 = arith.mulf %mul3A_998, %sub3A_997 : vector<20x50xf32>
    %add3A_1000 = arith.addf %dot_general3A_988, %mul3A_999 : vector<20x50xf32>
    %swap3A_1001 = arith.constant 34 : index
    %swap3A_1002 = arith.constant 0 : index
    %swap3A_1003 = arith.constant 0 : index
    %swap3A_1004 = vector.load %arg4[%swap3A_1001, %swap3A_1002, %swap3A_1003] : memref<64x20x50xf32, #tpu.memory_space<vmem>>, vector<1x20x50xf32>
    %swap3A_1005 = vector.shape_cast %swap3A_1004 : vector<1x20x50xf32> to vector<20x50xf32>
    %swap3A_1006 = vector.shape_cast %add3A_1000 : vector<20x50xf32> to vector<1x20x50xf32>
    tpu.vector_store %arg4[%swap3A_1001, %swap3A_1002, %swap3A_1003], %swap3A_1006 {strides = array<i32>} : memref<64x20x50xf32, #tpu.memory_space<vmem>>, vector<1x20x50xf32>,
    %get3A_1007 = arith.constant 1960 : index
    %get3A_1008 = arith.constant 0 : index
    %get3A_1009 = vector.load %arg2[%get3A_1007, %get3A_1008] : memref<3584x128xf32, #tpu.memory_space<vmem>>, vector<50x128xf32>
    %get3A_1010 = arith.constant 35 : index
    %get3A_1011 = arith.constant 0 : index
    %get3A_1012 = arith.constant 0 : index
    %get3A_1013 = vector.load %arg1[%get3A_1010, %get3A_1011, %get3A_1012] : memref<64x20x64xf32, #tpu.memory_space<vmem>>, vector<1x20x64xf32>
    %get3A_1014 = vector.shape_cast %get3A_1013 : vector<1x20x64xf32> to vector<20x64xf32>
    %slice3A_1015 = vector.extract_strided_slice %get3A_1009 {offsets = [0, 0], sizes = [50, 64], strides = [1, 1]} : vector<50x128xf32> to vector<50x64xf32>
    %dot_general3A_1016 = arith.constant dense<0.000000e+00> : vector<20x50xf32>
    %dot_general3A_1017 = tpu.matmul %get3A_1014, %slice3A_1015, %dot_general3A_1016 {dimension_numbers = #tpu.dot_dimension_numbers<[1], [1], [0], [0], [0, 0, 1, 0], [], []>, transpose_lhs_hint = false} : vector<20x64xf32>, vector<50x64xf32>, vector<20x50xf32> -> vector<20x50xf32>
    %slice3A_1018 = vector.extract_strided_slice %get3A_1009 {offsets = [0, 64], sizes = [50, 64], strides = [1, 1]} : vector<50x128xf32> to vector<50x64xf32>
    %dot_general3A_1019 = arith.constant dense<0.000000e+00> : vector<20x50xf32>
    %dot_general3A_1020 = tpu.matmul %get3A_1014, %slice3A_1018, %dot_general3A_1019 {dimension_numbers = #tpu.dot_dimension_numbers<[1], [1], [0], [0], [0, 0, 1, 0], [], []>, transpose_lhs_hint = false} : vector<20x64xf32>, vector<50x64xf32>, vector<20x50xf32> -> vector<20x50xf32>
    %get3A_1021 = arith.constant 35 : index
    %get3A_1022 = arith.constant 0 : index
    %get3A_1023 = vector.load %arg3[%get3A_1021, %get3A_1022] : memref<64x50xf32, #tpu.memory_space<vmem>>, vector<1x50xf32>
    %get3A_1024 = vector.shape_cast %get3A_1023 : vector<1x50xf32> to vector<50xf32>
    %broadcast_in_dim3A_1025 = vector.shape_cast %get3A_1024 : vector<50xf32> to vector<1x50xf32>
    %sub3A_1026 = arith.subf %dot_general3A_1020, %dot_general3A_1017 : vector<20x50xf32>
    %mul3A_1027 = vector.broadcast %broadcast_in_dim3A_1025 : vector<1x50xf32> to vector<20x50xf32>
    %mul3A_1028 = arith.mulf %mul3A_1027, %sub3A_1026 : vector<20x50xf32>
    %add3A_1029 = arith.addf %dot_general3A_1017, %mul3A_1028 : vector<20x50xf32>
    %swap3A_1030 = arith.constant 35 : index
    %swap3A_1031 = arith.constant 0 : index
    %swap3A_1032 = arith.constant 0 : index
    %swap3A_1033 = vector.load %arg4[%swap3A_1030, %swap3A_1031, %swap3A_1032] : memref<64x20x50xf32, #tpu.memory_space<vmem>>, vector<1x20x50xf32>
    %swap3A_1034 = vector.shape_cast %swap3A_1033 : vector<1x20x50xf32> to vector<20x50xf32>
    %swap3A_1035 = vector.shape_cast %add3A_1029 : vector<20x50xf32> to vector<1x20x50xf32>
    tpu.vector_store %arg4[%swap3A_1030, %swap3A_1031, %swap3A_1032], %swap3A_1035 {strides = array<i32>} : memref<64x20x50xf32, #tpu.memory_space<vmem>>, vector<1x20x50xf32>,
    %get3A_1036 = arith.constant 2016 : index
    %get3A_1037 = arith.constant 0 : index
    %get3A_1038 = vector.load %arg2[%get3A_1036, %get3A_1037] : memref<3584x128xf32, #tpu.memory_space<vmem>>, vector<50x128xf32>
    %get3A_1039 = arith.constant 36 : index
    %get3A_1040 = arith.constant 0 : index
    %get3A_1041 = arith.constant 0 : index
    %get3A_1042 = vector.load %arg1[%get3A_1039, %get3A_1040, %get3A_1041] : memref<64x20x64xf32, #tpu.memory_space<vmem>>, vector<1x20x64xf32>
    %get3A_1043 = vector.shape_cast %get3A_1042 : vector<1x20x64xf32> to vector<20x64xf32>
    %slice3A_1044 = vector.extract_strided_slice %get3A_1038 {offsets = [0, 0], sizes = [50, 64], strides = [1, 1]} : vector<50x128xf32> to vector<50x64xf32>
    %dot_general3A_1045 = arith.constant dense<0.000000e+00> : vector<20x50xf32>
    %dot_general3A_1046 = tpu.matmul %get3A_1043, %slice3A_1044, %dot_general3A_1045 {dimension_numbers = #tpu.dot_dimension_numbers<[1], [1], [0], [0], [0, 0, 1, 0], [], []>, transpose_lhs_hint = false} : vector<20x64xf32>, vector<50x64xf32>, vector<20x50xf32> -> vector<20x50xf32>
    %slice3A_1047 = vector.extract_strided_slice %get3A_1038 {offsets = [0, 64], sizes = [50, 64], strides = [1, 1]} : vector<50x128xf32> to vector<50x64xf32>
    %dot_general3A_1048 = arith.constant dense<0.000000e+00> : vector<20x50xf32>
    %dot_general3A_1049 = tpu.matmul %get3A_1043, %slice3A_1047, %dot_general3A_1048 {dimension_numbers = #tpu.dot_dimension_numbers<[1], [1], [0], [0], [0, 0, 1, 0], [], []>, transpose_lhs_hint = false} : vector<20x64xf32>, vector<50x64xf32>, vector<20x50xf32> -> vector<20x50xf32>
    %get3A_1050 = arith.constant 36 : index
    %get3A_1051 = arith.constant 0 : index
    %get3A_1052 = vector.load %arg3[%get3A_1050, %get3A_1051] : memref<64x50xf32, #tpu.memory_space<vmem>>, vector<1x50xf32>
    %get3A_1053 = vector.shape_cast %get3A_1052 : vector<1x50xf32> to vector<50xf32>
    %broadcast_in_dim3A_1054 = vector.shape_cast %get3A_1053 : vector<50xf32> to vector<1x50xf32>
    %sub3A_1055 = arith.subf %dot_general3A_1049, %dot_general3A_1046 : vector<20x50xf32>
    %mul3A_1056 = vector.broadcast %broadcast_in_dim3A_1054 : vector<1x50xf32> to vector<20x50xf32>
    %mul3A_1057 = arith.mulf %mul3A_1056, %sub3A_1055 : vector<20x50xf32>
    %add3A_1058 = arith.addf %dot_general3A_1046, %mul3A_1057 : vector<20x50xf32>
    %swap3A_1059 = arith.constant 36 : index
    %swap3A_1060 = arith.constant 0 : index
    %swap3A_1061 = arith.constant 0 : index
    %swap3A_1062 = vector.load %arg4[%swap3A_1059, %swap3A_1060, %swap3A_1061] : memref<64x20x50xf32, #tpu.memory_space<vmem>>, vector<1x20x50xf32>
    %swap3A_1063 = vector.shape_cast %swap3A_1062 : vector<1x20x50xf32> to vector<20x50xf32>
    %swap3A_1064 = vector.shape_cast %add3A_1058 : vector<20x50xf32> to vector<1x20x50xf32>
    tpu.vector_store %arg4[%swap3A_1059, %swap3A_1060, %swap3A_1061], %swap3A_1064 {strides = array<i32>} : memref<64x20x50xf32, #tpu.memory_space<vmem>>, vector<1x20x50xf32>,
    %get3A_1065 = arith.constant 2072 : index
    %get3A_1066 = arith.constant 0 : index
    %get3A_1067 = vector.load %arg2[%get3A_1065, %get3A_1066] : memref<3584x128xf32, #tpu.memory_space<vmem>>, vector<50x128xf32>
    %get3A_1068 = arith.constant 37 : index
    %get3A_1069 = arith.constant 0 : index
    %get3A_1070 = arith.constant 0 : index
    %get3A_1071 = vector.load %arg1[%get3A_1068, %get3A_1069, %get3A_1070] : memref<64x20x64xf32, #tpu.memory_space<vmem>>, vector<1x20x64xf32>
    %get3A_1072 = vector.shape_cast %get3A_1071 : vector<1x20x64xf32> to vector<20x64xf32>
    %slice3A_1073 = vector.extract_strided_slice %get3A_1067 {offsets = [0, 0], sizes = [50, 64], strides = [1, 1]} : vector<50x128xf32> to vector<50x64xf32>
    %dot_general3A_1074 = arith.constant dense<0.000000e+00> : vector<20x50xf32>
    %dot_general3A_1075 = tpu.matmul %get3A_1072, %slice3A_1073, %dot_general3A_1074 {dimension_numbers = #tpu.dot_dimension_numbers<[1], [1], [0], [0], [0, 0, 1, 0], [], []>, transpose_lhs_hint = false} : vector<20x64xf32>, vector<50x64xf32>, vector<20x50xf32> -> vector<20x50xf32>
    %slice3A_1076 = vector.extract_strided_slice %get3A_1067 {offsets = [0, 64], sizes = [50, 64], strides = [1, 1]} : vector<50x128xf32> to vector<50x64xf32>
    %dot_general3A_1077 = arith.constant dense<0.000000e+00> : vector<20x50xf32>
    %dot_general3A_1078 = tpu.matmul %get3A_1072, %slice3A_1076, %dot_general3A_1077 {dimension_numbers = #tpu.dot_dimension_numbers<[1], [1], [0], [0], [0, 0, 1, 0], [], []>, transpose_lhs_hint = false} : vector<20x64xf32>, vector<50x64xf32>, vector<20x50xf32> -> vector<20x50xf32>
    %get3A_1079 = arith.constant 37 : index
    %get3A_1080 = arith.constant 0 : index
    %get3A_1081 = vector.load %arg3[%get3A_1079, %get3A_1080] : memref<64x50xf32, #tpu.memory_space<vmem>>, vector<1x50xf32>
    %get3A_1082 = vector.shape_cast %get3A_1081 : vector<1x50xf32> to vector<50xf32>
    %broadcast_in_dim3A_1083 = vector.shape_cast %get3A_1082 : vector<50xf32> to vector<1x50xf32>
    %sub3A_1084 = arith.subf %dot_general3A_1078, %dot_general3A_1075 : vector<20x50xf32>
    %mul3A_1085 = vector.broadcast %broadcast_in_dim3A_1083 : vector<1x50xf32> to vector<20x50xf32>
    %mul3A_1086 = arith.mulf %mul3A_1085, %sub3A_1084 : vector<20x50xf32>
    %add3A_1087 = arith.addf %dot_general3A_1075, %mul3A_1086 : vector<20x50xf32>
    %swap3A_1088 = arith.constant 37 : index
    %swap3A_1089 = arith.constant 0 : index
    %swap3A_1090 = arith.constant 0 : index
    %swap3A_1091 = vector.load %arg4[%swap3A_1088, %swap3A_1089, %swap3A_1090] : memref<64x20x50xf32, #tpu.memory_space<vmem>>, vector<1x20x50xf32>
    %swap3A_1092 = vector.shape_cast %swap3A_1091 : vector<1x20x50xf32> to vector<20x50xf32>
    %swap3A_1093 = vector.shape_cast %add3A_1087 : vector<20x50xf32> to vector<1x20x50xf32>
    tpu.vector_store %arg4[%swap3A_1088, %swap3A_1089, %swap3A_1090], %swap3A_1093 {strides = array<i32>} : memref<64x20x50xf32, #tpu.memory_space<vmem>>, vector<1x20x50xf32>,
    %get3A_1094 = arith.constant 2128 : index
    %get3A_1095 = arith.constant 0 : index
    %get3A_1096 = vector.load %arg2[%get3A_1094, %get3A_1095] : memref<3584x128xf32, #tpu.memory_space<vmem>>, vector<50x128xf32>
    %get3A_1097 = arith.constant 38 : index
    %get3A_1098 = arith.constant 0 : index
    %get3A_1099 = arith.constant 0 : index
    %get3A_1100 = vector.load %arg1[%get3A_1097, %get3A_1098, %get3A_1099] : memref<64x20x64xf32, #tpu.memory_space<vmem>>, vector<1x20x64xf32>
    %get3A_1101 = vector.shape_cast %get3A_1100 : vector<1x20x64xf32> to vector<20x64xf32>
    %slice3A_1102 = vector.extract_strided_slice %get3A_1096 {offsets = [0, 0], sizes = [50, 64], strides = [1, 1]} : vector<50x128xf32> to vector<50x64xf32>
    %dot_general3A_1103 = arith.constant dense<0.000000e+00> : vector<20x50xf32>
    %dot_general3A_1104 = tpu.matmul %get3A_1101, %slice3A_1102, %dot_general3A_1103 {dimension_numbers = #tpu.dot_dimension_numbers<[1], [1], [0], [0], [0, 0, 1, 0], [], []>, transpose_lhs_hint = false} : vector<20x64xf32>, vector<50x64xf32>, vector<20x50xf32> -> vector<20x50xf32>
    %slice3A_1105 = vector.extract_strided_slice %get3A_1096 {offsets = [0, 64], sizes = [50, 64], strides = [1, 1]} : vector<50x128xf32> to vector<50x64xf32>
    %dot_general3A_1106 = arith.constant dense<0.000000e+00> : vector<20x50xf32>
    %dot_general3A_1107 = tpu.matmul %get3A_1101, %slice3A_1105, %dot_general3A_1106 {dimension_numbers = #tpu.dot_dimension_numbers<[1], [1], [0], [0], [0, 0, 1, 0], [], []>, transpose_lhs_hint = false} : vector<20x64xf32>, vector<50x64xf32>, vector<20x50xf32> -> vector<20x50xf32>
    %get3A_1108 = arith.constant 38 : index
    %get3A_1109 = arith.constant 0 : index
    %get3A_1110 = vector.load %arg3[%get3A_1108, %get3A_1109] : memref<64x50xf32, #tpu.memory_space<vmem>>, vector<1x50xf32>
    %get3A_1111 = vector.shape_cast %get3A_1110 : vector<1x50xf32> to vector<50xf32>
    %broadcast_in_dim3A_1112 = vector.shape_cast %get3A_1111 : vector<50xf32> to vector<1x50xf32>
    %sub3A_1113 = arith.subf %dot_general3A_1107, %dot_general3A_1104 : vector<20x50xf32>
    %mul3A_1114 = vector.broadcast %broadcast_in_dim3A_1112 : vector<1x50xf32> to vector<20x50xf32>
    %mul3A_1115 = arith.mulf %mul3A_1114, %sub3A_1113 : vector<20x50xf32>
    %add3A_1116 = arith.addf %dot_general3A_1104, %mul3A_1115 : vector<20x50xf32>
    %swap3A_1117 = arith.constant 38 : index
    %swap3A_1118 = arith.constant 0 : index
    %swap3A_1119 = arith.constant 0 : index
    %swap3A_1120 = vector.load %arg4[%swap3A_1117, %swap3A_1118, %swap3A_1119] : memref<64x20x50xf32, #tpu.memory_space<vmem>>, vector<1x20x50xf32>
    %swap3A_1121 = vector.shape_cast %swap3A_1120 : vector<1x20x50xf32> to vector<20x50xf32>
    %swap3A_1122 = vector.shape_cast %add3A_1116 : vector<20x50xf32> to vector<1x20x50xf32>
    tpu.vector_store %arg4[%swap3A_1117, %swap3A_1118, %swap3A_1119], %swap3A_1122 {strides = array<i32>} : memref<64x20x50xf32, #tpu.memory_space<vmem>>, vector<1x20x50xf32>,
    %get3A_1123 = arith.constant 2184 : index
    %get3A_1124 = arith.constant 0 : index
    %get3A_1125 = vector.load %arg2[%get3A_1123, %get3A_1124] : memref<3584x128xf32, #tpu.memory_space<vmem>>, vector<50x128xf32>
    %get3A_1126 = arith.constant 39 : index
    %get3A_1127 = arith.constant 0 : index
    %get3A_1128 = arith.constant 0 : index
    %get3A_1129 = vector.load %arg1[%get3A_1126, %get3A_1127, %get3A_1128] : memref<64x20x64xf32, #tpu.memory_space<vmem>>, vector<1x20x64xf32>
    %get3A_1130 = vector.shape_cast %get3A_1129 : vector<1x20x64xf32> to vector<20x64xf32>
    %slice3A_1131 = vector.extract_strided_slice %get3A_1125 {offsets = [0, 0], sizes = [50, 64], strides = [1, 1]} : vector<50x128xf32> to vector<50x64xf32>
    %dot_general3A_1132 = arith.constant dense<0.000000e+00> : vector<20x50xf32>
    %dot_general3A_1133 = tpu.matmul %get3A_1130, %slice3A_1131, %dot_general3A_1132 {dimension_numbers = #tpu.dot_dimension_numbers<[1], [1], [0], [0], [0, 0, 1, 0], [], []>, transpose_lhs_hint = false} : vector<20x64xf32>, vector<50x64xf32>, vector<20x50xf32> -> vector<20x50xf32>
    %slice3A_1134 = vector.extract_strided_slice %get3A_1125 {offsets = [0, 64], sizes = [50, 64], strides = [1, 1]} : vector<50x128xf32> to vector<50x64xf32>
    %dot_general3A_1135 = arith.constant dense<0.000000e+00> : vector<20x50xf32>
    %dot_general3A_1136 = tpu.matmul %get3A_1130, %slice3A_1134, %dot_general3A_1135 {dimension_numbers = #tpu.dot_dimension_numbers<[1], [1], [0], [0], [0, 0, 1, 0], [], []>, transpose_lhs_hint = false} : vector<20x64xf32>, vector<50x64xf32>, vector<20x50xf32> -> vector<20x50xf32>
    %get3A_1137 = arith.constant 39 : index
    %get3A_1138 = arith.constant 0 : index
    %get3A_1139 = vector.load %arg3[%get3A_1137, %get3A_1138] : memref<64x50xf32, #tpu.memory_space<vmem>>, vector<1x50xf32>
    %get3A_1140 = vector.shape_cast %get3A_1139 : vector<1x50xf32> to vector<50xf32>
    %broadcast_in_dim3A_1141 = vector.shape_cast %get3A_1140 : vector<50xf32> to vector<1x50xf32>
    %sub3A_1142 = arith.subf %dot_general3A_1136, %dot_general3A_1133 : vector<20x50xf32>
    %mul3A_1143 = vector.broadcast %broadcast_in_dim3A_1141 : vector<1x50xf32> to vector<20x50xf32>
    %mul3A_1144 = arith.mulf %mul3A_1143, %sub3A_1142 : vector<20x50xf32>
    %add3A_1145 = arith.addf %dot_general3A_1133, %mul3A_1144 : vector<20x50xf32>
    %swap3A_1146 = arith.constant 39 : index
    %swap3A_1147 = arith.constant 0 : index
    %swap3A_1148 = arith.constant 0 : index
    %swap3A_1149 = vector.load %arg4[%swap3A_1146, %swap3A_1147, %swap3A_1148] : memref<64x20x50xf32, #tpu.memory_space<vmem>>, vector<1x20x50xf32>
    %swap3A_1150 = vector.shape_cast %swap3A_1149 : vector<1x20x50xf32> to vector<20x50xf32>
    %swap3A_1151 = vector.shape_cast %add3A_1145 : vector<20x50xf32> to vector<1x20x50xf32>
    tpu.vector_store %arg4[%swap3A_1146, %swap3A_1147, %swap3A_1148], %swap3A_1151 {strides = array<i32>} : memref<64x20x50xf32, #tpu.memory_space<vmem>>, vector<1x20x50xf32>,
    %get3A_1152 = arith.constant 2240 : index
    %get3A_1153 = arith.constant 0 : index
    %get3A_1154 = vector.load %arg2[%get3A_1152, %get3A_1153] : memref<3584x128xf32, #tpu.memory_space<vmem>>, vector<50x128xf32>
    %get3A_1155 = arith.constant 40 : index
    %get3A_1156 = arith.constant 0 : index
    %get3A_1157 = arith.constant 0 : index
    %get3A_1158 = vector.load %arg1[%get3A_1155, %get3A_1156, %get3A_1157] : memref<64x20x64xf32, #tpu.memory_space<vmem>>, vector<1x20x64xf32>
    %get3A_1159 = vector.shape_cast %get3A_1158 : vector<1x20x64xf32> to vector<20x64xf32>
    %slice3A_1160 = vector.extract_strided_slice %get3A_1154 {offsets = [0, 0], sizes = [50, 64], strides = [1, 1]} : vector<50x128xf32> to vector<50x64xf32>
    %dot_general3A_1161 = arith.constant dense<0.000000e+00> : vector<20x50xf32>
    %dot_general3A_1162 = tpu.matmul %get3A_1159, %slice3A_1160, %dot_general3A_1161 {dimension_numbers = #tpu.dot_dimension_numbers<[1], [1], [0], [0], [0, 0, 1, 0], [], []>, transpose_lhs_hint = false} : vector<20x64xf32>, vector<50x64xf32>, vector<20x50xf32> -> vector<20x50xf32>
    %slice3A_1163 = vector.extract_strided_slice %get3A_1154 {offsets = [0, 64], sizes = [50, 64], strides = [1, 1]} : vector<50x128xf32> to vector<50x64xf32>
    %dot_general3A_1164 = arith.constant dense<0.000000e+00> : vector<20x50xf32>
    %dot_general3A_1165 = tpu.matmul %get3A_1159, %slice3A_1163, %dot_general3A_1164 {dimension_numbers = #tpu.dot_dimension_numbers<[1], [1], [0], [0], [0, 0, 1, 0], [], []>, transpose_lhs_hint = false} : vector<20x64xf32>, vector<50x64xf32>, vector<20x50xf32> -> vector<20x50xf32>
    %get3A_1166 = arith.constant 40 : index
    %get3A_1167 = arith.constant 0 : index
    %get3A_1168 = vector.load %arg3[%get3A_1166, %get3A_1167] : memref<64x50xf32, #tpu.memory_space<vmem>>, vector<1x50xf32>
    %get3A_1169 = vector.shape_cast %get3A_1168 : vector<1x50xf32> to vector<50xf32>
    %broadcast_in_dim3A_1170 = vector.shape_cast %get3A_1169 : vector<50xf32> to vector<1x50xf32>
    %sub3A_1171 = arith.subf %dot_general3A_1165, %dot_general3A_1162 : vector<20x50xf32>
    %mul3A_1172 = vector.broadcast %broadcast_in_dim3A_1170 : vector<1x50xf32> to vector<20x50xf32>
    %mul3A_1173 = arith.mulf %mul3A_1172, %sub3A_1171 : vector<20x50xf32>
    %add3A_1174 = arith.addf %dot_general3A_1162, %mul3A_1173 : vector<20x50xf32>
    %swap3A_1175 = arith.constant 40 : index
    %swap3A_1176 = arith.constant 0 : index
    %swap3A_1177 = arith.constant 0 : index
    %swap3A_1178 = vector.load %arg4[%swap3A_1175, %swap3A_1176, %swap3A_1177] : memref<64x20x50xf32, #tpu.memory_space<vmem>>, vector<1x20x50xf32>
    %swap3A_1179 = vector.shape_cast %swap3A_1178 : vector<1x20x50xf32> to vector<20x50xf32>
    %swap3A_1180 = vector.shape_cast %add3A_1174 : vector<20x50xf32> to vector<1x20x50xf32>
    tpu.vector_store %arg4[%swap3A_1175, %swap3A_1176, %swap3A_1177], %swap3A_1180 {strides = array<i32>} : memref<64x20x50xf32, #tpu.memory_space<vmem>>, vector<1x20x50xf32>,
    %get3A_1181 = arith.constant 2296 : index
    %get3A_1182 = arith.constant 0 : index
    %get3A_1183 = vector.load %arg2[%get3A_1181, %get3A_1182] : memref<3584x128xf32, #tpu.memory_space<vmem>>, vector<50x128xf32>
    %get3A_1184 = arith.constant 41 : index
    %get3A_1185 = arith.constant 0 : index
    %get3A_1186 = arith.constant 0 : index
    %get3A_1187 = vector.load %arg1[%get3A_1184, %get3A_1185, %get3A_1186] : memref<64x20x64xf32, #tpu.memory_space<vmem>>, vector<1x20x64xf32>
    %get3A_1188 = vector.shape_cast %get3A_1187 : vector<1x20x64xf32> to vector<20x64xf32>
    %slice3A_1189 = vector.extract_strided_slice %get3A_1183 {offsets = [0, 0], sizes = [50, 64], strides = [1, 1]} : vector<50x128xf32> to vector<50x64xf32>
    %dot_general3A_1190 = arith.constant dense<0.000000e+00> : vector<20x50xf32>
    %dot_general3A_1191 = tpu.matmul %get3A_1188, %slice3A_1189, %dot_general3A_1190 {dimension_numbers = #tpu.dot_dimension_numbers<[1], [1], [0], [0], [0, 0, 1, 0], [], []>, transpose_lhs_hint = false} : vector<20x64xf32>, vector<50x64xf32>, vector<20x50xf32> -> vector<20x50xf32>
    %slice3A_1192 = vector.extract_strided_slice %get3A_1183 {offsets = [0, 64], sizes = [50, 64], strides = [1, 1]} : vector<50x128xf32> to vector<50x64xf32>
    %dot_general3A_1193 = arith.constant dense<0.000000e+00> : vector<20x50xf32>
    %dot_general3A_1194 = tpu.matmul %get3A_1188, %slice3A_1192, %dot_general3A_1193 {dimension_numbers = #tpu.dot_dimension_numbers<[1], [1], [0], [0], [0, 0, 1, 0], [], []>, transpose_lhs_hint = false} : vector<20x64xf32>, vector<50x64xf32>, vector<20x50xf32> -> vector<20x50xf32>
    %get3A_1195 = arith.constant 41 : index
    %get3A_1196 = arith.constant 0 : index
    %get3A_1197 = vector.load %arg3[%get3A_1195, %get3A_1196] : memref<64x50xf32, #tpu.memory_space<vmem>>, vector<1x50xf32>
    %get3A_1198 = vector.shape_cast %get3A_1197 : vector<1x50xf32> to vector<50xf32>
    %broadcast_in_dim3A_1199 = vector.shape_cast %get3A_1198 : vector<50xf32> to vector<1x50xf32>
    %sub3A_1200 = arith.subf %dot_general3A_1194, %dot_general3A_1191 : vector<20x50xf32>
    %mul3A_1201 = vector.broadcast %broadcast_in_dim3A_1199 : vector<1x50xf32> to vector<20x50xf32>
    %mul3A_1202 = arith.mulf %mul3A_1201, %sub3A_1200 : vector<20x50xf32>
    %add3A_1203 = arith.addf %dot_general3A_1191, %mul3A_1202 : vector<20x50xf32>
    %swap3A_1204 = arith.constant 41 : index
    %swap3A_1205 = arith.constant 0 : index
    %swap3A_1206 = arith.constant 0 : index
    %swap3A_1207 = vector.load %arg4[%swap3A_1204, %swap3A_1205, %swap3A_1206] : memref<64x20x50xf32, #tpu.memory_space<vmem>>, vector<1x20x50xf32>
    %swap3A_1208 = vector.shape_cast %swap3A_1207 : vector<1x20x50xf32> to vector<20x50xf32>
    %swap3A_1209 = vector.shape_cast %add3A_1203 : vector<20x50xf32> to vector<1x20x50xf32>
    tpu.vector_store %arg4[%swap3A_1204, %swap3A_1205, %swap3A_1206], %swap3A_1209 {strides = array<i32>} : memref<64x20x50xf32, #tpu.memory_space<vmem>>, vector<1x20x50xf32>,
    %get3A_1210 = arith.constant 2352 : index
    %get3A_1211 = arith.constant 0 : index
    %get3A_1212 = vector.load %arg2[%get3A_1210, %get3A_1211] : memref<3584x128xf32, #tpu.memory_space<vmem>>, vector<50x128xf32>
    %get3A_1213 = arith.constant 42 : index
    %get3A_1214 = arith.constant 0 : index
    %get3A_1215 = arith.constant 0 : index
    %get3A_1216 = vector.load %arg1[%get3A_1213, %get3A_1214, %get3A_1215] : memref<64x20x64xf32, #tpu.memory_space<vmem>>, vector<1x20x64xf32>
    %get3A_1217 = vector.shape_cast %get3A_1216 : vector<1x20x64xf32> to vector<20x64xf32>
    %slice3A_1218 = vector.extract_strided_slice %get3A_1212 {offsets = [0, 0], sizes = [50, 64], strides = [1, 1]} : vector<50x128xf32> to vector<50x64xf32>
    %dot_general3A_1219 = arith.constant dense<0.000000e+00> : vector<20x50xf32>
    %dot_general3A_1220 = tpu.matmul %get3A_1217, %slice3A_1218, %dot_general3A_1219 {dimension_numbers = #tpu.dot_dimension_numbers<[1], [1], [0], [0], [0, 0, 1, 0], [], []>, transpose_lhs_hint = false} : vector<20x64xf32>, vector<50x64xf32>, vector<20x50xf32> -> vector<20x50xf32>
    %slice3A_1221 = vector.extract_strided_slice %get3A_1212 {offsets = [0, 64], sizes = [50, 64], strides = [1, 1]} : vector<50x128xf32> to vector<50x64xf32>
    %dot_general3A_1222 = arith.constant dense<0.000000e+00> : vector<20x50xf32>
    %dot_general3A_1223 = tpu.matmul %get3A_1217, %slice3A_1221, %dot_general3A_1222 {dimension_numbers = #tpu.dot_dimension_numbers<[1], [1], [0], [0], [0, 0, 1, 0], [], []>, transpose_lhs_hint = false} : vector<20x64xf32>, vector<50x64xf32>, vector<20x50xf32> -> vector<20x50xf32>
    %get3A_1224 = arith.constant 42 : index
    %get3A_1225 = arith.constant 0 : index
    %get3A_1226 = vector.load %arg3[%get3A_1224, %get3A_1225] : memref<64x50xf32, #tpu.memory_space<vmem>>, vector<1x50xf32>
    %get3A_1227 = vector.shape_cast %get3A_1226 : vector<1x50xf32> to vector<50xf32>
    %broadcast_in_dim3A_1228 = vector.shape_cast %get3A_1227 : vector<50xf32> to vector<1x50xf32>
    %sub3A_1229 = arith.subf %dot_general3A_1223, %dot_general3A_1220 : vector<20x50xf32>
    %mul3A_1230 = vector.broadcast %broadcast_in_dim3A_1228 : vector<1x50xf32> to vector<20x50xf32>
    %mul3A_1231 = arith.mulf %mul3A_1230, %sub3A_1229 : vector<20x50xf32>
    %add3A_1232 = arith.addf %dot_general3A_1220, %mul3A_1231 : vector<20x50xf32>
    %swap3A_1233 = arith.constant 42 : index
    %swap3A_1234 = arith.constant 0 : index
    %swap3A_1235 = arith.constant 0 : index
    %swap3A_1236 = vector.load %arg4[%swap3A_1233, %swap3A_1234, %swap3A_1235] : memref<64x20x50xf32, #tpu.memory_space<vmem>>, vector<1x20x50xf32>
    %swap3A_1237 = vector.shape_cast %swap3A_1236 : vector<1x20x50xf32> to vector<20x50xf32>
    %swap3A_1238 = vector.shape_cast %add3A_1232 : vector<20x50xf32> to vector<1x20x50xf32>
    tpu.vector_store %arg4[%swap3A_1233, %swap3A_1234, %swap3A_1235], %swap3A_1238 {strides = array<i32>} : memref<64x20x50xf32, #tpu.memory_space<vmem>>, vector<1x20x50xf32>,
    %get3A_1239 = arith.constant 2408 : index
    %get3A_1240 = arith.constant 0 : index
    %get3A_1241 = vector.load %arg2[%get3A_1239, %get3A_1240] : memref<3584x128xf32, #tpu.memory_space<vmem>>, vector<50x128xf32>
    %get3A_1242 = arith.constant 43 : index
    %get3A_1243 = arith.constant 0 : index
    %get3A_1244 = arith.constant 0 : index
    %get3A_1245 = vector.load %arg1[%get3A_1242, %get3A_1243, %get3A_1244] : memref<64x20x64xf32, #tpu.memory_space<vmem>>, vector<1x20x64xf32>
    %get3A_1246 = vector.shape_cast %get3A_1245 : vector<1x20x64xf32> to vector<20x64xf32>
    %slice3A_1247 = vector.extract_strided_slice %get3A_1241 {offsets = [0, 0], sizes = [50, 64], strides = [1, 1]} : vector<50x128xf32> to vector<50x64xf32>
    %dot_general3A_1248 = arith.constant dense<0.000000e+00> : vector<20x50xf32>
    %dot_general3A_1249 = tpu.matmul %get3A_1246, %slice3A_1247, %dot_general3A_1248 {dimension_numbers = #tpu.dot_dimension_numbers<[1], [1], [0], [0], [0, 0, 1, 0], [], []>, transpose_lhs_hint = false} : vector<20x64xf32>, vector<50x64xf32>, vector<20x50xf32> -> vector<20x50xf32>
    %slice3A_1250 = vector.extract_strided_slice %get3A_1241 {offsets = [0, 64], sizes = [50, 64], strides = [1, 1]} : vector<50x128xf32> to vector<50x64xf32>
    %dot_general3A_1251 = arith.constant dense<0.000000e+00> : vector<20x50xf32>
    %dot_general3A_1252 = tpu.matmul %get3A_1246, %slice3A_1250, %dot_general3A_1251 {dimension_numbers = #tpu.dot_dimension_numbers<[1], [1], [0], [0], [0, 0, 1, 0], [], []>, transpose_lhs_hint = false} : vector<20x64xf32>, vector<50x64xf32>, vector<20x50xf32> -> vector<20x50xf32>
    %get3A_1253 = arith.constant 43 : index
    %get3A_1254 = arith.constant 0 : index
    %get3A_1255 = vector.load %arg3[%get3A_1253, %get3A_1254] : memref<64x50xf32, #tpu.memory_space<vmem>>, vector<1x50xf32>
    %get3A_1256 = vector.shape_cast %get3A_1255 : vector<1x50xf32> to vector<50xf32>
    %broadcast_in_dim3A_1257 = vector.shape_cast %get3A_1256 : vector<50xf32> to vector<1x50xf32>
    %sub3A_1258 = arith.subf %dot_general3A_1252, %dot_general3A_1249 : vector<20x50xf32>
    %mul3A_1259 = vector.broadcast %broadcast_in_dim3A_1257 : vector<1x50xf32> to vector<20x50xf32>
    %mul3A_1260 = arith.mulf %mul3A_1259, %sub3A_1258 : vector<20x50xf32>
    %add3A_1261 = arith.addf %dot_general3A_1249, %mul3A_1260 : vector<20x50xf32>
    %swap3A_1262 = arith.constant 43 : index
    %swap3A_1263 = arith.constant 0 : index
    %swap3A_1264 = arith.constant 0 : index
    %swap3A_1265 = vector.load %arg4[%swap3A_1262, %swap3A_1263, %swap3A_1264] : memref<64x20x50xf32, #tpu.memory_space<vmem>>, vector<1x20x50xf32>
    %swap3A_1266 = vector.shape_cast %swap3A_1265 : vector<1x20x50xf32> to vector<20x50xf32>
    %swap3A_1267 = vector.shape_cast %add3A_1261 : vector<20x50xf32> to vector<1x20x50xf32>
    tpu.vector_store %arg4[%swap3A_1262, %swap3A_1263, %swap3A_1264], %swap3A_1267 {strides = array<i32>} : memref<64x20x50xf32, #tpu.memory_space<vmem>>, vector<1x20x50xf32>,
    %get3A_1268 = arith.constant 2464 : index
    %get3A_1269 = arith.constant 0 : index
    %get3A_1270 = vector.load %arg2[%get3A_1268, %get3A_1269] : memref<3584x128xf32, #tpu.memory_space<vmem>>, vector<50x128xf32>
    %get3A_1271 = arith.constant 44 : index
    %get3A_1272 = arith.constant 0 : index
    %get3A_1273 = arith.constant 0 : index
    %get3A_1274 = vector.load %arg1[%get3A_1271, %get3A_1272, %get3A_1273] : memref<64x20x64xf32, #tpu.memory_space<vmem>>, vector<1x20x64xf32>
    %get3A_1275 = vector.shape_cast %get3A_1274 : vector<1x20x64xf32> to vector<20x64xf32>
    %slice3A_1276 = vector.extract_strided_slice %get3A_1270 {offsets = [0, 0], sizes = [50, 64], strides = [1, 1]} : vector<50x128xf32> to vector<50x64xf32>
    %dot_general3A_1277 = arith.constant dense<0.000000e+00> : vector<20x50xf32>
    %dot_general3A_1278 = tpu.matmul %get3A_1275, %slice3A_1276, %dot_general3A_1277 {dimension_numbers = #tpu.dot_dimension_numbers<[1], [1], [0], [0], [0, 0, 1, 0], [], []>, transpose_lhs_hint = false} : vector<20x64xf32>, vector<50x64xf32>, vector<20x50xf32> -> vector<20x50xf32>
    %slice3A_1279 = vector.extract_strided_slice %get3A_1270 {offsets = [0, 64], sizes = [50, 64], strides = [1, 1]} : vector<50x128xf32> to vector<50x64xf32>
    %dot_general3A_1280 = arith.constant dense<0.000000e+00> : vector<20x50xf32>
    %dot_general3A_1281 = tpu.matmul %get3A_1275, %slice3A_1279, %dot_general3A_1280 {dimension_numbers = #tpu.dot_dimension_numbers<[1], [1], [0], [0], [0, 0, 1, 0], [], []>, transpose_lhs_hint = false} : vector<20x64xf32>, vector<50x64xf32>, vector<20x50xf32> -> vector<20x50xf32>
    %get3A_1282 = arith.constant 44 : index
    %get3A_1283 = arith.constant 0 : index
    %get3A_1284 = vector.load %arg3[%get3A_1282, %get3A_1283] : memref<64x50xf32, #tpu.memory_space<vmem>>, vector<1x50xf32>
    %get3A_1285 = vector.shape_cast %get3A_1284 : vector<1x50xf32> to vector<50xf32>
    %broadcast_in_dim3A_1286 = vector.shape_cast %get3A_1285 : vector<50xf32> to vector<1x50xf32>
    %sub3A_1287 = arith.subf %dot_general3A_1281, %dot_general3A_1278 : vector<20x50xf32>
    %mul3A_1288 = vector.broadcast %broadcast_in_dim3A_1286 : vector<1x50xf32> to vector<20x50xf32>
    %mul3A_1289 = arith.mulf %mul3A_1288, %sub3A_1287 : vector<20x50xf32>
    %add3A_1290 = arith.addf %dot_general3A_1278, %mul3A_1289 : vector<20x50xf32>
    %swap3A_1291 = arith.constant 44 : index
    %swap3A_1292 = arith.constant 0 : index
    %swap3A_1293 = arith.constant 0 : index
    %swap3A_1294 = vector.load %arg4[%swap3A_1291, %swap3A_1292, %swap3A_1293] : memref<64x20x50xf32, #tpu.memory_space<vmem>>, vector<1x20x50xf32>
    %swap3A_1295 = vector.shape_cast %swap3A_1294 : vector<1x20x50xf32> to vector<20x50xf32>
    %swap3A_1296 = vector.shape_cast %add3A_1290 : vector<20x50xf32> to vector<1x20x50xf32>
    tpu.vector_store %arg4[%swap3A_1291, %swap3A_1292, %swap3A_1293], %swap3A_1296 {strides = array<i32>} : memref<64x20x50xf32, #tpu.memory_space<vmem>>, vector<1x20x50xf32>,
    %get3A_1297 = arith.constant 2520 : index
    %get3A_1298 = arith.constant 0 : index
    %get3A_1299 = vector.load %arg2[%get3A_1297, %get3A_1298] : memref<3584x128xf32, #tpu.memory_space<vmem>>, vector<50x128xf32>
    %get3A_1300 = arith.constant 45 : index
    %get3A_1301 = arith.constant 0 : index
    %get3A_1302 = arith.constant 0 : index
    %get3A_1303 = vector.load %arg1[%get3A_1300, %get3A_1301, %get3A_1302] : memref<64x20x64xf32, #tpu.memory_space<vmem>>, vector<1x20x64xf32>
    %get3A_1304 = vector.shape_cast %get3A_1303 : vector<1x20x64xf32> to vector<20x64xf32>
    %slice3A_1305 = vector.extract_strided_slice %get3A_1299 {offsets = [0, 0], sizes = [50, 64], strides = [1, 1]} : vector<50x128xf32> to vector<50x64xf32>
    %dot_general3A_1306 = arith.constant dense<0.000000e+00> : vector<20x50xf32>
    %dot_general3A_1307 = tpu.matmul %get3A_1304, %slice3A_1305, %dot_general3A_1306 {dimension_numbers = #tpu.dot_dimension_numbers<[1], [1], [0], [0], [0, 0, 1, 0], [], []>, transpose_lhs_hint = false} : vector<20x64xf32>, vector<50x64xf32>, vector<20x50xf32> -> vector<20x50xf32>
    %slice3A_1308 = vector.extract_strided_slice %get3A_1299 {offsets = [0, 64], sizes = [50, 64], strides = [1, 1]} : vector<50x128xf32> to vector<50x64xf32>
    %dot_general3A_1309 = arith.constant dense<0.000000e+00> : vector<20x50xf32>
    %dot_general3A_1310 = tpu.matmul %get3A_1304, %slice3A_1308, %dot_general3A_1309 {dimension_numbers = #tpu.dot_dimension_numbers<[1], [1], [0], [0], [0, 0, 1, 0], [], []>, transpose_lhs_hint = false} : vector<20x64xf32>, vector<50x64xf32>, vector<20x50xf32> -> vector<20x50xf32>
    %get3A_1311 = arith.constant 45 : index
    %get3A_1312 = arith.constant 0 : index
    %get3A_1313 = vector.load %arg3[%get3A_1311, %get3A_1312] : memref<64x50xf32, #tpu.memory_space<vmem>>, vector<1x50xf32>
    %get3A_1314 = vector.shape_cast %get3A_1313 : vector<1x50xf32> to vector<50xf32>
    %broadcast_in_dim3A_1315 = vector.shape_cast %get3A_1314 : vector<50xf32> to vector<1x50xf32>
    %sub3A_1316 = arith.subf %dot_general3A_1310, %dot_general3A_1307 : vector<20x50xf32>
    %mul3A_1317 = vector.broadcast %broadcast_in_dim3A_1315 : vector<1x50xf32> to vector<20x50xf32>
    %mul3A_1318 = arith.mulf %mul3A_1317, %sub3A_1316 : vector<20x50xf32>
    %add3A_1319 = arith.addf %dot_general3A_1307, %mul3A_1318 : vector<20x50xf32>
    %swap3A_1320 = arith.constant 45 : index
    %swap3A_1321 = arith.constant 0 : index
    %swap3A_1322 = arith.constant 0 : index
    %swap3A_1323 = vector.load %arg4[%swap3A_1320, %swap3A_1321, %swap3A_1322] : memref<64x20x50xf32, #tpu.memory_space<vmem>>, vector<1x20x50xf32>
    %swap3A_1324 = vector.shape_cast %swap3A_1323 : vector<1x20x50xf32> to vector<20x50xf32>
    %swap3A_1325 = vector.shape_cast %add3A_1319 : vector<20x50xf32> to vector<1x20x50xf32>
    tpu.vector_store %arg4[%swap3A_1320, %swap3A_1321, %swap3A_1322], %swap3A_1325 {strides = array<i32>} : memref<64x20x50xf32, #tpu.memory_space<vmem>>, vector<1x20x50xf32>,
    %get3A_1326 = arith.constant 2576 : index
    %get3A_1327 = arith.constant 0 : index
    %get3A_1328 = vector.load %arg2[%get3A_1326, %get3A_1327] : memref<3584x128xf32, #tpu.memory_space<vmem>>, vector<50x128xf32>
    %get3A_1329 = arith.constant 46 : index
    %get3A_1330 = arith.constant 0 : index
    %get3A_1331 = arith.constant 0 : index
    %get3A_1332 = vector.load %arg1[%get3A_1329, %get3A_1330, %get3A_1331] : memref<64x20x64xf32, #tpu.memory_space<vmem>>, vector<1x20x64xf32>
    %get3A_1333 = vector.shape_cast %get3A_1332 : vector<1x20x64xf32> to vector<20x64xf32>
    %slice3A_1334 = vector.extract_strided_slice %get3A_1328 {offsets = [0, 0], sizes = [50, 64], strides = [1, 1]} : vector<50x128xf32> to vector<50x64xf32>
    %dot_general3A_1335 = arith.constant dense<0.000000e+00> : vector<20x50xf32>
    %dot_general3A_1336 = tpu.matmul %get3A_1333, %slice3A_1334, %dot_general3A_1335 {dimension_numbers = #tpu.dot_dimension_numbers<[1], [1], [0], [0], [0, 0, 1, 0], [], []>, transpose_lhs_hint = false} : vector<20x64xf32>, vector<50x64xf32>, vector<20x50xf32> -> vector<20x50xf32>
    %slice3A_1337 = vector.extract_strided_slice %get3A_1328 {offsets = [0, 64], sizes = [50, 64], strides = [1, 1]} : vector<50x128xf32> to vector<50x64xf32>
    %dot_general3A_1338 = arith.constant dense<0.000000e+00> : vector<20x50xf32>
    %dot_general3A_1339 = tpu.matmul %get3A_1333, %slice3A_1337, %dot_general3A_1338 {dimension_numbers = #tpu.dot_dimension_numbers<[1], [1], [0], [0], [0, 0, 1, 0], [], []>, transpose_lhs_hint = false} : vector<20x64xf32>, vector<50x64xf32>, vector<20x50xf32> -> vector<20x50xf32>
    %get3A_1340 = arith.constant 46 : index
    %get3A_1341 = arith.constant 0 : index
    %get3A_1342 = vector.load %arg3[%get3A_1340, %get3A_1341] : memref<64x50xf32, #tpu.memory_space<vmem>>, vector<1x50xf32>
    %get3A_1343 = vector.shape_cast %get3A_1342 : vector<1x50xf32> to vector<50xf32>
    %broadcast_in_dim3A_1344 = vector.shape_cast %get3A_1343 : vector<50xf32> to vector<1x50xf32>
    %sub3A_1345 = arith.subf %dot_general3A_1339, %dot_general3A_1336 : vector<20x50xf32>
    %mul3A_1346 = vector.broadcast %broadcast_in_dim3A_1344 : vector<1x50xf32> to vector<20x50xf32>
    %mul3A_1347 = arith.mulf %mul3A_1346, %sub3A_1345 : vector<20x50xf32>
    %add3A_1348 = arith.addf %dot_general3A_1336, %mul3A_1347 : vector<20x50xf32>
    %swap3A_1349 = arith.constant 46 : index
    %swap3A_1350 = arith.constant 0 : index
    %swap3A_1351 = arith.constant 0 : index
    %swap3A_1352 = vector.load %arg4[%swap3A_1349, %swap3A_1350, %swap3A_1351] : memref<64x20x50xf32, #tpu.memory_space<vmem>>, vector<1x20x50xf32>
    %swap3A_1353 = vector.shape_cast %swap3A_1352 : vector<1x20x50xf32> to vector<20x50xf32>
    %swap3A_1354 = vector.shape_cast %add3A_1348 : vector<20x50xf32> to vector<1x20x50xf32>
    tpu.vector_store %arg4[%swap3A_1349, %swap3A_1350, %swap3A_1351], %swap3A_1354 {strides = array<i32>} : memref<64x20x50xf32, #tpu.memory_space<vmem>>, vector<1x20x50xf32>,
    %get3A_1355 = arith.constant 2632 : index
    %get3A_1356 = arith.constant 0 : index
    %get3A_1357 = vector.load %arg2[%get3A_1355, %get3A_1356] : memref<3584x128xf32, #tpu.memory_space<vmem>>, vector<50x128xf32>
    %get3A_1358 = arith.constant 47 : index
    %get3A_1359 = arith.constant 0 : index
    %get3A_1360 = arith.constant 0 : index
    %get3A_1361 = vector.load %arg1[%get3A_1358, %get3A_1359, %get3A_1360] : memref<64x20x64xf32, #tpu.memory_space<vmem>>, vector<1x20x64xf32>
    %get3A_1362 = vector.shape_cast %get3A_1361 : vector<1x20x64xf32> to vector<20x64xf32>
    %slice3A_1363 = vector.extract_strided_slice %get3A_1357 {offsets = [0, 0], sizes = [50, 64], strides = [1, 1]} : vector<50x128xf32> to vector<50x64xf32>
    %dot_general3A_1364 = arith.constant dense<0.000000e+00> : vector<20x50xf32>
    %dot_general3A_1365 = tpu.matmul %get3A_1362, %slice3A_1363, %dot_general3A_1364 {dimension_numbers = #tpu.dot_dimension_numbers<[1], [1], [0], [0], [0, 0, 1, 0], [], []>, transpose_lhs_hint = false} : vector<20x64xf32>, vector<50x64xf32>, vector<20x50xf32> -> vector<20x50xf32>
    %slice3A_1366 = vector.extract_strided_slice %get3A_1357 {offsets = [0, 64], sizes = [50, 64], strides = [1, 1]} : vector<50x128xf32> to vector<50x64xf32>
    %dot_general3A_1367 = arith.constant dense<0.000000e+00> : vector<20x50xf32>
    %dot_general3A_1368 = tpu.matmul %get3A_1362, %slice3A_1366, %dot_general3A_1367 {dimension_numbers = #tpu.dot_dimension_numbers<[1], [1], [0], [0], [0, 0, 1, 0], [], []>, transpose_lhs_hint = false} : vector<20x64xf32>, vector<50x64xf32>, vector<20x50xf32> -> vector<20x50xf32>
    %get3A_1369 = arith.constant 47 : index
    %get3A_1370 = arith.constant 0 : index
    %get3A_1371 = vector.load %arg3[%get3A_1369, %get3A_1370] : memref<64x50xf32, #tpu.memory_space<vmem>>, vector<1x50xf32>
    %get3A_1372 = vector.shape_cast %get3A_1371 : vector<1x50xf32> to vector<50xf32>
    %broadcast_in_dim3A_1373 = vector.shape_cast %get3A_1372 : vector<50xf32> to vector<1x50xf32>
    %sub3A_1374 = arith.subf %dot_general3A_1368, %dot_general3A_1365 : vector<20x50xf32>
    %mul3A_1375 = vector.broadcast %broadcast_in_dim3A_1373 : vector<1x50xf32> to vector<20x50xf32>
    %mul3A_1376 = arith.mulf %mul3A_1375, %sub3A_1374 : vector<20x50xf32>
    %add3A_1377 = arith.addf %dot_general3A_1365, %mul3A_1376 : vector<20x50xf32>
    %swap3A_1378 = arith.constant 47 : index
    %swap3A_1379 = arith.constant 0 : index
    %swap3A_1380 = arith.constant 0 : index
    %swap3A_1381 = vector.load %arg4[%swap3A_1378, %swap3A_1379, %swap3A_1380] : memref<64x20x50xf32, #tpu.memory_space<vmem>>, vector<1x20x50xf32>
    %swap3A_1382 = vector.shape_cast %swap3A_1381 : vector<1x20x50xf32> to vector<20x50xf32>
    %swap3A_1383 = vector.shape_cast %add3A_1377 : vector<20x50xf32> to vector<1x20x50xf32>
    tpu.vector_store %arg4[%swap3A_1378, %swap3A_1379, %swap3A_1380], %swap3A_1383 {strides = array<i32>} : memref<64x20x50xf32, #tpu.memory_space<vmem>>, vector<1x20x50xf32>,
    %get3A_1384 = arith.constant 2688 : index
    %get3A_1385 = arith.constant 0 : index
    %get3A_1386 = vector.load %arg2[%get3A_1384, %get3A_1385] : memref<3584x128xf32, #tpu.memory_space<vmem>>, vector<50x128xf32>
    %get3A_1387 = arith.constant 48 : index
    %get3A_1388 = arith.constant 0 : index
    %get3A_1389 = arith.constant 0 : index
    %get3A_1390 = vector.load %arg1[%get3A_1387, %get3A_1388, %get3A_1389] : memref<64x20x64xf32, #tpu.memory_space<vmem>>, vector<1x20x64xf32>
    %get3A_1391 = vector.shape_cast %get3A_1390 : vector<1x20x64xf32> to vector<20x64xf32>
    %slice3A_1392 = vector.extract_strided_slice %get3A_1386 {offsets = [0, 0], sizes = [50, 64], strides = [1, 1]} : vector<50x128xf32> to vector<50x64xf32>
    %dot_general3A_1393 = arith.constant dense<0.000000e+00> : vector<20x50xf32>
    %dot_general3A_1394 = tpu.matmul %get3A_1391, %slice3A_1392, %dot_general3A_1393 {dimension_numbers = #tpu.dot_dimension_numbers<[1], [1], [0], [0], [0, 0, 1, 0], [], []>, transpose_lhs_hint = false} : vector<20x64xf32>, vector<50x64xf32>, vector<20x50xf32> -> vector<20x50xf32>
    %slice3A_1395 = vector.extract_strided_slice %get3A_1386 {offsets = [0, 64], sizes = [50, 64], strides = [1, 1]} : vector<50x128xf32> to vector<50x64xf32>
    %dot_general3A_1396 = arith.constant dense<0.000000e+00> : vector<20x50xf32>
    %dot_general3A_1397 = tpu.matmul %get3A_1391, %slice3A_1395, %dot_general3A_1396 {dimension_numbers = #tpu.dot_dimension_numbers<[1], [1], [0], [0], [0, 0, 1, 0], [], []>, transpose_lhs_hint = false} : vector<20x64xf32>, vector<50x64xf32>, vector<20x50xf32> -> vector<20x50xf32>
    %get3A_1398 = arith.constant 48 : index
    %get3A_1399 = arith.constant 0 : index
    %get3A_1400 = vector.load %arg3[%get3A_1398, %get3A_1399] : memref<64x50xf32, #tpu.memory_space<vmem>>, vector<1x50xf32>
    %get3A_1401 = vector.shape_cast %get3A_1400 : vector<1x50xf32> to vector<50xf32>
    %broadcast_in_dim3A_1402 = vector.shape_cast %get3A_1401 : vector<50xf32> to vector<1x50xf32>
    %sub3A_1403 = arith.subf %dot_general3A_1397, %dot_general3A_1394 : vector<20x50xf32>
    %mul3A_1404 = vector.broadcast %broadcast_in_dim3A_1402 : vector<1x50xf32> to vector<20x50xf32>
    %mul3A_1405 = arith.mulf %mul3A_1404, %sub3A_1403 : vector<20x50xf32>
    %add3A_1406 = arith.addf %dot_general3A_1394, %mul3A_1405 : vector<20x50xf32>
    %swap3A_1407 = arith.constant 48 : index
    %swap3A_1408 = arith.constant 0 : index
    %swap3A_1409 = arith.constant 0 : index
    %swap3A_1410 = vector.load %arg4[%swap3A_1407, %swap3A_1408, %swap3A_1409] : memref<64x20x50xf32, #tpu.memory_space<vmem>>, vector<1x20x50xf32>
    %swap3A_1411 = vector.shape_cast %swap3A_1410 : vector<1x20x50xf32> to vector<20x50xf32>
    %swap3A_1412 = vector.shape_cast %add3A_1406 : vector<20x50xf32> to vector<1x20x50xf32>
    tpu.vector_store %arg4[%swap3A_1407, %swap3A_1408, %swap3A_1409], %swap3A_1412 {strides = array<i32>} : memref<64x20x50xf32, #tpu.memory_space<vmem>>, vector<1x20x50xf32>,
    %get3A_1413 = arith.constant 2744 : index
    %get3A_1414 = arith.constant 0 : index
    %get3A_1415 = vector.load %arg2[%get3A_1413, %get3A_1414] : memref<3584x128xf32, #tpu.memory_space<vmem>>, vector<50x128xf32>
    %get3A_1416 = arith.constant 49 : index
    %get3A_1417 = arith.constant 0 : index
    %get3A_1418 = arith.constant 0 : index
    %get3A_1419 = vector.load %arg1[%get3A_1416, %get3A_1417, %get3A_1418] : memref<64x20x64xf32, #tpu.memory_space<vmem>>, vector<1x20x64xf32>
    %get3A_1420 = vector.shape_cast %get3A_1419 : vector<1x20x64xf32> to vector<20x64xf32>
    %slice3A_1421 = vector.extract_strided_slice %get3A_1415 {offsets = [0, 0], sizes = [50, 64], strides = [1, 1]} : vector<50x128xf32> to vector<50x64xf32>
    %dot_general3A_1422 = arith.constant dense<0.000000e+00> : vector<20x50xf32>
    %dot_general3A_1423 = tpu.matmul %get3A_1420, %slice3A_1421, %dot_general3A_1422 {dimension_numbers = #tpu.dot_dimension_numbers<[1], [1], [0], [0], [0, 0, 1, 0], [], []>, transpose_lhs_hint = false} : vector<20x64xf32>, vector<50x64xf32>, vector<20x50xf32> -> vector<20x50xf32>
    %slice3A_1424 = vector.extract_strided_slice %get3A_1415 {offsets = [0, 64], sizes = [50, 64], strides = [1, 1]} : vector<50x128xf32> to vector<50x64xf32>
    %dot_general3A_1425 = arith.constant dense<0.000000e+00> : vector<20x50xf32>
    %dot_general3A_1426 = tpu.matmul %get3A_1420, %slice3A_1424, %dot_general3A_1425 {dimension_numbers = #tpu.dot_dimension_numbers<[1], [1], [0], [0], [0, 0, 1, 0], [], []>, transpose_lhs_hint = false} : vector<20x64xf32>, vector<50x64xf32>, vector<20x50xf32> -> vector<20x50xf32>
    %get3A_1427 = arith.constant 49 : index
    %get3A_1428 = arith.constant 0 : index
    %get3A_1429 = vector.load %arg3[%get3A_1427, %get3A_1428] : memref<64x50xf32, #tpu.memory_space<vmem>>, vector<1x50xf32>
    %get3A_1430 = vector.shape_cast %get3A_1429 : vector<1x50xf32> to vector<50xf32>
    %broadcast_in_dim3A_1431 = vector.shape_cast %get3A_1430 : vector<50xf32> to vector<1x50xf32>
    %sub3A_1432 = arith.subf %dot_general3A_1426, %dot_general3A_1423 : vector<20x50xf32>
    %mul3A_1433 = vector.broadcast %broadcast_in_dim3A_1431 : vector<1x50xf32> to vector<20x50xf32>
    %mul3A_1434 = arith.mulf %mul3A_1433, %sub3A_1432 : vector<20x50xf32>
    %add3A_1435 = arith.addf %dot_general3A_1423, %mul3A_1434 : vector<20x50xf32>
    %swap3A_1436 = arith.constant 49 : index
    %swap3A_1437 = arith.constant 0 : index
    %swap3A_1438 = arith.constant 0 : index
    %swap3A_1439 = vector.load %arg4[%swap3A_1436, %swap3A_1437, %swap3A_1438] : memref<64x20x50xf32, #tpu.memory_space<vmem>>, vector<1x20x50xf32>
    %swap3A_1440 = vector.shape_cast %swap3A_1439 : vector<1x20x50xf32> to vector<20x50xf32>
    %swap3A_1441 = vector.shape_cast %add3A_1435 : vector<20x50xf32> to vector<1x20x50xf32>
    tpu.vector_store %arg4[%swap3A_1436, %swap3A_1437, %swap3A_1438], %swap3A_1441 {strides = array<i32>} : memref<64x20x50xf32, #tpu.memory_space<vmem>>, vector<1x20x50xf32>,
    %get3A_1442 = arith.constant 2800 : index
    %get3A_1443 = arith.constant 0 : index
    %get3A_1444 = vector.load %arg2[%get3A_1442, %get3A_1443] : memref<3584x128xf32, #tpu.memory_space<vmem>>, vector<50x128xf32>
    %get3A_1445 = arith.constant 50 : index
    %get3A_1446 = arith.constant 0 : index
    %get3A_1447 = arith.constant 0 : index
    %get3A_1448 = vector.load %arg1[%get3A_1445, %get3A_1446, %get3A_1447] : memref<64x20x64xf32, #tpu.memory_space<vmem>>, vector<1x20x64xf32>
    %get3A_1449 = vector.shape_cast %get3A_1448 : vector<1x20x64xf32> to vector<20x64xf32>
    %slice3A_1450 = vector.extract_strided_slice %get3A_1444 {offsets = [0, 0], sizes = [50, 64], strides = [1, 1]} : vector<50x128xf32> to vector<50x64xf32>
    %dot_general3A_1451 = arith.constant dense<0.000000e+00> : vector<20x50xf32>
    %dot_general3A_1452 = tpu.matmul %get3A_1449, %slice3A_1450, %dot_general3A_1451 {dimension_numbers = #tpu.dot_dimension_numbers<[1], [1], [0], [0], [0, 0, 1, 0], [], []>, transpose_lhs_hint = false} : vector<20x64xf32>, vector<50x64xf32>, vector<20x50xf32> -> vector<20x50xf32>
    %slice3A_1453 = vector.extract_strided_slice %get3A_1444 {offsets = [0, 64], sizes = [50, 64], strides = [1, 1]} : vector<50x128xf32> to vector<50x64xf32>
    %dot_general3A_1454 = arith.constant dense<0.000000e+00> : vector<20x50xf32>
    %dot_general3A_1455 = tpu.matmul %get3A_1449, %slice3A_1453, %dot_general3A_1454 {dimension_numbers = #tpu.dot_dimension_numbers<[1], [1], [0], [0], [0, 0, 1, 0], [], []>, transpose_lhs_hint = false} : vector<20x64xf32>, vector<50x64xf32>, vector<20x50xf32> -> vector<20x50xf32>
    %get3A_1456 = arith.constant 50 : index
    %get3A_1457 = arith.constant 0 : index
    %get3A_1458 = vector.load %arg3[%get3A_1456, %get3A_1457] : memref<64x50xf32, #tpu.memory_space<vmem>>, vector<1x50xf32>
    %get3A_1459 = vector.shape_cast %get3A_1458 : vector<1x50xf32> to vector<50xf32>
    %broadcast_in_dim3A_1460 = vector.shape_cast %get3A_1459 : vector<50xf32> to vector<1x50xf32>
    %sub3A_1461 = arith.subf %dot_general3A_1455, %dot_general3A_1452 : vector<20x50xf32>
    %mul3A_1462 = vector.broadcast %broadcast_in_dim3A_1460 : vector<1x50xf32> to vector<20x50xf32>
    %mul3A_1463 = arith.mulf %mul3A_1462, %sub3A_1461 : vector<20x50xf32>
    %add3A_1464 = arith.addf %dot_general3A_1452, %mul3A_1463 : vector<20x50xf32>
    %swap3A_1465 = arith.constant 50 : index
    %swap3A_1466 = arith.constant 0 : index
    %swap3A_1467 = arith.constant 0 : index
    %swap3A_1468 = vector.load %arg4[%swap3A_1465, %swap3A_1466, %swap3A_1467] : memref<64x20x50xf32, #tpu.memory_space<vmem>>, vector<1x20x50xf32>
    %swap3A_1469 = vector.shape_cast %swap3A_1468 : vector<1x20x50xf32> to vector<20x50xf32>
    %swap3A_1470 = vector.shape_cast %add3A_1464 : vector<20x50xf32> to vector<1x20x50xf32>
    tpu.vector_store %arg4[%swap3A_1465, %swap3A_1466, %swap3A_1467], %swap3A_1470 {strides = array<i32>} : memref<64x20x50xf32, #tpu.memory_space<vmem>>, vector<1x20x50xf32>,
    %get3A_1471 = arith.constant 2856 : index
    %get3A_1472 = arith.constant 0 : index
    %get3A_1473 = vector.load %arg2[%get3A_1471, %get3A_1472] : memref<3584x128xf32, #tpu.memory_space<vmem>>, vector<50x128xf32>
    %get3A_1474 = arith.constant 51 : index
    %get3A_1475 = arith.constant 0 : index
    %get3A_1476 = arith.constant 0 : index
    %get3A_1477 = vector.load %arg1[%get3A_1474, %get3A_1475, %get3A_1476] : memref<64x20x64xf32, #tpu.memory_space<vmem>>, vector<1x20x64xf32>
    %get3A_1478 = vector.shape_cast %get3A_1477 : vector<1x20x64xf32> to vector<20x64xf32>
    %slice3A_1479 = vector.extract_strided_slice %get3A_1473 {offsets = [0, 0], sizes = [50, 64], strides = [1, 1]} : vector<50x128xf32> to vector<50x64xf32>
    %dot_general3A_1480 = arith.constant dense<0.000000e+00> : vector<20x50xf32>
    %dot_general3A_1481 = tpu.matmul %get3A_1478, %slice3A_1479, %dot_general3A_1480 {dimension_numbers = #tpu.dot_dimension_numbers<[1], [1], [0], [0], [0, 0, 1, 0], [], []>, transpose_lhs_hint = false} : vector<20x64xf32>, vector<50x64xf32>, vector<20x50xf32> -> vector<20x50xf32>
    %slice3A_1482 = vector.extract_strided_slice %get3A_1473 {offsets = [0, 64], sizes = [50, 64], strides = [1, 1]} : vector<50x128xf32> to vector<50x64xf32>
    %dot_general3A_1483 = arith.constant dense<0.000000e+00> : vector<20x50xf32>
    %dot_general3A_1484 = tpu.matmul %get3A_1478, %slice3A_1482, %dot_general3A_1483 {dimension_numbers = #tpu.dot_dimension_numbers<[1], [1], [0], [0], [0, 0, 1, 0], [], []>, transpose_lhs_hint = false} : vector<20x64xf32>, vector<50x64xf32>, vector<20x50xf32> -> vector<20x50xf32>
    %get3A_1485 = arith.constant 51 : index
    %get3A_1486 = arith.constant 0 : index
    %get3A_1487 = vector.load %arg3[%get3A_1485, %get3A_1486] : memref<64x50xf32, #tpu.memory_space<vmem>>, vector<1x50xf32>
    %get3A_1488 = vector.shape_cast %get3A_1487 : vector<1x50xf32> to vector<50xf32>
    %broadcast_in_dim3A_1489 = vector.shape_cast %get3A_1488 : vector<50xf32> to vector<1x50xf32>
    %sub3A_1490 = arith.subf %dot_general3A_1484, %dot_general3A_1481 : vector<20x50xf32>
    %mul3A_1491 = vector.broadcast %broadcast_in_dim3A_1489 : vector<1x50xf32> to vector<20x50xf32>
    %mul3A_1492 = arith.mulf %mul3A_1491, %sub3A_1490 : vector<20x50xf32>
    %add3A_1493 = arith.addf %dot_general3A_1481, %mul3A_1492 : vector<20x50xf32>
    %swap3A_1494 = arith.constant 51 : index
    %swap3A_1495 = arith.constant 0 : index
    %swap3A_1496 = arith.constant 0 : index
    %swap3A_1497 = vector.load %arg4[%swap3A_1494, %swap3A_1495, %swap3A_1496] : memref<64x20x50xf32, #tpu.memory_space<vmem>>, vector<1x20x50xf32>
    %swap3A_1498 = vector.shape_cast %swap3A_1497 : vector<1x20x50xf32> to vector<20x50xf32>
    %swap3A_1499 = vector.shape_cast %add3A_1493 : vector<20x50xf32> to vector<1x20x50xf32>
    tpu.vector_store %arg4[%swap3A_1494, %swap3A_1495, %swap3A_1496], %swap3A_1499 {strides = array<i32>} : memref<64x20x50xf32, #tpu.memory_space<vmem>>, vector<1x20x50xf32>,
    %get3A_1500 = arith.constant 2912 : index
    %get3A_1501 = arith.constant 0 : index
    %get3A_1502 = vector.load %arg2[%get3A_1500, %get3A_1501] : memref<3584x128xf32, #tpu.memory_space<vmem>>, vector<50x128xf32>
    %get3A_1503 = arith.constant 52 : index
    %get3A_1504 = arith.constant 0 : index
    %get3A_1505 = arith.constant 0 : index
    %get3A_1506 = vector.load %arg1[%get3A_1503, %get3A_1504, %get3A_1505] : memref<64x20x64xf32, #tpu.memory_space<vmem>>, vector<1x20x64xf32>
    %get3A_1507 = vector.shape_cast %get3A_1506 : vector<1x20x64xf32> to vector<20x64xf32>
    %slice3A_1508 = vector.extract_strided_slice %get3A_1502 {offsets = [0, 0], sizes = [50, 64], strides = [1, 1]} : vector<50x128xf32> to vector<50x64xf32>
    %dot_general3A_1509 = arith.constant dense<0.000000e+00> : vector<20x50xf32>
    %dot_general3A_1510 = tpu.matmul %get3A_1507, %slice3A_1508, %dot_general3A_1509 {dimension_numbers = #tpu.dot_dimension_numbers<[1], [1], [0], [0], [0, 0, 1, 0], [], []>, transpose_lhs_hint = false} : vector<20x64xf32>, vector<50x64xf32>, vector<20x50xf32> -> vector<20x50xf32>
    %slice3A_1511 = vector.extract_strided_slice %get3A_1502 {offsets = [0, 64], sizes = [50, 64], strides = [1, 1]} : vector<50x128xf32> to vector<50x64xf32>
    %dot_general3A_1512 = arith.constant dense<0.000000e+00> : vector<20x50xf32>
    %dot_general3A_1513 = tpu.matmul %get3A_1507, %slice3A_1511, %dot_general3A_1512 {dimension_numbers = #tpu.dot_dimension_numbers<[1], [1], [0], [0], [0, 0, 1, 0], [], []>, transpose_lhs_hint = false} : vector<20x64xf32>, vector<50x64xf32>, vector<20x50xf32> -> vector<20x50xf32>
    %get3A_1514 = arith.constant 52 : index
    %get3A_1515 = arith.constant 0 : index
    %get3A_1516 = vector.load %arg3[%get3A_1514, %get3A_1515] : memref<64x50xf32, #tpu.memory_space<vmem>>, vector<1x50xf32>
    %get3A_1517 = vector.shape_cast %get3A_1516 : vector<1x50xf32> to vector<50xf32>
    %broadcast_in_dim3A_1518 = vector.shape_cast %get3A_1517 : vector<50xf32> to vector<1x50xf32>
    %sub3A_1519 = arith.subf %dot_general3A_1513, %dot_general3A_1510 : vector<20x50xf32>
    %mul3A_1520 = vector.broadcast %broadcast_in_dim3A_1518 : vector<1x50xf32> to vector<20x50xf32>
    %mul3A_1521 = arith.mulf %mul3A_1520, %sub3A_1519 : vector<20x50xf32>
    %add3A_1522 = arith.addf %dot_general3A_1510, %mul3A_1521 : vector<20x50xf32>
    %swap3A_1523 = arith.constant 52 : index
    %swap3A_1524 = arith.constant 0 : index
    %swap3A_1525 = arith.constant 0 : index
    %swap3A_1526 = vector.load %arg4[%swap3A_1523, %swap3A_1524, %swap3A_1525] : memref<64x20x50xf32, #tpu.memory_space<vmem>>, vector<1x20x50xf32>
    %swap3A_1527 = vector.shape_cast %swap3A_1526 : vector<1x20x50xf32> to vector<20x50xf32>
    %swap3A_1528 = vector.shape_cast %add3A_1522 : vector<20x50xf32> to vector<1x20x50xf32>
    tpu.vector_store %arg4[%swap3A_1523, %swap3A_1524, %swap3A_1525], %swap3A_1528 {strides = array<i32>} : memref<64x20x50xf32, #tpu.memory_space<vmem>>, vector<1x20x50xf32>,
    %get3A_1529 = arith.constant 2968 : index
    %get3A_1530 = arith.constant 0 : index
    %get3A_1531 = vector.load %arg2[%get3A_1529, %get3A_1530] : memref<3584x128xf32, #tpu.memory_space<vmem>>, vector<50x128xf32>
    %get3A_1532 = arith.constant 53 : index
    %get3A_1533 = arith.constant 0 : index
    %get3A_1534 = arith.constant 0 : index
    %get3A_1535 = vector.load %arg1[%get3A_1532, %get3A_1533, %get3A_1534] : memref<64x20x64xf32, #tpu.memory_space<vmem>>, vector<1x20x64xf32>
    %get3A_1536 = vector.shape_cast %get3A_1535 : vector<1x20x64xf32> to vector<20x64xf32>
    %slice3A_1537 = vector.extract_strided_slice %get3A_1531 {offsets = [0, 0], sizes = [50, 64], strides = [1, 1]} : vector<50x128xf32> to vector<50x64xf32>
    %dot_general3A_1538 = arith.constant dense<0.000000e+00> : vector<20x50xf32>
    %dot_general3A_1539 = tpu.matmul %get3A_1536, %slice3A_1537, %dot_general3A_1538 {dimension_numbers = #tpu.dot_dimension_numbers<[1], [1], [0], [0], [0, 0, 1, 0], [], []>, transpose_lhs_hint = false} : vector<20x64xf32>, vector<50x64xf32>, vector<20x50xf32> -> vector<20x50xf32>
    %slice3A_1540 = vector.extract_strided_slice %get3A_1531 {offsets = [0, 64], sizes = [50, 64], strides = [1, 1]} : vector<50x128xf32> to vector<50x64xf32>
    %dot_general3A_1541 = arith.constant dense<0.000000e+00> : vector<20x50xf32>
    %dot_general3A_1542 = tpu.matmul %get3A_1536, %slice3A_1540, %dot_general3A_1541 {dimension_numbers = #tpu.dot_dimension_numbers<[1], [1], [0], [0], [0, 0, 1, 0], [], []>, transpose_lhs_hint = false} : vector<20x64xf32>, vector<50x64xf32>, vector<20x50xf32> -> vector<20x50xf32>
    %get3A_1543 = arith.constant 53 : index
    %get3A_1544 = arith.constant 0 : index
    %get3A_1545 = vector.load %arg3[%get3A_1543, %get3A_1544] : memref<64x50xf32, #tpu.memory_space<vmem>>, vector<1x50xf32>
    %get3A_1546 = vector.shape_cast %get3A_1545 : vector<1x50xf32> to vector<50xf32>
    %broadcast_in_dim3A_1547 = vector.shape_cast %get3A_1546 : vector<50xf32> to vector<1x50xf32>
    %sub3A_1548 = arith.subf %dot_general3A_1542, %dot_general3A_1539 : vector<20x50xf32>
    %mul3A_1549 = vector.broadcast %broadcast_in_dim3A_1547 : vector<1x50xf32> to vector<20x50xf32>
    %mul3A_1550 = arith.mulf %mul3A_1549, %sub3A_1548 : vector<20x50xf32>
    %add3A_1551 = arith.addf %dot_general3A_1539, %mul3A_1550 : vector<20x50xf32>
    %swap3A_1552 = arith.constant 53 : index
    %swap3A_1553 = arith.constant 0 : index
    %swap3A_1554 = arith.constant 0 : index
    %swap3A_1555 = vector.load %arg4[%swap3A_1552, %swap3A_1553, %swap3A_1554] : memref<64x20x50xf32, #tpu.memory_space<vmem>>, vector<1x20x50xf32>
    %swap3A_1556 = vector.shape_cast %swap3A_1555 : vector<1x20x50xf32> to vector<20x50xf32>
    %swap3A_1557 = vector.shape_cast %add3A_1551 : vector<20x50xf32> to vector<1x20x50xf32>
    tpu.vector_store %arg4[%swap3A_1552, %swap3A_1553, %swap3A_1554], %swap3A_1557 {strides = array<i32>} : memref<64x20x50xf32, #tpu.memory_space<vmem>>, vector<1x20x50xf32>,
    %get3A_1558 = arith.constant 3024 : index
    %get3A_1559 = arith.constant 0 : index
    %get3A_1560 = vector.load %arg2[%get3A_1558, %get3A_1559] : memref<3584x128xf32, #tpu.memory_space<vmem>>, vector<50x128xf32>
    %get3A_1561 = arith.constant 54 : index
    %get3A_1562 = arith.constant 0 : index
    %get3A_1563 = arith.constant 0 : index
    %get3A_1564 = vector.load %arg1[%get3A_1561, %get3A_1562, %get3A_1563] : memref<64x20x64xf32, #tpu.memory_space<vmem>>, vector<1x20x64xf32>
    %get3A_1565 = vector.shape_cast %get3A_1564 : vector<1x20x64xf32> to vector<20x64xf32>
    %slice3A_1566 = vector.extract_strided_slice %get3A_1560 {offsets = [0, 0], sizes = [50, 64], strides = [1, 1]} : vector<50x128xf32> to vector<50x64xf32>
    %dot_general3A_1567 = arith.constant dense<0.000000e+00> : vector<20x50xf32>
    %dot_general3A_1568 = tpu.matmul %get3A_1565, %slice3A_1566, %dot_general3A_1567 {dimension_numbers = #tpu.dot_dimension_numbers<[1], [1], [0], [0], [0, 0, 1, 0], [], []>, transpose_lhs_hint = false} : vector<20x64xf32>, vector<50x64xf32>, vector<20x50xf32> -> vector<20x50xf32>
    %slice3A_1569 = vector.extract_strided_slice %get3A_1560 {offsets = [0, 64], sizes = [50, 64], strides = [1, 1]} : vector<50x128xf32> to vector<50x64xf32>
    %dot_general3A_1570 = arith.constant dense<0.000000e+00> : vector<20x50xf32>
    %dot_general3A_1571 = tpu.matmul %get3A_1565, %slice3A_1569, %dot_general3A_1570 {dimension_numbers = #tpu.dot_dimension_numbers<[1], [1], [0], [0], [0, 0, 1, 0], [], []>, transpose_lhs_hint = false} : vector<20x64xf32>, vector<50x64xf32>, vector<20x50xf32> -> vector<20x50xf32>
    %get3A_1572 = arith.constant 54 : index
    %get3A_1573 = arith.constant 0 : index
    %get3A_1574 = vector.load %arg3[%get3A_1572, %get3A_1573] : memref<64x50xf32, #tpu.memory_space<vmem>>, vector<1x50xf32>
    %get3A_1575 = vector.shape_cast %get3A_1574 : vector<1x50xf32> to vector<50xf32>
    %broadcast_in_dim3A_1576 = vector.shape_cast %get3A_1575 : vector<50xf32> to vector<1x50xf32>
    %sub3A_1577 = arith.subf %dot_general3A_1571, %dot_general3A_1568 : vector<20x50xf32>
    %mul3A_1578 = vector.broadcast %broadcast_in_dim3A_1576 : vector<1x50xf32> to vector<20x50xf32>
    %mul3A_1579 = arith.mulf %mul3A_1578, %sub3A_1577 : vector<20x50xf32>
    %add3A_1580 = arith.addf %dot_general3A_1568, %mul3A_1579 : vector<20x50xf32>
    %swap3A_1581 = arith.constant 54 : index
    %swap3A_1582 = arith.constant 0 : index
    %swap3A_1583 = arith.constant 0 : index
    %swap3A_1584 = vector.load %arg4[%swap3A_1581, %swap3A_1582, %swap3A_1583] : memref<64x20x50xf32, #tpu.memory_space<vmem>>, vector<1x20x50xf32>
    %swap3A_1585 = vector.shape_cast %swap3A_1584 : vector<1x20x50xf32> to vector<20x50xf32>
    %swap3A_1586 = vector.shape_cast %add3A_1580 : vector<20x50xf32> to vector<1x20x50xf32>
    tpu.vector_store %arg4[%swap3A_1581, %swap3A_1582, %swap3A_1583], %swap3A_1586 {strides = array<i32>} : memref<64x20x50xf32, #tpu.memory_space<vmem>>, vector<1x20x50xf32>,
    %get3A_1587 = arith.constant 3080 : index
    %get3A_1588 = arith.constant 0 : index
    %get3A_1589 = vector.load %arg2[%get3A_1587, %get3A_1588] : memref<3584x128xf32, #tpu.memory_space<vmem>>, vector<50x128xf32>
    %get3A_1590 = arith.constant 55 : index
    %get3A_1591 = arith.constant 0 : index
    %get3A_1592 = arith.constant 0 : index
    %get3A_1593 = vector.load %arg1[%get3A_1590, %get3A_1591, %get3A_1592] : memref<64x20x64xf32, #tpu.memory_space<vmem>>, vector<1x20x64xf32>
    %get3A_1594 = vector.shape_cast %get3A_1593 : vector<1x20x64xf32> to vector<20x64xf32>
    %slice3A_1595 = vector.extract_strided_slice %get3A_1589 {offsets = [0, 0], sizes = [50, 64], strides = [1, 1]} : vector<50x128xf32> to vector<50x64xf32>
    %dot_general3A_1596 = arith.constant dense<0.000000e+00> : vector<20x50xf32>
    %dot_general3A_1597 = tpu.matmul %get3A_1594, %slice3A_1595, %dot_general3A_1596 {dimension_numbers = #tpu.dot_dimension_numbers<[1], [1], [0], [0], [0, 0, 1, 0], [], []>, transpose_lhs_hint = false} : vector<20x64xf32>, vector<50x64xf32>, vector<20x50xf32> -> vector<20x50xf32>
    %slice3A_1598 = vector.extract_strided_slice %get3A_1589 {offsets = [0, 64], sizes = [50, 64], strides = [1, 1]} : vector<50x128xf32> to vector<50x64xf32>
    %dot_general3A_1599 = arith.constant dense<0.000000e+00> : vector<20x50xf32>
    %dot_general3A_1600 = tpu.matmul %get3A_1594, %slice3A_1598, %dot_general3A_1599 {dimension_numbers = #tpu.dot_dimension_numbers<[1], [1], [0], [0], [0, 0, 1, 0], [], []>, transpose_lhs_hint = false} : vector<20x64xf32>, vector<50x64xf32>, vector<20x50xf32> -> vector<20x50xf32>
    %get3A_1601 = arith.constant 55 : index
    %get3A_1602 = arith.constant 0 : index
    %get3A_1603 = vector.load %arg3[%get3A_1601, %get3A_1602] : memref<64x50xf32, #tpu.memory_space<vmem>>, vector<1x50xf32>
    %get3A_1604 = vector.shape_cast %get3A_1603 : vector<1x50xf32> to vector<50xf32>
    %broadcast_in_dim3A_1605 = vector.shape_cast %get3A_1604 : vector<50xf32> to vector<1x50xf32>
    %sub3A_1606 = arith.subf %dot_general3A_1600, %dot_general3A_1597 : vector<20x50xf32>
    %mul3A_1607 = vector.broadcast %broadcast_in_dim3A_1605 : vector<1x50xf32> to vector<20x50xf32>
    %mul3A_1608 = arith.mulf %mul3A_1607, %sub3A_1606 : vector<20x50xf32>
    %add3A_1609 = arith.addf %dot_general3A_1597, %mul3A_1608 : vector<20x50xf32>
    %swap3A_1610 = arith.constant 55 : index
    %swap3A_1611 = arith.constant 0 : index
    %swap3A_1612 = arith.constant 0 : index
    %swap3A_1613 = vector.load %arg4[%swap3A_1610, %swap3A_1611, %swap3A_1612] : memref<64x20x50xf32, #tpu.memory_space<vmem>>, vector<1x20x50xf32>
    %swap3A_1614 = vector.shape_cast %swap3A_1613 : vector<1x20x50xf32> to vector<20x50xf32>
    %swap3A_1615 = vector.shape_cast %add3A_1609 : vector<20x50xf32> to vector<1x20x50xf32>
    tpu.vector_store %arg4[%swap3A_1610, %swap3A_1611, %swap3A_1612], %swap3A_1615 {strides = array<i32>} : memref<64x20x50xf32, #tpu.memory_space<vmem>>, vector<1x20x50xf32>,
    %get3A_1616 = arith.constant 3136 : index
    %get3A_1617 = arith.constant 0 : index
    %get3A_1618 = vector.load %arg2[%get3A_1616, %get3A_1617] : memref<3584x128xf32, #tpu.memory_space<vmem>>, vector<50x128xf32>
    %get3A_1619 = arith.constant 56 : index
    %get3A_1620 = arith.constant 0 : index
    %get3A_1621 = arith.constant 0 : index
    %get3A_1622 = vector.load %arg1[%get3A_1619, %get3A_1620, %get3A_1621] : memref<64x20x64xf32, #tpu.memory_space<vmem>>, vector<1x20x64xf32>
    %get3A_1623 = vector.shape_cast %get3A_1622 : vector<1x20x64xf32> to vector<20x64xf32>
    %slice3A_1624 = vector.extract_strided_slice %get3A_1618 {offsets = [0, 0], sizes = [50, 64], strides = [1, 1]} : vector<50x128xf32> to vector<50x64xf32>
    %dot_general3A_1625 = arith.constant dense<0.000000e+00> : vector<20x50xf32>
    %dot_general3A_1626 = tpu.matmul %get3A_1623, %slice3A_1624, %dot_general3A_1625 {dimension_numbers = #tpu.dot_dimension_numbers<[1], [1], [0], [0], [0, 0, 1, 0], [], []>, transpose_lhs_hint = false} : vector<20x64xf32>, vector<50x64xf32>, vector<20x50xf32> -> vector<20x50xf32>
    %slice3A_1627 = vector.extract_strided_slice %get3A_1618 {offsets = [0, 64], sizes = [50, 64], strides = [1, 1]} : vector<50x128xf32> to vector<50x64xf32>
    %dot_general3A_1628 = arith.constant dense<0.000000e+00> : vector<20x50xf32>
    %dot_general3A_1629 = tpu.matmul %get3A_1623, %slice3A_1627, %dot_general3A_1628 {dimension_numbers = #tpu.dot_dimension_numbers<[1], [1], [0], [0], [0, 0, 1, 0], [], []>, transpose_lhs_hint = false} : vector<20x64xf32>, vector<50x64xf32>, vector<20x50xf32> -> vector<20x50xf32>
    %get3A_1630 = arith.constant 56 : index
    %get3A_1631 = arith.constant 0 : index
    %get3A_1632 = vector.load %arg3[%get3A_1630, %get3A_1631] : memref<64x50xf32, #tpu.memory_space<vmem>>, vector<1x50xf32>
    %get3A_1633 = vector.shape_cast %get3A_1632 : vector<1x50xf32> to vector<50xf32>
    %broadcast_in_dim3A_1634 = vector.shape_cast %get3A_1633 : vector<50xf32> to vector<1x50xf32>
    %sub3A_1635 = arith.subf %dot_general3A_1629, %dot_general3A_1626 : vector<20x50xf32>
    %mul3A_1636 = vector.broadcast %broadcast_in_dim3A_1634 : vector<1x50xf32> to vector<20x50xf32>
    %mul3A_1637 = arith.mulf %mul3A_1636, %sub3A_1635 : vector<20x50xf32>
    %add3A_1638 = arith.addf %dot_general3A_1626, %mul3A_1637 : vector<20x50xf32>
    %swap3A_1639 = arith.constant 56 : index
    %swap3A_1640 = arith.constant 0 : index
    %swap3A_1641 = arith.constant 0 : index
    %swap3A_1642 = vector.load %arg4[%swap3A_1639, %swap3A_1640, %swap3A_1641] : memref<64x20x50xf32, #tpu.memory_space<vmem>>, vector<1x20x50xf32>
    %swap3A_1643 = vector.shape_cast %swap3A_1642 : vector<1x20x50xf32> to vector<20x50xf32>
    %swap3A_1644 = vector.shape_cast %add3A_1638 : vector<20x50xf32> to vector<1x20x50xf32>
    tpu.vector_store %arg4[%swap3A_1639, %swap3A_1640, %swap3A_1641], %swap3A_1644 {strides = array<i32>} : memref<64x20x50xf32, #tpu.memory_space<vmem>>, vector<1x20x50xf32>,
    %get3A_1645 = arith.constant 3192 : index
    %get3A_1646 = arith.constant 0 : index
    %get3A_1647 = vector.load %arg2[%get3A_1645, %get3A_1646] : memref<3584x128xf32, #tpu.memory_space<vmem>>, vector<50x128xf32>
    %get3A_1648 = arith.constant 57 : index
    %get3A_1649 = arith.constant 0 : index
    %get3A_1650 = arith.constant 0 : index
    %get3A_1651 = vector.load %arg1[%get3A_1648, %get3A_1649, %get3A_1650] : memref<64x20x64xf32, #tpu.memory_space<vmem>>, vector<1x20x64xf32>
    %get3A_1652 = vector.shape_cast %get3A_1651 : vector<1x20x64xf32> to vector<20x64xf32>
    %slice3A_1653 = vector.extract_strided_slice %get3A_1647 {offsets = [0, 0], sizes = [50, 64], strides = [1, 1]} : vector<50x128xf32> to vector<50x64xf32>
    %dot_general3A_1654 = arith.constant dense<0.000000e+00> : vector<20x50xf32>
    %dot_general3A_1655 = tpu.matmul %get3A_1652, %slice3A_1653, %dot_general3A_1654 {dimension_numbers = #tpu.dot_dimension_numbers<[1], [1], [0], [0], [0, 0, 1, 0], [], []>, transpose_lhs_hint = false} : vector<20x64xf32>, vector<50x64xf32>, vector<20x50xf32> -> vector<20x50xf32>
    %slice3A_1656 = vector.extract_strided_slice %get3A_1647 {offsets = [0, 64], sizes = [50, 64], strides = [1, 1]} : vector<50x128xf32> to vector<50x64xf32>
    %dot_general3A_1657 = arith.constant dense<0.000000e+00> : vector<20x50xf32>
    %dot_general3A_1658 = tpu.matmul %get3A_1652, %slice3A_1656, %dot_general3A_1657 {dimension_numbers = #tpu.dot_dimension_numbers<[1], [1], [0], [0], [0, 0, 1, 0], [], []>, transpose_lhs_hint = false} : vector<20x64xf32>, vector<50x64xf32>, vector<20x50xf32> -> vector<20x50xf32>
    %get3A_1659 = arith.constant 57 : index
    %get3A_1660 = arith.constant 0 : index
    %get3A_1661 = vector.load %arg3[%get3A_1659, %get3A_1660] : memref<64x50xf32, #tpu.memory_space<vmem>>, vector<1x50xf32>
    %get3A_1662 = vector.shape_cast %get3A_1661 : vector<1x50xf32> to vector<50xf32>
    %broadcast_in_dim3A_1663 = vector.shape_cast %get3A_1662 : vector<50xf32> to vector<1x50xf32>
    %sub3A_1664 = arith.subf %dot_general3A_1658, %dot_general3A_1655 : vector<20x50xf32>
    %mul3A_1665 = vector.broadcast %broadcast_in_dim3A_1663 : vector<1x50xf32> to vector<20x50xf32>
    %mul3A_1666 = arith.mulf %mul3A_1665, %sub3A_1664 : vector<20x50xf32>
    %add3A_1667 = arith.addf %dot_general3A_1655, %mul3A_1666 : vector<20x50xf32>
    %swap3A_1668 = arith.constant 57 : index
    %swap3A_1669 = arith.constant 0 : index
    %swap3A_1670 = arith.constant 0 : index
    %swap3A_1671 = vector.load %arg4[%swap3A_1668, %swap3A_1669, %swap3A_1670] : memref<64x20x50xf32, #tpu.memory_space<vmem>>, vector<1x20x50xf32>
    %swap3A_1672 = vector.shape_cast %swap3A_1671 : vector<1x20x50xf32> to vector<20x50xf32>
    %swap3A_1673 = vector.shape_cast %add3A_1667 : vector<20x50xf32> to vector<1x20x50xf32>
    tpu.vector_store %arg4[%swap3A_1668, %swap3A_1669, %swap3A_1670], %swap3A_1673 {strides = array<i32>} : memref<64x20x50xf32, #tpu.memory_space<vmem>>, vector<1x20x50xf32>,
    %get3A_1674 = arith.constant 3248 : index
    %get3A_1675 = arith.constant 0 : index
    %get3A_1676 = vector.load %arg2[%get3A_1674, %get3A_1675] : memref<3584x128xf32, #tpu.memory_space<vmem>>, vector<50x128xf32>
    %get3A_1677 = arith.constant 58 : index
    %get3A_1678 = arith.constant 0 : index
    %get3A_1679 = arith.constant 0 : index
    %get3A_1680 = vector.load %arg1[%get3A_1677, %get3A_1678, %get3A_1679] : memref<64x20x64xf32, #tpu.memory_space<vmem>>, vector<1x20x64xf32>
    %get3A_1681 = vector.shape_cast %get3A_1680 : vector<1x20x64xf32> to vector<20x64xf32>
    %slice3A_1682 = vector.extract_strided_slice %get3A_1676 {offsets = [0, 0], sizes = [50, 64], strides = [1, 1]} : vector<50x128xf32> to vector<50x64xf32>
    %dot_general3A_1683 = arith.constant dense<0.000000e+00> : vector<20x50xf32>
    %dot_general3A_1684 = tpu.matmul %get3A_1681, %slice3A_1682, %dot_general3A_1683 {dimension_numbers = #tpu.dot_dimension_numbers<[1], [1], [0], [0], [0, 0, 1, 0], [], []>, transpose_lhs_hint = false} : vector<20x64xf32>, vector<50x64xf32>, vector<20x50xf32> -> vector<20x50xf32>
    %slice3A_1685 = vector.extract_strided_slice %get3A_1676 {offsets = [0, 64], sizes = [50, 64], strides = [1, 1]} : vector<50x128xf32> to vector<50x64xf32>
    %dot_general3A_1686 = arith.constant dense<0.000000e+00> : vector<20x50xf32>
    %dot_general3A_1687 = tpu.matmul %get3A_1681, %slice3A_1685, %dot_general3A_1686 {dimension_numbers = #tpu.dot_dimension_numbers<[1], [1], [0], [0], [0, 0, 1, 0], [], []>, transpose_lhs_hint = false} : vector<20x64xf32>, vector<50x64xf32>, vector<20x50xf32> -> vector<20x50xf32>
    %get3A_1688 = arith.constant 58 : index
    %get3A_1689 = arith.constant 0 : index
    %get3A_1690 = vector.load %arg3[%get3A_1688, %get3A_1689] : memref<64x50xf32, #tpu.memory_space<vmem>>, vector<1x50xf32>
    %get3A_1691 = vector.shape_cast %get3A_1690 : vector<1x50xf32> to vector<50xf32>
    %broadcast_in_dim3A_1692 = vector.shape_cast %get3A_1691 : vector<50xf32> to vector<1x50xf32>
    %sub3A_1693 = arith.subf %dot_general3A_1687, %dot_general3A_1684 : vector<20x50xf32>
    %mul3A_1694 = vector.broadcast %broadcast_in_dim3A_1692 : vector<1x50xf32> to vector<20x50xf32>
    %mul3A_1695 = arith.mulf %mul3A_1694, %sub3A_1693 : vector<20x50xf32>
    %add3A_1696 = arith.addf %dot_general3A_1684, %mul3A_1695 : vector<20x50xf32>
    %swap3A_1697 = arith.constant 58 : index
    %swap3A_1698 = arith.constant 0 : index
    %swap3A_1699 = arith.constant 0 : index
    %swap3A_1700 = vector.load %arg4[%swap3A_1697, %swap3A_1698, %swap3A_1699] : memref<64x20x50xf32, #tpu.memory_space<vmem>>, vector<1x20x50xf32>
    %swap3A_1701 = vector.shape_cast %swap3A_1700 : vector<1x20x50xf32> to vector<20x50xf32>
    %swap3A_1702 = vector.shape_cast %add3A_1696 : vector<20x50xf32> to vector<1x20x50xf32>
    tpu.vector_store %arg4[%swap3A_1697, %swap3A_1698, %swap3A_1699], %swap3A_1702 {strides = array<i32>} : memref<64x20x50xf32, #tpu.memory_space<vmem>>, vector<1x20x50xf32>,
    %get3A_1703 = arith.constant 3304 : index
    %get3A_1704 = arith.constant 0 : index
    %get3A_1705 = vector.load %arg2[%get3A_1703, %get3A_1704] : memref<3584x128xf32, #tpu.memory_space<vmem>>, vector<50x128xf32>
    %get3A_1706 = arith.constant 59 : index
    %get3A_1707 = arith.constant 0 : index
    %get3A_1708 = arith.constant 0 : index
    %get3A_1709 = vector.load %arg1[%get3A_1706, %get3A_1707, %get3A_1708] : memref<64x20x64xf32, #tpu.memory_space<vmem>>, vector<1x20x64xf32>
    %get3A_1710 = vector.shape_cast %get3A_1709 : vector<1x20x64xf32> to vector<20x64xf32>
    %slice3A_1711 = vector.extract_strided_slice %get3A_1705 {offsets = [0, 0], sizes = [50, 64], strides = [1, 1]} : vector<50x128xf32> to vector<50x64xf32>
    %dot_general3A_1712 = arith.constant dense<0.000000e+00> : vector<20x50xf32>
    %dot_general3A_1713 = tpu.matmul %get3A_1710, %slice3A_1711, %dot_general3A_1712 {dimension_numbers = #tpu.dot_dimension_numbers<[1], [1], [0], [0], [0, 0, 1, 0], [], []>, transpose_lhs_hint = false} : vector<20x64xf32>, vector<50x64xf32>, vector<20x50xf32> -> vector<20x50xf32>
    %slice3A_1714 = vector.extract_strided_slice %get3A_1705 {offsets = [0, 64], sizes = [50, 64], strides = [1, 1]} : vector<50x128xf32> to vector<50x64xf32>
    %dot_general3A_1715 = arith.constant dense<0.000000e+00> : vector<20x50xf32>
    %dot_general3A_1716 = tpu.matmul %get3A_1710, %slice3A_1714, %dot_general3A_1715 {dimension_numbers = #tpu.dot_dimension_numbers<[1], [1], [0], [0], [0, 0, 1, 0], [], []>, transpose_lhs_hint = false} : vector<20x64xf32>, vector<50x64xf32>, vector<20x50xf32> -> vector<20x50xf32>
    %get3A_1717 = arith.constant 59 : index
    %get3A_1718 = arith.constant 0 : index
    %get3A_1719 = vector.load %arg3[%get3A_1717, %get3A_1718] : memref<64x50xf32, #tpu.memory_space<vmem>>, vector<1x50xf32>
    %get3A_1720 = vector.shape_cast %get3A_1719 : vector<1x50xf32> to vector<50xf32>
    %broadcast_in_dim3A_1721 = vector.shape_cast %get3A_1720 : vector<50xf32> to vector<1x50xf32>
    %sub3A_1722 = arith.subf %dot_general3A_1716, %dot_general3A_1713 : vector<20x50xf32>
    %mul3A_1723 = vector.broadcast %broadcast_in_dim3A_1721 : vector<1x50xf32> to vector<20x50xf32>
    %mul3A_1724 = arith.mulf %mul3A_1723, %sub3A_1722 : vector<20x50xf32>
    %add3A_1725 = arith.addf %dot_general3A_1713, %mul3A_1724 : vector<20x50xf32>
    %swap3A_1726 = arith.constant 59 : index
    %swap3A_1727 = arith.constant 0 : index
    %swap3A_1728 = arith.constant 0 : index
    %swap3A_1729 = vector.load %arg4[%swap3A_1726, %swap3A_1727, %swap3A_1728] : memref<64x20x50xf32, #tpu.memory_space<vmem>>, vector<1x20x50xf32>
    %swap3A_1730 = vector.shape_cast %swap3A_1729 : vector<1x20x50xf32> to vector<20x50xf32>
    %swap3A_1731 = vector.shape_cast %add3A_1725 : vector<20x50xf32> to vector<1x20x50xf32>
    tpu.vector_store %arg4[%swap3A_1726, %swap3A_1727, %swap3A_1728], %swap3A_1731 {strides = array<i32>} : memref<64x20x50xf32, #tpu.memory_space<vmem>>, vector<1x20x50xf32>,
    %get3A_1732 = arith.constant 3360 : index
    %get3A_1733 = arith.constant 0 : index
    %get3A_1734 = vector.load %arg2[%get3A_1732, %get3A_1733] : memref<3584x128xf32, #tpu.memory_space<vmem>>, vector<50x128xf32>
    %get3A_1735 = arith.constant 60 : index
    %get3A_1736 = arith.constant 0 : index
    %get3A_1737 = arith.constant 0 : index
    %get3A_1738 = vector.load %arg1[%get3A_1735, %get3A_1736, %get3A_1737] : memref<64x20x64xf32, #tpu.memory_space<vmem>>, vector<1x20x64xf32>
    %get3A_1739 = vector.shape_cast %get3A_1738 : vector<1x20x64xf32> to vector<20x64xf32>
    %slice3A_1740 = vector.extract_strided_slice %get3A_1734 {offsets = [0, 0], sizes = [50, 64], strides = [1, 1]} : vector<50x128xf32> to vector<50x64xf32>
    %dot_general3A_1741 = arith.constant dense<0.000000e+00> : vector<20x50xf32>
    %dot_general3A_1742 = tpu.matmul %get3A_1739, %slice3A_1740, %dot_general3A_1741 {dimension_numbers = #tpu.dot_dimension_numbers<[1], [1], [0], [0], [0, 0, 1, 0], [], []>, transpose_lhs_hint = false} : vector<20x64xf32>, vector<50x64xf32>, vector<20x50xf32> -> vector<20x50xf32>
    %slice3A_1743 = vector.extract_strided_slice %get3A_1734 {offsets = [0, 64], sizes = [50, 64], strides = [1, 1]} : vector<50x128xf32> to vector<50x64xf32>
    %dot_general3A_1744 = arith.constant dense<0.000000e+00> : vector<20x50xf32>
    %dot_general3A_1745 = tpu.matmul %get3A_1739, %slice3A_1743, %dot_general3A_1744 {dimension_numbers = #tpu.dot_dimension_numbers<[1], [1], [0], [0], [0, 0, 1, 0], [], []>, transpose_lhs_hint = false} : vector<20x64xf32>, vector<50x64xf32>, vector<20x50xf32> -> vector<20x50xf32>
    %get3A_1746 = arith.constant 60 : index
    %get3A_1747 = arith.constant 0 : index
    %get3A_1748 = vector.load %arg3[%get3A_1746, %get3A_1747] : memref<64x50xf32, #tpu.memory_space<vmem>>, vector<1x50xf32>
    %get3A_1749 = vector.shape_cast %get3A_1748 : vector<1x50xf32> to vector<50xf32>
    %broadcast_in_dim3A_1750 = vector.shape_cast %get3A_1749 : vector<50xf32> to vector<1x50xf32>
    %sub3A_1751 = arith.subf %dot_general3A_1745, %dot_general3A_1742 : vector<20x50xf32>
    %mul3A_1752 = vector.broadcast %broadcast_in_dim3A_1750 : vector<1x50xf32> to vector<20x50xf32>
    %mul3A_1753 = arith.mulf %mul3A_1752, %sub3A_1751 : vector<20x50xf32>
    %add3A_1754 = arith.addf %dot_general3A_1742, %mul3A_1753 : vector<20x50xf32>
    %swap3A_1755 = arith.constant 60 : index
    %swap3A_1756 = arith.constant 0 : index
    %swap3A_1757 = arith.constant 0 : index
    %swap3A_1758 = vector.load %arg4[%swap3A_1755, %swap3A_1756, %swap3A_1757] : memref<64x20x50xf32, #tpu.memory_space<vmem>>, vector<1x20x50xf32>
    %swap3A_1759 = vector.shape_cast %swap3A_1758 : vector<1x20x50xf32> to vector<20x50xf32>
    %swap3A_1760 = vector.shape_cast %add3A_1754 : vector<20x50xf32> to vector<1x20x50xf32>
    tpu.vector_store %arg4[%swap3A_1755, %swap3A_1756, %swap3A_1757], %swap3A_1760 {strides = array<i32>} : memref<64x20x50xf32, #tpu.memory_space<vmem>>, vector<1x20x50xf32>,
    %get3A_1761 = arith.constant 3416 : index
    %get3A_1762 = arith.constant 0 : index
    %get3A_1763 = vector.load %arg2[%get3A_1761, %get3A_1762] : memref<3584x128xf32, #tpu.memory_space<vmem>>, vector<50x128xf32>
    %get3A_1764 = arith.constant 61 : index
    %get3A_1765 = arith.constant 0 : index
    %get3A_1766 = arith.constant 0 : index
    %get3A_1767 = vector.load %arg1[%get3A_1764, %get3A_1765, %get3A_1766] : memref<64x20x64xf32, #tpu.memory_space<vmem>>, vector<1x20x64xf32>
    %get3A_1768 = vector.shape_cast %get3A_1767 : vector<1x20x64xf32> to vector<20x64xf32>
    %slice3A_1769 = vector.extract_strided_slice %get3A_1763 {offsets = [0, 0], sizes = [50, 64], strides = [1, 1]} : vector<50x128xf32> to vector<50x64xf32>
    %dot_general3A_1770 = arith.constant dense<0.000000e+00> : vector<20x50xf32>
    %dot_general3A_1771 = tpu.matmul %get3A_1768, %slice3A_1769, %dot_general3A_1770 {dimension_numbers = #tpu.dot_dimension_numbers<[1], [1], [0], [0], [0, 0, 1, 0], [], []>, transpose_lhs_hint = false} : vector<20x64xf32>, vector<50x64xf32>, vector<20x50xf32> -> vector<20x50xf32>
    %slice3A_1772 = vector.extract_strided_slice %get3A_1763 {offsets = [0, 64], sizes = [50, 64], strides = [1, 1]} : vector<50x128xf32> to vector<50x64xf32>
    %dot_general3A_1773 = arith.constant dense<0.000000e+00> : vector<20x50xf32>
    %dot_general3A_1774 = tpu.matmul %get3A_1768, %slice3A_1772, %dot_general3A_1773 {dimension_numbers = #tpu.dot_dimension_numbers<[1], [1], [0], [0], [0, 0, 1, 0], [], []>, transpose_lhs_hint = false} : vector<20x64xf32>, vector<50x64xf32>, vector<20x50xf32> -> vector<20x50xf32>
    %get3A_1775 = arith.constant 61 : index
    %get3A_1776 = arith.constant 0 : index
    %get3A_1777 = vector.load %arg3[%get3A_1775, %get3A_1776] : memref<64x50xf32, #tpu.memory_space<vmem>>, vector<1x50xf32>
    %get3A_1778 = vector.shape_cast %get3A_1777 : vector<1x50xf32> to vector<50xf32>
    %broadcast_in_dim3A_1779 = vector.shape_cast %get3A_1778 : vector<50xf32> to vector<1x50xf32>
    %sub3A_1780 = arith.subf %dot_general3A_1774, %dot_general3A_1771 : vector<20x50xf32>
    %mul3A_1781 = vector.broadcast %broadcast_in_dim3A_1779 : vector<1x50xf32> to vector<20x50xf32>
    %mul3A_1782 = arith.mulf %mul3A_1781, %sub3A_1780 : vector<20x50xf32>
    %add3A_1783 = arith.addf %dot_general3A_1771, %mul3A_1782 : vector<20x50xf32>
    %swap3A_1784 = arith.constant 61 : index
    %swap3A_1785 = arith.constant 0 : index
    %swap3A_1786 = arith.constant 0 : index
    %swap3A_1787 = vector.load %arg4[%swap3A_1784, %swap3A_1785, %swap3A_1786] : memref<64x20x50xf32, #tpu.memory_space<vmem>>, vector<1x20x50xf32>
    %swap3A_1788 = vector.shape_cast %swap3A_1787 : vector<1x20x50xf32> to vector<20x50xf32>
    %swap3A_1789 = vector.shape_cast %add3A_1783 : vector<20x50xf32> to vector<1x20x50xf32>
    tpu.vector_store %arg4[%swap3A_1784, %swap3A_1785, %swap3A_1786], %swap3A_1789 {strides = array<i32>} : memref<64x20x50xf32, #tpu.memory_space<vmem>>, vector<1x20x50xf32>,
    %get3A_1790 = arith.constant 3472 : index
    %get3A_1791 = arith.constant 0 : index
    %get3A_1792 = vector.load %arg2[%get3A_1790, %get3A_1791] : memref<3584x128xf32, #tpu.memory_space<vmem>>, vector<50x128xf32>
    %get3A_1793 = arith.constant 62 : index
    %get3A_1794 = arith.constant 0 : index
    %get3A_1795 = arith.constant 0 : index
    %get3A_1796 = vector.load %arg1[%get3A_1793, %get3A_1794, %get3A_1795] : memref<64x20x64xf32, #tpu.memory_space<vmem>>, vector<1x20x64xf32>
    %get3A_1797 = vector.shape_cast %get3A_1796 : vector<1x20x64xf32> to vector<20x64xf32>
    %slice3A_1798 = vector.extract_strided_slice %get3A_1792 {offsets = [0, 0], sizes = [50, 64], strides = [1, 1]} : vector<50x128xf32> to vector<50x64xf32>
    %dot_general3A_1799 = arith.constant dense<0.000000e+00> : vector<20x50xf32>
    %dot_general3A_1800 = tpu.matmul %get3A_1797, %slice3A_1798, %dot_general3A_1799 {dimension_numbers = #tpu.dot_dimension_numbers<[1], [1], [0], [0], [0, 0, 1, 0], [], []>, transpose_lhs_hint = false} : vector<20x64xf32>, vector<50x64xf32>, vector<20x50xf32> -> vector<20x50xf32>
    %slice3A_1801 = vector.extract_strided_slice %get3A_1792 {offsets = [0, 64], sizes = [50, 64], strides = [1, 1]} : vector<50x128xf32> to vector<50x64xf32>
    %dot_general3A_1802 = arith.constant dense<0.000000e+00> : vector<20x50xf32>
    %dot_general3A_1803 = tpu.matmul %get3A_1797, %slice3A_1801, %dot_general3A_1802 {dimension_numbers = #tpu.dot_dimension_numbers<[1], [1], [0], [0], [0, 0, 1, 0], [], []>, transpose_lhs_hint = false} : vector<20x64xf32>, vector<50x64xf32>, vector<20x50xf32> -> vector<20x50xf32>
    %get3A_1804 = arith.constant 62 : index
    %get3A_1805 = arith.constant 0 : index
    %get3A_1806 = vector.load %arg3[%get3A_1804, %get3A_1805] : memref<64x50xf32, #tpu.memory_space<vmem>>, vector<1x50xf32>
    %get3A_1807 = vector.shape_cast %get3A_1806 : vector<1x50xf32> to vector<50xf32>
    %broadcast_in_dim3A_1808 = vector.shape_cast %get3A_1807 : vector<50xf32> to vector<1x50xf32>
    %sub3A_1809 = arith.subf %dot_general3A_1803, %dot_general3A_1800 : vector<20x50xf32>
    %mul3A_1810 = vector.broadcast %broadcast_in_dim3A_1808 : vector<1x50xf32> to vector<20x50xf32>
    %mul3A_1811 = arith.mulf %mul3A_1810, %sub3A_1809 : vector<20x50xf32>
    %add3A_1812 = arith.addf %dot_general3A_1800, %mul3A_1811 : vector<20x50xf32>
    %swap3A_1813 = arith.constant 62 : index
    %swap3A_1814 = arith.constant 0 : index
    %swap3A_1815 = arith.constant 0 : index
    %swap3A_1816 = vector.load %arg4[%swap3A_1813, %swap3A_1814, %swap3A_1815] : memref<64x20x50xf32, #tpu.memory_space<vmem>>, vector<1x20x50xf32>
    %swap3A_1817 = vector.shape_cast %swap3A_1816 : vector<1x20x50xf32> to vector<20x50xf32>
    %swap3A_1818 = vector.shape_cast %add3A_1812 : vector<20x50xf32> to vector<1x20x50xf32>
    tpu.vector_store %arg4[%swap3A_1813, %swap3A_1814, %swap3A_1815], %swap3A_1818 {strides = array<i32>} : memref<64x20x50xf32, #tpu.memory_space<vmem>>, vector<1x20x50xf32>,
    %get3A_1819 = arith.constant 3528 : index
    %get3A_1820 = arith.constant 0 : index
    %get3A_1821 = vector.load %arg2[%get3A_1819, %get3A_1820] : memref<3584x128xf32, #tpu.memory_space<vmem>>, vector<50x128xf32>
    %get3A_1822 = arith.constant 63 : index
    %get3A_1823 = arith.constant 0 : index
    %get3A_1824 = arith.constant 0 : index
    %get3A_1825 = vector.load %arg1[%get3A_1822, %get3A_1823, %get3A_1824] : memref<64x20x64xf32, #tpu.memory_space<vmem>>, vector<1x20x64xf32>
    %get3A_1826 = vector.shape_cast %get3A_1825 : vector<1x20x64xf32> to vector<20x64xf32>
    %slice3A_1827 = vector.extract_strided_slice %get3A_1821 {offsets = [0, 0], sizes = [50, 64], strides = [1, 1]} : vector<50x128xf32> to vector<50x64xf32>
    %dot_general3A_1828 = arith.constant dense<0.000000e+00> : vector<20x50xf32>
    %dot_general3A_1829 = tpu.matmul %get3A_1826, %slice3A_1827, %dot_general3A_1828 {dimension_numbers = #tpu.dot_dimension_numbers<[1], [1], [0], [0], [0, 0, 1, 0], [], []>, transpose_lhs_hint = false} : vector<20x64xf32>, vector<50x64xf32>, vector<20x50xf32> -> vector<20x50xf32>
    %slice3A_1830 = vector.extract_strided_slice %get3A_1821 {offsets = [0, 64], sizes = [50, 64], strides = [1, 1]} : vector<50x128xf32> to vector<50x64xf32>
    %dot_general3A_1831 = arith.constant dense<0.000000e+00> : vector<20x50xf32>
    %dot_general3A_1832 = tpu.matmul %get3A_1826, %slice3A_1830, %dot_general3A_1831 {dimension_numbers = #tpu.dot_dimension_numbers<[1], [1], [0], [0], [0, 0, 1, 0], [], []>, transpose_lhs_hint = false} : vector<20x64xf32>, vector<50x64xf32>, vector<20x50xf32> -> vector<20x50xf32>
    %get3A_1833 = arith.constant 63 : index
    %get3A_1834 = arith.constant 0 : index
    %get3A_1835 = vector.load %arg3[%get3A_1833, %get3A_1834] : memref<64x50xf32, #tpu.memory_space<vmem>>, vector<1x50xf32>
    %get3A_1836 = vector.shape_cast %get3A_1835 : vector<1x50xf32> to vector<50xf32>
    %broadcast_in_dim3A_1837 = vector.shape_cast %get3A_1836 : vector<50xf32> to vector<1x50xf32>
    %sub3A_1838 = arith.subf %dot_general3A_1832, %dot_general3A_1829 : vector<20x50xf32>
    %mul3A_1839 = vector.broadcast %broadcast_in_dim3A_1837 : vector<1x50xf32> to vector<20x50xf32>
    %mul3A_1840 = arith.mulf %mul3A_1839, %sub3A_1838 : vector<20x50xf32>
    %add3A_1841 = arith.addf %dot_general3A_1829, %mul3A_1840 : vector<20x50xf32>
    %swap3A_1842 = arith.constant 63 : index
    %swap3A_1843 = arith.constant 0 : index
    %swap3A_1844 = arith.constant 0 : index
    %swap3A_1845 = vector.load %arg4[%swap3A_1842, %swap3A_1843, %swap3A_1844] : memref<64x20x50xf32, #tpu.memory_space<vmem>>, vector<1x20x50xf32>
    %swap3A_1846 = vector.shape_cast %swap3A_1845 : vector<1x20x50xf32> to vector<20x50xf32>
    %swap3A_1847 = vector.shape_cast %add3A_1841 : vector<20x50xf32> to vector<1x20x50xf32>
    tpu.vector_store %arg4[%swap3A_1842, %swap3A_1843, %swap3A_1844], %swap3A_1847 {strides = array<i32>} : memref<64x20x50xf32, #tpu.memory_space<vmem>>, vector<1x20x50xf32>,
    return
  }
  func.func @transform_0(%arg0: i32) -> (i32, i32, i32) {
    %c0_i32 = arith.constant 0 : i32
    %c0_i32_0 = arith.constant 0 : i32
    %c0_i32_1 = arith.constant 0 : i32
    return %arg0, %c0_i32, %c0_i32_0 : i32, i32, i32
  }
  func.func @transform_1(%arg0: i32) -> (i32, i32) {
    %c0_i32 = arith.constant 0 : i32
    %c0_i32_0 = arith.constant 0 : i32
    return %arg0, %c0_i32 : i32, i32
  }
  func.func @transform_2(%arg0: i32) -> (i32, i32) {
    %c0_i32 = arith.constant 0 : i32
    %c0_i32_0 = arith.constant 0 : i32
    return %arg0, %c0_i32 : i32, i32
  }
  func.func @transform_3(%arg0: i32) -> (i32, i32, i32) {
    %c0_i32 = arith.constant 0 : i32
    %c0_i32_0 = arith.constant 0 : i32
    %c0_i32_1 = arith.constant 0 : i32
    return %arg0, %c0_i32, %c0_i32_0 : i32, i32, i32
  }
}

</mosaic_0001>

<sc_bundles>
// kernel: kernel.6.cloned.1.call-start
scs
__scs_entry_jumppad:
0x0: {  	(pc) =	sbr.rel $0x88, $3  }
0x1: {  	(tag) =	ssettag $0x0;
	lr =	simm.s32 $0x1  }
0x2: {  	[smem:$0x3F9E] =	sst lr;
	_ =	strace $0xD0000000  }
0x3: {  	_ = 	snop  }
0x4: {  	_ = 	snop  }
0x5: {  	_ = 	snop  }
0x6: {  	_ = 	snop  }
0x7: {  	_ = 	snop  }
__scs_overlays_trampoline_lowered:
0x8: {  	[smem:$0x3FAD] =	sst s0  }
0x9: {  	[smem:$0x3FAE] =	sst s1  }
0xa: {  	[smem:$0x3FAF] =	sst s2  }
0xb: {  	[smem:$0x3FB0] =	sst s3  }
0xc: {  	[smem:$0x3FB1] =	sst s4  }
0xd: {  	[smem:$0x3FB2] =	sst s5  }
0xe: {  	[smem:$0x3FB3] =	sst s6  }
0xf: {  	[smem:$0x3FB4] =	sst s7  }
0x10: {  	[smem:$0x3FB5] =	sst s8  }
0x11: {  	[smem:$0x3FB6] =	sst s9;
	s0 =	simm.s32 @!p0 $0x0  }
0x12: {  	s1 =	sld [smem:$0x3F9C];
	s0 =	simm.s32 @p0 $0x1  }
0x13: {  	[smem:$0x3FB7] =	sst s0;
	s0 =	simm.s32 @!p1 $0x0  }
0x14: {  	s2 =	sld [smem:$0x3F9B];
	s0 =	simm.s32 @p1 $0x1  }
0x15: {  	[smem:$0x3FB8] =	sst s0;
	s0 =	simm.s32 @!p2 $0x0  }
0x16: {  	s3 =	sld [smem:$0x3FDB];
	s0 =	simm.s32 @p2 $0x1  }
0x17: {  	s4 =	simm.s32 $0x1BF5;
	[smem:$0x3FBA] =	sst s0  }
0x18: {  	s0 =	sld [smem:$0x3F9D];
	_ =	swait.ge [sflag:s4], $0x0  }
0x19: {  	s7 =	sld [smem:$0x3F9E]  }
0x1a: {  	s8 =	sadd.s32 $0xFFFFE003, lr  }
0x1b: {  	s9 =	sadd.s32 $0xFFFFFEF7, lr;
	s5 =	simm.s32 $0xFFFFFFFF;
	p2 =	slt.u32 s8, $0xFFFFF086  }
0x1c: {  	p1 =	slt.u32 s9, $0xF7A;
	s5 =	simm.s32 @!p2 $0x0  }
0x1d: {  	s5 =	simm.s32 @p1 $0x1;
	p0 =	seq.s32 s7, s2  }
0x1e: {  	s7 =	smul.u32 @!p0 $0xF7A, s2;
	p2 =	seq.s32 @!p0 s5, $0x0  }
0x1f: {  	s9 =	smul.u32 $0xF7A, s1;
	s8 =	simm.s32 @!p0 $0x1BF5;
	p2 =	por !p2, p0  }
0x20: {  	[sflag:s8] =	ssyncset.s32 @!p0 $0xFFFFF086;
	s6 =	sadd.s32 @!p0 s3, s7;
	s7 =	simm.s32 @!p0 $0x108  }
0x21: {  	s3 =	sadd.s32 s3, s9;
	s6 =	sadd.s32 @!p0 $0x88, s6;
	s7 =	simm.s32 @p2 $0x1082  }
0x22: {  	[simem:s7], [sflag:s8] =	dma.local @!p0 [hbm:s6], $0xF7A  }
0x23: {  	s9 =	sor.u32 $0xD0000000, s2;
	s6 =	simm.s32 $0x108;
	_ =	swait.ge @!p0 [sflag:s8], $0x0  }
0x24: {  	s3 =	sadd.s32 $0x88, s3;
	s6 =	simm.s32 @!p1 $0x1082;
	[sflag:s4] =	ssyncset.s32 $0xFFFFF086  }
0x25: {  	[simem:s6], [sflag:s4] =	dma.local [hbm:s3], $0xF7A  }
0x26: {  	[smem:$0x3F9E] =	sst s1;
	(tag) =	ssettag s2;
	_ =	strace s9  }
0x27: {  	s1 =	sld [smem:$0x3FAE]  }
0x28: {  	s2 =	sld [smem:$0x3FAF]  }
0x29: {  	s4 =	sld [smem:$0x3FB1]  }
0x2a: {  	p0 =	seq.s32 s5, $0x0;
	s5 =	sld [smem:$0x3FB2]  }
0x2b: {  	s6 =	sld [smem:$0x3FB3]  }
0x2c: {  	s7 =	sld [smem:$0x3FB4]  }
0x2d: {  	s3 =	simm.s32 $0x108;
	s8 =	sld [smem:$0x3FB5]  }
0x2e: {  	s3 =	simm.s32 @!p0 $0x1082;
	s9 =	sld [smem:$0x3FB6]  }
0x2f: {  	lr =	sadd.s32 s0, s3;
	s0 =	sld [smem:$0x3FAD]  }
0x30: {  	s3 =	sld [smem:$0x3FB0]  }
0x31: {  	[smem:$0x3FB9] =	sst s10  }
0x32: {  	s10 =	sld [smem:$0x3FB7];
	_ =	sdelay $0x3  }
0x33: {  	p0 =	seq.s32 s10, $0x1;
	s10 =	sld [smem:$0x3FB9];
	_ =	sdelay $0x3  }
0x34: {  	[smem:$0x3FB9] =	sst s10  }
0x35: {  	s10 =	sld [smem:$0x3FB8];
	_ =	sdelay $0x3  }
0x36: {  	p1 =	seq.s32 s10, $0x1;
	s10 =	sld [smem:$0x3FB9];
	_ =	sdelay $0x3  }
0x37: {  	[smem:$0x3FB9] =	sst s10  }
0x38: {  	s10 =	sld [smem:$0x3FBA]  }
0x39: {  	_ = 	snop;
	(pc) =	sbr.ind lr, $3  }
0x3a: {  	_ = 	snop  }
0x3b: {  	_ = 	snop  }
0x3c: {  	p2 =	seq.s32 s10, $0x1;
	s10 =	sld [smem:$0x3FB9]  }
0x3d: {  	_ =	shalt  }
0x3e: {  	_ =	shalt  }
0x3f: {  	_ =	shalt  }
0x40: {  	_ =	shalt  }
0x41: {  	_ =	shalt  }
0x42: {  	_ =	shalt  }
0x43: {  	_ =	shalt  }
0x44: {  	_ =	shalt  }
0x45: {  	_ =	shalt  }
0x46: {  	_ =	shalt  }
0x47: {  	_ =	shalt  }
0x48: {  	_ =	shalt  }
0x49: {  	_ =	shalt  }
0x4a: {  	_ =	shalt  }
0x4b: {  	_ =	shalt  }
0x4c: {  	_ =	shalt  }
0x4d: {  	_ =	shalt  }
0x4e: {  	_ =	shalt  }
0x4f: {  	_ =	shalt  }
0x50: {  	_ =	shalt  }
0x51: {  	_ =	shalt  }
0x52: {  	_ =	shalt  }
0x53: {  	_ =	shalt  }
0x54: {  	_ =	shalt  }
0x55: {  	_ =	shalt  }
0x56: {  	_ =	shalt  }
0x57: {  	_ =	shalt  }
0x58: {  	_ =	shalt  }
0x59: {  	_ =	shalt  }
0x5a: {  	_ =	shalt  }
0x5b: {  	_ =	shalt  }
0x5c: {  	_ =	shalt  }
0x5d: {  	_ =	shalt  }
0x5e: {  	_ =	shalt  }
0x5f: {  	_ =	shalt  }
0x60: {  	_ =	shalt  }
0x61: {  	_ =	shalt  }
0x62: {  	_ =	shalt  }
0x63: {  	_ =	shalt  }
0x64: {  	_ =	shalt  }
0x65: {  	_ =	shalt  }
0x66: {  	_ =	shalt  }
0x67: {  	_ =	shalt  }
0x68: {  	_ =	shalt  }
0x69: {  	_ =	shalt  }
0x6a: {  	_ =	shalt  }
0x6b: {  	_ =	shalt  }
0x6c: {  	_ =	shalt  }
0x6d: {  	_ =	shalt  }
0x6e: {  	_ =	shalt  }
0x6f: {  	_ =	shalt  }
0x70: {  	_ =	shalt  }
0x71: {  	_ =	shalt  }
0x72: {  	_ =	shalt  }
0x73: {  	_ =	shalt  }
0x74: {  	_ =	shalt  }
0x75: {  	_ =	shalt  }
0x76: {  	_ =	shalt  }
0x77: {  	_ =	shalt  }
0x78: {  	_ =	shalt  }
0x79: {  	_ =	shalt  }
0x7a: {  	_ =	shalt  }
0x7b: {  	_ =	shalt  }
0x7c: {  	_ =	shalt  }
0x7d: {  	_ =	shalt  }
0x7e: {  	_ =	shalt  }
0x7f: {  	_ =	shalt  }
0x80: {  	_ =	shalt  }
0x81: {  	_ =	shalt  }
0x82: {  	_ =	shalt  }
0x83: {  	_ =	shalt  }
0x84: {  	_ =	shalt  }
0x85: {  	_ =	shalt  }
0x86: {  	_ =	shalt  }
0x87: {  	_ =	shalt  }
.Lfunc_end0:
.L_simem_size_0:
called_computation_lowered:
.L_overlay_start_0:
0x88: {  	s2 =	sld [smem:$0x3FD9]  }
0x89: {  	s3 =	sld [smem:$0x3FFE];
	_ =	sdelay $0x1  }
0x8a: {  	s1 =	srdreg.scid  }
0x8b: {  	s0 =	sand.u32 $0x1, s1  }
0x8c: {  	s17 =	sshll.u32 s0, $0xA;
	s2 =	sadd.s32 s3, s2  }
0x8d: {  	s2 =	sadd.s32 s2, s17  }
0x8e: {  	[smem:$0x3FC5] =	sst s2  }
0x8f: {  	_ = 	snop  }
0x90: {  	s2 =	sld [smem:$0x3FC7]  }
0x91: {  	s18 =	sld [smem:$0x3FD0];
	(tm) =	ssettm $0x1  }
0x92: {  	s4 =	sld [smem:$0x3FFB];
	_ =	sdelay $0x3  }
0x93: {  	_ =	strace s4  }
0x94: {  	s4 =	sld [smem:$0x3FFC];
	_ =	sdelay $0x3  }
0x95: {  	_ =	strace s4  }
0x96: {  	s4 =	sld [smem:$0x3FFD];
	_ =	sdelay $0x3  }
0x97: {  	_ =	strace s4  }
0x98: {  	_ =	strace $0x8FFFFFFF  }
0x99: {  	s19 =	sld [smem:$0x3FDB];
	_ =	sdelay $0x1  }
0x9a: {  	s5 =	simm.s32 $_scs_section_size  }
0x9b: {  	s6 =	simm.s32 $_size__tile_overlayer_lowered;
	s7 =	simm.s32 $_tile_overlayer_lowered  }
0x9c: {  	s22 =	simm.s32 $0x1BFF;
	s21 =	sshll.u32 s7, $0x1;
	s4 =	sadd.s32 s5, s19  }
0x9d: {  	s8 =	simm.s32 $0x0;
	s20 =	sshll.u32 s6, $0x1;
	s6 =	sadd.s32 s21, s4  }
0x9e: {  	[timem:s8], [sflag:s22] =	dma.local [hbm:s6], s20  }
0x9f: {  	_ =	swait.ge [sflag:s22], s20  }
0xa0: {  	s5 =	ssub.s32 $0x0, s20;
	[sflag:s22] =	ssyncset.done $0x0  }
0xa1: {  	[sflag:s22] =	ssyncadd.s32 s5;
	_ =	sdelay $0x1  }
0xa2: {  	s23 =	simm.s32 $0x1B8B  }
0xa3: {  	_ =	swait.ge [sflag:s23], $0x1  }
0xa4: {  	[sflag:s23] =	ssyncset.done $0x0  }
0xa5: {  	s25 =	simm.s32 $0x1B8E;
	s24 =	sld [smem:$0x3FFE];
	[sflag:s23] =	ssyncadd.s32 $0xFFFFFFFF  }
0xa6: {  	s26 =	simm.s32 $execute0_lowered;
	[smem:$0x3FD2] =	sst s25  }
0xa7: {  	s6 =	sshll.u32 s26, $0x1;
	_ =	strace $0x80000046;
	[dreg:$0x1] =	wrdreg $0xFFFFFFFF  }
0xa8: {  	s28 =	simm.s32 $_size_execute0_lowered;
	s4 =	sadd.s32 s4, s6;
	[dreg:$0x0] =	wrdreg $0x0  }
0xa9: {  	s6 =	sshll.u32 s28, $0x1;
	[dreg:$0x2] =	wrdreg s4  }
0xaa: {  	[dreg:$0x3] =	wrdreg s6  }
0xab: {  	[dreg:$0x4] =	wrdreg $0xC0  }
0xac: {  	_ =	task [dreg:s8], $0x5FFFF  }
0xad: {  	[dreg:$0x1] =	wrdreg $0xFFFFFFFF  }
0xae: {  	[dreg:$0x0] =	wrdreg $0x60  }
0xaf: {  	[dreg:$0x2] =	wrdreg s18  }
0xb0: {  	[dreg:$0x3] =	wrdreg s2  }
0xb1: {  	[dreg:$0x4] =	wrdreg s24  }
0xb2: {  	[dreg:$0x5] =	wrdreg $0x9  }
0xb3: {  	_ =	task.clear_ibuf [dreg:s8], $0x6FFFF;
	_ =	strace $0x90000046  }
0xb4: {  	s29 =	simm.s32 $0x9;
	_ =	strace $0x80000048  }
0xb5: {  	_ =	swait.ge [sflag:s29], $0x1  }
0xb6: {  	[sflag:s29] =	ssyncadd.s32 $0xFFFFFFFF  }
0xb7: {  	_ =	strace $0x90000048  }
0xb8: {  	_ =	sfence  }
0xb9: {  	s30 =	sld [smem:$0x0];
	_ =	sdelay $0x2  }
0xba: {  	s31 =	sshll.u32 s1, $0xD;
	s1 =	sshrl.u32 s1, $0x2  }
0xbb: {  	s3 =	sand.u32 $0x4000, s31;
	s1 =	sadd.s32 s1, s30  }
0xbc: {  	s0 =	sor.u32 s3, s0;
	s1 =	sshll.u32 s1, $0x11  }
0xbd: {  	s0 =	sor.u32 s1, s0  }
0xbe: {  	s0 =	sadd.s32 $0x8F2B, s0  }
0xbf: {  	[sflag:s0] =	ssyncadd.remote.s32 $0x1  }
0xc0: {  	_ =	sfence.sel $0xFFFF  }
0xc1: {  	[dreg:$0x0] =	wrdreg $0xFFFFFFFF;
	(pc) =	sbr.abs _section_cstart, $3  }
0xc2: {  	[dreg:$0x1] =	wrdreg $0xFFFFFFFF  }
0xc3: {  	_ =	task.clear_ibuf [dreg:s8], $0x2FFFF;
	_ =	strace $0x9FFFFFFF  }
0xc4: {  	(tm) =	ssettm $0x7FFFFFFF  }
0xc5: {  	_ =	shalt  }
tec
execute0_lowered:
.L_overlay_start_1:
0x0: {  	(tag) =	ssettag $0x1  }
0x1: {  	s0 =	rddreg [dreg:$0x0]  }
0x2: {  	s5 =	rddreg [dreg:$0x1]  }
0x3: {  	s1 =	rddreg [dreg:$0x2]  }
0x4: {  	s2 =	simm.s32 $0x0;
	s3 =	srdreg.scid;
	s4 =	stileid.u32  }
0x5: {  	s24 =	simm.s32 $0x80;
	s9 =	simm.s32 $0x2400;
	s25 =	simm.s32 $0x100  }
0x6: {  	s10 =	simm.s32 $0x4000;
	s26 =	simm.s32 $0x180;
	s11 =	simm.s32 $0x5C00  }
0x7: {  	s28 =	simm.s32 $0x200;
	s12 =	simm.s32 $0x7800;
	s29 =	simm.s32 $0x280  }
0x8: {  	s13 =	simm.s32 $0x9400;
	s30 =	simm.s32 $0x300;
	s14 =	simm.s32 $0xB000  }
0x9: {  	s31 =	simm.s32 $0x380;
	s15 =	simm.s32 $0xCC00;
	s16 =	simm.s32 $0x400  }
0xa: {  	s17 =	simm.s32 $0x480;
	p0 =	por $0x0, $0x0;
	s18 =	simm.s32 $0x500  }
0xb: {  	s19 =	simm.s32 $0x580;
	s3 =	sand.u32 $0x1, s3;
	s4 =	sshll.u32 s4, $0x1  }
0xc: {  	s20 =	simm.s32 $0x600;
	s4 =	sor.u32 s3, s4;
	s3 =	ssub.s32 $0x2, s3  }
0xd: {  	s21 =	simm.s32 $0x680;
	[smem:$0x7FF] =	sst s2;
	s7 =	sshrl.u32 s3, $0x1  }
0xe: {  	s1 =	sadd.s32 $0x3A00, s1;
	_ =	strace $0x80000047;
	s3 =	ssub.s32 s3, s7  }
0xf: {  	s6 =	smul.u32 $0x1C000, s4;
	s8 =	sshll.u32 s4, $0x8;
	s23 =	smax.u32 s3, $0x1  }
0x10: {  	s4 =	smul.u32 $0x3800, s4;
	s0 =	sadd.s32 s0, s8;
	p1 =	sne.s32 s23, $0x1  }
.Ltmp0:
0x11: {  	s8 =	simm.s32 $0x32;
	s7 =	simm.s32 $0x1;
	(pc) =	sbr.rel @!p1 .LBB2_3-.Ltmp0, $4  }
0x12: {  	s6 =	sshrl.u32 s6, $0x3;
	[dreg:$0x4] =	wrdreg s0;
	s22 =	sadd.s32 s1, s4  }
0x13: {  	s3 =	simm.s32 $0x2;
	s1 =	sadd.s32 s1, s6;
	[dreg:$0x5] =	wrdreg s22  }
0x14: {  	s6 =	simm.s32 $0x800;
	s0 =	sadd.s32 $0xFFFFFFFF, s23;
	s22 =	simm.s32 $0x700  }
0x15: {  	s23 =	simm.s32 $0x780;
	s4 =	sadd.s32 $0x1C00, s1;
	s1 =	rddreg [dreg:$0x4]  }
0x16: {  	[tilespmem:s2], [sflag:$0x2] =	stream.linear.gather [hbm4b:s1+s2], $0x800, $0x38;
	[tilespmem:$0xE800] =	vst v63  }
0x17: {  	_ =	swait.ge [sflag:s3], $0x800  }
0x18: {  	[sflag:s3] =	ssyncset.done $0x0  }
0x19: {  	[sflag:s3] =	ssyncadd.s32 $0xFFFFF800  }
0x1a: {  	[tilespmem:s6], [sflag:$0x1] =	stream.indirect.gather [hbm4b:s5+s8], $0x80, s2, s8, $0xb8;
	[tilespmem:$0xE800] =	vst v63  }
0x1b: {  	_ = 	snop  }
0x1c: {  	[tilespmem:s9], [sflag:$0x1] =	stream.indirect.gather [hbm4b:s5+s8], $0x80, s24, s8, $0xb8;
	[tilespmem:$0xE800] =	vst v63  }
0x1d: {  	_ = 	snop  }
0x1e: {  	[tilespmem:s10], [sflag:$0x1] =	stream.indirect.gather [hbm4b:s5+s8], $0x80, s25, s8, $0xb8;
	[tilespmem:$0xE800] =	vst v63  }
0x1f: {  	_ = 	snop  }
0x20: {  	[tilespmem:s11], [sflag:$0x1] =	stream.indirect.gather [hbm4b:s5+s8], $0x80, s26, s8, $0xb8;
	[tilespmem:$0xE800] =	vst v63  }
0x21: {  	_ = 	snop  }
0x22: {  	[tilespmem:s12], [sflag:$0x1] =	stream.indirect.gather [hbm4b:s5+s8], $0x80, s28, s8, $0xb8;
	[tilespmem:$0xE800] =	vst v63  }
0x23: {  	_ = 	snop  }
0x24: {  	[tilespmem:s13], [sflag:$0x1] =	stream.indirect.gather [hbm4b:s5+s8], $0x80, s29, s8, $0xb8;
	[tilespmem:$0xE800] =	vst v63  }
0x25: {  	_ = 	snop  }
0x26: {  	[tilespmem:s14], [sflag:$0x1] =	stream.indirect.gather [hbm4b:s5+s8], $0x80, s30, s8, $0xb8;
	[tilespmem:$0xE800] =	vst v63  }
0x27: {  	_ = 	snop  }
0x28: {  	[tilespmem:s15], [sflag:$0x1] =	stream.indirect.gather [hbm4b:s5+s8], $0x80, s31, s8, $0xb8;
	[tilespmem:$0xE800] =	vst v63  }
0x29: {  	_ =	swait.ge [sflag:s7], $0x1900  }
0x2a: {  	[sflag:s7] =	ssyncset.done $0x0  }
0x2b: {  	[sflag:s7] =	ssyncadd.s32 $0xFFFFE700  }
0x2c: {  	_ =	swait.ge [sflag:s7], $0x1900  }
0x2d: {  	[sflag:s7] =	ssyncset.done $0x0  }
0x2e: {  	[sflag:s7] =	ssyncadd.s32 $0xFFFFE700  }
0x2f: {  	_ =	swait.ge [sflag:s7], $0x1900  }
0x30: {  	[sflag:s7] =	ssyncset.done $0x0  }
0x31: {  	[sflag:s7] =	ssyncadd.s32 $0xFFFFE700  }
0x32: {  	_ =	swait.ge [sflag:s7], $0x1900  }
0x33: {  	[sflag:s7] =	ssyncset.done $0x0  }
0x34: {  	[sflag:s7] =	ssyncadd.s32 $0xFFFFE700  }
0x35: {  	_ =	swait.ge [sflag:s7], $0x1900  }
0x36: {  	[sflag:s7] =	ssyncset.done $0x0  }
0x37: {  	[sflag:s7] =	ssyncadd.s32 $0xFFFFE700  }
0x38: {  	_ =	swait.ge [sflag:s7], $0x1900  }
0x39: {  	[sflag:s7] =	ssyncset.done $0x0  }
0x3a: {  	[sflag:s7] =	ssyncadd.s32 $0xFFFFE700  }
0x3b: {  	_ =	swait.ge [sflag:s7], $0x1900  }
0x3c: {  	[sflag:s7] =	ssyncset.done $0x0  }
0x3d: {  	[sflag:s7] =	ssyncadd.s32 $0xFFFFE700  }
0x3e: {  	_ =	swait.ge [sflag:s7], $0x1900  }
0x3f: {  	[sflag:s7] =	ssyncset.done $0x0  }
0x40: {  	s1 =	rddreg [dreg:$0x5];
	[sflag:s7] =	ssyncadd.s32 $0xFFFFE700  }
0x41: {  	[hbm4b:s1+s2] =	stream.linear.scatter [tilespmem:s6], [sflag:$0x2], $0xE000, $0x38;
	[tilespmem:$0xE800] =	vst v63  }
0x42: {  	_ =	swait.ge [sflag:s3], $0xE000  }
0x43: {  	[sflag:s3] =	ssyncset.done $0x0  }
0x44: {  	[sflag:s3] =	ssyncadd.s32 $0xFFFF2000  }
0x45: {  	[tilespmem:s6], [sflag:$0x1] =	stream.indirect.gather [hbm4b:s5+s8], $0x80, s16, s8, $0xb8;
	[tilespmem:$0xE800] =	vst v63  }
0x46: {  	_ = 	snop  }
0x47: {  	[tilespmem:s9], [sflag:$0x1] =	stream.indirect.gather [hbm4b:s5+s8], $0x80, s17, s8, $0xb8;
	[tilespmem:$0xE800] =	vst v63  }
0x48: {  	_ = 	snop  }
0x49: {  	[tilespmem:s10], [sflag:$0x1] =	stream.indirect.gather [hbm4b:s5+s8], $0x80, s18, s8, $0xb8;
	[tilespmem:$0xE800] =	vst v63  }
0x4a: {  	_ = 	snop  }
0x4b: {  	[tilespmem:s11], [sflag:$0x1] =	stream.indirect.gather [hbm4b:s5+s8], $0x80, s19, s8, $0xb8;
	[tilespmem:$0xE800] =	vst v63  }
0x4c: {  	_ = 	snop  }
0x4d: {  	[tilespmem:s12], [sflag:$0x1] =	stream.indirect.gather [hbm4b:s5+s8], $0x80, s20, s8, $0xb8;
	[tilespmem:$0xE800] =	vst v63  }
0x4e: {  	_ = 	snop  }
0x4f: {  	[tilespmem:s13], [sflag:$0x1] =	stream.indirect.gather [hbm4b:s5+s8], $0x80, s21, s8, $0xb8;
	[tilespmem:$0xE800] =	vst v63  }
0x50: {  	_ = 	snop  }
0x51: {  	[tilespmem:s14], [sflag:$0x1] =	stream.indirect.gather [hbm4b:s5+s8], $0x80, s22, s8, $0xb8;
	[tilespmem:$0xE800] =	vst v63  }
0x52: {  	_ = 	snop  }
0x53: {  	[tilespmem:s15], [sflag:$0x1] =	stream.indirect.gather [hbm4b:s5+s8], $0x80, s23, s8, $0xb8;
	[tilespmem:$0xE800] =	vst v63  }
0x54: {  	_ =	swait.ge [sflag:s7], $0x1900  }
0x55: {  	[sflag:s7] =	ssyncset.done $0x0  }
0x56: {  	[sflag:s7] =	ssyncadd.s32 $0xFFFFE700  }
0x57: {  	_ =	swait.ge [sflag:s7], $0x1900  }
0x58: {  	[sflag:s7] =	ssyncset.done $0x0  }
0x59: {  	[sflag:s7] =	ssyncadd.s32 $0xFFFFE700  }
0x5a: {  	_ =	swait.ge [sflag:s7], $0x1900  }
0x5b: {  	[sflag:s7] =	ssyncset.done $0x0  }
0x5c: {  	[sflag:s7] =	ssyncadd.s32 $0xFFFFE700  }
0x5d: {  	_ =	swait.ge [sflag:s7], $0x1900  }
0x5e: {  	[sflag:s7] =	ssyncset.done $0x0  }
0x5f: {  	[sflag:s7] =	ssyncadd.s32 $0xFFFFE700  }
0x60: {  	_ =	swait.ge [sflag:s7], $0x1900  }
0x61: {  	[sflag:s7] =	ssyncset.done $0x0  }
0x62: {  	[sflag:s7] =	ssyncadd.s32 $0xFFFFE700  }
0x63: {  	_ =	swait.ge [sflag:s7], $0x1900  }
0x64: {  	[sflag:s7] =	ssyncset.done $0x0  }
0x65: {  	[sflag:s7] =	ssyncadd.s32 $0xFFFFE700  }
0x66: {  	_ =	swait.ge [sflag:s7], $0x1900  }
0x67: {  	[sflag:s7] =	ssyncset.done $0x0  }
0x68: {  	[sflag:s7] =	ssyncadd.s32 $0xFFFFE700  }
0x69: {  	p1 =	sne.s32 s0, $0x1;
	_ =	swait.ge [sflag:s7], $0x1900  }
.Ltmp1:
0x6a: {  	[sflag:s7] =	ssyncset.done $0x0;
	(pc) =	sbr.rel @!p1 .LBB2_3-.Ltmp1, $4  }
0x6b: {  	[sflag:s7] =	ssyncadd.s32 $0xFFFFE700  }
0x6c: {  	[hbm4b:s4+s2] =	stream.linear.scatter [tilespmem:s6], [sflag:$0x2], $0xE000, $0x38;
	[tilespmem:$0xE800] =	vst v63  }
0x6d: {  	s0 =	sadd.s32 $0xFFFFFFFF, s0;
	_ =	swait.ge [sflag:s3], $0xE000  }
0x6e: {  	p0 =	por $0x1, $0x1;
	s1 =	rddreg [dreg:$0x4];
	[sflag:s3] =	ssyncset.done $0x0  }
.LBB2_2:
0x6f: {  	[sflag:s3] =	ssyncadd.s32 $0xFFFF2000  }
0x70: {  	[tilespmem:s2], [sflag:$0x2] =	stream.linear.gather [hbm4b:s1+s2], $0x800, $0x38;
	[tilespmem:$0xE800] =	vst v63  }
0x71: {  	_ =	swait.ge [sflag:s3], $0x800  }
0x72: {  	[sflag:s3] =	ssyncset.done $0x0  }
0x73: {  	[sflag:s3] =	ssyncadd.s32 $0xFFFFF800  }
0x74: {  	[tilespmem:s6], [sflag:$0x1] =	stream.indirect.gather [hbm4b:s5+s8], $0x80, s2, s8, $0xb8;
	[tilespmem:$0xE800] =	vst v63  }
0x75: {  	_ = 	snop  }
0x76: {  	[tilespmem:s9], [sflag:$0x1] =	stream.indirect.gather [hbm4b:s5+s8], $0x80, s24, s8, $0xb8;
	[tilespmem:$0xE800] =	vst v63  }
0x77: {  	_ = 	snop  }
0x78: {  	[tilespmem:s10], [sflag:$0x1] =	stream.indirect.gather [hbm4b:s5+s8], $0x80, s25, s8, $0xb8;
	[tilespmem:$0xE800] =	vst v63  }
0x79: {  	_ = 	snop  }
0x7a: {  	[tilespmem:s11], [sflag:$0x1] =	stream.indirect.gather [hbm4b:s5+s8], $0x80, s26, s8, $0xb8;
	[tilespmem:$0xE800] =	vst v63  }
0x7b: {  	_ = 	snop  }
0x7c: {  	[tilespmem:s12], [sflag:$0x1] =	stream.indirect.gather [hbm4b:s5+s8], $0x80, s28, s8, $0xb8;
	[tilespmem:$0xE800] =	vst v63  }
0x7d: {  	_ = 	snop  }
0x7e: {  	[tilespmem:s13], [sflag:$0x1] =	stream.indirect.gather [hbm4b:s5+s8], $0x80, s29, s8, $0xb8;
	[tilespmem:$0xE800] =	vst v63  }
0x7f: {  	_ = 	snop  }
0x80: {  	[tilespmem:s14], [sflag:$0x1] =	stream.indirect.gather [hbm4b:s5+s8], $0x80, s30, s8, $0xb8;
	[tilespmem:$0xE800] =	vst v63  }
0x81: {  	_ = 	snop  }
0x82: {  	[tilespmem:s15], [sflag:$0x1] =	stream.indirect.gather [hbm4b:s5+s8], $0x80, s31, s8, $0xb8;
	[tilespmem:$0xE800] =	vst v63  }
0x83: {  	_ =	swait.ge [sflag:s7], $0x1900  }
0x84: {  	[sflag:s7] =	ssyncset.done $0x0  }
0x85: {  	[sflag:s7] =	ssyncadd.s32 $0xFFFFE700  }
0x86: {  	_ =	swait.ge [sflag:s7], $0x1900  }
0x87: {  	[sflag:s7] =	ssyncset.done $0x0  }
0x88: {  	[sflag:s7] =	ssyncadd.s32 $0xFFFFE700  }
0x89: {  	_ =	swait.ge [sflag:s7], $0x1900  }
0x8a: {  	[sflag:s7] =	ssyncset.done $0x0  }
0x8b: {  	[sflag:s7] =	ssyncadd.s32 $0xFFFFE700  }
0x8c: {  	_ =	swait.ge [sflag:s7], $0x1900  }
0x8d: {  	[sflag:s7] =	ssyncset.done $0x0  }
0x8e: {  	[sflag:s7] =	ssyncadd.s32 $0xFFFFE700  }
0x8f: {  	_ =	swait.ge [sflag:s7], $0x1900  }
0x90: {  	[sflag:s7] =	ssyncset.done $0x0  }
0x91: {  	[sflag:s7] =	ssyncadd.s32 $0xFFFFE700  }
0x92: {  	_ =	swait.ge [sflag:s7], $0x1900  }
0x93: {  	[sflag:s7] =	ssyncset.done $0x0  }
0x94: {  	[sflag:s7] =	ssyncadd.s32 $0xFFFFE700  }
0x95: {  	_ =	swait.ge [sflag:s7], $0x1900  }
0x96: {  	[sflag:s7] =	ssyncset.done $0x0  }
0x97: {  	[sflag:s7] =	ssyncadd.s32 $0xFFFFE700  }
0x98: {  	_ =	swait.ge [sflag:s7], $0x1900  }
0x99: {  	[sflag:s7] =	ssyncset.done $0x0  }
0x9a: {  	s1 =	rddreg [dreg:$0x5];
	[sflag:s7] =	ssyncadd.s32 $0xFFFFE700  }
0x9b: {  	[hbm4b:s1+s2] =	stream.linear.scatter [tilespmem:s6], [sflag:$0x2], $0xE000, $0x38;
	[tilespmem:$0xE800] =	vst v63  }
0x9c: {  	_ =	swait.ge [sflag:s3], $0xE000  }
0x9d: {  	[sflag:s3] =	ssyncset.done $0x0  }
0x9e: {  	[sflag:s3] =	ssyncadd.s32 $0xFFFF2000  }
0x9f: {  	[tilespmem:s6], [sflag:$0x1] =	stream.indirect.gather [hbm4b:s5+s8], $0x80, s16, s8, $0xb8;
	[tilespmem:$0xE800] =	vst v63  }
0xa0: {  	_ = 	snop  }
0xa1: {  	[tilespmem:s9], [sflag:$0x1] =	stream.indirect.gather [hbm4b:s5+s8], $0x80, s17, s8, $0xb8;
	[tilespmem:$0xE800] =	vst v63  }
0xa2: {  	_ = 	snop  }
0xa3: {  	[tilespmem:s10], [sflag:$0x1] =	stream.indirect.gather [hbm4b:s5+s8], $0x80, s18, s8, $0xb8;
	[tilespmem:$0xE800] =	vst v63  }
0xa4: {  	_ = 	snop  }
0xa5: {  	[tilespmem:s11], [sflag:$0x1] =	stream.indirect.gather [hbm4b:s5+s8], $0x80, s19, s8, $0xb8;
	[tilespmem:$0xE800] =	vst v63  }
0xa6: {  	_ = 	snop  }
0xa7: {  	[tilespmem:s12], [sflag:$0x1] =	stream.indirect.gather [hbm4b:s5+s8], $0x80, s20, s8, $0xb8;
	[tilespmem:$0xE800] =	vst v63  }
0xa8: {  	_ = 	snop  }
0xa9: {  	[tilespmem:s13], [sflag:$0x1] =	stream.indirect.gather [hbm4b:s5+s8], $0x80, s21, s8, $0xb8;
	[tilespmem:$0xE800] =	vst v63  }
0xaa: {  	_ = 	snop  }
0xab: {  	[tilespmem:s14], [sflag:$0x1] =	stream.indirect.gather [hbm4b:s5+s8], $0x80, s22, s8, $0xb8;
	[tilespmem:$0xE800] =	vst v63  }
0xac: {  	_ = 	snop  }
0xad: {  	[tilespmem:s15], [sflag:$0x1] =	stream.indirect.gather [hbm4b:s5+s8], $0x80, s23, s8, $0xb8;
	[tilespmem:$0xE800] =	vst v63  }
0xae: {  	_ =	swait.ge [sflag:s7], $0x1900  }
0xaf: {  	[sflag:s7] =	ssyncset.done $0x0  }
0xb0: {  	[sflag:s7] =	ssyncadd.s32 $0xFFFFE700  }
0xb1: {  	_ =	swait.ge [sflag:s7], $0x1900  }
0xb2: {  	[sflag:s7] =	ssyncset.done $0x0  }
0xb3: {  	[sflag:s7] =	ssyncadd.s32 $0xFFFFE700  }
0xb4: {  	_ =	swait.ge [sflag:s7], $0x1900  }
0xb5: {  	[sflag:s7] =	ssyncset.done $0x0  }
0xb6: {  	[sflag:s7] =	ssyncadd.s32 $0xFFFFE700  }
0xb7: {  	_ =	swait.ge [sflag:s7], $0x1900  }
0xb8: {  	[sflag:s7] =	ssyncset.done $0x0  }
0xb9: {  	[sflag:s7] =	ssyncadd.s32 $0xFFFFE700  }
0xba: {  	_ =	swait.ge [sflag:s7], $0x1900  }
0xbb: {  	[sflag:s7] =	ssyncset.done $0x0  }
0xbc: {  	[sflag:s7] =	ssyncadd.s32 $0xFFFFE700  }
0xbd: {  	_ =	swait.ge [sflag:s7], $0x1900  }
0xbe: {  	[sflag:s7] =	ssyncset.done $0x0  }
0xbf: {  	[sflag:s7] =	ssyncadd.s32 $0xFFFFE700  }
0xc0: {  	_ =	swait.ge [sflag:s7], $0x1900  }
0xc1: {  	[sflag:s7] =	ssyncset.done $0x0  }
0xc2: {  	[sflag:s7] =	ssyncadd.s32 $0xFFFFE700  }
0xc3: {  	p1 =	sne.s32 s0, $0x1;
	_ =	swait.ge [sflag:s7], $0x1900  }
.Ltmp2:
0xc4: {  	[sflag:s7] =	ssyncset.done $0x0;
	(pc) =	sbr.rel @p1 .LBB2_2-.Ltmp2, $4  }
0xc5: {  	[sflag:s7] =	ssyncadd.s32 $0xFFFFE700  }
0xc6: {  	[hbm4b:s4+s2] =	stream.linear.scatter [tilespmem:s6], [sflag:$0x2], $0xE000, $0x38;
	[tilespmem:$0xE800] =	vst v63  }
0xc7: {  	_ =	swait.ge [sflag:s3], $0xE000  }
0xc8: {  	s0 =	sadd.s32 $0xFFFFFFFF, s0;
	s1 =	rddreg [dreg:$0x4];
	[sflag:s3] =	ssyncset.done $0x0  }
.LBB2_3:
0xc9: {  	[sflag:s3] =	ssyncadd.s32 @p0 $0xFFFF2000  }
0xca: {  	[tilespmem:s2], [sflag:$0x2] =	stream.linear.gather [hbm4b:s1+s2], $0x800, $0x38;
	[tilespmem:$0xE800] =	vst v63  }
0xcb: {  	_ =	swait.ge [sflag:s3], $0x800  }
0xcc: {  	[sflag:s3] =	ssyncset.done $0x0  }
0xcd: {  	[sflag:s3] =	ssyncadd.s32 $0xFFFFF800  }
0xce: {  	[tilespmem:s6], [sflag:$0x1] =	stream.indirect.gather [hbm4b:s5+s8], $0x80, s2, s8, $0xb8;
	[tilespmem:$0xE800] =	vst v63  }
0xcf: {  	_ = 	snop  }
0xd0: {  	[tilespmem:s9], [sflag:$0x1] =	stream.indirect.gather [hbm4b:s5+s8], $0x80, s24, s8, $0xb8;
	[tilespmem:$0xE800] =	vst v63  }
0xd1: {  	_ = 	snop  }
0xd2: {  	[tilespmem:s10], [sflag:$0x1] =	stream.indirect.gather [hbm4b:s5+s8], $0x80, s25, s8, $0xb8;
	[tilespmem:$0xE800] =	vst v63  }
0xd3: {  	_ = 	snop  }
0xd4: {  	[tilespmem:s11], [sflag:$0x1] =	stream.indirect.gather [hbm4b:s5+s8], $0x80, s26, s8, $0xb8;
	[tilespmem:$0xE800] =	vst v63  }
0xd5: {  	_ = 	snop  }
0xd6: {  	[tilespmem:s12], [sflag:$0x1] =	stream.indirect.gather [hbm4b:s5+s8], $0x80, s28, s8, $0xb8;
	[tilespmem:$0xE800] =	vst v63  }
0xd7: {  	_ = 	snop  }
0xd8: {  	[tilespmem:s13], [sflag:$0x1] =	stream.indirect.gather [hbm4b:s5+s8], $0x80, s29, s8, $0xb8;
	[tilespmem:$0xE800] =	vst v63  }
0xd9: {  	_ = 	snop  }
0xda: {  	[tilespmem:s14], [sflag:$0x1] =	stream.indirect.gather [hbm4b:s5+s8], $0x80, s30, s8, $0xb8;
	[tilespmem:$0xE800] =	vst v63  }
0xdb: {  	_ = 	snop  }
0xdc: {  	[tilespmem:s15], [sflag:$0x1] =	stream.indirect.gather [hbm4b:s5+s8], $0x80, s31, s8, $0xb8;
	[tilespmem:$0xE800] =	vst v63  }
0xdd: {  	_ =	swait.ge [sflag:s7], $0x1900  }
0xde: {  	[sflag:s7] =	ssyncset.done $0x0  }
0xdf: {  	[sflag:s7] =	ssyncadd.s32 $0xFFFFE700  }
0xe0: {  	_ =	swait.ge [sflag:s7], $0x1900  }
0xe1: {  	[sflag:s7] =	ssyncset.done $0x0  }
0xe2: {  	[sflag:s7] =	ssyncadd.s32 $0xFFFFE700  }
0xe3: {  	_ =	swait.ge [sflag:s7], $0x1900  }
0xe4: {  	[sflag:s7] =	ssyncset.done $0x0  }
0xe5: {  	[sflag:s7] =	ssyncadd.s32 $0xFFFFE700  }
0xe6: {  	_ =	swait.ge [sflag:s7], $0x1900  }
0xe7: {  	[sflag:s7] =	ssyncset.done $0x0  }
0xe8: {  	[sflag:s7] =	ssyncadd.s32 $0xFFFFE700  }
0xe9: {  	_ =	swait.ge [sflag:s7], $0x1900  }
0xea: {  	[sflag:s7] =	ssyncset.done $0x0  }
0xeb: {  	[sflag:s7] =	ssyncadd.s32 $0xFFFFE700  }
0xec: {  	_ =	swait.ge [sflag:s7], $0x1900  }
0xed: {  	[sflag:s7] =	ssyncset.done $0x0  }
0xee: {  	[sflag:s7] =	ssyncadd.s32 $0xFFFFE700  }
0xef: {  	_ =	swait.ge [sflag:s7], $0x1900  }
0xf0: {  	[sflag:s7] =	ssyncset.done $0x0  }
0xf1: {  	[sflag:s7] =	ssyncadd.s32 $0xFFFFE700  }
0xf2: {  	_ =	swait.ge [sflag:s7], $0x1900  }
0xf3: {  	[sflag:s7] =	ssyncset.done $0x0  }
0xf4: {  	s0 =	rddreg [dreg:$0x5];
	[sflag:s7] =	ssyncadd.s32 $0xFFFFE700  }
0xf5: {  	[hbm4b:s0+s2] =	stream.linear.scatter [tilespmem:s6], [sflag:$0x2], $0xE000, $0x38;
	[tilespmem:$0xE800] =	vst v63  }
0xf6: {  	_ =	swait.ge [sflag:s3], $0xE000  }
0xf7: {  	[sflag:s3] =	ssyncset.done $0x0  }
0xf8: {  	[sflag:s3] =	ssyncadd.s32 $0xFFFF2000  }
0xf9: {  	[tilespmem:s6], [sflag:$0x1] =	stream.indirect.gather [hbm4b:s5+s8], $0x80, s16, s8, $0xb8;
	[tilespmem:$0xE800] =	vst v63  }
0xfa: {  	_ = 	snop  }
0xfb: {  	[tilespmem:s9], [sflag:$0x1] =	stream.indirect.gather [hbm4b:s5+s8], $0x80, s17, s8, $0xb8;
	[tilespmem:$0xE800] =	vst v63  }
0xfc: {  	_ = 	snop  }
0xfd: {  	[tilespmem:s10], [sflag:$0x1] =	stream.indirect.gather [hbm4b:s5+s8], $0x80, s18, s8, $0xb8;
	[tilespmem:$0xE800] =	vst v63  }
0xfe: {  	_ = 	snop  }
0xff: {  	[tilespmem:s11], [sflag:$0x1] =	stream.indirect.gather [hbm4b:s5+s8], $0x80, s19, s8, $0xb8;
	[tilespmem:$0xE800] =	vst v63  }
0x100: {  	_ = 	snop  }
0x101: {  	[tilespmem:s12], [sflag:$0x1] =	stream.indirect.gather [hbm4b:s5+s8], $0x80, s20, s8, $0xb8;
	[tilespmem:$0xE800] =	vst v63  }
0x102: {  	_ = 	snop  }
0x103: {  	[tilespmem:s13], [sflag:$0x1] =	stream.indirect.gather [hbm4b:s5+s8], $0x80, s21, s8, $0xb8;
	[tilespmem:$0xE800] =	vst v63  }
0x104: {  	_ = 	snop  }
0x105: {  	[tilespmem:s14], [sflag:$0x1] =	stream.indirect.gather [hbm4b:s5+s8], $0x80, s22, s8, $0xb8;
	[tilespmem:$0xE800] =	vst v63  }
0x106: {  	_ = 	snop  }
0x107: {  	[tilespmem:s15], [sflag:$0x1] =	stream.indirect.gather [hbm4b:s5+s8], $0x80, s23, s8, $0xb8;
	[tilespmem:$0xE800] =	vst v63  }
0x108: {  	_ =	swait.ge [sflag:s7], $0x1900  }
0x109: {  	[sflag:s7] =	ssyncset.done $0x0  }
0x10a: {  	[sflag:s7] =	ssyncadd.s32 $0xFFFFE700  }
0x10b: {  	_ =	swait.ge [sflag:s7], $0x1900  }
0x10c: {  	[sflag:s7] =	ssyncset.done $0x0  }
0x10d: {  	[sflag:s7] =	ssyncadd.s32 $0xFFFFE700  }
0x10e: {  	_ =	swait.ge [sflag:s7], $0x1900  }
0x10f: {  	[sflag:s7] =	ssyncset.done $0x0  }
0x110: {  	[sflag:s7] =	ssyncadd.s32 $0xFFFFE700  }
0x111: {  	_ =	swait.ge [sflag:s7], $0x1900  }
0x112: {  	[sflag:s7] =	ssyncset.done $0x0  }
0x113: {  	[sflag:s7] =	ssyncadd.s32 $0xFFFFE700  }
0x114: {  	_ =	swait.ge [sflag:s7], $0x1900  }
0x115: {  	[sflag:s7] =	ssyncset.done $0x0  }
0x116: {  	[sflag:s7] =	ssyncadd.s32 $0xFFFFE700  }
0x117: {  	_ =	swait.ge [sflag:s7], $0x1900  }
0x118: {  	[sflag:s7] =	ssyncset.done $0x0  }
0x119: {  	[sflag:s7] =	ssyncadd.s32 $0xFFFFE700  }
0x11a: {  	_ =	swait.ge [sflag:s7], $0x1900  }
0x11b: {  	[sflag:s7] =	ssyncset.done $0x0  }
0x11c: {  	[sflag:s7] =	ssyncadd.s32 $0xFFFFE700  }
0x11d: {  	_ =	swait.ge [sflag:s7], $0x1900  }
0x11e: {  	[sflag:s7] =	ssyncset.done $0x0  }
0x11f: {  	[sflag:s7] =	ssyncadd.s32 $0xFFFFE700  }
0x120: {  	[hbm4b:s4+s2] =	stream.linear.scatter [tilespmem:s6], [sflag:$0x2], $0xE000, $0x38;
	[tilespmem:$0xE800] =	vst v63  }
0x121: {  	_ =	swait.ge [sflag:s3], $0xE000  }
0x122: {  	[sflag:s3] =	ssyncset.done $0x0  }
0x123: {  	[sflag:s3] =	ssyncadd.s32 $0xFFFF2000  }
0x124: {  	_ =	sfence.sel $0x180000  }
0x125: {  	[bflag:$0x0] =	sbarrier.arrive $0xFFFF  }
0x126: {  	_ =	strace $0x90000047  }
0x127: {  	s31 =	stileid.u32;
	[bflag:$0x2] =	sbarrier.arrive $0xFFFF  }
0x128: {  	p0 =	sne.s32 s31, $0x0;
	s0 =	rddreg [dreg:$0x3]  }
0x129: {  	s0 =	sadd.s32 @!p0 $0x100000, s0  }
0x12a: {  	[sflag:s0] =	ssyncadd.tile.s32 @!p0 $0x1;
	_ =	shalt  }
.Lfunc_end2:
_tile_overlayer_lowered:
.L_overlay_start_2:
0x12b: {  	(tag) =	ssettag $0x2  }
0x12c: {  	s0 =	rddreg [dreg:$0x0];
	s2 =	stileid.u32  }
0x12d: {  	s1 =	rddreg [dreg:$0x1];
	p0 =	sne.s32 s2, $0x0  }
0x12e: {  	s3 =	rddreg [dreg:$0x2];
	[bflag:$0x3] =	sbarrier.arrive $0xFFFF;
	s2 =	simm.s32 @!p0 $0x1C02  }
0x12f: {  	[timem:s3], [sflag:s2] =	dma.local @!p0 [hbm:s0], s1  }
0x130: {  	s0 =	simm.s32 @!p0 $0x2  }
0x131: {  	_ =	swait.ge @!p0 [sflag:s0], s1  }
0x132: {  	s1 =	ssub.s32 @!p0 $0x0, s1;
	[sflag:s0] =	ssyncset.done @!p0 $0x0  }
0x133: {  	[sflag:s0] =	ssyncadd.s32 @!p0 s1  }
0x134: {  	[bflag:$0x3] =	sbarrier.arrive $0xFFFF  }
0x135: {  	_ =	shalt  }

// kernel: kernel.9.cloned.1.call-start
scs
__scs_entry_jumppad:
0x0: {  	(pc) =	sbr.rel $0x88, $3  }
0x1: {  	(tag) =	ssettag $0x0;
	lr =	simm.s32 $0x1  }
0x2: {  	[smem:$0x3F9E] =	sst lr;
	_ =	strace $0xD0000000  }
0x3: {  	_ = 	snop  }
0x4: {  	_ = 	snop  }
0x5: {  	_ = 	snop  }
0x6: {  	_ = 	snop  }
0x7: {  	_ = 	snop  }
__scs_overlays_trampoline_lowered:
0x8: {  	[smem:$0x3FAD] =	sst s0  }
0x9: {  	[smem:$0x3FAE] =	sst s1  }
0xa: {  	[smem:$0x3FAF] =	sst s2  }
0xb: {  	[smem:$0x3FB0] =	sst s3  }
0xc: {  	[smem:$0x3FB1] =	sst s4  }
0xd: {  	[smem:$0x3FB2] =	sst s5  }
0xe: {  	[smem:$0x3FB3] =	sst s6  }
0xf: {  	[smem:$0x3FB4] =	sst s7  }
0x10: {  	[smem:$0x3FB5] =	sst s8  }
0x11: {  	[smem:$0x3FB6] =	sst s9;
	s0 =	simm.s32 @!p0 $0x0  }
0x12: {  	s1 =	sld [smem:$0x3F9C];
	s0 =	simm.s32 @p0 $0x1  }
0x13: {  	[smem:$0x3FB7] =	sst s0;
	s0 =	simm.s32 @!p1 $0x0  }
0x14: {  	s2 =	sld [smem:$0x3F9B];
	s0 =	simm.s32 @p1 $0x1  }
0x15: {  	[smem:$0x3FB8] =	sst s0;
	s0 =	simm.s32 @!p2 $0x0  }
0x16: {  	s3 =	sld [smem:$0x3FDB];
	s0 =	simm.s32 @p2 $0x1  }
0x17: {  	s4 =	simm.s32 $0x1BF5;
	[smem:$0x3FBA] =	sst s0  }
0x18: {  	s0 =	sld [smem:$0x3F9D];
	_ =	swait.ge [sflag:s4], $0x0  }
0x19: {  	s7 =	sld [smem:$0x3F9E]  }
0x1a: {  	s8 =	sadd.s32 $0xFFFFE003, lr  }
0x1b: {  	s9 =	sadd.s32 $0xFFFFFEF7, lr;
	s5 =	simm.s32 $0xFFFFFFFF;
	p2 =	slt.u32 s8, $0xFFFFF086  }
0x1c: {  	p1 =	slt.u32 s9, $0xF7A;
	s5 =	simm.s32 @!p2 $0x0  }
0x1d: {  	s5 =	simm.s32 @p1 $0x1;
	p0 =	seq.s32 s7, s2  }
0x1e: {  	s7 =	smul.u32 @!p0 $0xF7A, s2;
	p2 =	seq.s32 @!p0 s5, $0x0  }
0x1f: {  	s9 =	smul.u32 $0xF7A, s1;
	s8 =	simm.s32 @!p0 $0x1BF5;
	p2 =	por !p2, p0  }
0x20: {  	[sflag:s8] =	ssyncset.s32 @!p0 $0xFFFFF086;
	s6 =	sadd.s32 @!p0 s3, s7;
	s7 =	simm.s32 @!p0 $0x108  }
0x21: {  	s3 =	sadd.s32 s3, s9;
	s6 =	sadd.s32 @!p0 $0x88, s6;
	s7 =	simm.s32 @p2 $0x1082  }
0x22: {  	[simem:s7], [sflag:s8] =	dma.local @!p0 [hbm:s6], $0xF7A  }
0x23: {  	s9 =	sor.u32 $0xD0000000, s2;
	s6 =	simm.s32 $0x108;
	_ =	swait.ge @!p0 [sflag:s8], $0x0  }
0x24: {  	s3 =	sadd.s32 $0x88, s3;
	s6 =	simm.s32 @!p1 $0x1082;
	[sflag:s4] =	ssyncset.s32 $0xFFFFF086  }
0x25: {  	[simem:s6], [sflag:s4] =	dma.local [hbm:s3], $0xF7A  }
0x26: {  	[smem:$0x3F9E] =	sst s1;
	(tag) =	ssettag s2;
	_ =	strace s9  }
0x27: {  	s1 =	sld [smem:$0x3FAE]  }
0x28: {  	s2 =	sld [smem:$0x3FAF]  }
0x29: {  	s4 =	sld [smem:$0x3FB1]  }
0x2a: {  	p0 =	seq.s32 s5, $0x0;
	s5 =	sld [smem:$0x3FB2]  }
0x2b: {  	s6 =	sld [smem:$0x3FB3]  }
0x2c: {  	s7 =	sld [smem:$0x3FB4]  }
0x2d: {  	s3 =	simm.s32 $0x108;
	s8 =	sld [smem:$0x3FB5]  }
0x2e: {  	s3 =	simm.s32 @!p0 $0x1082;
	s9 =	sld [smem:$0x3FB6]  }
0x2f: {  	lr =	sadd.s32 s0, s3;
	s0 =	sld [smem:$0x3FAD]  }
0x30: {  	s3 =	sld [smem:$0x3FB0]  }
0x31: {  	[smem:$0x3FB9] =	sst s10  }
0x32: {  	s10 =	sld [smem:$0x3FB7];
	_ =	sdelay $0x3  }
0x33: {  	p0 =	seq.s32 s10, $0x1;
	s10 =	sld [smem:$0x3FB9];
	_ =	sdelay $0x3  }
0x34: {  	[smem:$0x3FB9] =	sst s10  }
0x35: {  	s10 =	sld [smem:$0x3FB8];
	_ =	sdelay $0x3  }
0x36: {  	p1 =	seq.s32 s10, $0x1;
	s10 =	sld [smem:$0x3FB9];
	_ =	sdelay $0x3  }
0x37: {  	[smem:$0x3FB9] =	sst s10  }
0x38: {  	s10 =	sld [smem:$0x3FBA]  }
0x39: {  	_ = 	snop;
	(pc) =	sbr.ind lr, $3  }
0x3a: {  	_ = 	snop  }
0x3b: {  	_ = 	snop  }
0x3c: {  	p2 =	seq.s32 s10, $0x1;
	s10 =	sld [smem:$0x3FB9]  }
0x3d: {  	_ =	shalt  }
0x3e: {  	_ =	shalt  }
0x3f: {  	_ =	shalt  }
0x40: {  	_ =	shalt  }
0x41: {  	_ =	shalt  }
0x42: {  	_ =	shalt  }
0x43: {  	_ =	shalt  }
0x44: {  	_ =	shalt  }
0x45: {  	_ =	shalt  }
0x46: {  	_ =	shalt  }
0x47: {  	_ =	shalt  }
0x48: {  	_ =	shalt  }
0x49: {  	_ =	shalt  }
0x4a: {  	_ =	shalt  }
0x4b: {  	_ =	shalt  }
0x4c: {  	_ =	shalt  }
0x4d: {  	_ =	shalt  }
0x4e: {  	_ =	shalt  }
0x4f: {  	_ =	shalt  }
0x50: {  	_ =	shalt  }
0x51: {  	_ =	shalt  }
0x52: {  	_ =	shalt  }
0x53: {  	_ =	shalt  }
0x54: {  	_ =	shalt  }
0x55: {  	_ =	shalt  }
0x56: {  	_ =	shalt  }
0x57: {  	_ =	shalt  }
0x58: {  	_ =	shalt  }
0x59: {  	_ =	shalt  }
0x5a: {  	_ =	shalt  }
0x5b: {  	_ =	shalt  }
0x5c: {  	_ =	shalt  }
0x5d: {  	_ =	shalt  }
0x5e: {  	_ =	shalt  }
0x5f: {  	_ =	shalt  }
0x60: {  	_ =	shalt  }
0x61: {  	_ =	shalt  }
0x62: {  	_ =	shalt  }
0x63: {  	_ =	shalt  }
0x64: {  	_ =	shalt  }
0x65: {  	_ =	shalt  }
0x66: {  	_ =	shalt  }
0x67: {  	_ =	shalt  }
0x68: {  	_ =	shalt  }
0x69: {  	_ =	shalt  }
0x6a: {  	_ =	shalt  }
0x6b: {  	_ =	shalt  }
0x6c: {  	_ =	shalt  }
0x6d: {  	_ =	shalt  }
0x6e: {  	_ =	shalt  }
0x6f: {  	_ =	shalt  }
0x70: {  	_ =	shalt  }
0x71: {  	_ =	shalt  }
0x72: {  	_ =	shalt  }
0x73: {  	_ =	shalt  }
0x74: {  	_ =	shalt  }
0x75: {  	_ =	shalt  }
0x76: {  	_ =	shalt  }
0x77: {  	_ =	shalt  }
0x78: {  	_ =	shalt  }
0x79: {  	_ =	shalt  }
0x7a: {  	_ =	shalt  }
0x7b: {  	_ =	shalt  }
0x7c: {  	_ =	shalt  }
0x7d: {  	_ =	shalt  }
0x7e: {  	_ =	shalt  }
0x7f: {  	_ =	shalt  }
0x80: {  	_ =	shalt  }
0x81: {  	_ =	shalt  }
0x82: {  	_ =	shalt  }
0x83: {  	_ =	shalt  }
0x84: {  	_ =	shalt  }
0x85: {  	_ =	shalt  }
0x86: {  	_ =	shalt  }
0x87: {  	_ =	shalt  }
.Lfunc_end0:
.L_simem_size_0:
called_computation.1_lowered:
.L_overlay_start_0:
0x88: {  	s2 =	sld [smem:$0x3FD9]  }
0x89: {  	s3 =	sld [smem:$0x3FFE];
	_ =	sdelay $0x1  }
0x8a: {  	s1 =	srdreg.scid  }
0x8b: {  	s0 =	sand.u32 $0x1, s1  }
0x8c: {  	s17 =	sshll.u32 s0, $0xA;
	s2 =	sadd.s32 s3, s2  }
0x8d: {  	s2 =	sadd.s32 s2, s17  }
0x8e: {  	[smem:$0x3FC5] =	sst s2  }
0x8f: {  	_ = 	snop  }
0x90: {  	s18 =	sld [smem:$0x3FC7];
	(tm) =	ssettm $0x1  }
0x91: {  	s19 =	sld [smem:$0x3FFB];
	_ =	sdelay $0x3  }
0x92: {  	_ =	strace s19  }
0x93: {  	s2 =	sld [smem:$0x3FFC];
	_ =	sdelay $0x3  }
0x94: {  	_ =	strace s2  }
0x95: {  	s2 =	sld [smem:$0x3FFD];
	_ =	sdelay $0x3  }
0x96: {  	_ =	strace s2  }
0x97: {  	_ =	strace $0x8FFFFFFF  }
0x98: {  	s20 =	sld [smem:$0x3FDB];
	_ =	sdelay $0x1  }
0x99: {  	s4 =	simm.s32 $_scs_section_size  }
0x9a: {  	s5 =	simm.s32 $_size__tile_overlayer_lowered;
	s6 =	simm.s32 $_tile_overlayer_lowered  }
0x9b: {  	s7 =	simm.s32 $0x1BFF;
	s21 =	sshll.u32 s6, $0x1;
	s4 =	sadd.s32 s4, s20  }
0x9c: {  	s22 =	simm.s32 $0x0;
	s5 =	sshll.u32 s5, $0x1;
	s6 =	sadd.s32 s21, s4  }
0x9d: {  	[timem:s22], [sflag:s7] =	dma.local [hbm:s6], s5  }
0x9e: {  	_ =	swait.ge [sflag:s7], s5  }
0x9f: {  	s5 =	ssub.s32 $0x0, s5;
	[sflag:s7] =	ssyncset.done $0x0  }
0xa0: {  	[sflag:s7] =	ssyncadd.s32 s5;
	_ =	sdelay $0x1  }
0xa1: {  	s23 =	simm.s32 $0x1B8B  }
0xa2: {  	_ =	swait.ge [sflag:s23], $0x1  }
0xa3: {  	[sflag:s23] =	ssyncset.done $0x0  }
0xa4: {  	[sflag:s23] =	ssyncadd.s32 $0xFFFFFFFF  }
0xa5: {  	s5 =	sld [smem:$0x0]  }
0xa6: {  	s6 =	sand.u32 $0xFFFFFFFE, s1  }
0xa7: {  	p0 =	sne.s32 s1, s6  }
0xa8: {  	s6 =	sshll.u32 @p0 s6, $0xE  }
0xa9: {  	s6 =	sadd.s32 @p0 $0x11B8D, s6;
	s7 =	sshll.u32 @p0 s5, $0x11  }
0xaa: {  	s6 =	sor.u32 @p0 s7, s6  }
0xab: {  	[sflag:s6] =	ssyncadd.remote.s32 @p0 $0x1;
	_ =	sdelay $0x1  }
0xac: {  	s6 =	simm.s32 @p0 $0x1B8D  }
0xad: {  	_ =	swait.eq @p0 [sflag:s6], $0x1  }
0xae: {  	[sflag:s6] =	ssyncadd.s32 @p0 $0xFFFFFFFF  }
0xaf: {  	s7 =	sshll.u32 @!p0 s1, $0xE  }
0xb0: {  	s7 =	sor.u32 @!p0 $0x4000, s7;
	s6 =	simm.s32 @!p0 $0x1B8D  }
0xb1: {  	s5 =	sshll.u32 @!p0 s5, $0x11;
	s7 =	sadd.s32 @!p0 $0x11B8D, s7;
	_ =	swait.eq @!p0 [sflag:s6], $0x1  }
0xb2: {  	s5 =	sor.u32 @!p0 s5, s7;
	[sflag:s6] =	ssyncadd.s32 @!p0 $0xFFFFFFFF  }
0xb3: {  	s25 =	simm.s32 $0x1B8E;
	s24 =	sld [smem:$0x3FFE];
	[sflag:s5] =	ssyncadd.remote.s32 @!p0 $0x1  }
0xb4: {  	s26 =	simm.s32 $execute0_lowered;
	[smem:$0x3FD2] =	sst s25  }
0xb5: {  	s6 =	sshll.u32 s26, $0x1;
	_ =	strace $0x80000049;
	[dreg:$0x1] =	wrdreg $0xFFFFFFFF  }
0xb6: {  	s28 =	simm.s32 $_size_execute0_lowered;
	s4 =	sadd.s32 s4, s6;
	[dreg:$0x0] =	wrdreg $0x0  }
0xb7: {  	s6 =	sshll.u32 s28, $0x1;
	[dreg:$0x2] =	wrdreg s4  }
0xb8: {  	[dreg:$0x3] =	wrdreg s6  }
0xb9: {  	[dreg:$0x4] =	wrdreg $0xC0  }
0xba: {  	_ =	task [dreg:s22], $0x5FFFF  }
0xbb: {  	[dreg:$0x1] =	wrdreg $0xFFFFFFFF  }
0xbc: {  	[dreg:$0x0] =	wrdreg $0x60  }
0xbd: {  	[dreg:$0x2] =	wrdreg s24  }
0xbe: {  	[dreg:$0x3] =	wrdreg s18  }
0xbf: {  	[dreg:$0x4] =	wrdreg $0xA  }
0xc0: {  	_ =	task.clear_ibuf [dreg:s22], $0x5FFFF;
	_ =	strace $0x90000049  }
0xc1: {  	s29 =	simm.s32 $0xA;
	_ =	strace $0x8000004B  }
0xc2: {  	_ =	swait.ge [sflag:s29], $0x1  }
0xc3: {  	[sflag:s29] =	ssyncadd.s32 $0xFFFFFFFF  }
0xc4: {  	_ =	strace $0x9000004B  }
0xc5: {  	_ =	sfence  }
0xc6: {  	s30 =	sld [smem:$0x0];
	_ =	sdelay $0x2  }
0xc7: {  	s31 =	sshll.u32 s1, $0xD;
	s1 =	sshrl.u32 s1, $0x2  }
0xc8: {  	s4 =	sand.u32 $0x4000, s31;
	s1 =	sadd.s32 s1, s30  }
0xc9: {  	s0 =	sor.u32 s4, s0;
	s1 =	sshll.u32 s1, $0x11  }
0xca: {  	s0 =	sor.u32 s1, s0  }
0xcb: {  	s0 =	sadd.s32 $0x8F2B, s0  }
0xcc: {  	[sflag:s0] =	ssyncadd.remote.s32 $0x1  }
0xcd: {  	_ =	sfence.sel $0xFFFF  }
0xce: {  	[dreg:$0x0] =	wrdreg $0xFFFFFFFF;
	(pc) =	sbr.abs _section_cstart, $3  }
0xcf: {  	[dreg:$0x1] =	wrdreg $0xFFFFFFFF  }
0xd0: {  	_ =	task.clear_ibuf [dreg:s22], $0x2FFFF;
	_ =	strace $0x9FFFFFFF  }
0xd1: {  	(tm) =	ssettm $0x7FFFFFFF  }
tec
execute0_lowered:
.L_overlay_start_1:
0x0: {  	(tag) =	ssettag $0x1  }
0x1: {  	s0 =	rddreg [dreg:$0x0]  }
0x2: {  	s5 =	rddreg [dreg:$0x1];
	s1 =	srdreg.scid  }
0x3: {  	s3 =	stileid.u32;
	s2 =	simm.s32 $0x0;
	s8 =	simm.s32 $0x32  }
0x4: {  	s24 =	simm.s32 $0x80;
	s9 =	simm.s32 $0x2400;
	s25 =	simm.s32 $0x100  }
0x5: {  	s10 =	simm.s32 $0x4000;
	s26 =	simm.s32 $0x180;
	s11 =	simm.s32 $0x5C00  }
0x6: {  	s28 =	simm.s32 $0x200;
	s12 =	simm.s32 $0x7800;
	s29 =	simm.s32 $0x280  }
0x7: {  	s13 =	simm.s32 $0x9400;
	s30 =	simm.s32 $0x300;
	s14 =	simm.s32 $0xB000  }
0x8: {  	s31 =	simm.s32 $0x380;
	s15 =	simm.s32 $0xCC00;
	s16 =	simm.s32 $0x400  }
0x9: {  	s17 =	simm.s32 $0x480;
	p0 =	por $0x0, $0x0;
	s18 =	simm.s32 $0x500  }
0xa: {  	s19 =	simm.s32 $0x580;
	s1 =	sand.u32 $0x1, s1;
	s3 =	sshll.u32 s3, $0x1  }
0xb: {  	s20 =	simm.s32 $0x600;
	s3 =	sor.u32 s1, s3;
	s1 =	ssub.s32 $0x2, s1  }
0xc: {  	s21 =	simm.s32 $0x680;
	[smem:$0x7FF] =	sst s2;
	s7 =	sshrl.u32 s1, $0x1  }
0xd: {  	s22 =	simm.s32 $0x700;
	_ =	strace $0x8000004A;
	s1 =	ssub.s32 s1, s7  }
0xe: {  	s4 =	sshll.u32 s3, $0x8;
	s6 =	smul.u32 $0x1C000, s3;
	s23 =	smax.u32 s1, $0x1  }
0xf: {  	s3 =	smul.u32 $0x3800, s3;
	s4 =	sadd.s32 s4, s0;
	p1 =	sne.s32 s23, $0x1  }
.Ltmp0:
0x10: {  	s0 =	sadd.s32 $0x73A00, s0;
	s4 =	sadd.s32 $0x1A00, s4;
	(pc) =	sbr.rel @!p1 .LBB2_3-.Ltmp0, $4  }
0x11: {  	s6 =	sshrl.u32 s6, $0x3;
	s3 =	sadd.s32 s0, s3;
	[dreg:$0x3] =	wrdreg s4  }
0x12: {  	s7 =	simm.s32 $0x1;
	s0 =	sadd.s32 s0, s6;
	[dreg:$0x4] =	wrdreg s3  }
0x13: {  	s3 =	simm.s32 $0x2;
	s6 =	simm.s32 $0x800;
	s4 =	sadd.s32 $0x1C00, s0  }
0x14: {  	s0 =	sadd.s32 $0xFFFFFFFF, s23;
	s23 =	simm.s32 $0x780;
	s1 =	rddreg [dreg:$0x3]  }
0x15: {  	[tilespmem:s2], [sflag:$0x2] =	stream.linear.gather [hbm4b:s1+s2], $0x800, $0x38;
	[tilespmem:$0xE800] =	vst v63  }
0x16: {  	_ =	swait.ge [sflag:s3], $0x800  }
0x17: {  	[sflag:s3] =	ssyncset.done $0x0  }
0x18: {  	[sflag:s3] =	ssyncadd.s32 $0xFFFFF800  }
0x19: {  	[tilespmem:s6], [sflag:$0x1] =	stream.indirect.gather [hbm4b:s5+s8], $0x80, s2, s8, $0xb8;
	[tilespmem:$0xE800] =	vst v63  }
0x1a: {  	_ = 	snop  }
0x1b: {  	[tilespmem:s9], [sflag:$0x1] =	stream.indirect.gather [hbm4b:s5+s8], $0x80, s24, s8, $0xb8;
	[tilespmem:$0xE800] =	vst v63  }
0x1c: {  	_ = 	snop  }
0x1d: {  	[tilespmem:s10], [sflag:$0x1] =	stream.indirect.gather [hbm4b:s5+s8], $0x80, s25, s8, $0xb8;
	[tilespmem:$0xE800] =	vst v63  }
0x1e: {  	_ = 	snop  }
0x1f: {  	[tilespmem:s11], [sflag:$0x1] =	stream.indirect.gather [hbm4b:s5+s8], $0x80, s26, s8, $0xb8;
	[tilespmem:$0xE800] =	vst v63  }
0x20: {  	_ = 	snop  }
0x21: {  	[tilespmem:s12], [sflag:$0x1] =	stream.indirect.gather [hbm4b:s5+s8], $0x80, s28, s8, $0xb8;
	[tilespmem:$0xE800] =	vst v63  }
0x22: {  	_ = 	snop  }
0x23: {  	[tilespmem:s13], [sflag:$0x1] =	stream.indirect.gather [hbm4b:s5+s8], $0x80, s29, s8, $0xb8;
	[tilespmem:$0xE800] =	vst v63  }
0x24: {  	_ = 	snop  }
0x25: {  	[tilespmem:s14], [sflag:$0x1] =	stream.indirect.gather [hbm4b:s5+s8], $0x80, s30, s8, $0xb8;
	[tilespmem:$0xE800] =	vst v63  }
0x26: {  	_ = 	snop  }
0x27: {  	[tilespmem:s15], [sflag:$0x1] =	stream.indirect.gather [hbm4b:s5+s8], $0x80, s31, s8, $0xb8;
	[tilespmem:$0xE800] =	vst v63  }
0x28: {  	_ =	swait.ge [sflag:s7], $0x1900  }
0x29: {  	[sflag:s7] =	ssyncset.done $0x0  }
0x2a: {  	[sflag:s7] =	ssyncadd.s32 $0xFFFFE700  }
0x2b: {  	_ =	swait.ge [sflag:s7], $0x1900  }
0x2c: {  	[sflag:s7] =	ssyncset.done $0x0  }
0x2d: {  	[sflag:s7] =	ssyncadd.s32 $0xFFFFE700  }
0x2e: {  	_ =	swait.ge [sflag:s7], $0x1900  }
0x2f: {  	[sflag:s7] =	ssyncset.done $0x0  }
0x30: {  	[sflag:s7] =	ssyncadd.s32 $0xFFFFE700  }
0x31: {  	_ =	swait.ge [sflag:s7], $0x1900  }
0x32: {  	[sflag:s7] =	ssyncset.done $0x0  }
0x33: {  	[sflag:s7] =	ssyncadd.s32 $0xFFFFE700  }
0x34: {  	_ =	swait.ge [sflag:s7], $0x1900  }
0x35: {  	[sflag:s7] =	ssyncset.done $0x0  }
0x36: {  	[sflag:s7] =	ssyncadd.s32 $0xFFFFE700  }
0x37: {  	_ =	swait.ge [sflag:s7], $0x1900  }
0x38: {  	[sflag:s7] =	ssyncset.done $0x0  }
0x39: {  	[sflag:s7] =	ssyncadd.s32 $0xFFFFE700  }
0x3a: {  	_ =	swait.ge [sflag:s7], $0x1900  }
0x3b: {  	[sflag:s7] =	ssyncset.done $0x0  }
0x3c: {  	[sflag:s7] =	ssyncadd.s32 $0xFFFFE700  }
0x3d: {  	_ =	swait.ge [sflag:s7], $0x1900  }
0x3e: {  	[sflag:s7] =	ssyncset.done $0x0  }
0x3f: {  	s1 =	rddreg [dreg:$0x4];
	[sflag:s7] =	ssyncadd.s32 $0xFFFFE700  }
0x40: {  	[hbm4b:s1+s2] =	stream.linear.scatter [tilespmem:s6], [sflag:$0x2], $0xE000, $0x38;
	[tilespmem:$0xE800] =	vst v63  }
0x41: {  	_ =	swait.ge [sflag:s3], $0xE000  }
0x42: {  	[sflag:s3] =	ssyncset.done $0x0  }
0x43: {  	[sflag:s3] =	ssyncadd.s32 $0xFFFF2000  }
0x44: {  	[tilespmem:s6], [sflag:$0x1] =	stream.indirect.gather [hbm4b:s5+s8], $0x80, s16, s8, $0xb8;
	[tilespmem:$0xE800] =	vst v63  }
0x45: {  	_ = 	snop  }
0x46: {  	[tilespmem:s9], [sflag:$0x1] =	stream.indirect.gather [hbm4b:s5+s8], $0x80, s17, s8, $0xb8;
	[tilespmem:$0xE800] =	vst v63  }
0x47: {  	_ = 	snop  }
0x48: {  	[tilespmem:s10], [sflag:$0x1] =	stream.indirect.gather [hbm4b:s5+s8], $0x80, s18, s8, $0xb8;
	[tilespmem:$0xE800] =	vst v63  }
0x49: {  	_ = 	snop  }
0x4a: {  	[tilespmem:s11], [sflag:$0x1] =	stream.indirect.gather [hbm4b:s5+s8], $0x80, s19, s8, $0xb8;
	[tilespmem:$0xE800] =	vst v63  }
0x4b: {  	_ = 	snop  }
0x4c: {  	[tilespmem:s12], [sflag:$0x1] =	stream.indirect.gather [hbm4b:s5+s8], $0x80, s20, s8, $0xb8;
	[tilespmem:$0xE800] =	vst v63  }
0x4d: {  	_ = 	snop  }
0x4e: {  	[tilespmem:s13], [sflag:$0x1] =	stream.indirect.gather [hbm4b:s5+s8], $0x80, s21, s8, $0xb8;
	[tilespmem:$0xE800] =	vst v63  }
0x4f: {  	_ = 	snop  }
0x50: {  	[tilespmem:s14], [sflag:$0x1] =	stream.indirect.gather [hbm4b:s5+s8], $0x80, s22, s8, $0xb8;
	[tilespmem:$0xE800] =	vst v63  }
0x51: {  	_ = 	snop  }
0x52: {  	[tilespmem:s15], [sflag:$0x1] =	stream.indirect.gather [hbm4b:s5+s8], $0x80, s23, s8, $0xb8;
	[tilespmem:$0xE800] =	vst v63  }
0x53: {  	_ =	swait.ge [sflag:s7], $0x1900  }
0x54: {  	[sflag:s7] =	ssyncset.done $0x0  }
0x55: {  	[sflag:s7] =	ssyncadd.s32 $0xFFFFE700  }
0x56: {  	_ =	swait.ge [sflag:s7], $0x1900  }
0x57: {  	[sflag:s7] =	ssyncset.done $0x0  }
0x58: {  	[sflag:s7] =	ssyncadd.s32 $0xFFFFE700  }
0x59: {  	_ =	swait.ge [sflag:s7], $0x1900  }
0x5a: {  	[sflag:s7] =	ssyncset.done $0x0  }
0x5b: {  	[sflag:s7] =	ssyncadd.s32 $0xFFFFE700  }
0x5c: {  	_ =	swait.ge [sflag:s7], $0x1900  }
0x5d: {  	[sflag:s7] =	ssyncset.done $0x0  }
0x5e: {  	[sflag:s7] =	ssyncadd.s32 $0xFFFFE700  }
0x5f: {  	_ =	swait.ge [sflag:s7], $0x1900  }
0x60: {  	[sflag:s7] =	ssyncset.done $0x0  }
0x61: {  	[sflag:s7] =	ssyncadd.s32 $0xFFFFE700  }
0x62: {  	_ =	swait.ge [sflag:s7], $0x1900  }
0x63: {  	[sflag:s7] =	ssyncset.done $0x0  }
0x64: {  	[sflag:s7] =	ssyncadd.s32 $0xFFFFE700  }
0x65: {  	_ =	swait.ge [sflag:s7], $0x1900  }
0x66: {  	[sflag:s7] =	ssyncset.done $0x0  }
0x67: {  	[sflag:s7] =	ssyncadd.s32 $0xFFFFE700  }
0x68: {  	p1 =	sne.s32 s0, $0x1;
	_ =	swait.ge [sflag:s7], $0x1900  }
.Ltmp1:
0x69: {  	[sflag:s7] =	ssyncset.done $0x0;
	(pc) =	sbr.rel @!p1 .LBB2_3-.Ltmp1, $4  }
0x6a: {  	[sflag:s7] =	ssyncadd.s32 $0xFFFFE700  }
0x6b: {  	[hbm4b:s4+s2] =	stream.linear.scatter [tilespmem:s6], [sflag:$0x2], $0xE000, $0x38;
	[tilespmem:$0xE800] =	vst v63  }
0x6c: {  	s0 =	sadd.s32 $0xFFFFFFFF, s0;
	_ =	swait.ge [sflag:s3], $0xE000  }
0x6d: {  	p0 =	por $0x1, $0x1;
	s1 =	rddreg [dreg:$0x3];
	[sflag:s3] =	ssyncset.done $0x0  }
.LBB2_2:
0x6e: {  	[sflag:s3] =	ssyncadd.s32 $0xFFFF2000  }
0x6f: {  	[tilespmem:s2], [sflag:$0x2] =	stream.linear.gather [hbm4b:s1+s2], $0x800, $0x38;
	[tilespmem:$0xE800] =	vst v63  }
0x70: {  	_ =	swait.ge [sflag:s3], $0x800  }
0x71: {  	[sflag:s3] =	ssyncset.done $0x0  }
0x72: {  	[sflag:s3] =	ssyncadd.s32 $0xFFFFF800  }
0x73: {  	[tilespmem:s6], [sflag:$0x1] =	stream.indirect.gather [hbm4b:s5+s8], $0x80, s2, s8, $0xb8;
	[tilespmem:$0xE800] =	vst v63  }
0x74: {  	_ = 	snop  }
0x75: {  	[tilespmem:s9], [sflag:$0x1] =	stream.indirect.gather [hbm4b:s5+s8], $0x80, s24, s8, $0xb8;
	[tilespmem:$0xE800] =	vst v63  }
0x76: {  	_ = 	snop  }
0x77: {  	[tilespmem:s10], [sflag:$0x1] =	stream.indirect.gather [hbm4b:s5+s8], $0x80, s25, s8, $0xb8;
	[tilespmem:$0xE800] =	vst v63  }
0x78: {  	_ = 	snop  }
0x79: {  	[tilespmem:s11], [sflag:$0x1] =	stream.indirect.gather [hbm4b:s5+s8], $0x80, s26, s8, $0xb8;
	[tilespmem:$0xE800] =	vst v63  }
0x7a: {  	_ = 	snop  }
0x7b: {  	[tilespmem:s12], [sflag:$0x1] =	stream.indirect.gather [hbm4b:s5+s8], $0x80, s28, s8, $0xb8;
	[tilespmem:$0xE800] =	vst v63  }
0x7c: {  	_ = 	snop  }
0x7d: {  	[tilespmem:s13], [sflag:$0x1] =	stream.indirect.gather [hbm4b:s5+s8], $0x80, s29, s8, $0xb8;
	[tilespmem:$0xE800] =	vst v63  }
0x7e: {  	_ = 	snop  }
0x7f: {  	[tilespmem:s14], [sflag:$0x1] =	stream.indirect.gather [hbm4b:s5+s8], $0x80, s30, s8, $0xb8;
	[tilespmem:$0xE800] =	vst v63  }
0x80: {  	_ = 	snop  }
0x81: {  	[tilespmem:s15], [sflag:$0x1] =	stream.indirect.gather [hbm4b:s5+s8], $0x80, s31, s8, $0xb8;
	[tilespmem:$0xE800] =	vst v63  }
0x82: {  	_ =	swait.ge [sflag:s7], $0x1900  }
0x83: {  	[sflag:s7] =	ssyncset.done $0x0  }
0x84: {  	[sflag:s7] =	ssyncadd.s32 $0xFFFFE700  }
0x85: {  	_ =	swait.ge [sflag:s7], $0x1900  }
0x86: {  	[sflag:s7] =	ssyncset.done $0x0  }
0x87: {  	[sflag:s7] =	ssyncadd.s32 $0xFFFFE700  }
0x88: {  	_ =	swait.ge [sflag:s7], $0x1900  }
0x89: {  	[sflag:s7] =	ssyncset.done $0x0  }
0x8a: {  	[sflag:s7] =	ssyncadd.s32 $0xFFFFE700  }
0x8b: {  	_ =	swait.ge [sflag:s7], $0x1900  }
0x8c: {  	[sflag:s7] =	ssyncset.done $0x0  }
0x8d: {  	[sflag:s7] =	ssyncadd.s32 $0xFFFFE700  }
0x8e: {  	_ =	swait.ge [sflag:s7], $0x1900  }
0x8f: {  	[sflag:s7] =	ssyncset.done $0x0  }
0x90: {  	[sflag:s7] =	ssyncadd.s32 $0xFFFFE700  }
0x91: {  	_ =	swait.ge [sflag:s7], $0x1900  }
0x92: {  	[sflag:s7] =	ssyncset.done $0x0  }
0x93: {  	[sflag:s7] =	ssyncadd.s32 $0xFFFFE700  }
0x94: {  	_ =	swait.ge [sflag:s7], $0x1900  }
0x95: {  	[sflag:s7] =	ssyncset.done $0x0  }
0x96: {  	[sflag:s7] =	ssyncadd.s32 $0xFFFFE700  }
0x97: {  	_ =	swait.ge [sflag:s7], $0x1900  }
0x98: {  	[sflag:s7] =	ssyncset.done $0x0  }
0x99: {  	s1 =	rddreg [dreg:$0x4];
	[sflag:s7] =	ssyncadd.s32 $0xFFFFE700  }
0x9a: {  	[hbm4b:s1+s2] =	stream.linear.scatter [tilespmem:s6], [sflag:$0x2], $0xE000, $0x38;
	[tilespmem:$0xE800] =	vst v63  }
0x9b: {  	_ =	swait.ge [sflag:s3], $0xE000  }
0x9c: {  	[sflag:s3] =	ssyncset.done $0x0  }
0x9d: {  	[sflag:s3] =	ssyncadd.s32 $0xFFFF2000  }
0x9e: {  	[tilespmem:s6], [sflag:$0x1] =	stream.indirect.gather [hbm4b:s5+s8], $0x80, s16, s8, $0xb8;
	[tilespmem:$0xE800] =	vst v63  }
0x9f: {  	_ = 	snop  }
0xa0: {  	[tilespmem:s9], [sflag:$0x1] =	stream.indirect.gather [hbm4b:s5+s8], $0x80, s17, s8, $0xb8;
	[tilespmem:$0xE800] =	vst v63  }
0xa1: {  	_ = 	snop  }
0xa2: {  	[tilespmem:s10], [sflag:$0x1] =	stream.indirect.gather [hbm4b:s5+s8], $0x80, s18, s8, $0xb8;
	[tilespmem:$0xE800] =	vst v63  }
0xa3: {  	_ = 	snop  }
0xa4: {  	[tilespmem:s11], [sflag:$0x1] =	stream.indirect.gather [hbm4b:s5+s8], $0x80, s19, s8, $0xb8;
	[tilespmem:$0xE800] =	vst v63  }
0xa5: {  	_ = 	snop  }
0xa6: {  	[tilespmem:s12], [sflag:$0x1] =	stream.indirect.gather [hbm4b:s5+s8], $0x80, s20, s8, $0xb8;
	[tilespmem:$0xE800] =	vst v63  }
0xa7: {  	_ = 	snop  }
0xa8: {  	[tilespmem:s13], [sflag:$0x1] =	stream.indirect.gather [hbm4b:s5+s8], $0x80, s21, s8, $0xb8;
	[tilespmem:$0xE800] =	vst v63  }
0xa9: {  	_ = 	snop  }
0xaa: {  	[tilespmem:s14], [sflag:$0x1] =	stream.indirect.gather [hbm4b:s5+s8], $0x80, s22, s8, $0xb8;
	[tilespmem:$0xE800] =	vst v63  }
0xab: {  	_ = 	snop  }
0xac: {  	[tilespmem:s15], [sflag:$0x1] =	stream.indirect.gather [hbm4b:s5+s8], $0x80, s23, s8, $0xb8;
	[tilespmem:$0xE800] =	vst v63  }
0xad: {  	_ =	swait.ge [sflag:s7], $0x1900  }
0xae: {  	[sflag:s7] =	ssyncset.done $0x0  }
0xaf: {  	[sflag:s7] =	ssyncadd.s32 $0xFFFFE700  }
0xb0: {  	_ =	swait.ge [sflag:s7], $0x1900  }
0xb1: {  	[sflag:s7] =	ssyncset.done $0x0  }
0xb2: {  	[sflag:s7] =	ssyncadd.s32 $0xFFFFE700  }
0xb3: {  	_ =	swait.ge [sflag:s7], $0x1900  }
0xb4: {  	[sflag:s7] =	ssyncset.done $0x0  }
0xb5: {  	[sflag:s7] =	ssyncadd.s32 $0xFFFFE700  }
0xb6: {  	_ =	swait.ge [sflag:s7], $0x1900  }
0xb7: {  	[sflag:s7] =	ssyncset.done $0x0  }
0xb8: {  	[sflag:s7] =	ssyncadd.s32 $0xFFFFE700  }
0xb9: {  	_ =	swait.ge [sflag:s7], $0x1900  }
0xba: {  	[sflag:s7] =	ssyncset.done $0x0  }
0xbb: {  	[sflag:s7] =	ssyncadd.s32 $0xFFFFE700  }
0xbc: {  	_ =	swait.ge [sflag:s7], $0x1900  }
0xbd: {  	[sflag:s7] =	ssyncset.done $0x0  }
0xbe: {  	[sflag:s7] =	ssyncadd.s32 $0xFFFFE700  }
0xbf: {  	_ =	swait.ge [sflag:s7], $0x1900  }
0xc0: {  	[sflag:s7] =	ssyncset.done $0x0  }
0xc1: {  	[sflag:s7] =	ssyncadd.s32 $0xFFFFE700  }
0xc2: {  	p1 =	sne.s32 s0, $0x1;
	_ =	swait.ge [sflag:s7], $0x1900  }
.Ltmp2:
0xc3: {  	[sflag:s7] =	ssyncset.done $0x0;
	(pc) =	sbr.rel @p1 .LBB2_2-.Ltmp2, $4  }
0xc4: {  	[sflag:s7] =	ssyncadd.s32 $0xFFFFE700  }
0xc5: {  	[hbm4b:s4+s2] =	stream.linear.scatter [tilespmem:s6], [sflag:$0x2], $0xE000, $0x38;
	[tilespmem:$0xE800] =	vst v63  }
0xc6: {  	_ =	swait.ge [sflag:s3], $0xE000  }
0xc7: {  	s0 =	sadd.s32 $0xFFFFFFFF, s0;
	s1 =	rddreg [dreg:$0x3];
	[sflag:s3] =	ssyncset.done $0x0  }
.LBB2_3:
0xc8: {  	[sflag:s3] =	ssyncadd.s32 @p0 $0xFFFF2000  }
0xc9: {  	[tilespmem:s2], [sflag:$0x2] =	stream.linear.gather [hbm4b:s1+s2], $0x800, $0x38;
	[tilespmem:$0xE800] =	vst v63  }
0xca: {  	_ =	swait.ge [sflag:s3], $0x800  }
0xcb: {  	[sflag:s3] =	ssyncset.done $0x0  }
0xcc: {  	[sflag:s3] =	ssyncadd.s32 $0xFFFFF800  }
0xcd: {  	[tilespmem:s6], [sflag:$0x1] =	stream.indirect.gather [hbm4b:s5+s8], $0x80, s2, s8, $0xb8;
	[tilespmem:$0xE800] =	vst v63  }
0xce: {  	_ = 	snop  }
0xcf: {  	[tilespmem:s9], [sflag:$0x1] =	stream.indirect.gather [hbm4b:s5+s8], $0x80, s24, s8, $0xb8;
	[tilespmem:$0xE800] =	vst v63  }
0xd0: {  	_ = 	snop  }
0xd1: {  	[tilespmem:s10], [sflag:$0x1] =	stream.indirect.gather [hbm4b:s5+s8], $0x80, s25, s8, $0xb8;
	[tilespmem:$0xE800] =	vst v63  }
0xd2: {  	_ = 	snop  }
0xd3: {  	[tilespmem:s11], [sflag:$0x1] =	stream.indirect.gather [hbm4b:s5+s8], $0x80, s26, s8, $0xb8;
	[tilespmem:$0xE800] =	vst v63  }
0xd4: {  	_ = 	snop  }
0xd5: {  	[tilespmem:s12], [sflag:$0x1] =	stream.indirect.gather [hbm4b:s5+s8], $0x80, s28, s8, $0xb8;
	[tilespmem:$0xE800] =	vst v63  }
0xd6: {  	_ = 	snop  }
0xd7: {  	[tilespmem:s13], [sflag:$0x1] =	stream.indirect.gather [hbm4b:s5+s8], $0x80, s29, s8, $0xb8;
	[tilespmem:$0xE800] =	vst v63  }
0xd8: {  	_ = 	snop  }
0xd9: {  	[tilespmem:s14], [sflag:$0x1] =	stream.indirect.gather [hbm4b:s5+s8], $0x80, s30, s8, $0xb8;
	[tilespmem:$0xE800] =	vst v63  }
0xda: {  	_ = 	snop  }
0xdb: {  	[tilespmem:s15], [sflag:$0x1] =	stream.indirect.gather [hbm4b:s5+s8], $0x80, s31, s8, $0xb8;
	[tilespmem:$0xE800] =	vst v63  }
0xdc: {  	_ =	swait.ge [sflag:s7], $0x1900  }
0xdd: {  	[sflag:s7] =	ssyncset.done $0x0  }
0xde: {  	[sflag:s7] =	ssyncadd.s32 $0xFFFFE700  }
0xdf: {  	_ =	swait.ge [sflag:s7], $0x1900  }
0xe0: {  	[sflag:s7] =	ssyncset.done $0x0  }
0xe1: {  	[sflag:s7] =	ssyncadd.s32 $0xFFFFE700  }
0xe2: {  	_ =	swait.ge [sflag:s7], $0x1900  }
0xe3: {  	[sflag:s7] =	ssyncset.done $0x0  }
0xe4: {  	[sflag:s7] =	ssyncadd.s32 $0xFFFFE700  }
0xe5: {  	_ =	swait.ge [sflag:s7], $0x1900  }
0xe6: {  	[sflag:s7] =	ssyncset.done $0x0  }
0xe7: {  	[sflag:s7] =	ssyncadd.s32 $0xFFFFE700  }
0xe8: {  	_ =	swait.ge [sflag:s7], $0x1900  }
0xe9: {  	[sflag:s7] =	ssyncset.done $0x0  }
0xea: {  	[sflag:s7] =	ssyncadd.s32 $0xFFFFE700  }
0xeb: {  	_ =	swait.ge [sflag:s7], $0x1900  }
0xec: {  	[sflag:s7] =	ssyncset.done $0x0  }
0xed: {  	[sflag:s7] =	ssyncadd.s32 $0xFFFFE700  }
0xee: {  	_ =	swait.ge [sflag:s7], $0x1900  }
0xef: {  	[sflag:s7] =	ssyncset.done $0x0  }
0xf0: {  	[sflag:s7] =	ssyncadd.s32 $0xFFFFE700  }
0xf1: {  	_ =	swait.ge [sflag:s7], $0x1900  }
0xf2: {  	[sflag:s7] =	ssyncset.done $0x0  }
0xf3: {  	s0 =	rddreg [dreg:$0x4];
	[sflag:s7] =	ssyncadd.s32 $0xFFFFE700  }
0xf4: {  	[hbm4b:s0+s2] =	stream.linear.scatter [tilespmem:s6], [sflag:$0x2], $0xE000, $0x38;
	[tilespmem:$0xE800] =	vst v63  }
0xf5: {  	_ =	swait.ge [sflag:s3], $0xE000  }
0xf6: {  	[sflag:s3] =	ssyncset.done $0x0  }
0xf7: {  	[sflag:s3] =	ssyncadd.s32 $0xFFFF2000  }
0xf8: {  	[tilespmem:s6], [sflag:$0x1] =	stream.indirect.gather [hbm4b:s5+s8], $0x80, s16, s8, $0xb8;
	[tilespmem:$0xE800] =	vst v63  }
0xf9: {  	_ = 	snop  }
0xfa: {  	[tilespmem:s9], [sflag:$0x1] =	stream.indirect.gather [hbm4b:s5+s8], $0x80, s17, s8, $0xb8;
	[tilespmem:$0xE800] =	vst v63  }
0xfb: {  	_ = 	snop  }
0xfc: {  	[tilespmem:s10], [sflag:$0x1] =	stream.indirect.gather [hbm4b:s5+s8], $0x80, s18, s8, $0xb8;
	[tilespmem:$0xE800] =	vst v63  }
0xfd: {  	_ = 	snop  }
0xfe: {  	[tilespmem:s11], [sflag:$0x1] =	stream.indirect.gather [hbm4b:s5+s8], $0x80, s19, s8, $0xb8;
	[tilespmem:$0xE800] =	vst v63  }
0xff: {  	_ = 	snop  }
0x100: {  	[tilespmem:s12], [sflag:$0x1] =	stream.indirect.gather [hbm4b:s5+s8], $0x80, s20, s8, $0xb8;
	[tilespmem:$0xE800] =	vst v63  }
0x101: {  	_ = 	snop  }
0x102: {  	[tilespmem:s13], [sflag:$0x1] =	stream.indirect.gather [hbm4b:s5+s8], $0x80, s21, s8, $0xb8;
	[tilespmem:$0xE800] =	vst v63  }
0x103: {  	_ = 	snop  }
0x104: {  	[tilespmem:s14], [sflag:$0x1] =	stream.indirect.gather [hbm4b:s5+s8], $0x80, s22, s8, $0xb8;
	[tilespmem:$0xE800] =	vst v63  }
0x105: {  	_ = 	snop  }
0x106: {  	[tilespmem:s15], [sflag:$0x1] =	stream.indirect.gather [hbm4b:s5+s8], $0x80, s23, s8, $0xb8;
	[tilespmem:$0xE800] =	vst v63  }
0x107: {  	_ =	swait.ge [sflag:s7], $0x1900  }
0x108: {  	[sflag:s7] =	ssyncset.done $0x0  }
0x109: {  	[sflag:s7] =	ssyncadd.s32 $0xFFFFE700  }
0x10a: {  	_ =	swait.ge [sflag:s7], $0x1900  }
0x10b: {  	[sflag:s7] =	ssyncset.done $0x0  }
0x10c: {  	[sflag:s7] =	ssyncadd.s32 $0xFFFFE700  }
0x10d: {  	_ =	swait.ge [sflag:s7], $0x1900  }
0x10e: {  	[sflag:s7] =	ssyncset.done $0x0  }
0x10f: {  	[sflag:s7] =	ssyncadd.s32 $0xFFFFE700  }
0x110: {  	_ =	swait.ge [sflag:s7], $0x1900  }
0x111: {  	[sflag:s7] =	ssyncset.done $0x0  }
0x112: {  	[sflag:s7] =	ssyncadd.s32 $0xFFFFE700  }
0x113: {  	_ =	swait.ge [sflag:s7], $0x1900  }
0x114: {  	[sflag:s7] =	ssyncset.done $0x0  }
0x115: {  	[sflag:s7] =	ssyncadd.s32 $0xFFFFE700  }
0x116: {  	_ =	swait.ge [sflag:s7], $0x1900  }
0x117: {  	[sflag:s7] =	ssyncset.done $0x0  }
0x118: {  	[sflag:s7] =	ssyncadd.s32 $0xFFFFE700  }
0x119: {  	_ =	swait.ge [sflag:s7], $0x1900  }
0x11a: {  	[sflag:s7] =	ssyncset.done $0x0  }
0x11b: {  	[sflag:s7] =	ssyncadd.s32 $0xFFFFE700  }
0x11c: {  	_ =	swait.ge [sflag:s7], $0x1900  }
0x11d: {  	[sflag:s7] =	ssyncset.done $0x0  }
0x11e: {  	[sflag:s7] =	ssyncadd.s32 $0xFFFFE700  }
0x11f: {  	[hbm4b:s4+s2] =	stream.linear.scatter [tilespmem:s6], [sflag:$0x2], $0xE000, $0x38;
	[tilespmem:$0xE800] =	vst v63  }
0x120: {  	_ =	swait.ge [sflag:s3], $0xE000  }
0x121: {  	[sflag:s3] =	ssyncset.done $0x0  }
0x122: {  	[sflag:s3] =	ssyncadd.s32 $0xFFFF2000  }
0x123: {  	_ =	sfence.sel $0x180000  }
0x124: {  	[bflag:$0x0] =	sbarrier.arrive $0xFFFF  }
0x125: {  	_ =	strace $0x9000004A  }
0x126: {  	s31 =	stileid.u32;
	[bflag:$0x2] =	sbarrier.arrive $0xFFFF  }
0x127: {  	p0 =	sne.s32 s31, $0x0;
	s0 =	rddreg [dreg:$0x2]  }
0x128: {  	s0 =	sadd.s32 @!p0 $0x100000, s0  }
0x129: {  	[sflag:s0] =	ssyncadd.tile.s32 @!p0 $0x1;
	_ =	shalt  }
.Lfunc_end2:
_tile_overlayer_lowered:
.L_overlay_start_2:
0x12a: {  	(tag) =	ssettag $0x2  }
0x12b: {  	s0 =	rddreg [dreg:$0x0];
	s2 =	stileid.u32  }
0x12c: {  	s1 =	rddreg [dreg:$0x1];
	p0 =	sne.s32 s2, $0x0  }
0x12d: {  	s3 =	rddreg [dreg:$0x2];
	[bflag:$0x3] =	sbarrier.arrive $0xFFFF;
	s2 =	simm.s32 @!p0 $0x1C02  }
0x12e: {  	[timem:s3], [sflag:s2] =	dma.local @!p0 [hbm:s0], s1  }
0x12f: {  	s0 =	simm.s32 @!p0 $0x2  }
0x130: {  	_ =	swait.ge @!p0 [sflag:s0], s1  }
0x131: {  	s1 =	ssub.s32 @!p0 $0x0, s1;
	[sflag:s0] =	ssyncset.done @!p0 $0x0  }
0x132: {  	[sflag:s0] =	ssyncadd.s32 @!p0 s1  }
0x133: {  	[bflag:$0x3] =	sbarrier.arrive $0xFFFF  }
0x134: {  	_ =	shalt  }

</sc_bundles>
